<compile_context>
chip_gen: v7x
topology: tpu7x:2x2x1
jax: 0.10.2.dev20260603
libtpu: 0.0.44.dev20260713+nightly
codegen_flags: <defaults>
</compile_context>

<pallas_src>
import functools

import jax
import jax.numpy as jnp
from jax import lax
from jax.experimental import pallas as pl
from jax.experimental.pallas import tpu as pltpu
from jax.experimental.pallas import tpu_sc as plsc

N = 10000
E = 320000
D_IN = 128
D_MID = 128
D_MID2 = 64
D_OUT = 128

NC = 2
NS = 16
TILES = NC * NS
E_PER_TILE = E // TILES
RS = 624
TAIL = N - NS * RS
CH = 128
N_CHUNKS = E_PER_TILE // CH
ECH_TAIL = E_PER_TILE - N_CHUNKS * CH
NB = 4
CHA = 64
NCHA = E_PER_TILE // CHA
AGG_TAIL = E_PER_TILE - NCHA * CHA
ZR = 16
NZ = RS // ZR

_mesh = lambda: plsc.VectorSubcoreMesh(core_axis_name="c", subcore_axis_name="s")


def _sc_degree(dst):
    @functools.partial(
        pl.kernel,
        mesh=_mesh(),
        out_type=jax.ShapeDtypeStruct((NC, N), jnp.float32),
        scratch_types=[
            pltpu.VMEM((E_PER_TILE,), jnp.int32),
            pltpu.VMEM((CH,), jnp.int32),
            pltpu.VMEM((CH,), jnp.int32),
            pltpu.VMEM((ECH_TAIL,), jnp.int32),
            pltpu.VMEM((CH,), jnp.float32),
            pltpu.VMEM((1008,), jnp.float32),
            pltpu.VMEM_SHARED((N,), jnp.float32),
            pltpu.SemaphoreType.DMA,
            pltpu.SemaphoreType.DMA,
        ],
    )
    def k(dst_hbm, out_hbm, slab, dca, dcb, dct, ones, zbuf, acc, sem_a, sem_b):
        c = lax.axis_index("c")
        s = lax.axis_index("s")
        wid = c * NS + s

        slab_cp = pltpu.async_copy(dst_hbm.at[wid], slab, sem_a)

        def zfill(j, carry):
            zbuf[pl.ds(j * 16, 16)] = jnp.zeros((16,), jnp.float32)
            return carry

        lax.fori_loop(0, 63, zfill, 0)

        def ofill(j, carry):
            ones[pl.ds(j * 16, 16)] = jnp.ones((16,), jnp.float32)
            return carry

        lax.fori_loop(0, CH // 16, ofill, 0)

        @pl.when(s < 10)
        def _():
            pltpu.sync_copy(zbuf.at[pl.ds(0, 1000)], acc.at[pl.ds(s * 1000, 1000)])

        slab_cp.wait()
        plsc.subcore_barrier()

        def cpidx(i, buf, n):
            def one(j, carry):
                buf[pl.ds(j * 16, 16)] = slab[pl.ds(i * CH + j * 16, 16)]
                return carry

            lax.fori_loop(0, n // 16, one, 0)

        def scat_start(i, buf, sem):
            cpidx(i, buf, CH)
            pltpu.async_copy(ones, acc.at[buf], sem, add=True)

        def scat_wait(buf, sem):
            pltpu.make_async_copy(dst_hbm.at[wid, pl.ds(0, CH)], buf, sem).wait()

        scat_start(0, dca, sem_a)

        def body(j, carry):
            i0 = 2 * j
            scat_start(i0 + 1, dcb, sem_b)
            scat_wait(dca, sem_a)

            @pl.when(i0 + 2 < N_CHUNKS)
            def _():
                scat_start(i0 + 2, dca, sem_a)

            scat_wait(dcb, sem_b)
            return carry

        lax.fori_loop(0, N_CHUNKS // 2, body, 0)
        dct[pl.ds(0, 16)] = slab[pl.ds(N_CHUNKS * CH, 16)]
        pltpu.sync_copy(ones.at[pl.ds(0, ECH_TAIL)], acc.at[dct], add=True)
        plsc.subcore_barrier()

        @pl.when(s == 0)
        def _():
            pltpu.sync_copy(acc, out_hbm.at[c])

    return k(dst)


def _make_sc_agg(d):
    nb = NB

    @functools.partial(
        pl.kernel,
        mesh=_mesh(),
        out_type=jax.ShapeDtypeStruct((NC, N, d), jnp.float32),
        scratch_types=(
            [pltpu.VMEM((E_PER_TILE,), jnp.int32)]
            + [pltpu.VMEM((CHA,), jnp.int32)] * nb
            + [pltpu.VMEM((CHA,), jnp.int32)] * nb
            + [pltpu.VMEM((AGG_TAIL,), jnp.int32)] * 2
            + [pltpu.VMEM((CHA, d), jnp.float32)] * nb
            + [pltpu.VMEM((ZR, d), jnp.float32)]
            + [pltpu.VMEM_SHARED((N, d), jnp.float32)]
            + [pltpu.SemaphoreType.DMA] * (2 * nb + 1)
        ),
    )
    def k(y_hbm, src_hbm, dst_hbm, out_hbm, *rest):
        srcv = rest[0]
        sbufs = rest[1:1 + nb]
        dbufs = rest[1 + nb:1 + 2 * nb]
        sct, dct = rest[1 + 2 * nb:3 + 2 * nb]
        rows = rest[3 + 2 * nb:3 + 3 * nb]
        zbuf = rest[3 + 3 * nb]
        acc = rest[4 + 3 * nb]
        gsems = rest[5 + 3 * nb:5 + 4 * nb]
        dsems = rest[5 + 4 * nb:5 + 5 * nb]
        zsem = rest[5 + 5 * nb]
        c = lax.axis_index("c")
        s = lax.axis_index("s")
        wid = c * NS + s

        idx_cp_s = pltpu.async_copy(src_hbm.at[wid], srcv, gsems[0])

        def zrow(r, carry):
            def zcol(j, carry2):
                zbuf[r, pl.ds(j * 16, 16)] = jnp.zeros((16,), jnp.float32)
                return carry2

            return lax.fori_loop(0, d // 16, zcol, carry)

        lax.fori_loop(0, ZR, zrow, 0)

        def zstart(t, carry):
            pltpu.async_copy(zbuf, acc.at[pl.ds(s * RS + t * ZR, ZR)], zsem)
            return carry

        lax.fori_loop(0, NZ, zstart, 0)

        @pl.when(s == 0)
        def _():
            pltpu.sync_copy(zbuf.at[pl.ds(0, TAIL)], acc.at[pl.ds(NS * RS, TAIL)])

        def zdrain(t, carry):
            pltpu.make_async_copy(y_hbm.at[pl.ds(0, ZR)], zbuf, zsem).wait()
            return carry

        lax.fori_loop(0, NZ, zdrain, 0)
        idx_cp_s.wait()
        plsc.subcore_barrier()

        def cpidx(i, buf):
            def one(j, carry):
                buf[pl.ds(j * 16, 16)] = srcv[pl.ds(i * CHA + j * 16, 16)]
                return carry

            lax.fori_loop(0, CHA // 16, one, 0)

        def stage(i, b):
            cpidx(i, sbufs[b])
            pltpu.async_copy(y_hbm.at[sbufs[b]], rows[b], gsems[b])
            pltpu.async_copy(
                dst_hbm.at[pl.ds(wid * E_PER_TILE + i * CHA, CHA)],
                dbufs[b], dsems[b])

        def finish(b):
            pltpu.make_async_copy(y_hbm.at[pl.ds(0, CHA)], rows[b], gsems[b]).wait()
            pltpu.make_async_copy(
                dst_hbm.at[pl.ds(0, CHA)], dbufs[b], dsems[b]).wait()
            pltpu.sync_copy(rows[b], acc.at[dbufs[b]], add=True)

        for b in range(nb - 1):
            stage(b, b)

        def body(j, carry):
            i0 = nb * j
            stage(i0 + nb - 1, nb - 1)
            for b in range(nb):
                finish(b)
                if b < nb - 1:
                    @pl.when(i0 + nb + b < NCHA)
                    def _(b=b, i0=i0):
                        stage(i0 + nb + b, b)
            return carry

        lax.fori_loop(0, NCHA // nb, body, 0)

        def tcp(j, carry):
            sct[pl.ds(j * 16, 16)] = srcv[pl.ds(NCHA * CHA + j * 16, 16)]
            return carry

        lax.fori_loop(0, AGG_TAIL // 16, tcp, 0)
        pltpu.sync_copy(
            dst_hbm.at[pl.ds(wid * E_PER_TILE + NCHA * CHA, AGG_TAIL)], dct)
        pltpu.async_copy(
            y_hbm.at[sct], rows[0].at[pl.ds(0, AGG_TAIL)], gsems[0]).wait()
        pltpu.sync_copy(rows[0].at[pl.ds(0, AGG_TAIL)], acc.at[dct], add=True)
        plsc.subcore_barrier()

        pltpu.sync_copy(
            acc.at[pl.ds(s * RS, RS)],
            out_hbm.at[c, pl.ds(s * RS, RS), :],
        )

        @pl.when(s == 0)
        def _():
            pltpu.sync_copy(
                acc.at[pl.ds(NS * RS, TAIL)],
                out_hbm.at[c, pl.ds(NS * RS, TAIL), :],
            )

    return k


_sc_agg128 = _make_sc_agg(D_MID)


BN = 2000
GRID = N // BN


def _elu(a):
    return jnp.where(a > 0.0, a, jnp.exp(jnp.minimum(a, 0.0)) - 1.0)


def _rows(i):
    return (i, 0)


def _fixed(i):
    return (0, 0)


def _rows3(i):
    return (0, i, 0)


def _tc1(degp, x, W, Wl, bl):
    def body(degp_r, x_r, w_r, wl_r, bl_r, y_r, skip_r, dinv_r):
        deg = degp_r[0] + degp_r[1] + 1.0
        dinv = lax.rsqrt(deg)
        xb = x_r[...]
        y_r[...] = dinv * jnp.dot(xb, w_r[...], preferred_element_type=jnp.float32)
        skip_r[...] = jnp.dot(xb, wl_r[...], preferred_element_type=jnp.float32) + bl_r[...]
        dinv_r[...] = dinv

    return pl.pallas_call(
        body,
        grid=(GRID,),
        in_specs=[
            pl.BlockSpec((NC, BN, 1), _rows3),
            pl.BlockSpec((BN, D_IN), _rows),
            pl.BlockSpec((D_IN, D_MID), _fixed),
            pl.BlockSpec((D_IN, D_MID), _fixed),
            pl.BlockSpec((1, D_MID), _fixed),
        ],
        out_specs=[
            pl.BlockSpec((BN, D_MID), _rows),
            pl.BlockSpec((BN, D_MID), _rows),
            pl.BlockSpec((BN, 1), _rows),
        ],
        out_shape=[
            jax.ShapeDtypeStruct((N, D_MID), jnp.float32),
            jax.ShapeDtypeStruct((N, D_MID), jnp.float32),
            jax.ShapeDtypeStruct((N, 1), jnp.float32),
        ],
    )(degp, x, W, Wl, bl)


def _tc_mid(u, y, dinv, skip, b, W, Wl, bl):
    def body(u_r, y_r, dinv_r, skip_r, b_r, w_r, wl_r, bl_r, y2_r, skip2_r):
        dinv = dinv_r[...]
        h = _elu(dinv * (u_r[0] + u_r[1] + y_r[...]) + b_r[...]) + skip_r[...]
        y2_r[...] = dinv * jnp.dot(h, w_r[...], preferred_element_type=jnp.float32)
        skip2_r[...] = jnp.dot(h, wl_r[...], preferred_element_type=jnp.float32) + bl_r[...]

    return pl.pallas_call(
        body,
        grid=(GRID,),
        in_specs=[
            pl.BlockSpec((NC, BN, D_MID), _rows3),
            pl.BlockSpec((BN, D_MID), _rows),
            pl.BlockSpec((BN, 1), _rows),
            pl.BlockSpec((BN, D_MID), _rows),
            pl.BlockSpec((1, D_MID), _fixed),
            pl.BlockSpec((D_MID, D_MID), _fixed),
            pl.BlockSpec((D_MID, D_MID), _fixed),
            pl.BlockSpec((1, D_MID), _fixed),
        ],
        out_specs=[
            pl.BlockSpec((BN, D_MID), _rows),
            pl.BlockSpec((BN, D_MID), _rows),
        ],
        out_shape=[
            jax.ShapeDtypeStruct((N, D_MID), jnp.float32),
            jax.ShapeDtypeStruct((N, D_MID), jnp.float32),
        ],
    )(u, y, dinv, skip, b, W, Wl, bl)


def _tc_final(u, y, dinv, skip, b):
    def body(u_r, y_r, dinv_r, skip_r, b_r, o_r):
        u_ = u_r[0] + u_r[1]
        o_r[...] = dinv_r[...] * (u_ + y_r[...]) + b_r[...] + skip_r[...]

    return pl.pallas_call(
        body,
        grid=(GRID,),
        in_specs=[
            pl.BlockSpec((NC, BN, D_OUT), _rows3),
            pl.BlockSpec((BN, D_OUT), _rows),
            pl.BlockSpec((BN, 1), _rows),
            pl.BlockSpec((BN, D_OUT), _rows),
            pl.BlockSpec((1, D_OUT), _fixed),
        ],
        out_specs=pl.BlockSpec((BN, D_OUT), _rows),
        out_shape=jax.ShapeDtypeStruct((N, D_OUT), jnp.float32),
    )(u, y, dinv, skip, b)


def kernel(node_feature, adj_list, W1, b1, Wl1, bl1, W2, b2, Wl2, bl2,
           W3, b3, Wl3, bl3):
    x = node_feature
    src = adj_list[0].astype(jnp.int32)
    dst = adj_list[1].astype(jnp.int32)
    src3 = src.reshape(TILES, E_PER_TILE)
    dst3 = dst.reshape(TILES, E_PER_TILE)

    degp = _sc_degree(dst3)

    pad = D_MID - D_MID2
    W2p = jnp.pad(W2, ((0, 0), (0, pad)))
    Wl2p = jnp.pad(Wl2, ((0, 0), (0, pad)))
    W3p = jnp.pad(W3, ((0, pad), (0, 0)))
    Wl3p = jnp.pad(Wl3, ((0, pad), (0, 0)))
    b1r = b1.reshape(1, -1)
    b2r = jnp.pad(b2, (0, pad)).reshape(1, -1)
    b3r = b3.reshape(1, -1)
    bl1r = bl1.reshape(1, -1)
    bl2r = jnp.pad(bl2, (0, pad)).reshape(1, -1)
    bl3r = bl3.reshape(1, -1)

    y1, skip1, dinv = _tc1(degp.reshape(NC, N, 1), x, W1, Wl1, bl1r)
    u1 = _sc_agg128(y1, src3, dst)
    y2, skip2 = _tc_mid(u1, y1, dinv, skip1, b1r, W2p, Wl2p, bl2r)
    u2 = _sc_agg128(y2, src3, dst)
    y3, skip3 = _tc_mid(u2, y2, dinv, skip2, b2r, W3p, Wl3p, bl3r)
    u3 = _sc_agg128(y3, src3, dst)
    out = _tc_final(u3, y3, dinv, skip3, b3r)
    return out

# --- scband reference (transcript-rebuilt; emitter-appended) ---
"""Pipeline reference for scband-gcn-48524540510787 (READ-ONLY COPY).

The authoritative reference and input builder live on the scoring server;
editing this copy changes nothing except your own understanding.
"""

import jax, jax.numpy as jnp
import numpy as np

N_NODES = 10000
N_EDGES = 320000
D_IN = 128
D_MID = 128
D_MID2 = 64
D_OUT = 128


def setup_inputs(seed: int = 0) -> dict:
    key = jax.random.key(seed)
    ks = jax.random.split(key, 16)
    inp = {}
    inp['node_feature'] = jax.random.normal(ks[0], (N_NODES, D_IN), dtype=jnp.float32)
    inp['adj_list'] = jax.random.randint(ks[1], (2, N_EDGES), 0, N_NODES, dtype=jnp.int64)
    s = 0.05
    inp['W1'] = jax.random.normal(ks[2], (D_IN, D_MID), dtype=jnp.float32) * s
    inp['b1'] = jnp.zeros((D_MID,), dtype=jnp.float32)
    inp['Wl1'] = jax.random.normal(ks[3], (D_IN, D_MID), dtype=jnp.float32) * s
    inp['bl1'] = jnp.zeros((D_MID,), dtype=jnp.float32)
    inp['W2'] = jax.random.normal(ks[4], (D_MID, D_MID2), dtype=jnp.float32) * s
    inp['b2'] = jnp.zeros((D_MID2,), dtype=jnp.float32)
    inp['Wl2'] = jax.random.normal(ks[5], (D_MID, D_MID2), dtype=jnp.float32) * s
    inp['bl2'] = jnp.zeros((D_MID2,), dtype=jnp.float32)
    inp['W3'] = jax.random.normal(ks[6], (D_MID2, D_OUT), dtype=jnp.float32) * s
    inp['b3'] = jnp.zeros((D_OUT,), dtype=jnp.float32)
    inp['Wl3'] = jax.random.normal(ks[7], (D_MID2, D_OUT), dtype=jnp.float32) * s
    inp['bl3'] = jnp.zeros((D_OUT,), dtype=jnp.float32)
    return inp


def _gcn_conv(x, edge_index, W, b, n_nodes):
    # GCNConv: x' = D^{-1/2} (A + I) D^{-1/2} X W + b (self loops already in edge_index)
    src = edge_index[0]
    dst = edge_index[1]
    xw = x @ W
    deg = jnp.zeros((n_nodes,), dtype=x.dtype).at[dst].add(1.0)
    deg_inv_sqrt = jnp.where(deg > 0, jax.lax.rsqrt(jnp.maximum(deg, 1e-12)), 0.0)
    norm = deg_inv_sqrt[src] * deg_inv_sqrt[dst]
    msg = jnp.take(xw, src, axis=0) * norm[:, None]
    out = jnp.zeros((n_nodes, xw.shape[1]), dtype=x.dtype).at[dst].add(msg)
    return out + b


def reference(node_feature, adj_list, W1, b1, Wl1, bl1, W2, b2, Wl2, bl2, W3, b3, Wl3, bl3):
    n = node_feature.shape[0]
    loops = jnp.arange(n, dtype=adj_list.dtype)
    ei = jnp.concatenate([adj_list, jnp.stack([loops, loops], axis=0)], axis=1)
    h = jax.nn.elu(_gcn_conv(node_feature, ei, W1, b1, n)) + (node_feature @ Wl1 + bl1)
    h = jax.nn.elu(_gcn_conv(h, ei, W2, b2, n)) + (h @ Wl2 + bl2)
    out = _gcn_conv(h, ei, W3, b3, n) + (h @ Wl3 + bl3)
    return out

if __name__ == "__main__":
    import jax
    _d = setup_inputs()
    print(jax.jit(kernel)(*tuple(_d.values())))

</pallas_src>

<mosaic_0001>
#map = affine_map<(d0, d1) -> (0, 0)>
#map1 = affine_map<(d0, d1) -> (0)>
#map2 = affine_map<(d0, d1) -> (0, 0, 0)>
module attributes {stable_mosaic.version = 14 : i64} {
  func.func @k(%arg0: i32, %arg1: i32, %arg2: memref<10000x128xf32, #tpu.memory_space<hbm>>, %arg3: memref<32x10000xi32, #tpu.memory_space<hbm>>, %arg4: memref<320000xi32, #tpu.memory_space<hbm>>, %arg5: memref<2x10000x128xf32, #tpu.memory_space<hbm>>, %arg6: memref<10000xi32, #tpu.memory_space<vmem>>, %arg7: memref<64xi32, #tpu.memory_space<vmem>>, %arg8: memref<64xi32, #tpu.memory_space<vmem>>, %arg9: memref<64xi32, #tpu.memory_space<vmem>>, %arg10: memref<64xi32, #tpu.memory_space<vmem>>, %arg11: memref<64xi32, #tpu.memory_space<vmem>>, %arg12: memref<64xi32, #tpu.memory_space<vmem>>, %arg13: memref<64xi32, #tpu.memory_space<vmem>>, %arg14: memref<64xi32, #tpu.memory_space<vmem>>, %arg15: memref<16xi32, #tpu.memory_space<vmem>>, %arg16: memref<16xi32, #tpu.memory_space<vmem>>, %arg17: memref<64x128xf32, #tpu.memory_space<vmem>>, %arg18: memref<64x128xf32, #tpu.memory_space<vmem>>, %arg19: memref<64x128xf32, #tpu.memory_space<vmem>>, %arg20: memref<64x128xf32, #tpu.memory_space<vmem>>, %arg21: memref<16x128xf32, #tpu.memory_space<vmem>>, %arg22: memref<10000x128xf32, #tpu.memory_space<vmem_shared>>, %arg23: memref<!tpu.dma_semaphore, #tpu.memory_space<semaphore_mem>>, %arg24: memref<!tpu.dma_semaphore, #tpu.memory_space<semaphore_mem>>, %arg25: memref<!tpu.dma_semaphore, #tpu.memory_space<semaphore_mem>>, %arg26: memref<!tpu.dma_semaphore, #tpu.memory_space<semaphore_mem>>, %arg27: memref<!tpu.dma_semaphore, #tpu.memory_space<semaphore_mem>>, %arg28: memref<!tpu.dma_semaphore, #tpu.memory_space<semaphore_mem>>, %arg29: memref<!tpu.dma_semaphore, #tpu.memory_space<semaphore_mem>>, %arg30: memref<!tpu.dma_semaphore, #tpu.memory_space<semaphore_mem>>, %arg31: memref<!tpu.dma_semaphore, #tpu.memory_space<semaphore_mem>>) attributes {dimension_semantics = [#tpu.dimension_semantics<core_parallel>, #tpu.dimension_semantics<subcore_parallel>], iteration_bounds = array<i64: 2, 16>, scalar_prefetch = 0 : i64, scratch_operands = 26 : i64, tpu.core_type = #tpu.core_type<sc_vector_subcore>, window_params = [{transform_indices = #map}, {transform_indices = #map}, {transform_indices = #map1}, {transform_indices = #map2}]} {
    %mul3A = arith.constant 16 : i32
    %mul3A_0 = arith.muli %arg0, %mul3A : i32
    %add3A = arith.addi %mul3A_0, %arg1 : i32
    %dma_start3A = arith.constant 0 : i32
    %dma_start3A_1 = tpu.memref_slice %arg3[%add3A, %dma_start3A] : memref<32x10000xi32, #tpu.memory_space<hbm>> -> memref<1x10000xi32, #tpu.memory_space<hbm>>
    %dma_start3A_2 = tpu.memref_squeeze %dma_start3A_1 : memref<1x10000xi32, #tpu.memory_space<hbm>> -> memref<10000xi32, #tpu.memory_space<hbm>>
    %dma_start3A_3 = arith.constant 0 : i32
    %dma_start3A_4 = tpu.memref_slice %arg3[%add3A, %dma_start3A_3] : memref<32x10000xi32, #tpu.memory_space<hbm>> -> memref<1x10000xi32, #tpu.memory_space<hbm>>
    %dma_start3A_5 = tpu.memref_squeeze %dma_start3A_4 : memref<1x10000xi32, #tpu.memory_space<hbm>> -> memref<10000xi32, #tpu.memory_space<hbm>>
    tpu.enqueue_dma source(%dma_start3A_5 : memref<10000xi32, #tpu.memory_space<hbm>>) target(%arg6 : memref<10000xi32, #tpu.memory_space<vmem>>) target_semaphore(%arg23 : memref<!tpu.dma_semaphore, #tpu.memory_space<semaphore_mem>>)
    %scan3A = arith.constant 0 : i32
    %scan3A_6 = arith.constant 0 : i32
    %scan3A_7 = arith.constant 16 : i32
    %scan3A_8 = arith.addi %scan3A_6, %scan3A_7 : i32
    %scan3A_9 = arith.constant 1 : i32
    scf.for %scan3A_121 = %scan3A_6 to %scan3A_8 step %scan3A_9  : i32 {
      %scan3A_122 = arith.constant 0 : i32
      %scan3A_123 = arith.constant 8 : i32
      %scan3A_124 = arith.addi %scan3A_122, %scan3A_123 : i32
      %scan3A_125 = arith.constant 1 : i32
      scf.for %scan3A_127 = %scan3A_122 to %scan3A_124 step %scan3A_125  : i32 {
        %broadcast_in_dim3A = arith.constant 0.000000e+00 : f32
        %broadcast_in_dim3A_128 = vector.broadcast %broadcast_in_dim3A : f32 to vector<16xf32>
        %mul3A_129 = arith.constant 16 : i32
        %mul3A_130 = arith.muli %scan3A_127, %mul3A_129 : i32
        %swap3A_131 = arith.index_cast %scan3A_121 : i32 to index
        %swap3A_132 = arith.index_cast %mul3A_130 : i32 to index
        %swap3A_133 = tpu.vector_load %arg21[%swap3A_131, %swap3A_132] {strides = array<i32>} : memref<16x128xf32, #tpu.memory_space<vmem>>, vector<1x16xf32>,
        %swap3A_134 = vector.shape_cast %swap3A_133 : vector<1x16xf32> to vector<16xf32>
        %swap3A_135 = vector.shape_cast %broadcast_in_dim3A_128 : vector<16xf32> to vector<1x16xf32>
        tpu.vector_store %arg21[%swap3A_131, %swap3A_132], %swap3A_135 {strides = array<i32>} : memref<16x128xf32, #tpu.memory_space<vmem>>, vector<1x16xf32>,
      }
      %scan3A_126 = arith.constant 8 : i32
    }
    %scan3A_10 = arith.constant 16 : i32
    %scan3A_11 = arith.constant 0 : i32
    %scan3A_12 = arith.constant 0 : i32
    %scan3A_13 = arith.constant 39 : i32
    %scan3A_14 = arith.addi %scan3A_12, %scan3A_13 : i32
    %scan3A_15 = arith.constant 1 : i32
    scf.for %scan3A_121 = %scan3A_12 to %scan3A_14 step %scan3A_15  : i32 {
      %mul3A_122 = arith.constant 624 : i32
      %mul3A_123 = arith.muli %arg1, %mul3A_122 : i32
      %mul3A_124 = arith.constant 16 : i32
      %mul3A_125 = arith.muli %scan3A_121, %mul3A_124 : i32
      %add3A_126 = arith.addi %mul3A_123, %mul3A_125 : i32
      %dma_start3A_127 = arith.constant 0 : i32
      %dma_start3A_128 = tpu.memref_slice %arg22[%add3A_126, %dma_start3A_127] : memref<10000x128xf32, #tpu.memory_space<vmem_shared>> -> memref<16x128xf32, #tpu.memory_space<vmem_shared>>
      %dma_start3A_129 = arith.constant 0 : i32
      %dma_start3A_130 = tpu.memref_slice %arg22[%add3A_126, %dma_start3A_129] : memref<10000x128xf32, #tpu.memory_space<vmem_shared>> -> memref<16x128xf32, #tpu.memory_space<vmem_shared>>
      tpu.enqueue_dma source(%arg21 : memref<16x128xf32, #tpu.memory_space<vmem>>) target(%dma_start3A_130 : memref<16x128xf32, #tpu.memory_space<vmem_shared>>) target_semaphore(%arg31 : memref<!tpu.dma_semaphore, #tpu.memory_space<semaphore_mem>>)
    }
    %scan3A_16 = arith.constant 39 : i32
    %eq3A = arith.constant 0 : i32
    %eq3A_17 = arith.cmpi eq, %arg1, %eq3A : i32
    %convert_element_type3A = arith.extui %eq3A_17 : i1 to i32
    %cond3A = arith.constant 0 : i32
    %cond3A_18 = arith.cmpi ne, %convert_element_type3A, %cond3A : i32
    scf.if %cond3A_18 {
      "tpu.region"() ({
        %run_scoped3A = tpu.sem_alloc : memref<!tpu.dma_semaphore, #tpu.memory_space<semaphore_mem>>
        %dma_start3A_121 = arith.constant 0 : i32
        %dma_start3A_122 = arith.constant 0 : i32
        %dma_start3A_123 = tpu.memref_slice %arg21[%dma_start3A_121, %dma_start3A_122] : memref<16x128xf32, #tpu.memory_space<vmem>> -> memref<16x128xf32, #tpu.memory_space<vmem>>
        %dma_start3A_124 = arith.constant 9984 : i32
        %dma_start3A_125 = arith.constant 0 : i32
        %dma_start3A_126 = tpu.memref_slice %arg22[%dma_start3A_124, %dma_start3A_125] : memref<10000x128xf32, #tpu.memory_space<vmem_shared>> -> memref<16x128xf32, #tpu.memory_space<vmem_shared>>
        %dma_start3A_127 = arith.constant 9984 : i32
        %dma_start3A_128 = arith.constant 0 : i32
        %dma_start3A_129 = tpu.memref_slice %arg22[%dma_start3A_127, %dma_start3A_128] : memref<10000x128xf32, #tpu.memory_space<vmem_shared>> -> memref<16x128xf32, #tpu.memory_space<vmem_shared>>
        %dma_start3A_130 = arith.constant 0 : i32
        %dma_start3A_131 = arith.constant 0 : i32
        %dma_start3A_132 = tpu.memref_slice %arg21[%dma_start3A_130, %dma_start3A_131] : memref<16x128xf32, #tpu.memory_space<vmem>> -> memref<16x128xf32, #tpu.memory_space<vmem>>
        tpu.enqueue_dma source(%dma_start3A_132 : memref<16x128xf32, #tpu.memory_space<vmem>>) target(%dma_start3A_129 : memref<16x128xf32, #tpu.memory_space<vmem_shared>>) target_semaphore(%run_scoped3A : memref<!tpu.dma_semaphore, #tpu.memory_space<semaphore_mem>>)
        %dma_wait3A_133 = arith.constant 0 : i32
        %dma_wait3A_134 = arith.constant 0 : i32
        %dma_wait3A_135 = tpu.memref_slice %arg21[%dma_wait3A_133, %dma_wait3A_134] : memref<16x128xf32, #tpu.memory_space<vmem>> -> memref<16x128xf32, #tpu.memory_space<vmem>>
        %dma_wait3A_136 = arith.constant 9984 : i32
        %dma_wait3A_137 = arith.constant 0 : i32
        %dma_wait3A_138 = tpu.memref_slice %arg22[%dma_wait3A_136, %dma_wait3A_137] : memref<10000x128xf32, #tpu.memory_space<vmem_shared>> -> memref<16x128xf32, #tpu.memory_space<vmem_shared>>
        %dma_wait3A_139 = arith.constant 9984 : i32
        %dma_wait3A_140 = arith.constant 0 : i32
        %dma_wait3A_141 = tpu.memref_slice %arg22[%dma_wait3A_139, %dma_wait3A_140] : memref<10000x128xf32, #tpu.memory_space<vmem_shared>> -> memref<16x128xf32, #tpu.memory_space<vmem_shared>>
        %dma_wait3A_142 = arith.constant 0 : i32
        %dma_wait3A_143 = arith.constant 0 : i32
        %dma_wait3A_144 = tpu.memref_slice %arg21[%dma_wait3A_142, %dma_wait3A_143] : memref<16x128xf32, #tpu.memory_space<vmem>> -> memref<16x128xf32, #tpu.memory_space<vmem>>
        tpu.wait_dma2 semaphore(%run_scoped3A : memref<!tpu.dma_semaphore, #tpu.memory_space<semaphore_mem>>) src(%dma_wait3A_144 : memref<16x128xf32, #tpu.memory_space<vmem>>) dst(%dma_wait3A_141 : memref<16x128xf32, #tpu.memory_space<vmem_shared>>)
        tpu.yield
      }) : () -> ()
    } else {
    }
    %scan3A_19 = arith.constant 0 : i32
    %scan3A_20 = arith.constant 0 : i32
    %scan3A_21 = arith.constant 39 : i32
    %scan3A_22 = arith.addi %scan3A_20, %scan3A_21 : i32
    %scan3A_23 = arith.constant 1 : i32
    scf.for %scan3A_121 = %scan3A_20 to %scan3A_22 step %scan3A_23  : i32 {
      %dma_wait3A_122 = arith.constant 0 : i32
      %dma_wait3A_123 = arith.constant 0 : i32
      %dma_wait3A_124 = tpu.memref_slice %arg2[%dma_wait3A_122, %dma_wait3A_123] : memref<10000x128xf32, #tpu.memory_space<hbm>> -> memref<16x128xf32, #tpu.memory_space<hbm>>
      %dma_wait3A_125 = arith.constant 0 : i32
      %dma_wait3A_126 = arith.constant 0 : i32
      %dma_wait3A_127 = tpu.memref_slice %arg2[%dma_wait3A_125, %dma_wait3A_126] : memref<10000x128xf32, #tpu.memory_space<hbm>> -> memref<16x128xf32, #tpu.memory_space<hbm>>
      tpu.wait_dma2 semaphore(%arg31 : memref<!tpu.dma_semaphore, #tpu.memory_space<semaphore_mem>>) src(%dma_wait3A_127 : memref<16x128xf32, #tpu.memory_space<hbm>>) dst(%arg21 : memref<16x128xf32, #tpu.memory_space<vmem>>)
    }
    %scan3A_24 = arith.constant 39 : i32
    %dma_wait3A = arith.constant 0 : i32
    %dma_wait3A_25 = tpu.memref_slice %arg3[%add3A, %dma_wait3A] : memref<32x10000xi32, #tpu.memory_space<hbm>> -> memref<1x10000xi32, #tpu.memory_space<hbm>>
    %dma_wait3A_26 = tpu.memref_squeeze %dma_wait3A_25 : memref<1x10000xi32, #tpu.memory_space<hbm>> -> memref<10000xi32, #tpu.memory_space<hbm>>
    %dma_wait3A_27 = arith.constant 0 : i32
    %dma_wait3A_28 = tpu.memref_slice %arg3[%add3A, %dma_wait3A_27] : memref<32x10000xi32, #tpu.memory_space<hbm>> -> memref<1x10000xi32, #tpu.memory_space<hbm>>
    %dma_wait3A_29 = tpu.memref_squeeze %dma_wait3A_28 : memref<1x10000xi32, #tpu.memory_space<hbm>> -> memref<10000xi32, #tpu.memory_space<hbm>>
    tpu.wait_dma2 semaphore(%arg23 : memref<!tpu.dma_semaphore, #tpu.memory_space<semaphore_mem>>) src(%dma_wait3A_29 : memref<10000xi32, #tpu.memory_space<hbm>>) dst(%arg6 : memref<10000xi32, #tpu.memory_space<vmem>>)
    %barrier3A = arith.constant 0 : index
    tpu.barrier barrier_id(%barrier3A)
    %scan3A_30 = arith.constant 0 : i32
    %scan3A_31 = arith.constant 0 : i32
    %scan3A_32 = arith.constant 4 : i32
    %scan3A_33 = arith.addi %scan3A_31, %scan3A_32 : i32
    %scan3A_34 = arith.constant 1 : i32
    scf.for %scan3A_121 = %scan3A_31 to %scan3A_33 step %scan3A_34  : i32 {
      %mul3A_122 = arith.constant 16 : i32
      %mul3A_123 = arith.muli %scan3A_121, %mul3A_122 : i32
      %add3A_124 = arith.constant 0 : i32
      %add3A_125 = arith.addi %add3A_124, %mul3A_123 : i32
      %get3A_126 = arith.index_cast %add3A_125 : i32 to index
      %get3A_127 = tpu.vector_load %arg6[%get3A_126] {strides = array<i32>} : memref<10000xi32, #tpu.memory_space<vmem>>, vector<16xi32>,
      %get3A_128 = vector.shape_cast %get3A_127 : vector<16xi32> to vector<16xi32>
      %mul3A_129 = arith.constant 16 : i32
      %mul3A_130 = arith.muli %scan3A_121, %mul3A_129 : i32
      %swap3A_131 = arith.index_cast %mul3A_130 : i32 to index
      %swap3A_132 = tpu.vector_load %arg7[%swap3A_131] {strides = array<i32>} : memref<64xi32, #tpu.memory_space<vmem>>, vector<16xi32>,
      %swap3A_133 = vector.shape_cast %swap3A_132 : vector<16xi32> to vector<16xi32>
      %swap3A_134 = vector.shape_cast %get3A_128 : vector<16xi32> to vector<16xi32>
      tpu.vector_store %arg7[%swap3A_131], %swap3A_134 {strides = array<i32>} : memref<64xi32, #tpu.memory_space<vmem>>, vector<16xi32>,
    }
    %scan3A_35 = arith.constant 4 : i32
    %dma_start3A_36 = arith.constant 0 : i32
    %dma_start3A_37 = arith.constant 0 : i32
    %dma_start3A_38 = tpu.memref_slice %arg2[%dma_start3A_36, %dma_start3A_37] : memref<10000x128xf32, #tpu.memory_space<hbm>> -> memref<10000x128xf32, #tpu.memory_space<hbm>>
    tpu.enqueue_indirect_dma source(%dma_start3A_38 : memref<10000x128xf32, #tpu.memory_space<hbm>>) target(%arg17 : memref<64x128xf32, #tpu.memory_space<vmem>>) offsets(%arg7 : memref<64xi32, #tpu.memory_space<vmem>>) semaphore(%arg23 : memref<!tpu.dma_semaphore, #tpu.memory_space<semaphore_mem>>)
    %mul3A_39 = arith.constant 10000 : i32
    %mul3A_40 = arith.muli %add3A, %mul3A_39 : i32
    %add3A_41 = arith.constant 0 : i32
    %add3A_42 = arith.addi %mul3A_40, %add3A_41 : i32
    %dma_start3A_43 = tpu.memref_slice %arg4[%add3A_42] : memref<320000xi32, #tpu.memory_space<hbm>> -> memref<64xi32, #tpu.memory_space<hbm>>
    %dma_start3A_44 = tpu.memref_slice %arg4[%add3A_42] : memref<320000xi32, #tpu.memory_space<hbm>> -> memref<64xi32, #tpu.memory_space<hbm>>
    tpu.enqueue_dma source(%dma_start3A_44 : memref<64xi32, #tpu.memory_space<hbm>>) target(%arg11 : memref<64xi32, #tpu.memory_space<vmem>>) target_semaphore(%arg27 : memref<!tpu.dma_semaphore, #tpu.memory_space<semaphore_mem>>)
    %scan3A_45 = arith.constant 0 : i32
    %scan3A_46 = arith.constant 0 : i32
    %scan3A_47 = arith.constant 4 : i32
    %scan3A_48 = arith.addi %scan3A_46, %scan3A_47 : i32
    %scan3A_49 = arith.constant 1 : i32
    scf.for %scan3A_121 = %scan3A_46 to %scan3A_48 step %scan3A_49  : i32 {
      %mul3A_122 = arith.constant 16 : i32
      %mul3A_123 = arith.muli %scan3A_121, %mul3A_122 : i32
      %add3A_124 = arith.constant 64 : i32
      %add3A_125 = arith.addi %add3A_124, %mul3A_123 : i32
      %get3A_126 = arith.index_cast %add3A_125 : i32 to index
      %get3A_127 = tpu.vector_load %arg6[%get3A_126] {strides = array<i32>} : memref<10000xi32, #tpu.memory_space<vmem>>, vector<16xi32>,
      %get3A_128 = vector.shape_cast %get3A_127 : vector<16xi32> to vector<16xi32>
      %mul3A_129 = arith.constant 16 : i32
      %mul3A_130 = arith.muli %scan3A_121, %mul3A_129 : i32
      %swap3A_131 = arith.index_cast %mul3A_130 : i32 to index
      %swap3A_132 = tpu.vector_load %arg8[%swap3A_131] {strides = array<i32>} : memref<64xi32, #tpu.memory_space<vmem>>, vector<16xi32>,
      %swap3A_133 = vector.shape_cast %swap3A_132 : vector<16xi32> to vector<16xi32>
      %swap3A_134 = vector.shape_cast %get3A_128 : vector<16xi32> to vector<16xi32>
      tpu.vector_store %arg8[%swap3A_131], %swap3A_134 {strides = array<i32>} : memref<64xi32, #tpu.memory_space<vmem>>, vector<16xi32>,
    }
    %scan3A_50 = arith.constant 4 : i32
    %dma_start3A_51 = arith.constant 0 : i32
    %dma_start3A_52 = arith.constant 0 : i32
    %dma_start3A_53 = tpu.memref_slice %arg2[%dma_start3A_51, %dma_start3A_52] : memref<10000x128xf32, #tpu.memory_space<hbm>> -> memref<10000x128xf32, #tpu.memory_space<hbm>>
    tpu.enqueue_indirect_dma source(%dma_start3A_53 : memref<10000x128xf32, #tpu.memory_space<hbm>>) target(%arg18 : memref<64x128xf32, #tpu.memory_space<vmem>>) offsets(%arg8 : memref<64xi32, #tpu.memory_space<vmem>>) semaphore(%arg24 : memref<!tpu.dma_semaphore, #tpu.memory_space<semaphore_mem>>)
    %mul3A_54 = arith.constant 10000 : i32
    %mul3A_55 = arith.muli %add3A, %mul3A_54 : i32
    %add3A_56 = arith.constant 64 : i32
    %add3A_57 = arith.addi %mul3A_55, %add3A_56 : i32
    %dma_start3A_58 = tpu.memref_slice %arg4[%add3A_57] : memref<320000xi32, #tpu.memory_space<hbm>> -> memref<64xi32, #tpu.memory_space<hbm>>
    %dma_start3A_59 = tpu.memref_slice %arg4[%add3A_57] : memref<320000xi32, #tpu.memory_space<hbm>> -> memref<64xi32, #tpu.memory_space<hbm>>
    tpu.enqueue_dma source(%dma_start3A_59 : memref<64xi32, #tpu.memory_space<hbm>>) target(%arg12 : memref<64xi32, #tpu.memory_space<vmem>>) target_semaphore(%arg28 : memref<!tpu.dma_semaphore, #tpu.memory_space<semaphore_mem>>)
    %scan3A_60 = arith.constant 0 : i32
    %scan3A_61 = arith.constant 0 : i32
    %scan3A_62 = arith.constant 4 : i32
    %scan3A_63 = arith.addi %scan3A_61, %scan3A_62 : i32
    %scan3A_64 = arith.constant 1 : i32
    scf.for %scan3A_121 = %scan3A_61 to %scan3A_63 step %scan3A_64  : i32 {
      %mul3A_122 = arith.constant 16 : i32
      %mul3A_123 = arith.muli %scan3A_121, %mul3A_122 : i32
      %add3A_124 = arith.constant 128 : i32
      %add3A_125 = arith.addi %add3A_124, %mul3A_123 : i32
      %get3A_126 = arith.index_cast %add3A_125 : i32 to index
      %get3A_127 = tpu.vector_load %arg6[%get3A_126] {strides = array<i32>} : memref<10000xi32, #tpu.memory_space<vmem>>, vector<16xi32>,
      %get3A_128 = vector.shape_cast %get3A_127 : vector<16xi32> to vector<16xi32>
      %mul3A_129 = arith.constant 16 : i32
      %mul3A_130 = arith.muli %scan3A_121, %mul3A_129 : i32
      %swap3A_131 = arith.index_cast %mul3A_130 : i32 to index
      %swap3A_132 = tpu.vector_load %arg9[%swap3A_131] {strides = array<i32>} : memref<64xi32, #tpu.memory_space<vmem>>, vector<16xi32>,
      %swap3A_133 = vector.shape_cast %swap3A_132 : vector<16xi32> to vector<16xi32>
      %swap3A_134 = vector.shape_cast %get3A_128 : vector<16xi32> to vector<16xi32>
      tpu.vector_store %arg9[%swap3A_131], %swap3A_134 {strides = array<i32>} : memref<64xi32, #tpu.memory_space<vmem>>, vector<16xi32>,
    }
    %scan3A_65 = arith.constant 4 : i32
    %dma_start3A_66 = arith.constant 0 : i32
    %dma_start3A_67 = arith.constant 0 : i32
    %dma_start3A_68 = tpu.memref_slice %arg2[%dma_start3A_66, %dma_start3A_67] : memref<10000x128xf32, #tpu.memory_space<hbm>> -> memref<10000x128xf32, #tpu.memory_space<hbm>>
    tpu.enqueue_indirect_dma source(%dma_start3A_68 : memref<10000x128xf32, #tpu.memory_space<hbm>>) target(%arg19 : memref<64x128xf32, #tpu.memory_space<vmem>>) offsets(%arg9 : memref<64xi32, #tpu.memory_space<vmem>>) semaphore(%arg25 : memref<!tpu.dma_semaphore, #tpu.memory_space<semaphore_mem>>)
    %mul3A_69 = arith.constant 10000 : i32
    %mul3A_70 = arith.muli %add3A, %mul3A_69 : i32
    %add3A_71 = arith.constant 128 : i32
    %add3A_72 = arith.addi %mul3A_70, %add3A_71 : i32
    %dma_start3A_73 = tpu.memref_slice %arg4[%add3A_72] : memref<320000xi32, #tpu.memory_space<hbm>> -> memref<64xi32, #tpu.memory_space<hbm>>
    %dma_start3A_74 = tpu.memref_slice %arg4[%add3A_72] : memref<320000xi32, #tpu.memory_space<hbm>> -> memref<64xi32, #tpu.memory_space<hbm>>
    tpu.enqueue_dma source(%dma_start3A_74 : memref<64xi32, #tpu.memory_space<hbm>>) target(%arg13 : memref<64xi32, #tpu.memory_space<vmem>>) target_semaphore(%arg29 : memref<!tpu.dma_semaphore, #tpu.memory_space<semaphore_mem>>)
    %scan3A_75 = arith.constant 0 : i32
    %scan3A_76 = arith.constant 0 : i32
    %scan3A_77 = arith.constant 39 : i32
    %scan3A_78 = arith.addi %scan3A_76, %scan3A_77 : i32
    %scan3A_79 = arith.constant 1 : i32
    scf.for %scan3A_121 = %scan3A_76 to %scan3A_78 step %scan3A_79  : i32 {
      %mul3A_122 = arith.constant 4 : i32
      %mul3A_123 = arith.muli %mul3A_122, %scan3A_121 : i32
      %add3A_124 = arith.constant 4 : i32
      %add3A_125 = arith.addi %mul3A_123, %add3A_124 : i32
      %sub3A = arith.constant 1 : i32
      %sub3A_126 = arith.subi %add3A_125, %sub3A : i32
      %scan3A_127 = arith.constant 0 : i32
      %scan3A_128 = arith.constant 0 : i32
      %scan3A_129 = arith.constant 4 : i32
      %scan3A_130 = arith.addi %scan3A_128, %scan3A_129 : i32
      %scan3A_131 = arith.constant 1 : i32
      scf.for %scan3A_209 = %scan3A_128 to %scan3A_130 step %scan3A_131  : i32 {
        %mul3A_210 = arith.constant 64 : i32
        %mul3A_211 = arith.muli %sub3A_126, %mul3A_210 : i32
        %mul3A_212 = arith.constant 16 : i32
        %mul3A_213 = arith.muli %scan3A_209, %mul3A_212 : i32
        %add3A_214 = arith.addi %mul3A_211, %mul3A_213 : i32
        %get3A_215 = arith.index_cast %add3A_214 : i32 to index
        %get3A_216 = tpu.vector_load %arg6[%get3A_215] {strides = array<i32>} : memref<10000xi32, #tpu.memory_space<vmem>>, vector<16xi32>,
        %get3A_217 = vector.shape_cast %get3A_216 : vector<16xi32> to vector<16xi32>
        %mul3A_218 = arith.constant 16 : i32
        %mul3A_219 = arith.muli %scan3A_209, %mul3A_218 : i32
        %swap3A_220 = arith.index_cast %mul3A_219 : i32 to index
        %swap3A_221 = tpu.vector_load %arg10[%swap3A_220] {strides = array<i32>} : memref<64xi32, #tpu.memory_space<vmem>>, vector<16xi32>,
        %swap3A_222 = vector.shape_cast %swap3A_221 : vector<16xi32> to vector<16xi32>
        %swap3A_223 = vector.shape_cast %get3A_217 : vector<16xi32> to vector<16xi32>
        tpu.vector_store %arg10[%swap3A_220], %swap3A_223 {strides = array<i32>} : memref<64xi32, #tpu.memory_space<vmem>>, vector<16xi32>,
      }
      %scan3A_132 = arith.constant 4 : i32
      %dma_start3A_133 = arith.constant 0 : i32
      %dma_start3A_134 = arith.constant 0 : i32
      %dma_start3A_135 = tpu.memref_slice %arg2[%dma_start3A_133, %dma_start3A_134] : memref<10000x128xf32, #tpu.memory_space<hbm>> -> memref<10000x128xf32, #tpu.memory_space<hbm>>
      tpu.enqueue_indirect_dma source(%dma_start3A_135 : memref<10000x128xf32, #tpu.memory_space<hbm>>) target(%arg20 : memref<64x128xf32, #tpu.memory_space<vmem>>) offsets(%arg10 : memref<64xi32, #tpu.memory_space<vmem>>) semaphore(%arg26 : memref<!tpu.dma_semaphore, #tpu.memory_space<semaphore_mem>>)
      %mul3A_136 = arith.constant 10000 : i32
      %mul3A_137 = arith.muli %add3A, %mul3A_136 : i32
      %mul3A_138 = arith.constant 64 : i32
      %mul3A_139 = arith.muli %sub3A_126, %mul3A_138 : i32
      %add3A_140 = arith.addi %mul3A_137, %mul3A_139 : i32
      %dma_start3A_141 = tpu.memref_slice %arg4[%add3A_140] : memref<320000xi32, #tpu.memory_space<hbm>> -> memref<64xi32, #tpu.memory_space<hbm>>
      %dma_start3A_142 = tpu.memref_slice %arg4[%add3A_140] : memref<320000xi32, #tpu.memory_space<hbm>> -> memref<64xi32, #tpu.memory_space<hbm>>
      tpu.enqueue_dma source(%dma_start3A_142 : memref<64xi32, #tpu.memory_space<hbm>>) target(%arg14 : memref<64xi32, #tpu.memory_space<vmem>>) target_semaphore(%arg30 : memref<!tpu.dma_semaphore, #tpu.memory_space<semaphore_mem>>)
      %dma_wait3A_143 = arith.constant 0 : i32
      %dma_wait3A_144 = arith.constant 0 : i32
      %dma_wait3A_145 = tpu.memref_slice %arg2[%dma_wait3A_143, %dma_wait3A_144] : memref<10000x128xf32, #tpu.memory_space<hbm>> -> memref<64x128xf32, #tpu.memory_space<hbm>>
      %dma_wait3A_146 = arith.constant 0 : i32
      %dma_wait3A_147 = arith.constant 0 : i32
      %dma_wait3A_148 = tpu.memref_slice %arg2[%dma_wait3A_146, %dma_wait3A_147] : memref<10000x128xf32, #tpu.memory_space<hbm>> -> memref<64x128xf32, #tpu.memory_space<hbm>>
      tpu.wait_dma2 semaphore(%arg23 : memref<!tpu.dma_semaphore, #tpu.memory_space<semaphore_mem>>) src(%dma_wait3A_148 : memref<64x128xf32, #tpu.memory_space<hbm>>) dst(%arg17 : memref<64x128xf32, #tpu.memory_space<vmem>>)
      %dma_wait3A_149 = arith.constant 0 : i32
      %dma_wait3A_150 = tpu.memref_slice %arg4[%dma_wait3A_149] : memref<320000xi32, #tpu.memory_space<hbm>> -> memref<64xi32, #tpu.memory_space<hbm>>
      %dma_wait3A_151 = arith.constant 0 : i32
      %dma_wait3A_152 = tpu.memref_slice %arg4[%dma_wait3A_151] : memref<320000xi32, #tpu.memory_space<hbm>> -> memref<64xi32, #tpu.memory_space<hbm>>
      tpu.wait_dma2 semaphore(%arg27 : memref<!tpu.dma_semaphore, #tpu.memory_space<semaphore_mem>>) src(%dma_wait3A_152 : memref<64xi32, #tpu.memory_space<hbm>>) dst(%arg11 : memref<64xi32, #tpu.memory_space<vmem>>)
      "tpu.region"() ({
        %run_scoped3A = tpu.sem_alloc : memref<!tpu.dma_semaphore, #tpu.memory_space<semaphore_mem>>
        %dma_start3A_209 = arith.constant 0 : i32
        %dma_start3A_210 = arith.constant 0 : i32
        %dma_start3A_211 = tpu.memref_slice %arg22[%dma_start3A_209, %dma_start3A_210] : memref<10000x128xf32, #tpu.memory_space<vmem_shared>> -> memref<10000x128xf32, #tpu.memory_space<vmem_shared>>
        tpu.enqueue_indirect_dma source(%arg17 : memref<64x128xf32, #tpu.memory_space<vmem>>) target(%dma_start3A_211 : memref<10000x128xf32, #tpu.memory_space<vmem_shared>>) offsets(%arg11 : memref<64xi32, #tpu.memory_space<vmem>>) semaphore(%run_scoped3A : memref<!tpu.dma_semaphore, #tpu.memory_space<semaphore_mem>>) {add = true}
        %dma_wait3A_212 = arith.constant 0 : i32
        %dma_wait3A_213 = arith.constant 0 : i32
        %dma_wait3A_214 = tpu.memref_slice %arg22[%dma_wait3A_212, %dma_wait3A_213] : memref<10000x128xf32, #tpu.memory_space<vmem_shared>> -> memref<10000x128xf32, #tpu.memory_space<vmem_shared>>
        tpu.wait_indirect_dma semaphore(%run_scoped3A : memref<!tpu.dma_semaphore, #tpu.memory_space<semaphore_mem>>) src(%arg17 : memref<64x128xf32, #tpu.memory_space<vmem>>) dst(%dma_wait3A_214 : memref<10000x128xf32, #tpu.memory_space<vmem_shared>>)
        tpu.yield
      }) : () -> ()
      %add3A_153 = arith.constant 4 : i32
      %add3A_154 = arith.addi %mul3A_123, %add3A_153 : i32
      %add3A_155 = arith.constant 0 : i32
      %add3A_156 = arith.addi %add3A_154, %add3A_155 : i32
      %lt3A = arith.constant 156 : i32
      %lt3A_157 = arith.cmpi slt, %add3A_156, %lt3A : i32
      %convert_element_type3A_158 = arith.extui %lt3A_157 : i1 to i32
      %cond3A_159 = arith.constant 0 : i32
      %cond3A_160 = arith.cmpi ne, %convert_element_type3A_158, %cond3A_159 : i32
      scf.if %cond3A_160 {
        %add3A_209 = arith.constant 4 : i32
        %add3A_210 = arith.addi %mul3A_123, %add3A_209 : i32
        %add3A_211 = arith.constant 0 : i32
        %add3A_212 = arith.addi %add3A_210, %add3A_211 : i32
        %scan3A_213 = arith.constant 0 : i32
        %scan3A_214 = arith.constant 0 : i32
        %scan3A_215 = arith.constant 4 : i32
        %scan3A_216 = arith.addi %scan3A_214, %scan3A_215 : i32
        %scan3A_217 = arith.constant 1 : i32
        scf.for %scan3A_229 = %scan3A_214 to %scan3A_216 step %scan3A_217  : i32 {
          %mul3A_230 = arith.constant 64 : i32
          %mul3A_231 = arith.muli %add3A_212, %mul3A_230 : i32
          %mul3A_232 = arith.constant 16 : i32
          %mul3A_233 = arith.muli %scan3A_229, %mul3A_232 : i32
          %add3A_234 = arith.addi %mul3A_231, %mul3A_233 : i32
          %get3A_235 = arith.index_cast %add3A_234 : i32 to index
          %get3A_236 = tpu.vector_load %arg6[%get3A_235] {strides = array<i32>} : memref<10000xi32, #tpu.memory_space<vmem>>, vector<16xi32>,
          %get3A_237 = vector.shape_cast %get3A_236 : vector<16xi32> to vector<16xi32>
          %mul3A_238 = arith.constant 16 : i32
          %mul3A_239 = arith.muli %scan3A_229, %mul3A_238 : i32
          %swap3A_240 = arith.index_cast %mul3A_239 : i32 to index
          %swap3A_241 = tpu.vector_load %arg7[%swap3A_240] {strides = array<i32>} : memref<64xi32, #tpu.memory_space<vmem>>, vector<16xi32>,
          %swap3A_242 = vector.shape_cast %swap3A_241 : vector<16xi32> to vector<16xi32>
          %swap3A_243 = vector.shape_cast %get3A_237 : vector<16xi32> to vector<16xi32>
          tpu.vector_store %arg7[%swap3A_240], %swap3A_243 {strides = array<i32>} : memref<64xi32, #tpu.memory_space<vmem>>, vector<16xi32>,
        }
        %scan3A_218 = arith.constant 4 : i32
        %dma_start3A_219 = arith.constant 0 : i32
        %dma_start3A_220 = arith.constant 0 : i32
        %dma_start3A_221 = tpu.memref_slice %arg2[%dma_start3A_219, %dma_start3A_220] : memref<10000x128xf32, #tpu.memory_space<hbm>> -> memref<10000x128xf32, #tpu.memory_space<hbm>>
        tpu.enqueue_indirect_dma source(%dma_start3A_221 : memref<10000x128xf32, #tpu.memory_space<hbm>>) target(%arg17 : memref<64x128xf32, #tpu.memory_space<vmem>>) offsets(%arg7 : memref<64xi32, #tpu.memory_space<vmem>>) semaphore(%arg23 : memref<!tpu.dma_semaphore, #tpu.memory_space<semaphore_mem>>)
        %mul3A_222 = arith.constant 10000 : i32
        %mul3A_223 = arith.muli %add3A, %mul3A_222 : i32
        %mul3A_224 = arith.constant 64 : i32
        %mul3A_225 = arith.muli %add3A_212, %mul3A_224 : i32
        %add3A_226 = arith.addi %mul3A_223, %mul3A_225 : i32
        %dma_start3A_227 = tpu.memref_slice %arg4[%add3A_226] : memref<320000xi32, #tpu.memory_space<hbm>> -> memref<64xi32, #tpu.memory_space<hbm>>
        %dma_start3A_228 = tpu.memref_slice %arg4[%add3A_226] : memref<320000xi32, #tpu.memory_space<hbm>> -> memref<64xi32, #tpu.memory_space<hbm>>
        tpu.enqueue_dma source(%dma_start3A_228 : memref<64xi32, #tpu.memory_space<hbm>>) target(%arg11 : memref<64xi32, #tpu.memory_space<vmem>>) target_semaphore(%arg27 : memref<!tpu.dma_semaphore, #tpu.memory_space<semaphore_mem>>)
      } else {
      }
      %dma_wait3A_161 = arith.constant 0 : i32
      %dma_wait3A_162 = arith.constant 0 : i32
      %dma_wait3A_163 = tpu.memref_slice %arg2[%dma_wait3A_161, %dma_wait3A_162] : memref<10000x128xf32, #tpu.memory_space<hbm>> -> memref<64x128xf32, #tpu.memory_space<hbm>>
      %dma_wait3A_164 = arith.constant 0 : i32
      %dma_wait3A_165 = arith.constant 0 : i32
      %dma_wait3A_166 = tpu.memref_slice %arg2[%dma_wait3A_164, %dma_wait3A_165] : memref<10000x128xf32, #tpu.memory_space<hbm>> -> memref<64x128xf32, #tpu.memory_space<hbm>>
      tpu.wait_dma2 semaphore(%arg24 : memref<!tpu.dma_semaphore, #tpu.memory_space<semaphore_mem>>) src(%dma_wait3A_166 : memref<64x128xf32, #tpu.memory_space<hbm>>) dst(%arg18 : memref<64x128xf32, #tpu.memory_space<vmem>>)
      %dma_wait3A_167 = arith.constant 0 : i32
      %dma_wait3A_168 = tpu.memref_slice %arg4[%dma_wait3A_167] : memref<320000xi32, #tpu.memory_space<hbm>> -> memref<64xi32, #tpu.memory_space<hbm>>
      %dma_wait3A_169 = arith.constant 0 : i32
      %dma_wait3A_170 = tpu.memref_slice %arg4[%dma_wait3A_169] : memref<320000xi32, #tpu.memory_space<hbm>> -> memref<64xi32, #tpu.memory_space<hbm>>
      tpu.wait_dma2 semaphore(%arg28 : memref<!tpu.dma_semaphore, #tpu.memory_space<semaphore_mem>>) src(%dma_wait3A_170 : memref<64xi32, #tpu.memory_space<hbm>>) dst(%arg12 : memref<64xi32, #tpu.memory_space<vmem>>)
      "tpu.region"() ({
        %run_scoped3A = tpu.sem_alloc : memref<!tpu.dma_semaphore, #tpu.memory_space<semaphore_mem>>
        %dma_start3A_209 = arith.constant 0 : i32
        %dma_start3A_210 = arith.constant 0 : i32
        %dma_start3A_211 = tpu.memref_slice %arg22[%dma_start3A_209, %dma_start3A_210] : memref<10000x128xf32, #tpu.memory_space<vmem_shared>> -> memref<10000x128xf32, #tpu.memory_space<vmem_shared>>
        tpu.enqueue_indirect_dma source(%arg18 : memref<64x128xf32, #tpu.memory_space<vmem>>) target(%dma_start3A_211 : memref<10000x128xf32, #tpu.memory_space<vmem_shared>>) offsets(%arg12 : memref<64xi32, #tpu.memory_space<vmem>>) semaphore(%run_scoped3A : memref<!tpu.dma_semaphore, #tpu.memory_space<semaphore_mem>>) {add = true}
        %dma_wait3A_212 = arith.constant 0 : i32
        %dma_wait3A_213 = arith.constant 0 : i32
        %dma_wait3A_214 = tpu.memref_slice %arg22[%dma_wait3A_212, %dma_wait3A_213] : memref<10000x128xf32, #tpu.memory_space<vmem_shared>> -> memref<10000x128xf32, #tpu.memory_space<vmem_shared>>
        tpu.wait_indirect_dma semaphore(%run_scoped3A : memref<!tpu.dma_semaphore, #tpu.memory_space<semaphore_mem>>) src(%arg18 : memref<64x128xf32, #tpu.memory_space<vmem>>) dst(%dma_wait3A_214 : memref<10000x128xf32, #tpu.memory_space<vmem_shared>>)
        tpu.yield
      }) : () -> ()
      %add3A_171 = arith.constant 4 : i32
      %add3A_172 = arith.addi %mul3A_123, %add3A_171 : i32
      %add3A_173 = arith.constant 1 : i32
      %add3A_174 = arith.addi %add3A_172, %add3A_173 : i32
      %lt3A_175 = arith.constant 156 : i32
      %lt3A_176 = arith.cmpi slt, %add3A_174, %lt3A_175 : i32
      %convert_element_type3A_177 = arith.extui %lt3A_176 : i1 to i32
      %cond3A_178 = arith.constant 0 : i32
      %cond3A_179 = arith.cmpi ne, %convert_element_type3A_177, %cond3A_178 : i32
      scf.if %cond3A_179 {
        %add3A_209 = arith.constant 4 : i32
        %add3A_210 = arith.addi %mul3A_123, %add3A_209 : i32
        %add3A_211 = arith.constant 1 : i32
        %add3A_212 = arith.addi %add3A_210, %add3A_211 : i32
        %scan3A_213 = arith.constant 0 : i32
        %scan3A_214 = arith.constant 0 : i32
        %scan3A_215 = arith.constant 4 : i32
        %scan3A_216 = arith.addi %scan3A_214, %scan3A_215 : i32
        %scan3A_217 = arith.constant 1 : i32
        scf.for %scan3A_229 = %scan3A_214 to %scan3A_216 step %scan3A_217  : i32 {
          %mul3A_230 = arith.constant 64 : i32
          %mul3A_231 = arith.muli %add3A_212, %mul3A_230 : i32
          %mul3A_232 = arith.constant 16 : i32
          %mul3A_233 = arith.muli %scan3A_229, %mul3A_232 : i32
          %add3A_234 = arith.addi %mul3A_231, %mul3A_233 : i32
          %get3A_235 = arith.index_cast %add3A_234 : i32 to index
          %get3A_236 = tpu.vector_load %arg6[%get3A_235] {strides = array<i32>} : memref<10000xi32, #tpu.memory_space<vmem>>, vector<16xi32>,
          %get3A_237 = vector.shape_cast %get3A_236 : vector<16xi32> to vector<16xi32>
          %mul3A_238 = arith.constant 16 : i32
          %mul3A_239 = arith.muli %scan3A_229, %mul3A_238 : i32
          %swap3A_240 = arith.index_cast %mul3A_239 : i32 to index
          %swap3A_241 = tpu.vector_load %arg8[%swap3A_240] {strides = array<i32>} : memref<64xi32, #tpu.memory_space<vmem>>, vector<16xi32>,
          %swap3A_242 = vector.shape_cast %swap3A_241 : vector<16xi32> to vector<16xi32>
          %swap3A_243 = vector.shape_cast %get3A_237 : vector<16xi32> to vector<16xi32>
          tpu.vector_store %arg8[%swap3A_240], %swap3A_243 {strides = array<i32>} : memref<64xi32, #tpu.memory_space<vmem>>, vector<16xi32>,
        }
        %scan3A_218 = arith.constant 4 : i32
        %dma_start3A_219 = arith.constant 0 : i32
        %dma_start3A_220 = arith.constant 0 : i32
        %dma_start3A_221 = tpu.memref_slice %arg2[%dma_start3A_219, %dma_start3A_220] : memref<10000x128xf32, #tpu.memory_space<hbm>> -> memref<10000x128xf32, #tpu.memory_space<hbm>>
        tpu.enqueue_indirect_dma source(%dma_start3A_221 : memref<10000x128xf32, #tpu.memory_space<hbm>>) target(%arg18 : memref<64x128xf32, #tpu.memory_space<vmem>>) offsets(%arg8 : memref<64xi32, #tpu.memory_space<vmem>>) semaphore(%arg24 : memref<!tpu.dma_semaphore, #tpu.memory_space<semaphore_mem>>)
        %mul3A_222 = arith.constant 10000 : i32
        %mul3A_223 = arith.muli %add3A, %mul3A_222 : i32
        %mul3A_224 = arith.constant 64 : i32
        %mul3A_225 = arith.muli %add3A_212, %mul3A_224 : i32
        %add3A_226 = arith.addi %mul3A_223, %mul3A_225 : i32
        %dma_start3A_227 = tpu.memref_slice %arg4[%add3A_226] : memref<320000xi32, #tpu.memory_space<hbm>> -> memref<64xi32, #tpu.memory_space<hbm>>
        %dma_start3A_228 = tpu.memref_slice %arg4[%add3A_226] : memref<320000xi32, #tpu.memory_space<hbm>> -> memref<64xi32, #tpu.memory_space<hbm>>
        tpu.enqueue_dma source(%dma_start3A_228 : memref<64xi32, #tpu.memory_space<hbm>>) target(%arg12 : memref<64xi32, #tpu.memory_space<vmem>>) target_semaphore(%arg28 : memref<!tpu.dma_semaphore, #tpu.memory_space<semaphore_mem>>)
      } else {
      }
      %dma_wait3A_180 = arith.constant 0 : i32
      %dma_wait3A_181 = arith.constant 0 : i32
      %dma_wait3A_182 = tpu.memref_slice %arg2[%dma_wait3A_180, %dma_wait3A_181] : memref<10000x128xf32, #tpu.memory_space<hbm>> -> memref<64x128xf32, #tpu.memory_space<hbm>>
      %dma_wait3A_183 = arith.constant 0 : i32
      %dma_wait3A_184 = arith.constant 0 : i32
      %dma_wait3A_185 = tpu.memref_slice %arg2[%dma_wait3A_183, %dma_wait3A_184] : memref<10000x128xf32, #tpu.memory_space<hbm>> -> memref<64x128xf32, #tpu.memory_space<hbm>>
      tpu.wait_dma2 semaphore(%arg25 : memref<!tpu.dma_semaphore, #tpu.memory_space<semaphore_mem>>) src(%dma_wait3A_185 : memref<64x128xf32, #tpu.memory_space<hbm>>) dst(%arg19 : memref<64x128xf32, #tpu.memory_space<vmem>>)
      %dma_wait3A_186 = arith.constant 0 : i32
      %dma_wait3A_187 = tpu.memref_slice %arg4[%dma_wait3A_186] : memref<320000xi32, #tpu.memory_space<hbm>> -> memref<64xi32, #tpu.memory_space<hbm>>
      %dma_wait3A_188 = arith.constant 0 : i32
      %dma_wait3A_189 = tpu.memref_slice %arg4[%dma_wait3A_188] : memref<320000xi32, #tpu.memory_space<hbm>> -> memref<64xi32, #tpu.memory_space<hbm>>
      tpu.wait_dma2 semaphore(%arg29 : memref<!tpu.dma_semaphore, #tpu.memory_space<semaphore_mem>>) src(%dma_wait3A_189 : memref<64xi32, #tpu.memory_space<hbm>>) dst(%arg13 : memref<64xi32, #tpu.memory_space<vmem>>)
      "tpu.region"() ({
        %run_scoped3A = tpu.sem_alloc : memref<!tpu.dma_semaphore, #tpu.memory_space<semaphore_mem>>
        %dma_start3A_209 = arith.constant 0 : i32
        %dma_start3A_210 = arith.constant 0 : i32
        %dma_start3A_211 = tpu.memref_slice %arg22[%dma_start3A_209, %dma_start3A_210] : memref<10000x128xf32, #tpu.memory_space<vmem_shared>> -> memref<10000x128xf32, #tpu.memory_space<vmem_shared>>
        tpu.enqueue_indirect_dma source(%arg19 : memref<64x128xf32, #tpu.memory_space<vmem>>) target(%dma_start3A_211 : memref<10000x128xf32, #tpu.memory_space<vmem_shared>>) offsets(%arg13 : memref<64xi32, #tpu.memory_space<vmem>>) semaphore(%run_scoped3A : memref<!tpu.dma_semaphore, #tpu.memory_space<semaphore_mem>>) {add = true}
        %dma_wait3A_212 = arith.constant 0 : i32
        %dma_wait3A_213 = arith.constant 0 : i32
        %dma_wait3A_214 = tpu.memref_slice %arg22[%dma_wait3A_212, %dma_wait3A_213] : memref<10000x128xf32, #tpu.memory_space<vmem_shared>> -> memref<10000x128xf32, #tpu.memory_space<vmem_shared>>
        tpu.wait_indirect_dma semaphore(%run_scoped3A : memref<!tpu.dma_semaphore, #tpu.memory_space<semaphore_mem>>) src(%arg19 : memref<64x128xf32, #tpu.memory_space<vmem>>) dst(%dma_wait3A_214 : memref<10000x128xf32, #tpu.memory_space<vmem_shared>>)
        tpu.yield
      }) : () -> ()
      %add3A_190 = arith.constant 4 : i32
      %add3A_191 = arith.addi %mul3A_123, %add3A_190 : i32
      %add3A_192 = arith.constant 2 : i32
      %add3A_193 = arith.addi %add3A_191, %add3A_192 : i32
      %lt3A_194 = arith.constant 156 : i32
      %lt3A_195 = arith.cmpi slt, %add3A_193, %lt3A_194 : i32
      %convert_element_type3A_196 = arith.extui %lt3A_195 : i1 to i32
      %cond3A_197 = arith.constant 0 : i32
      %cond3A_198 = arith.cmpi ne, %convert_element_type3A_196, %cond3A_197 : i32
      scf.if %cond3A_198 {
        %add3A_209 = arith.constant 4 : i32
        %add3A_210 = arith.addi %mul3A_123, %add3A_209 : i32
        %add3A_211 = arith.constant 2 : i32
        %add3A_212 = arith.addi %add3A_210, %add3A_211 : i32
        %scan3A_213 = arith.constant 0 : i32
        %scan3A_214 = arith.constant 0 : i32
        %scan3A_215 = arith.constant 4 : i32
        %scan3A_216 = arith.addi %scan3A_214, %scan3A_215 : i32
        %scan3A_217 = arith.constant 1 : i32
        scf.for %scan3A_229 = %scan3A_214 to %scan3A_216 step %scan3A_217  : i32 {
          %mul3A_230 = arith.constant 64 : i32
          %mul3A_231 = arith.muli %add3A_212, %mul3A_230 : i32
          %mul3A_232 = arith.constant 16 : i32
          %mul3A_233 = arith.muli %scan3A_229, %mul3A_232 : i32
          %add3A_234 = arith.addi %mul3A_231, %mul3A_233 : i32
          %get3A_235 = arith.index_cast %add3A_234 : i32 to index
          %get3A_236 = tpu.vector_load %arg6[%get3A_235] {strides = array<i32>} : memref<10000xi32, #tpu.memory_space<vmem>>, vector<16xi32>,
          %get3A_237 = vector.shape_cast %get3A_236 : vector<16xi32> to vector<16xi32>
          %mul3A_238 = arith.constant 16 : i32
          %mul3A_239 = arith.muli %scan3A_229, %mul3A_238 : i32
          %swap3A_240 = arith.index_cast %mul3A_239 : i32 to index
          %swap3A_241 = tpu.vector_load %arg9[%swap3A_240] {strides = array<i32>} : memref<64xi32, #tpu.memory_space<vmem>>, vector<16xi32>,
          %swap3A_242 = vector.shape_cast %swap3A_241 : vector<16xi32> to vector<16xi32>
          %swap3A_243 = vector.shape_cast %get3A_237 : vector<16xi32> to vector<16xi32>
          tpu.vector_store %arg9[%swap3A_240], %swap3A_243 {strides = array<i32>} : memref<64xi32, #tpu.memory_space<vmem>>, vector<16xi32>,
        }
        %scan3A_218 = arith.constant 4 : i32
        %dma_start3A_219 = arith.constant 0 : i32
        %dma_start3A_220 = arith.constant 0 : i32
        %dma_start3A_221 = tpu.memref_slice %arg2[%dma_start3A_219, %dma_start3A_220] : memref<10000x128xf32, #tpu.memory_space<hbm>> -> memref<10000x128xf32, #tpu.memory_space<hbm>>
        tpu.enqueue_indirect_dma source(%dma_start3A_221 : memref<10000x128xf32, #tpu.memory_space<hbm>>) target(%arg19 : memref<64x128xf32, #tpu.memory_space<vmem>>) offsets(%arg9 : memref<64xi32, #tpu.memory_space<vmem>>) semaphore(%arg25 : memref<!tpu.dma_semaphore, #tpu.memory_space<semaphore_mem>>)
        %mul3A_222 = arith.constant 10000 : i32
        %mul3A_223 = arith.muli %add3A, %mul3A_222 : i32
        %mul3A_224 = arith.constant 64 : i32
        %mul3A_225 = arith.muli %add3A_212, %mul3A_224 : i32
        %add3A_226 = arith.addi %mul3A_223, %mul3A_225 : i32
        %dma_start3A_227 = tpu.memref_slice %arg4[%add3A_226] : memref<320000xi32, #tpu.memory_space<hbm>> -> memref<64xi32, #tpu.memory_space<hbm>>
        %dma_start3A_228 = tpu.memref_slice %arg4[%add3A_226] : memref<320000xi32, #tpu.memory_space<hbm>> -> memref<64xi32, #tpu.memory_space<hbm>>
        tpu.enqueue_dma source(%dma_start3A_228 : memref<64xi32, #tpu.memory_space<hbm>>) target(%arg13 : memref<64xi32, #tpu.memory_space<vmem>>) target_semaphore(%arg29 : memref<!tpu.dma_semaphore, #tpu.memory_space<semaphore_mem>>)
      } else {
      }
      %dma_wait3A_199 = arith.constant 0 : i32
      %dma_wait3A_200 = arith.constant 0 : i32
      %dma_wait3A_201 = tpu.memref_slice %arg2[%dma_wait3A_199, %dma_wait3A_200] : memref<10000x128xf32, #tpu.memory_space<hbm>> -> memref<64x128xf32, #tpu.memory_space<hbm>>
      %dma_wait3A_202 = arith.constant 0 : i32
      %dma_wait3A_203 = arith.constant 0 : i32
      %dma_wait3A_204 = tpu.memref_slice %arg2[%dma_wait3A_202, %dma_wait3A_203] : memref<10000x128xf32, #tpu.memory_space<hbm>> -> memref<64x128xf32, #tpu.memory_space<hbm>>
      tpu.wait_dma2 semaphore(%arg26 : memref<!tpu.dma_semaphore, #tpu.memory_space<semaphore_mem>>) src(%dma_wait3A_204 : memref<64x128xf32, #tpu.memory_space<hbm>>) dst(%arg20 : memref<64x128xf32, #tpu.memory_space<vmem>>)
      %dma_wait3A_205 = arith.constant 0 : i32
      %dma_wait3A_206 = tpu.memref_slice %arg4[%dma_wait3A_205] : memref<320000xi32, #tpu.memory_space<hbm>> -> memref<64xi32, #tpu.memory_space<hbm>>
      %dma_wait3A_207 = arith.constant 0 : i32
      %dma_wait3A_208 = tpu.memref_slice %arg4[%dma_wait3A_207] : memref<320000xi32, #tpu.memory_space<hbm>> -> memref<64xi32, #tpu.memory_space<hbm>>
      tpu.wait_dma2 semaphore(%arg30 : memref<!tpu.dma_semaphore, #tpu.memory_space<semaphore_mem>>) src(%dma_wait3A_208 : memref<64xi32, #tpu.memory_space<hbm>>) dst(%arg14 : memref<64xi32, #tpu.memory_space<vmem>>)
      "tpu.region"() ({
        %run_scoped3A = tpu.sem_alloc : memref<!tpu.dma_semaphore, #tpu.memory_space<semaphore_mem>>
        %dma_start3A_209 = arith.constant 0 : i32
        %dma_start3A_210 = arith.constant 0 : i32
        %dma_start3A_211 = tpu.memref_slice %arg22[%dma_start3A_209, %dma_start3A_210] : memref<10000x128xf32, #tpu.memory_space<vmem_shared>> -> memref<10000x128xf32, #tpu.memory_space<vmem_shared>>
        tpu.enqueue_indirect_dma source(%arg20 : memref<64x128xf32, #tpu.memory_space<vmem>>) target(%dma_start3A_211 : memref<10000x128xf32, #tpu.memory_space<vmem_shared>>) offsets(%arg14 : memref<64xi32, #tpu.memory_space<vmem>>) semaphore(%run_scoped3A : memref<!tpu.dma_semaphore, #tpu.memory_space<semaphore_mem>>) {add = true}
        %dma_wait3A_212 = arith.constant 0 : i32
        %dma_wait3A_213 = arith.constant 0 : i32
        %dma_wait3A_214 = tpu.memref_slice %arg22[%dma_wait3A_212, %dma_wait3A_213] : memref<10000x128xf32, #tpu.memory_space<vmem_shared>> -> memref<10000x128xf32, #tpu.memory_space<vmem_shared>>
        tpu.wait_indirect_dma semaphore(%run_scoped3A : memref<!tpu.dma_semaphore, #tpu.memory_space<semaphore_mem>>) src(%arg20 : memref<64x128xf32, #tpu.memory_space<vmem>>) dst(%dma_wait3A_214 : memref<10000x128xf32, #tpu.memory_space<vmem_shared>>)
        tpu.yield
      }) : () -> ()
    }
    %scan3A_80 = arith.constant 39 : i32
    %scan3A_81 = arith.constant 0 : i32
    %scan3A_82 = arith.constant 0 : i32
    %mul3A_83 = arith.constant 16 : i32
    %mul3A_84 = arith.muli %scan3A_82, %mul3A_83 : i32
    %add3A_85 = arith.constant 9984 : i32
    %add3A_86 = arith.addi %add3A_85, %mul3A_84 : i32
    %get3A = arith.index_cast %add3A_86 : i32 to index
    %get3A_87 = tpu.vector_load %arg6[%get3A] {strides = array<i32>} : memref<10000xi32, #tpu.memory_space<vmem>>, vector<16xi32>,
    %get3A_88 = vector.shape_cast %get3A_87 : vector<16xi32> to vector<16xi32>
    %mul3A_89 = arith.constant 16 : i32
    %mul3A_90 = arith.muli %scan3A_82, %mul3A_89 : i32
    %swap3A = arith.index_cast %mul3A_90 : i32 to index
    %swap3A_91 = tpu.vector_load %arg15[%swap3A] {strides = array<i32>} : memref<16xi32, #tpu.memory_space<vmem>>, vector<16xi32>,
    %swap3A_92 = vector.shape_cast %swap3A_91 : vector<16xi32> to vector<16xi32>
    %swap3A_93 = vector.shape_cast %get3A_88 : vector<16xi32> to vector<16xi32>
    tpu.vector_store %arg15[%swap3A], %swap3A_93 {strides = array<i32>} : memref<16xi32, #tpu.memory_space<vmem>>, vector<16xi32>,
    %scan3A_94 = arith.constant 1 : i32
    %mul3A_95 = arith.constant 10000 : i32
    %mul3A_96 = arith.muli %add3A, %mul3A_95 : i32
    %add3A_97 = arith.constant 9984 : i32
    %add3A_98 = arith.addi %mul3A_96, %add3A_97 : i32
    "tpu.region"() ({
      %run_scoped3A = tpu.sem_alloc : memref<!tpu.dma_semaphore, #tpu.memory_space<semaphore_mem>>
      %dma_start3A_121 = tpu.memref_slice %arg4[%add3A_98] : memref<320000xi32, #tpu.memory_space<hbm>> -> memref<16xi32, #tpu.memory_space<hbm>>
      %dma_start3A_122 = tpu.memref_slice %arg4[%add3A_98] : memref<320000xi32, #tpu.memory_space<hbm>> -> memref<16xi32, #tpu.memory_space<hbm>>
      tpu.enqueue_dma source(%dma_start3A_122 : memref<16xi32, #tpu.memory_space<hbm>>) target(%arg16 : memref<16xi32, #tpu.memory_space<vmem>>) target_semaphore(%run_scoped3A : memref<!tpu.dma_semaphore, #tpu.memory_space<semaphore_mem>>)
      %dma_wait3A_123 = tpu.memref_slice %arg4[%add3A_98] : memref<320000xi32, #tpu.memory_space<hbm>> -> memref<16xi32, #tpu.memory_space<hbm>>
      %dma_wait3A_124 = tpu.memref_slice %arg4[%add3A_98] : memref<320000xi32, #tpu.memory_space<hbm>> -> memref<16xi32, #tpu.memory_space<hbm>>
      tpu.wait_dma2 semaphore(%run_scoped3A : memref<!tpu.dma_semaphore, #tpu.memory_space<semaphore_mem>>) src(%dma_wait3A_124 : memref<16xi32, #tpu.memory_space<hbm>>) dst(%arg16 : memref<16xi32, #tpu.memory_space<vmem>>)
      tpu.yield
    }) : () -> ()
    %dma_start3A_99 = arith.constant 0 : i32
    %dma_start3A_100 = arith.constant 0 : i32
    %dma_start3A_101 = tpu.memref_slice %arg17[%dma_start3A_99, %dma_start3A_100] : memref<64x128xf32, #tpu.memory_space<vmem>> -> memref<16x128xf32, #tpu.memory_space<vmem>>
    %dma_start3A_102 = arith.constant 0 : i32
    %dma_start3A_103 = arith.constant 0 : i32
    %dma_start3A_104 = tpu.memref_slice %arg2[%dma_start3A_102, %dma_start3A_103] : memref<10000x128xf32, #tpu.memory_space<hbm>> -> memref<10000x128xf32, #tpu.memory_space<hbm>>
    tpu.enqueue_indirect_dma source(%dma_start3A_104 : memref<10000x128xf32, #tpu.memory_space<hbm>>) target(%dma_start3A_101 : memref<16x128xf32, #tpu.memory_space<vmem>>) offsets(%arg15 : memref<16xi32, #tpu.memory_space<vmem>>) semaphore(%arg23 : memref<!tpu.dma_semaphore, #tpu.memory_space<semaphore_mem>>)
    %dma_wait3A_105 = arith.constant 0 : i32
    %dma_wait3A_106 = arith.constant 0 : i32
    %dma_wait3A_107 = tpu.memref_slice %arg17[%dma_wait3A_105, %dma_wait3A_106] : memref<64x128xf32, #tpu.memory_space<vmem>> -> memref<16x128xf32, #tpu.memory_space<vmem>>
    %dma_wait3A_108 = arith.constant 0 : i32
    %dma_wait3A_109 = arith.constant 0 : i32
    %dma_wait3A_110 = tpu.memref_slice %arg2[%dma_wait3A_108, %dma_wait3A_109] : memref<10000x128xf32, #tpu.memory_space<hbm>> -> memref<10000x128xf32, #tpu.memory_space<hbm>>
    tpu.wait_indirect_dma semaphore(%arg23 : memref<!tpu.dma_semaphore, #tpu.memory_space<semaphore_mem>>) src(%dma_wait3A_110 : memref<10000x128xf32, #tpu.memory_space<hbm>>) dst(%dma_wait3A_107 : memref<16x128xf32, #tpu.memory_space<vmem>>)
    "tpu.region"() ({
      %run_scoped3A = tpu.sem_alloc : memref<!tpu.dma_semaphore, #tpu.memory_space<semaphore_mem>>
      %dma_start3A_121 = arith.constant 0 : i32
      %dma_start3A_122 = arith.constant 0 : i32
      %dma_start3A_123 = tpu.memref_slice %arg17[%dma_start3A_121, %dma_start3A_122] : memref<64x128xf32, #tpu.memory_space<vmem>> -> memref<16x128xf32, #tpu.memory_space<vmem>>
      %dma_start3A_124 = arith.constant 0 : i32
      %dma_start3A_125 = arith.constant 0 : i32
      %dma_start3A_126 = tpu.memref_slice %arg22[%dma_start3A_124, %dma_start3A_125] : memref<10000x128xf32, #tpu.memory_space<vmem_shared>> -> memref<10000x128xf32, #tpu.memory_space<vmem_shared>>
      tpu.enqueue_indirect_dma source(%dma_start3A_123 : memref<16x128xf32, #tpu.memory_space<vmem>>) target(%dma_start3A_126 : memref<10000x128xf32, #tpu.memory_space<vmem_shared>>) offsets(%arg16 : memref<16xi32, #tpu.memory_space<vmem>>) semaphore(%run_scoped3A : memref<!tpu.dma_semaphore, #tpu.memory_space<semaphore_mem>>) {add = true}
      %dma_wait3A_127 = arith.constant 0 : i32
      %dma_wait3A_128 = arith.constant 0 : i32
      %dma_wait3A_129 = tpu.memref_slice %arg17[%dma_wait3A_127, %dma_wait3A_128] : memref<64x128xf32, #tpu.memory_space<vmem>> -> memref<16x128xf32, #tpu.memory_space<vmem>>
      %dma_wait3A_130 = arith.constant 0 : i32
      %dma_wait3A_131 = arith.constant 0 : i32
      %dma_wait3A_132 = tpu.memref_slice %arg22[%dma_wait3A_130, %dma_wait3A_131] : memref<10000x128xf32, #tpu.memory_space<vmem_shared>> -> memref<10000x128xf32, #tpu.memory_space<vmem_shared>>
      tpu.wait_indirect_dma semaphore(%run_scoped3A : memref<!tpu.dma_semaphore, #tpu.memory_space<semaphore_mem>>) src(%dma_wait3A_129 : memref<16x128xf32, #tpu.memory_space<vmem>>) dst(%dma_wait3A_132 : memref<10000x128xf32, #tpu.memory_space<vmem_shared>>)
      tpu.yield
    }) : () -> ()
    %barrier3A_111 = arith.constant 0 : index
    tpu.barrier barrier_id(%barrier3A_111)
    %mul3A_112 = arith.constant 624 : i32
    %mul3A_113 = arith.muli %arg1, %mul3A_112 : i32
    %mul3A_114 = arith.constant 624 : i32
    %mul3A_115 = arith.muli %arg1, %mul3A_114 : i32
    "tpu.region"() ({
      %run_scoped3A = tpu.sem_alloc : memref<!tpu.dma_semaphore, #tpu.memory_space<semaphore_mem>>
      %dma_start3A_121 = arith.constant 0 : i32
      %dma_start3A_122 = tpu.memref_slice %arg5[%arg0, %mul3A_115, %dma_start3A_121] : memref<2x10000x128xf32, #tpu.memory_space<hbm>> -> memref<1x624x128xf32, #tpu.memory_space<hbm>>
      %dma_start3A_123 = tpu.memref_squeeze %dma_start3A_122 : memref<1x624x128xf32, #tpu.memory_space<hbm>> -> memref<624x128xf32, #tpu.memory_space<hbm>>
      %dma_start3A_124 = arith.constant 0 : i32
      %dma_start3A_125 = tpu.memref_slice %arg22[%mul3A_113, %dma_start3A_124] : memref<10000x128xf32, #tpu.memory_space<vmem_shared>> -> memref<624x128xf32, #tpu.memory_space<vmem_shared>>
      tpu.enqueue_dma source(%dma_start3A_125 : memref<624x128xf32, #tpu.memory_space<vmem_shared>>) target(%dma_start3A_123 : memref<624x128xf32, #tpu.memory_space<hbm>>) target_semaphore(%run_scoped3A : memref<!tpu.dma_semaphore, #tpu.memory_space<semaphore_mem>>)
      %dma_wait3A_126 = arith.constant 0 : i32
      %dma_wait3A_127 = tpu.memref_slice %arg5[%arg0, %mul3A_115, %dma_wait3A_126] : memref<2x10000x128xf32, #tpu.memory_space<hbm>> -> memref<1x624x128xf32, #tpu.memory_space<hbm>>
      %dma_wait3A_128 = tpu.memref_squeeze %dma_wait3A_127 : memref<1x624x128xf32, #tpu.memory_space<hbm>> -> memref<624x128xf32, #tpu.memory_space<hbm>>
      %dma_wait3A_129 = arith.constant 0 : i32
      %dma_wait3A_130 = tpu.memref_slice %arg22[%mul3A_113, %dma_wait3A_129] : memref<10000x128xf32, #tpu.memory_space<vmem_shared>> -> memref<624x128xf32, #tpu.memory_space<vmem_shared>>
      tpu.wait_dma2 semaphore(%run_scoped3A : memref<!tpu.dma_semaphore, #tpu.memory_space<semaphore_mem>>) src(%dma_wait3A_130 : memref<624x128xf32, #tpu.memory_space<vmem_shared>>) dst(%dma_wait3A_128 : memref<624x128xf32, #tpu.memory_space<hbm>>)
      tpu.yield
    }) : () -> ()
    %eq3A_116 = arith.constant 0 : i32
    %eq3A_117 = arith.cmpi eq, %arg1, %eq3A_116 : i32
    %convert_element_type3A_118 = arith.extui %eq3A_117 : i1 to i32
    %cond3A_119 = arith.constant 0 : i32
    %cond3A_120 = arith.cmpi ne, %convert_element_type3A_118, %cond3A_119 : i32
    scf.if %cond3A_120 {
      "tpu.region"() ({
        %run_scoped3A = tpu.sem_alloc : memref<!tpu.dma_semaphore, #tpu.memory_space<semaphore_mem>>
        %dma_start3A_121 = arith.constant 9984 : i32
        %dma_start3A_122 = arith.constant 0 : i32
        %dma_start3A_123 = tpu.memref_slice %arg5[%arg0, %dma_start3A_121, %dma_start3A_122] : memref<2x10000x128xf32, #tpu.memory_space<hbm>> -> memref<1x16x128xf32, #tpu.memory_space<hbm>>
        %dma_start3A_124 = tpu.memref_squeeze %dma_start3A_123 : memref<1x16x128xf32, #tpu.memory_space<hbm>> -> memref<16x128xf32, #tpu.memory_space<hbm>>
        %dma_start3A_125 = arith.constant 9984 : i32
        %dma_start3A_126 = arith.constant 0 : i32
        %dma_start3A_127 = tpu.memref_slice %arg22[%dma_start3A_125, %dma_start3A_126] : memref<10000x128xf32, #tpu.memory_space<vmem_shared>> -> memref<16x128xf32, #tpu.memory_space<vmem_shared>>
        tpu.enqueue_dma source(%dma_start3A_127 : memref<16x128xf32, #tpu.memory_space<vmem_shared>>) target(%dma_start3A_124 : memref<16x128xf32, #tpu.memory_space<hbm>>) target_semaphore(%run_scoped3A : memref<!tpu.dma_semaphore, #tpu.memory_space<semaphore_mem>>)
        %dma_wait3A_128 = arith.constant 9984 : i32
        %dma_wait3A_129 = arith.constant 0 : i32
        %dma_wait3A_130 = tpu.memref_slice %arg5[%arg0, %dma_wait3A_128, %dma_wait3A_129] : memref<2x10000x128xf32, #tpu.memory_space<hbm>> -> memref<1x16x128xf32, #tpu.memory_space<hbm>>
        %dma_wait3A_131 = tpu.memref_squeeze %dma_wait3A_130 : memref<1x16x128xf32, #tpu.memory_space<hbm>> -> memref<16x128xf32, #tpu.memory_space<hbm>>
        %dma_wait3A_132 = arith.constant 9984 : i32
        %dma_wait3A_133 = arith.constant 0 : i32
        %dma_wait3A_134 = tpu.memref_slice %arg22[%dma_wait3A_132, %dma_wait3A_133] : memref<10000x128xf32, #tpu.memory_space<vmem_shared>> -> memref<16x128xf32, #tpu.memory_space<vmem_shared>>
        tpu.wait_dma2 semaphore(%run_scoped3A : memref<!tpu.dma_semaphore, #tpu.memory_space<semaphore_mem>>) src(%dma_wait3A_134 : memref<16x128xf32, #tpu.memory_space<vmem_shared>>) dst(%dma_wait3A_131 : memref<16x128xf32, #tpu.memory_space<hbm>>)
        tpu.yield
      }) : () -> ()
    } else {
    }
    return
  }
}

#map = affine_map<(d0, d1) -> (0, 0)>
#map1 = affine_map<(d0, d1) -> (0)>
#map2 = affine_map<(d0, d1) -> (0, 0, 0)>
module attributes {stable_mosaic.version = 14 : i64} {
  func.func @k(%arg0: i32, %arg1: i32, %arg2: memref<10000x128xf32, #tpu.memory_space<hbm>>, %arg3: memref<32x10000xi32, #tpu.memory_space<hbm>>, %arg4: memref<320000xi32, #tpu.memory_space<hbm>>, %arg5: memref<2x10000x128xf32, #tpu.memory_space<hbm>>, %arg6: memref<10000xi32, #tpu.memory_space<vmem>>, %arg7: memref<64xi32, #tpu.memory_space<vmem>>, %arg8: memref<64xi32, #tpu.memory_space<vmem>>, %arg9: memref<64xi32, #tpu.memory_space<vmem>>, %arg10: memref<64xi32, #tpu.memory_space<vmem>>, %arg11: memref<64xi32, #tpu.memory_space<vmem>>, %arg12: memref<64xi32, #tpu.memory_space<vmem>>, %arg13: memref<64xi32, #tpu.memory_space<vmem>>, %arg14: memref<64xi32, #tpu.memory_space<vmem>>, %arg15: memref<16xi32, #tpu.memory_space<vmem>>, %arg16: memref<16xi32, #tpu.memory_space<vmem>>, %arg17: memref<64x128xf32, #tpu.memory_space<vmem>>, %arg18: memref<64x128xf32, #tpu.memory_space<vmem>>, %arg19: memref<64x128xf32, #tpu.memory_space<vmem>>, %arg20: memref<64x128xf32, #tpu.memory_space<vmem>>, %arg21: memref<16x128xf32, #tpu.memory_space<vmem>>, %arg22: memref<10000x128xf32, #tpu.memory_space<vmem_shared>>, %arg23: memref<!tpu.dma_semaphore, #tpu.memory_space<semaphore_mem>>, %arg24: memref<!tpu.dma_semaphore, #tpu.memory_space<semaphore_mem>>, %arg25: memref<!tpu.dma_semaphore, #tpu.memory_space<semaphore_mem>>, %arg26: memref<!tpu.dma_semaphore, #tpu.memory_space<semaphore_mem>>, %arg27: memref<!tpu.dma_semaphore, #tpu.memory_space<semaphore_mem>>, %arg28: memref<!tpu.dma_semaphore, #tpu.memory_space<semaphore_mem>>, %arg29: memref<!tpu.dma_semaphore, #tpu.memory_space<semaphore_mem>>, %arg30: memref<!tpu.dma_semaphore, #tpu.memory_space<semaphore_mem>>, %arg31: memref<!tpu.dma_semaphore, #tpu.memory_space<semaphore_mem>>) attributes {dimension_semantics = [#tpu.dimension_semantics<core_parallel>, #tpu.dimension_semantics<subcore_parallel>], iteration_bounds = array<i64: 2, 16>, scalar_prefetch = 0 : i64, scratch_operands = 26 : i64, tpu.core_type = #tpu.core_type<sc_vector_subcore>, window_params = [{transform_indices = #map}, {transform_indices = #map}, {transform_indices = #map1}, {transform_indices = #map2}]} {
    %mul3A = arith.constant 16 : i32
    %mul3A_0 = arith.muli %arg0, %mul3A : i32
    %add3A = arith.addi %mul3A_0, %arg1 : i32
    %dma_start3A = arith.constant 0 : i32
    %dma_start3A_1 = tpu.memref_slice %arg3[%add3A, %dma_start3A] : memref<32x10000xi32, #tpu.memory_space<hbm>> -> memref<1x10000xi32, #tpu.memory_space<hbm>>
    %dma_start3A_2 = tpu.memref_squeeze %dma_start3A_1 : memref<1x10000xi32, #tpu.memory_space<hbm>> -> memref<10000xi32, #tpu.memory_space<hbm>>
    %dma_start3A_3 = arith.constant 0 : i32
    %dma_start3A_4 = tpu.memref_slice %arg3[%add3A, %dma_start3A_3] : memref<32x10000xi32, #tpu.memory_space<hbm>> -> memref<1x10000xi32, #tpu.memory_space<hbm>>
    %dma_start3A_5 = tpu.memref_squeeze %dma_start3A_4 : memref<1x10000xi32, #tpu.memory_space<hbm>> -> memref<10000xi32, #tpu.memory_space<hbm>>
    tpu.enqueue_dma source(%dma_start3A_5 : memref<10000xi32, #tpu.memory_space<hbm>>) target(%arg6 : memref<10000xi32, #tpu.memory_space<vmem>>) target_semaphore(%arg23 : memref<!tpu.dma_semaphore, #tpu.memory_space<semaphore_mem>>)
    %scan3A = arith.constant 0 : i32
    %scan3A_6 = arith.constant 0 : i32
    %scan3A_7 = arith.constant 16 : i32
    %scan3A_8 = arith.addi %scan3A_6, %scan3A_7 : i32
    %scan3A_9 = arith.constant 1 : i32
    scf.for %scan3A_121 = %scan3A_6 to %scan3A_8 step %scan3A_9  : i32 {
      %scan3A_122 = arith.constant 0 : i32
      %scan3A_123 = arith.constant 8 : i32
      %scan3A_124 = arith.addi %scan3A_122, %scan3A_123 : i32
      %scan3A_125 = arith.constant 1 : i32
      scf.for %scan3A_127 = %scan3A_122 to %scan3A_124 step %scan3A_125  : i32 {
        %broadcast_in_dim3A = arith.constant 0.000000e+00 : f32
        %broadcast_in_dim3A_128 = vector.broadcast %broadcast_in_dim3A : f32 to vector<16xf32>
        %mul3A_129 = arith.constant 16 : i32
        %mul3A_130 = arith.muli %scan3A_127, %mul3A_129 : i32
        %swap3A_131 = arith.index_cast %scan3A_121 : i32 to index
        %swap3A_132 = arith.index_cast %mul3A_130 : i32 to index
        %swap3A_133 = tpu.vector_load %arg21[%swap3A_131, %swap3A_132] {strides = array<i32>} : memref<16x128xf32, #tpu.memory_space<vmem>>, vector<1x16xf32>,
        %swap3A_134 = vector.shape_cast %swap3A_133 : vector<1x16xf32> to vector<16xf32>
        %swap3A_135 = vector.shape_cast %broadcast_in_dim3A_128 : vector<16xf32> to vector<1x16xf32>
        tpu.vector_store %arg21[%swap3A_131, %swap3A_132], %swap3A_135 {strides = array<i32>} : memref<16x128xf32, #tpu.memory_space<vmem>>, vector<1x16xf32>,
      }
      %scan3A_126 = arith.constant 8 : i32
    }
    %scan3A_10 = arith.constant 16 : i32
    %scan3A_11 = arith.constant 0 : i32
    %scan3A_12 = arith.constant 0 : i32
    %scan3A_13 = arith.constant 39 : i32
    %scan3A_14 = arith.addi %scan3A_12, %scan3A_13 : i32
    %scan3A_15 = arith.constant 1 : i32
    scf.for %scan3A_121 = %scan3A_12 to %scan3A_14 step %scan3A_15  : i32 {
      %mul3A_122 = arith.constant 624 : i32
      %mul3A_123 = arith.muli %arg1, %mul3A_122 : i32
      %mul3A_124 = arith.constant 16 : i32
      %mul3A_125 = arith.muli %scan3A_121, %mul3A_124 : i32
      %add3A_126 = arith.addi %mul3A_123, %mul3A_125 : i32
      %dma_start3A_127 = arith.constant 0 : i32
      %dma_start3A_128 = tpu.memref_slice %arg22[%add3A_126, %dma_start3A_127] : memref<10000x128xf32, #tpu.memory_space<vmem_shared>> -> memref<16x128xf32, #tpu.memory_space<vmem_shared>>
      %dma_start3A_129 = arith.constant 0 : i32
      %dma_start3A_130 = tpu.memref_slice %arg22[%add3A_126, %dma_start3A_129] : memref<10000x128xf32, #tpu.memory_space<vmem_shared>> -> memref<16x128xf32, #tpu.memory_space<vmem_shared>>
      tpu.enqueue_dma source(%arg21 : memref<16x128xf32, #tpu.memory_space<vmem>>) target(%dma_start3A_130 : memref<16x128xf32, #tpu.memory_space<vmem_shared>>) target_semaphore(%arg31 : memref<!tpu.dma_semaphore, #tpu.memory_space<semaphore_mem>>)
    }
    %scan3A_16 = arith.constant 39 : i32
    %eq3A = arith.constant 0 : i32
    %eq3A_17 = arith.cmpi eq, %arg1, %eq3A : i32
    %convert_element_type3A = arith.extui %eq3A_17 : i1 to i32
    %cond3A = arith.constant 0 : i32
    %cond3A_18 = arith.cmpi ne, %convert_element_type3A, %cond3A : i32
    scf.if %cond3A_18 {
      "tpu.region"() ({
        %run_scoped3A = tpu.sem_alloc : memref<!tpu.dma_semaphore, #tpu.memory_space<semaphore_mem>>
        %dma_start3A_121 = arith.constant 0 : i32
        %dma_start3A_122 = arith.constant 0 : i32
        %dma_start3A_123 = tpu.memref_slice %arg21[%dma_start3A_121, %dma_start3A_122] : memref<16x128xf32, #tpu.memory_space<vmem>> -> memref<16x128xf32, #tpu.memory_space<vmem>>
        %dma_start3A_124 = arith.constant 9984 : i32
        %dma_start3A_125 = arith.constant 0 : i32
        %dma_start3A_126 = tpu.memref_slice %arg22[%dma_start3A_124, %dma_start3A_125] : memref<10000x128xf32, #tpu.memory_space<vmem_shared>> -> memref<16x128xf32, #tpu.memory_space<vmem_shared>>
        %dma_start3A_127 = arith.constant 9984 : i32
        %dma_start3A_128 = arith.constant 0 : i32
        %dma_start3A_129 = tpu.memref_slice %arg22[%dma_start3A_127, %dma_start3A_128] : memref<10000x128xf32, #tpu.memory_space<vmem_shared>> -> memref<16x128xf32, #tpu.memory_space<vmem_shared>>
        %dma_start3A_130 = arith.constant 0 : i32
        %dma_start3A_131 = arith.constant 0 : i32
        %dma_start3A_132 = tpu.memref_slice %arg21[%dma_start3A_130, %dma_start3A_131] : memref<16x128xf32, #tpu.memory_space<vmem>> -> memref<16x128xf32, #tpu.memory_space<vmem>>
        tpu.enqueue_dma source(%dma_start3A_132 : memref<16x128xf32, #tpu.memory_space<vmem>>) target(%dma_start3A_129 : memref<16x128xf32, #tpu.memory_space<vmem_shared>>) target_semaphore(%run_scoped3A : memref<!tpu.dma_semaphore, #tpu.memory_space<semaphore_mem>>)
        %dma_wait3A_133 = arith.constant 0 : i32
        %dma_wait3A_134 = arith.constant 0 : i32
        %dma_wait3A_135 = tpu.memref_slice %arg21[%dma_wait3A_133, %dma_wait3A_134] : memref<16x128xf32, #tpu.memory_space<vmem>> -> memref<16x128xf32, #tpu.memory_space<vmem>>
        %dma_wait3A_136 = arith.constant 9984 : i32
        %dma_wait3A_137 = arith.constant 0 : i32
        %dma_wait3A_138 = tpu.memref_slice %arg22[%dma_wait3A_136, %dma_wait3A_137] : memref<10000x128xf32, #tpu.memory_space<vmem_shared>> -> memref<16x128xf32, #tpu.memory_space<vmem_shared>>
        %dma_wait3A_139 = arith.constant 9984 : i32
        %dma_wait3A_140 = arith.constant 0 : i32
        %dma_wait3A_141 = tpu.memref_slice %arg22[%dma_wait3A_139, %dma_wait3A_140] : memref<10000x128xf32, #tpu.memory_space<vmem_shared>> -> memref<16x128xf32, #tpu.memory_space<vmem_shared>>
        %dma_wait3A_142 = arith.constant 0 : i32
        %dma_wait3A_143 = arith.constant 0 : i32
        %dma_wait3A_144 = tpu.memref_slice %arg21[%dma_wait3A_142, %dma_wait3A_143] : memref<16x128xf32, #tpu.memory_space<vmem>> -> memref<16x128xf32, #tpu.memory_space<vmem>>
        tpu.wait_dma2 semaphore(%run_scoped3A : memref<!tpu.dma_semaphore, #tpu.memory_space<semaphore_mem>>) src(%dma_wait3A_144 : memref<16x128xf32, #tpu.memory_space<vmem>>) dst(%dma_wait3A_141 : memref<16x128xf32, #tpu.memory_space<vmem_shared>>)
        tpu.yield
      }) : () -> ()
    } else {
    }
    %scan3A_19 = arith.constant 0 : i32
    %scan3A_20 = arith.constant 0 : i32
    %scan3A_21 = arith.constant 39 : i32
    %scan3A_22 = arith.addi %scan3A_20, %scan3A_21 : i32
    %scan3A_23 = arith.constant 1 : i32
    scf.for %scan3A_121 = %scan3A_20 to %scan3A_22 step %scan3A_23  : i32 {
      %dma_wait3A_122 = arith.constant 0 : i32
      %dma_wait3A_123 = arith.constant 0 : i32
      %dma_wait3A_124 = tpu.memref_slice %arg2[%dma_wait3A_122, %dma_wait3A_123] : memref<10000x128xf32, #tpu.memory_space<hbm>> -> memref<16x128xf32, #tpu.memory_space<hbm>>
      %dma_wait3A_125 = arith.constant 0 : i32
      %dma_wait3A_126 = arith.constant 0 : i32
      %dma_wait3A_127 = tpu.memref_slice %arg2[%dma_wait3A_125, %dma_wait3A_126] : memref<10000x128xf32, #tpu.memory_space<hbm>> -> memref<16x128xf32, #tpu.memory_space<hbm>>
      tpu.wait_dma2 semaphore(%arg31 : memref<!tpu.dma_semaphore, #tpu.memory_space<semaphore_mem>>) src(%dma_wait3A_127 : memref<16x128xf32, #tpu.memory_space<hbm>>) dst(%arg21 : memref<16x128xf32, #tpu.memory_space<vmem>>)
    }
    %scan3A_24 = arith.constant 39 : i32
    %dma_wait3A = arith.constant 0 : i32
    %dma_wait3A_25 = tpu.memref_slice %arg3[%add3A, %dma_wait3A] : memref<32x10000xi32, #tpu.memory_space<hbm>> -> memref<1x10000xi32, #tpu.memory_space<hbm>>
    %dma_wait3A_26 = tpu.memref_squeeze %dma_wait3A_25 : memref<1x10000xi32, #tpu.memory_space<hbm>> -> memref<10000xi32, #tpu.memory_space<hbm>>
    %dma_wait3A_27 = arith.constant 0 : i32
    %dma_wait3A_28 = tpu.memref_slice %arg3[%add3A, %dma_wait3A_27] : memref<32x10000xi32, #tpu.memory_space<hbm>> -> memref<1x10000xi32, #tpu.memory_space<hbm>>
    %dma_wait3A_29 = tpu.memref_squeeze %dma_wait3A_28 : memref<1x10000xi32, #tpu.memory_space<hbm>> -> memref<10000xi32, #tpu.memory_space<hbm>>
    tpu.wait_dma2 semaphore(%arg23 : memref<!tpu.dma_semaphore, #tpu.memory_space<semaphore_mem>>) src(%dma_wait3A_29 : memref<10000xi32, #tpu.memory_space<hbm>>) dst(%arg6 : memref<10000xi32, #tpu.memory_space<vmem>>)
    %barrier3A = arith.constant 0 : index
    tpu.barrier barrier_id(%barrier3A)
    %scan3A_30 = arith.constant 0 : i32
    %scan3A_31 = arith.constant 0 : i32
    %scan3A_32 = arith.constant 4 : i32
    %scan3A_33 = arith.addi %scan3A_31, %scan3A_32 : i32
    %scan3A_34 = arith.constant 1 : i32
    scf.for %scan3A_121 = %scan3A_31 to %scan3A_33 step %scan3A_34  : i32 {
      %mul3A_122 = arith.constant 16 : i32
      %mul3A_123 = arith.muli %scan3A_121, %mul3A_122 : i32
      %add3A_124 = arith.constant 0 : i32
      %add3A_125 = arith.addi %add3A_124, %mul3A_123 : i32
      %get3A_126 = arith.index_cast %add3A_125 : i32 to index
      %get3A_127 = tpu.vector_load %arg6[%get3A_126] {strides = array<i32>} : memref<10000xi32, #tpu.memory_space<vmem>>, vector<16xi32>,
      %get3A_128 = vector.shape_cast %get3A_127 : vector<16xi32> to vector<16xi32>
      %mul3A_129 = arith.constant 16 : i32
      %mul3A_130 = arith.muli %scan3A_121, %mul3A_129 : i32
      %swap3A_131 = arith.index_cast %mul3A_130 : i32 to index
      %swap3A_132 = tpu.vector_load %arg7[%swap3A_131] {strides = array<i32>} : memref<64xi32, #tpu.memory_space<vmem>>, vector<16xi32>,
      %swap3A_133 = vector.shape_cast %swap3A_132 : vector<16xi32> to vector<16xi32>
      %swap3A_134 = vector.shape_cast %get3A_128 : vector<16xi32> to vector<16xi32>
      tpu.vector_store %arg7[%swap3A_131], %swap3A_134 {strides = array<i32>} : memref<64xi32, #tpu.memory_space<vmem>>, vector<16xi32>,
    }
    %scan3A_35 = arith.constant 4 : i32
    %dma_start3A_36 = arith.constant 0 : i32
    %dma_start3A_37 = arith.constant 0 : i32
    %dma_start3A_38 = tpu.memref_slice %arg2[%dma_start3A_36, %dma_start3A_37] : memref<10000x128xf32, #tpu.memory_space<hbm>> -> memref<10000x128xf32, #tpu.memory_space<hbm>>
    tpu.enqueue_indirect_dma source(%dma_start3A_38 : memref<10000x128xf32, #tpu.memory_space<hbm>>) target(%arg17 : memref<64x128xf32, #tpu.memory_space<vmem>>) offsets(%arg7 : memref<64xi32, #tpu.memory_space<vmem>>) semaphore(%arg23 : memref<!tpu.dma_semaphore, #tpu.memory_space<semaphore_mem>>)
    %mul3A_39 = arith.constant 10000 : i32
    %mul3A_40 = arith.muli %add3A, %mul3A_39 : i32
    %add3A_41 = arith.constant 0 : i32
    %add3A_42 = arith.addi %mul3A_40, %add3A_41 : i32
    %dma_start3A_43 = tpu.memref_slice %arg4[%add3A_42] : memref<320000xi32, #tpu.memory_space<hbm>> -> memref<64xi32, #tpu.memory_space<hbm>>
    %dma_start3A_44 = tpu.memref_slice %arg4[%add3A_42] : memref<320000xi32, #tpu.memory_space<hbm>> -> memref<64xi32, #tpu.memory_space<hbm>>
    tpu.enqueue_dma source(%dma_start3A_44 : memref<64xi32, #tpu.memory_space<hbm>>) target(%arg11 : memref<64xi32, #tpu.memory_space<vmem>>) target_semaphore(%arg27 : memref<!tpu.dma_semaphore, #tpu.memory_space<semaphore_mem>>)
    %scan3A_45 = arith.constant 0 : i32
    %scan3A_46 = arith.constant 0 : i32
    %scan3A_47 = arith.constant 4 : i32
    %scan3A_48 = arith.addi %scan3A_46, %scan3A_47 : i32
    %scan3A_49 = arith.constant 1 : i32
    scf.for %scan3A_121 = %scan3A_46 to %scan3A_48 step %scan3A_49  : i32 {
      %mul3A_122 = arith.constant 16 : i32
      %mul3A_123 = arith.muli %scan3A_121, %mul3A_122 : i32
      %add3A_124 = arith.constant 64 : i32
      %add3A_125 = arith.addi %add3A_124, %mul3A_123 : i32
      %get3A_126 = arith.index_cast %add3A_125 : i32 to index
      %get3A_127 = tpu.vector_load %arg6[%get3A_126] {strides = array<i32>} : memref<10000xi32, #tpu.memory_space<vmem>>, vector<16xi32>,
      %get3A_128 = vector.shape_cast %get3A_127 : vector<16xi32> to vector<16xi32>
      %mul3A_129 = arith.constant 16 : i32
      %mul3A_130 = arith.muli %scan3A_121, %mul3A_129 : i32
      %swap3A_131 = arith.index_cast %mul3A_130 : i32 to index
      %swap3A_132 = tpu.vector_load %arg8[%swap3A_131] {strides = array<i32>} : memref<64xi32, #tpu.memory_space<vmem>>, vector<16xi32>,
      %swap3A_133 = vector.shape_cast %swap3A_132 : vector<16xi32> to vector<16xi32>
      %swap3A_134 = vector.shape_cast %get3A_128 : vector<16xi32> to vector<16xi32>
      tpu.vector_store %arg8[%swap3A_131], %swap3A_134 {strides = array<i32>} : memref<64xi32, #tpu.memory_space<vmem>>, vector<16xi32>,
    }
    %scan3A_50 = arith.constant 4 : i32
    %dma_start3A_51 = arith.constant 0 : i32
    %dma_start3A_52 = arith.constant 0 : i32
    %dma_start3A_53 = tpu.memref_slice %arg2[%dma_start3A_51, %dma_start3A_52] : memref<10000x128xf32, #tpu.memory_space<hbm>> -> memref<10000x128xf32, #tpu.memory_space<hbm>>
    tpu.enqueue_indirect_dma source(%dma_start3A_53 : memref<10000x128xf32, #tpu.memory_space<hbm>>) target(%arg18 : memref<64x128xf32, #tpu.memory_space<vmem>>) offsets(%arg8 : memref<64xi32, #tpu.memory_space<vmem>>) semaphore(%arg24 : memref<!tpu.dma_semaphore, #tpu.memory_space<semaphore_mem>>)
    %mul3A_54 = arith.constant 10000 : i32
    %mul3A_55 = arith.muli %add3A, %mul3A_54 : i32
    %add3A_56 = arith.constant 64 : i32
    %add3A_57 = arith.addi %mul3A_55, %add3A_56 : i32
    %dma_start3A_58 = tpu.memref_slice %arg4[%add3A_57] : memref<320000xi32, #tpu.memory_space<hbm>> -> memref<64xi32, #tpu.memory_space<hbm>>
    %dma_start3A_59 = tpu.memref_slice %arg4[%add3A_57] : memref<320000xi32, #tpu.memory_space<hbm>> -> memref<64xi32, #tpu.memory_space<hbm>>
    tpu.enqueue_dma source(%dma_start3A_59 : memref<64xi32, #tpu.memory_space<hbm>>) target(%arg12 : memref<64xi32, #tpu.memory_space<vmem>>) target_semaphore(%arg28 : memref<!tpu.dma_semaphore, #tpu.memory_space<semaphore_mem>>)
    %scan3A_60 = arith.constant 0 : i32
    %scan3A_61 = arith.constant 0 : i32
    %scan3A_62 = arith.constant 4 : i32
    %scan3A_63 = arith.addi %scan3A_61, %scan3A_62 : i32
    %scan3A_64 = arith.constant 1 : i32
    scf.for %scan3A_121 = %scan3A_61 to %scan3A_63 step %scan3A_64  : i32 {
      %mul3A_122 = arith.constant 16 : i32
      %mul3A_123 = arith.muli %scan3A_121, %mul3A_122 : i32
      %add3A_124 = arith.constant 128 : i32
      %add3A_125 = arith.addi %add3A_124, %mul3A_123 : i32
      %get3A_126 = arith.index_cast %add3A_125 : i32 to index
      %get3A_127 = tpu.vector_load %arg6[%get3A_126] {strides = array<i32>} : memref<10000xi32, #tpu.memory_space<vmem>>, vector<16xi32>,
      %get3A_128 = vector.shape_cast %get3A_127 : vector<16xi32> to vector<16xi32>
      %mul3A_129 = arith.constant 16 : i32
      %mul3A_130 = arith.muli %scan3A_121, %mul3A_129 : i32
      %swap3A_131 = arith.index_cast %mul3A_130 : i32 to index
      %swap3A_132 = tpu.vector_load %arg9[%swap3A_131] {strides = array<i32>} : memref<64xi32, #tpu.memory_space<vmem>>, vector<16xi32>,
      %swap3A_133 = vector.shape_cast %swap3A_132 : vector<16xi32> to vector<16xi32>
      %swap3A_134 = vector.shape_cast %get3A_128 : vector<16xi32> to vector<16xi32>
      tpu.vector_store %arg9[%swap3A_131], %swap3A_134 {strides = array<i32>} : memref<64xi32, #tpu.memory_space<vmem>>, vector<16xi32>,
    }
    %scan3A_65 = arith.constant 4 : i32
    %dma_start3A_66 = arith.constant 0 : i32
    %dma_start3A_67 = arith.constant 0 : i32
    %dma_start3A_68 = tpu.memref_slice %arg2[%dma_start3A_66, %dma_start3A_67] : memref<10000x128xf32, #tpu.memory_space<hbm>> -> memref<10000x128xf32, #tpu.memory_space<hbm>>
    tpu.enqueue_indirect_dma source(%dma_start3A_68 : memref<10000x128xf32, #tpu.memory_space<hbm>>) target(%arg19 : memref<64x128xf32, #tpu.memory_space<vmem>>) offsets(%arg9 : memref<64xi32, #tpu.memory_space<vmem>>) semaphore(%arg25 : memref<!tpu.dma_semaphore, #tpu.memory_space<semaphore_mem>>)
    %mul3A_69 = arith.constant 10000 : i32
    %mul3A_70 = arith.muli %add3A, %mul3A_69 : i32
    %add3A_71 = arith.constant 128 : i32
    %add3A_72 = arith.addi %mul3A_70, %add3A_71 : i32
    %dma_start3A_73 = tpu.memref_slice %arg4[%add3A_72] : memref<320000xi32, #tpu.memory_space<hbm>> -> memref<64xi32, #tpu.memory_space<hbm>>
    %dma_start3A_74 = tpu.memref_slice %arg4[%add3A_72] : memref<320000xi32, #tpu.memory_space<hbm>> -> memref<64xi32, #tpu.memory_space<hbm>>
    tpu.enqueue_dma source(%dma_start3A_74 : memref<64xi32, #tpu.memory_space<hbm>>) target(%arg13 : memref<64xi32, #tpu.memory_space<vmem>>) target_semaphore(%arg29 : memref<!tpu.dma_semaphore, #tpu.memory_space<semaphore_mem>>)
    %scan3A_75 = arith.constant 0 : i32
    %scan3A_76 = arith.constant 0 : i32
    %scan3A_77 = arith.constant 39 : i32
    %scan3A_78 = arith.addi %scan3A_76, %scan3A_77 : i32
    %scan3A_79 = arith.constant 1 : i32
    scf.for %scan3A_121 = %scan3A_76 to %scan3A_78 step %scan3A_79  : i32 {
      %mul3A_122 = arith.constant 4 : i32
      %mul3A_123 = arith.muli %mul3A_122, %scan3A_121 : i32
      %add3A_124 = arith.constant 4 : i32
      %add3A_125 = arith.addi %mul3A_123, %add3A_124 : i32
      %sub3A = arith.constant 1 : i32
      %sub3A_126 = arith.subi %add3A_125, %sub3A : i32
      %scan3A_127 = arith.constant 0 : i32
      %scan3A_128 = arith.constant 0 : i32
      %scan3A_129 = arith.constant 4 : i32
      %scan3A_130 = arith.addi %scan3A_128, %scan3A_129 : i32
      %scan3A_131 = arith.constant 1 : i32
      scf.for %scan3A_209 = %scan3A_128 to %scan3A_130 step %scan3A_131  : i32 {
        %mul3A_210 = arith.constant 64 : i32
        %mul3A_211 = arith.muli %sub3A_126, %mul3A_210 : i32
        %mul3A_212 = arith.constant 16 : i32
        %mul3A_213 = arith.muli %scan3A_209, %mul3A_212 : i32
        %add3A_214 = arith.addi %mul3A_211, %mul3A_213 : i32
        %get3A_215 = arith.index_cast %add3A_214 : i32 to index
        %get3A_216 = tpu.vector_load %arg6[%get3A_215] {strides = array<i32>} : memref<10000xi32, #tpu.memory_space<vmem>>, vector<16xi32>,
        %get3A_217 = vector.shape_cast %get3A_216 : vector<16xi32> to vector<16xi32>
        %mul3A_218 = arith.constant 16 : i32
        %mul3A_219 = arith.muli %scan3A_209, %mul3A_218 : i32
        %swap3A_220 = arith.index_cast %mul3A_219 : i32 to index
        %swap3A_221 = tpu.vector_load %arg10[%swap3A_220] {strides = array<i32>} : memref<64xi32, #tpu.memory_space<vmem>>, vector<16xi32>,
        %swap3A_222 = vector.shape_cast %swap3A_221 : vector<16xi32> to vector<16xi32>
        %swap3A_223 = vector.shape_cast %get3A_217 : vector<16xi32> to vector<16xi32>
        tpu.vector_store %arg10[%swap3A_220], %swap3A_223 {strides = array<i32>} : memref<64xi32, #tpu.memory_space<vmem>>, vector<16xi32>,
      }
      %scan3A_132 = arith.constant 4 : i32
      %dma_start3A_133 = arith.constant 0 : i32
      %dma_start3A_134 = arith.constant 0 : i32
      %dma_start3A_135 = tpu.memref_slice %arg2[%dma_start3A_133, %dma_start3A_134] : memref<10000x128xf32, #tpu.memory_space<hbm>> -> memref<10000x128xf32, #tpu.memory_space<hbm>>
      tpu.enqueue_indirect_dma source(%dma_start3A_135 : memref<10000x128xf32, #tpu.memory_space<hbm>>) target(%arg20 : memref<64x128xf32, #tpu.memory_space<vmem>>) offsets(%arg10 : memref<64xi32, #tpu.memory_space<vmem>>) semaphore(%arg26 : memref<!tpu.dma_semaphore, #tpu.memory_space<semaphore_mem>>)
      %mul3A_136 = arith.constant 10000 : i32
      %mul3A_137 = arith.muli %add3A, %mul3A_136 : i32
      %mul3A_138 = arith.constant 64 : i32
      %mul3A_139 = arith.muli %sub3A_126, %mul3A_138 : i32
      %add3A_140 = arith.addi %mul3A_137, %mul3A_139 : i32
      %dma_start3A_141 = tpu.memref_slice %arg4[%add3A_140] : memref<320000xi32, #tpu.memory_space<hbm>> -> memref<64xi32, #tpu.memory_space<hbm>>
      %dma_start3A_142 = tpu.memref_slice %arg4[%add3A_140] : memref<320000xi32, #tpu.memory_space<hbm>> -> memref<64xi32, #tpu.memory_space<hbm>>
      tpu.enqueue_dma source(%dma_start3A_142 : memref<64xi32, #tpu.memory_space<hbm>>) target(%arg14 : memref<64xi32, #tpu.memory_space<vmem>>) target_semaphore(%arg30 : memref<!tpu.dma_semaphore, #tpu.memory_space<semaphore_mem>>)
      %dma_wait3A_143 = arith.constant 0 : i32
      %dma_wait3A_144 = arith.constant 0 : i32
      %dma_wait3A_145 = tpu.memref_slice %arg2[%dma_wait3A_143, %dma_wait3A_144] : memref<10000x128xf32, #tpu.memory_space<hbm>> -> memref<64x128xf32, #tpu.memory_space<hbm>>
      %dma_wait3A_146 = arith.constant 0 : i32
      %dma_wait3A_147 = arith.constant 0 : i32
      %dma_wait3A_148 = tpu.memref_slice %arg2[%dma_wait3A_146, %dma_wait3A_147] : memref<10000x128xf32, #tpu.memory_space<hbm>> -> memref<64x128xf32, #tpu.memory_space<hbm>>
      tpu.wait_dma2 semaphore(%arg23 : memref<!tpu.dma_semaphore, #tpu.memory_space<semaphore_mem>>) src(%dma_wait3A_148 : memref<64x128xf32, #tpu.memory_space<hbm>>) dst(%arg17 : memref<64x128xf32, #tpu.memory_space<vmem>>)
      %dma_wait3A_149 = arith.constant 0 : i32
      %dma_wait3A_150 = tpu.memref_slice %arg4[%dma_wait3A_149] : memref<320000xi32, #tpu.memory_space<hbm>> -> memref<64xi32, #tpu.memory_space<hbm>>
      %dma_wait3A_151 = arith.constant 0 : i32
      %dma_wait3A_152 = tpu.memref_slice %arg4[%dma_wait3A_151] : memref<320000xi32, #tpu.memory_space<hbm>> -> memref<64xi32, #tpu.memory_space<hbm>>
      tpu.wait_dma2 semaphore(%arg27 : memref<!tpu.dma_semaphore, #tpu.memory_space<semaphore_mem>>) src(%dma_wait3A_152 : memref<64xi32, #tpu.memory_space<hbm>>) dst(%arg11 : memref<64xi32, #tpu.memory_space<vmem>>)
      "tpu.region"() ({
        %run_scoped3A = tpu.sem_alloc : memref<!tpu.dma_semaphore, #tpu.memory_space<semaphore_mem>>
        %dma_start3A_209 = arith.constant 0 : i32
        %dma_start3A_210 = arith.constant 0 : i32
        %dma_start3A_211 = tpu.memref_slice %arg22[%dma_start3A_209, %dma_start3A_210] : memref<10000x128xf32, #tpu.memory_space<vmem_shared>> -> memref<10000x128xf32, #tpu.memory_space<vmem_shared>>
        tpu.enqueue_indirect_dma source(%arg17 : memref<64x128xf32, #tpu.memory_space<vmem>>) target(%dma_start3A_211 : memref<10000x128xf32, #tpu.memory_space<vmem_shared>>) offsets(%arg11 : memref<64xi32, #tpu.memory_space<vmem>>) semaphore(%run_scoped3A : memref<!tpu.dma_semaphore, #tpu.memory_space<semaphore_mem>>) {add = true}
        %dma_wait3A_212 = arith.constant 0 : i32
        %dma_wait3A_213 = arith.constant 0 : i32
        %dma_wait3A_214 = tpu.memref_slice %arg22[%dma_wait3A_212, %dma_wait3A_213] : memref<10000x128xf32, #tpu.memory_space<vmem_shared>> -> memref<10000x128xf32, #tpu.memory_space<vmem_shared>>
        tpu.wait_indirect_dma semaphore(%run_scoped3A : memref<!tpu.dma_semaphore, #tpu.memory_space<semaphore_mem>>) src(%arg17 : memref<64x128xf32, #tpu.memory_space<vmem>>) dst(%dma_wait3A_214 : memref<10000x128xf32, #tpu.memory_space<vmem_shared>>)
        tpu.yield
      }) : () -> ()
      %add3A_153 = arith.constant 4 : i32
      %add3A_154 = arith.addi %mul3A_123, %add3A_153 : i32
      %add3A_155 = arith.constant 0 : i32
      %add3A_156 = arith.addi %add3A_154, %add3A_155 : i32
      %lt3A = arith.constant 156 : i32
      %lt3A_157 = arith.cmpi slt, %add3A_156, %lt3A : i32
      %convert_element_type3A_158 = arith.extui %lt3A_157 : i1 to i32
      %cond3A_159 = arith.constant 0 : i32
      %cond3A_160 = arith.cmpi ne, %convert_element_type3A_158, %cond3A_159 : i32
      scf.if %cond3A_160 {
        %add3A_209 = arith.constant 4 : i32
        %add3A_210 = arith.addi %mul3A_123, %add3A_209 : i32
        %add3A_211 = arith.constant 0 : i32
        %add3A_212 = arith.addi %add3A_210, %add3A_211 : i32
        %scan3A_213 = arith.constant 0 : i32
        %scan3A_214 = arith.constant 0 : i32
        %scan3A_215 = arith.constant 4 : i32
        %scan3A_216 = arith.addi %scan3A_214, %scan3A_215 : i32
        %scan3A_217 = arith.constant 1 : i32
        scf.for %scan3A_229 = %scan3A_214 to %scan3A_216 step %scan3A_217  : i32 {
          %mul3A_230 = arith.constant 64 : i32
          %mul3A_231 = arith.muli %add3A_212, %mul3A_230 : i32
          %mul3A_232 = arith.constant 16 : i32
          %mul3A_233 = arith.muli %scan3A_229, %mul3A_232 : i32
          %add3A_234 = arith.addi %mul3A_231, %mul3A_233 : i32
          %get3A_235 = arith.index_cast %add3A_234 : i32 to index
          %get3A_236 = tpu.vector_load %arg6[%get3A_235] {strides = array<i32>} : memref<10000xi32, #tpu.memory_space<vmem>>, vector<16xi32>,
          %get3A_237 = vector.shape_cast %get3A_236 : vector<16xi32> to vector<16xi32>
          %mul3A_238 = arith.constant 16 : i32
          %mul3A_239 = arith.muli %scan3A_229, %mul3A_238 : i32
          %swap3A_240 = arith.index_cast %mul3A_239 : i32 to index
          %swap3A_241 = tpu.vector_load %arg7[%swap3A_240] {strides = array<i32>} : memref<64xi32, #tpu.memory_space<vmem>>, vector<16xi32>,
          %swap3A_242 = vector.shape_cast %swap3A_241 : vector<16xi32> to vector<16xi32>
          %swap3A_243 = vector.shape_cast %get3A_237 : vector<16xi32> to vector<16xi32>
          tpu.vector_store %arg7[%swap3A_240], %swap3A_243 {strides = array<i32>} : memref<64xi32, #tpu.memory_space<vmem>>, vector<16xi32>,
        }
        %scan3A_218 = arith.constant 4 : i32
        %dma_start3A_219 = arith.constant 0 : i32
        %dma_start3A_220 = arith.constant 0 : i32
        %dma_start3A_221 = tpu.memref_slice %arg2[%dma_start3A_219, %dma_start3A_220] : memref<10000x128xf32, #tpu.memory_space<hbm>> -> memref<10000x128xf32, #tpu.memory_space<hbm>>
        tpu.enqueue_indirect_dma source(%dma_start3A_221 : memref<10000x128xf32, #tpu.memory_space<hbm>>) target(%arg17 : memref<64x128xf32, #tpu.memory_space<vmem>>) offsets(%arg7 : memref<64xi32, #tpu.memory_space<vmem>>) semaphore(%arg23 : memref<!tpu.dma_semaphore, #tpu.memory_space<semaphore_mem>>)
        %mul3A_222 = arith.constant 10000 : i32
        %mul3A_223 = arith.muli %add3A, %mul3A_222 : i32
        %mul3A_224 = arith.constant 64 : i32
        %mul3A_225 = arith.muli %add3A_212, %mul3A_224 : i32
        %add3A_226 = arith.addi %mul3A_223, %mul3A_225 : i32
        %dma_start3A_227 = tpu.memref_slice %arg4[%add3A_226] : memref<320000xi32, #tpu.memory_space<hbm>> -> memref<64xi32, #tpu.memory_space<hbm>>
        %dma_start3A_228 = tpu.memref_slice %arg4[%add3A_226] : memref<320000xi32, #tpu.memory_space<hbm>> -> memref<64xi32, #tpu.memory_space<hbm>>
        tpu.enqueue_dma source(%dma_start3A_228 : memref<64xi32, #tpu.memory_space<hbm>>) target(%arg11 : memref<64xi32, #tpu.memory_space<vmem>>) target_semaphore(%arg27 : memref<!tpu.dma_semaphore, #tpu.memory_space<semaphore_mem>>)
      } else {
      }
      %dma_wait3A_161 = arith.constant 0 : i32
      %dma_wait3A_162 = arith.constant 0 : i32
      %dma_wait3A_163 = tpu.memref_slice %arg2[%dma_wait3A_161, %dma_wait3A_162] : memref<10000x128xf32, #tpu.memory_space<hbm>> -> memref<64x128xf32, #tpu.memory_space<hbm>>
      %dma_wait3A_164 = arith.constant 0 : i32
      %dma_wait3A_165 = arith.constant 0 : i32
      %dma_wait3A_166 = tpu.memref_slice %arg2[%dma_wait3A_164, %dma_wait3A_165] : memref<10000x128xf32, #tpu.memory_space<hbm>> -> memref<64x128xf32, #tpu.memory_space<hbm>>
      tpu.wait_dma2 semaphore(%arg24 : memref<!tpu.dma_semaphore, #tpu.memory_space<semaphore_mem>>) src(%dma_wait3A_166 : memref<64x128xf32, #tpu.memory_space<hbm>>) dst(%arg18 : memref<64x128xf32, #tpu.memory_space<vmem>>)
      %dma_wait3A_167 = arith.constant 0 : i32
      %dma_wait3A_168 = tpu.memref_slice %arg4[%dma_wait3A_167] : memref<320000xi32, #tpu.memory_space<hbm>> -> memref<64xi32, #tpu.memory_space<hbm>>
      %dma_wait3A_169 = arith.constant 0 : i32
      %dma_wait3A_170 = tpu.memref_slice %arg4[%dma_wait3A_169] : memref<320000xi32, #tpu.memory_space<hbm>> -> memref<64xi32, #tpu.memory_space<hbm>>
      tpu.wait_dma2 semaphore(%arg28 : memref<!tpu.dma_semaphore, #tpu.memory_space<semaphore_mem>>) src(%dma_wait3A_170 : memref<64xi32, #tpu.memory_space<hbm>>) dst(%arg12 : memref<64xi32, #tpu.memory_space<vmem>>)
      "tpu.region"() ({
        %run_scoped3A = tpu.sem_alloc : memref<!tpu.dma_semaphore, #tpu.memory_space<semaphore_mem>>
        %dma_start3A_209 = arith.constant 0 : i32
        %dma_start3A_210 = arith.constant 0 : i32
        %dma_start3A_211 = tpu.memref_slice %arg22[%dma_start3A_209, %dma_start3A_210] : memref<10000x128xf32, #tpu.memory_space<vmem_shared>> -> memref<10000x128xf32, #tpu.memory_space<vmem_shared>>
        tpu.enqueue_indirect_dma source(%arg18 : memref<64x128xf32, #tpu.memory_space<vmem>>) target(%dma_start3A_211 : memref<10000x128xf32, #tpu.memory_space<vmem_shared>>) offsets(%arg12 : memref<64xi32, #tpu.memory_space<vmem>>) semaphore(%run_scoped3A : memref<!tpu.dma_semaphore, #tpu.memory_space<semaphore_mem>>) {add = true}
        %dma_wait3A_212 = arith.constant 0 : i32
        %dma_wait3A_213 = arith.constant 0 : i32
        %dma_wait3A_214 = tpu.memref_slice %arg22[%dma_wait3A_212, %dma_wait3A_213] : memref<10000x128xf32, #tpu.memory_space<vmem_shared>> -> memref<10000x128xf32, #tpu.memory_space<vmem_shared>>
        tpu.wait_indirect_dma semaphore(%run_scoped3A : memref<!tpu.dma_semaphore, #tpu.memory_space<semaphore_mem>>) src(%arg18 : memref<64x128xf32, #tpu.memory_space<vmem>>) dst(%dma_wait3A_214 : memref<10000x128xf32, #tpu.memory_space<vmem_shared>>)
        tpu.yield
      }) : () -> ()
      %add3A_171 = arith.constant 4 : i32
      %add3A_172 = arith.addi %mul3A_123, %add3A_171 : i32
      %add3A_173 = arith.constant 1 : i32
      %add3A_174 = arith.addi %add3A_172, %add3A_173 : i32
      %lt3A_175 = arith.constant 156 : i32
      %lt3A_176 = arith.cmpi slt, %add3A_174, %lt3A_175 : i32
      %convert_element_type3A_177 = arith.extui %lt3A_176 : i1 to i32
      %cond3A_178 = arith.constant 0 : i32
      %cond3A_179 = arith.cmpi ne, %convert_element_type3A_177, %cond3A_178 : i32
      scf.if %cond3A_179 {
        %add3A_209 = arith.constant 4 : i32
        %add3A_210 = arith.addi %mul3A_123, %add3A_209 : i32
        %add3A_211 = arith.constant 1 : i32
        %add3A_212 = arith.addi %add3A_210, %add3A_211 : i32
        %scan3A_213 = arith.constant 0 : i32
        %scan3A_214 = arith.constant 0 : i32
        %scan3A_215 = arith.constant 4 : i32
        %scan3A_216 = arith.addi %scan3A_214, %scan3A_215 : i32
        %scan3A_217 = arith.constant 1 : i32
        scf.for %scan3A_229 = %scan3A_214 to %scan3A_216 step %scan3A_217  : i32 {
          %mul3A_230 = arith.constant 64 : i32
          %mul3A_231 = arith.muli %add3A_212, %mul3A_230 : i32
          %mul3A_232 = arith.constant 16 : i32
          %mul3A_233 = arith.muli %scan3A_229, %mul3A_232 : i32
          %add3A_234 = arith.addi %mul3A_231, %mul3A_233 : i32
          %get3A_235 = arith.index_cast %add3A_234 : i32 to index
          %get3A_236 = tpu.vector_load %arg6[%get3A_235] {strides = array<i32>} : memref<10000xi32, #tpu.memory_space<vmem>>, vector<16xi32>,
          %get3A_237 = vector.shape_cast %get3A_236 : vector<16xi32> to vector<16xi32>
          %mul3A_238 = arith.constant 16 : i32
          %mul3A_239 = arith.muli %scan3A_229, %mul3A_238 : i32
          %swap3A_240 = arith.index_cast %mul3A_239 : i32 to index
          %swap3A_241 = tpu.vector_load %arg8[%swap3A_240] {strides = array<i32>} : memref<64xi32, #tpu.memory_space<vmem>>, vector<16xi32>,
          %swap3A_242 = vector.shape_cast %swap3A_241 : vector<16xi32> to vector<16xi32>
          %swap3A_243 = vector.shape_cast %get3A_237 : vector<16xi32> to vector<16xi32>
          tpu.vector_store %arg8[%swap3A_240], %swap3A_243 {strides = array<i32>} : memref<64xi32, #tpu.memory_space<vmem>>, vector<16xi32>,
        }
        %scan3A_218 = arith.constant 4 : i32
        %dma_start3A_219 = arith.constant 0 : i32
        %dma_start3A_220 = arith.constant 0 : i32
        %dma_start3A_221 = tpu.memref_slice %arg2[%dma_start3A_219, %dma_start3A_220] : memref<10000x128xf32, #tpu.memory_space<hbm>> -> memref<10000x128xf32, #tpu.memory_space<hbm>>
        tpu.enqueue_indirect_dma source(%dma_start3A_221 : memref<10000x128xf32, #tpu.memory_space<hbm>>) target(%arg18 : memref<64x128xf32, #tpu.memory_space<vmem>>) offsets(%arg8 : memref<64xi32, #tpu.memory_space<vmem>>) semaphore(%arg24 : memref<!tpu.dma_semaphore, #tpu.memory_space<semaphore_mem>>)
        %mul3A_222 = arith.constant 10000 : i32
        %mul3A_223 = arith.muli %add3A, %mul3A_222 : i32
        %mul3A_224 = arith.constant 64 : i32
        %mul3A_225 = arith.muli %add3A_212, %mul3A_224 : i32
        %add3A_226 = arith.addi %mul3A_223, %mul3A_225 : i32
        %dma_start3A_227 = tpu.memref_slice %arg4[%add3A_226] : memref<320000xi32, #tpu.memory_space<hbm>> -> memref<64xi32, #tpu.memory_space<hbm>>
        %dma_start3A_228 = tpu.memref_slice %arg4[%add3A_226] : memref<320000xi32, #tpu.memory_space<hbm>> -> memref<64xi32, #tpu.memory_space<hbm>>
        tpu.enqueue_dma source(%dma_start3A_228 : memref<64xi32, #tpu.memory_space<hbm>>) target(%arg12 : memref<64xi32, #tpu.memory_space<vmem>>) target_semaphore(%arg28 : memref<!tpu.dma_semaphore, #tpu.memory_space<semaphore_mem>>)
      } else {
      }
      %dma_wait3A_180 = arith.constant 0 : i32
      %dma_wait3A_181 = arith.constant 0 : i32
      %dma_wait3A_182 = tpu.memref_slice %arg2[%dma_wait3A_180, %dma_wait3A_181] : memref<10000x128xf32, #tpu.memory_space<hbm>> -> memref<64x128xf32, #tpu.memory_space<hbm>>
      %dma_wait3A_183 = arith.constant 0 : i32
      %dma_wait3A_184 = arith.constant 0 : i32
      %dma_wait3A_185 = tpu.memref_slice %arg2[%dma_wait3A_183, %dma_wait3A_184] : memref<10000x128xf32, #tpu.memory_space<hbm>> -> memref<64x128xf32, #tpu.memory_space<hbm>>
      tpu.wait_dma2 semaphore(%arg25 : memref<!tpu.dma_semaphore, #tpu.memory_space<semaphore_mem>>) src(%dma_wait3A_185 : memref<64x128xf32, #tpu.memory_space<hbm>>) dst(%arg19 : memref<64x128xf32, #tpu.memory_space<vmem>>)
      %dma_wait3A_186 = arith.constant 0 : i32
      %dma_wait3A_187 = tpu.memref_slice %arg4[%dma_wait3A_186] : memref<320000xi32, #tpu.memory_space<hbm>> -> memref<64xi32, #tpu.memory_space<hbm>>
      %dma_wait3A_188 = arith.constant 0 : i32
      %dma_wait3A_189 = tpu.memref_slice %arg4[%dma_wait3A_188] : memref<320000xi32, #tpu.memory_space<hbm>> -> memref<64xi32, #tpu.memory_space<hbm>>
      tpu.wait_dma2 semaphore(%arg29 : memref<!tpu.dma_semaphore, #tpu.memory_space<semaphore_mem>>) src(%dma_wait3A_189 : memref<64xi32, #tpu.memory_space<hbm>>) dst(%arg13 : memref<64xi32, #tpu.memory_space<vmem>>)
      "tpu.region"() ({
        %run_scoped3A = tpu.sem_alloc : memref<!tpu.dma_semaphore, #tpu.memory_space<semaphore_mem>>
        %dma_start3A_209 = arith.constant 0 : i32
        %dma_start3A_210 = arith.constant 0 : i32
        %dma_start3A_211 = tpu.memref_slice %arg22[%dma_start3A_209, %dma_start3A_210] : memref<10000x128xf32, #tpu.memory_space<vmem_shared>> -> memref<10000x128xf32, #tpu.memory_space<vmem_shared>>
        tpu.enqueue_indirect_dma source(%arg19 : memref<64x128xf32, #tpu.memory_space<vmem>>) target(%dma_start3A_211 : memref<10000x128xf32, #tpu.memory_space<vmem_shared>>) offsets(%arg13 : memref<64xi32, #tpu.memory_space<vmem>>) semaphore(%run_scoped3A : memref<!tpu.dma_semaphore, #tpu.memory_space<semaphore_mem>>) {add = true}
        %dma_wait3A_212 = arith.constant 0 : i32
        %dma_wait3A_213 = arith.constant 0 : i32
        %dma_wait3A_214 = tpu.memref_slice %arg22[%dma_wait3A_212, %dma_wait3A_213] : memref<10000x128xf32, #tpu.memory_space<vmem_shared>> -> memref<10000x128xf32, #tpu.memory_space<vmem_shared>>
        tpu.wait_indirect_dma semaphore(%run_scoped3A : memref<!tpu.dma_semaphore, #tpu.memory_space<semaphore_mem>>) src(%arg19 : memref<64x128xf32, #tpu.memory_space<vmem>>) dst(%dma_wait3A_214 : memref<10000x128xf32, #tpu.memory_space<vmem_shared>>)
        tpu.yield
      }) : () -> ()
      %add3A_190 = arith.constant 4 : i32
      %add3A_191 = arith.addi %mul3A_123, %add3A_190 : i32
      %add3A_192 = arith.constant 2 : i32
      %add3A_193 = arith.addi %add3A_191, %add3A_192 : i32
      %lt3A_194 = arith.constant 156 : i32
      %lt3A_195 = arith.cmpi slt, %add3A_193, %lt3A_194 : i32
      %convert_element_type3A_196 = arith.extui %lt3A_195 : i1 to i32
      %cond3A_197 = arith.constant 0 : i32
      %cond3A_198 = arith.cmpi ne, %convert_element_type3A_196, %cond3A_197 : i32
      scf.if %cond3A_198 {
        %add3A_209 = arith.constant 4 : i32
        %add3A_210 = arith.addi %mul3A_123, %add3A_209 : i32
        %add3A_211 = arith.constant 2 : i32
        %add3A_212 = arith.addi %add3A_210, %add3A_211 : i32
        %scan3A_213 = arith.constant 0 : i32
        %scan3A_214 = arith.constant 0 : i32
        %scan3A_215 = arith.constant 4 : i32
        %scan3A_216 = arith.addi %scan3A_214, %scan3A_215 : i32
        %scan3A_217 = arith.constant 1 : i32
        scf.for %scan3A_229 = %scan3A_214 to %scan3A_216 step %scan3A_217  : i32 {
          %mul3A_230 = arith.constant 64 : i32
          %mul3A_231 = arith.muli %add3A_212, %mul3A_230 : i32
          %mul3A_232 = arith.constant 16 : i32
          %mul3A_233 = arith.muli %scan3A_229, %mul3A_232 : i32
          %add3A_234 = arith.addi %mul3A_231, %mul3A_233 : i32
          %get3A_235 = arith.index_cast %add3A_234 : i32 to index
          %get3A_236 = tpu.vector_load %arg6[%get3A_235] {strides = array<i32>} : memref<10000xi32, #tpu.memory_space<vmem>>, vector<16xi32>,
          %get3A_237 = vector.shape_cast %get3A_236 : vector<16xi32> to vector<16xi32>
          %mul3A_238 = arith.constant 16 : i32
          %mul3A_239 = arith.muli %scan3A_229, %mul3A_238 : i32
          %swap3A_240 = arith.index_cast %mul3A_239 : i32 to index
          %swap3A_241 = tpu.vector_load %arg9[%swap3A_240] {strides = array<i32>} : memref<64xi32, #tpu.memory_space<vmem>>, vector<16xi32>,
          %swap3A_242 = vector.shape_cast %swap3A_241 : vector<16xi32> to vector<16xi32>
          %swap3A_243 = vector.shape_cast %get3A_237 : vector<16xi32> to vector<16xi32>
          tpu.vector_store %arg9[%swap3A_240], %swap3A_243 {strides = array<i32>} : memref<64xi32, #tpu.memory_space<vmem>>, vector<16xi32>,
        }
        %scan3A_218 = arith.constant 4 : i32
        %dma_start3A_219 = arith.constant 0 : i32
        %dma_start3A_220 = arith.constant 0 : i32
        %dma_start3A_221 = tpu.memref_slice %arg2[%dma_start3A_219, %dma_start3A_220] : memref<10000x128xf32, #tpu.memory_space<hbm>> -> memref<10000x128xf32, #tpu.memory_space<hbm>>
        tpu.enqueue_indirect_dma source(%dma_start3A_221 : memref<10000x128xf32, #tpu.memory_space<hbm>>) target(%arg19 : memref<64x128xf32, #tpu.memory_space<vmem>>) offsets(%arg9 : memref<64xi32, #tpu.memory_space<vmem>>) semaphore(%arg25 : memref<!tpu.dma_semaphore, #tpu.memory_space<semaphore_mem>>)
        %mul3A_222 = arith.constant 10000 : i32
        %mul3A_223 = arith.muli %add3A, %mul3A_222 : i32
        %mul3A_224 = arith.constant 64 : i32
        %mul3A_225 = arith.muli %add3A_212, %mul3A_224 : i32
        %add3A_226 = arith.addi %mul3A_223, %mul3A_225 : i32
        %dma_start3A_227 = tpu.memref_slice %arg4[%add3A_226] : memref<320000xi32, #tpu.memory_space<hbm>> -> memref<64xi32, #tpu.memory_space<hbm>>
        %dma_start3A_228 = tpu.memref_slice %arg4[%add3A_226] : memref<320000xi32, #tpu.memory_space<hbm>> -> memref<64xi32, #tpu.memory_space<hbm>>
        tpu.enqueue_dma source(%dma_start3A_228 : memref<64xi32, #tpu.memory_space<hbm>>) target(%arg13 : memref<64xi32, #tpu.memory_space<vmem>>) target_semaphore(%arg29 : memref<!tpu.dma_semaphore, #tpu.memory_space<semaphore_mem>>)
      } else {
      }
      %dma_wait3A_199 = arith.constant 0 : i32
      %dma_wait3A_200 = arith.constant 0 : i32
      %dma_wait3A_201 = tpu.memref_slice %arg2[%dma_wait3A_199, %dma_wait3A_200] : memref<10000x128xf32, #tpu.memory_space<hbm>> -> memref<64x128xf32, #tpu.memory_space<hbm>>
      %dma_wait3A_202 = arith.constant 0 : i32
      %dma_wait3A_203 = arith.constant 0 : i32
      %dma_wait3A_204 = tpu.memref_slice %arg2[%dma_wait3A_202, %dma_wait3A_203] : memref<10000x128xf32, #tpu.memory_space<hbm>> -> memref<64x128xf32, #tpu.memory_space<hbm>>
      tpu.wait_dma2 semaphore(%arg26 : memref<!tpu.dma_semaphore, #tpu.memory_space<semaphore_mem>>) src(%dma_wait3A_204 : memref<64x128xf32, #tpu.memory_space<hbm>>) dst(%arg20 : memref<64x128xf32, #tpu.memory_space<vmem>>)
      %dma_wait3A_205 = arith.constant 0 : i32
      %dma_wait3A_206 = tpu.memref_slice %arg4[%dma_wait3A_205] : memref<320000xi32, #tpu.memory_space<hbm>> -> memref<64xi32, #tpu.memory_space<hbm>>
      %dma_wait3A_207 = arith.constant 0 : i32
      %dma_wait3A_208 = tpu.memref_slice %arg4[%dma_wait3A_207] : memref<320000xi32, #tpu.memory_space<hbm>> -> memref<64xi32, #tpu.memory_space<hbm>>
      tpu.wait_dma2 semaphore(%arg30 : memref<!tpu.dma_semaphore, #tpu.memory_space<semaphore_mem>>) src(%dma_wait3A_208 : memref<64xi32, #tpu.memory_space<hbm>>) dst(%arg14 : memref<64xi32, #tpu.memory_space<vmem>>)
      "tpu.region"() ({
        %run_scoped3A = tpu.sem_alloc : memref<!tpu.dma_semaphore, #tpu.memory_space<semaphore_mem>>
        %dma_start3A_209 = arith.constant 0 : i32
        %dma_start3A_210 = arith.constant 0 : i32
        %dma_start3A_211 = tpu.memref_slice %arg22[%dma_start3A_209, %dma_start3A_210] : memref<10000x128xf32, #tpu.memory_space<vmem_shared>> -> memref<10000x128xf32, #tpu.memory_space<vmem_shared>>
        tpu.enqueue_indirect_dma source(%arg20 : memref<64x128xf32, #tpu.memory_space<vmem>>) target(%dma_start3A_211 : memref<10000x128xf32, #tpu.memory_space<vmem_shared>>) offsets(%arg14 : memref<64xi32, #tpu.memory_space<vmem>>) semaphore(%run_scoped3A : memref<!tpu.dma_semaphore, #tpu.memory_space<semaphore_mem>>) {add = true}
        %dma_wait3A_212 = arith.constant 0 : i32
        %dma_wait3A_213 = arith.constant 0 : i32
        %dma_wait3A_214 = tpu.memref_slice %arg22[%dma_wait3A_212, %dma_wait3A_213] : memref<10000x128xf32, #tpu.memory_space<vmem_shared>> -> memref<10000x128xf32, #tpu.memory_space<vmem_shared>>
        tpu.wait_indirect_dma semaphore(%run_scoped3A : memref<!tpu.dma_semaphore, #tpu.memory_space<semaphore_mem>>) src(%arg20 : memref<64x128xf32, #tpu.memory_space<vmem>>) dst(%dma_wait3A_214 : memref<10000x128xf32, #tpu.memory_space<vmem_shared>>)
        tpu.yield
      }) : () -> ()
    }
    %scan3A_80 = arith.constant 39 : i32
    %scan3A_81 = arith.constant 0 : i32
    %scan3A_82 = arith.constant 0 : i32
    %mul3A_83 = arith.constant 16 : i32
    %mul3A_84 = arith.muli %scan3A_82, %mul3A_83 : i32
    %add3A_85 = arith.constant 9984 : i32
    %add3A_86 = arith.addi %add3A_85, %mul3A_84 : i32
    %get3A = arith.index_cast %add3A_86 : i32 to index
    %get3A_87 = tpu.vector_load %arg6[%get3A] {strides = array<i32>} : memref<10000xi32, #tpu.memory_space<vmem>>, vector<16xi32>,
    %get3A_88 = vector.shape_cast %get3A_87 : vector<16xi32> to vector<16xi32>
    %mul3A_89 = arith.constant 16 : i32
    %mul3A_90 = arith.muli %scan3A_82, %mul3A_89 : i32
    %swap3A = arith.index_cast %mul3A_90 : i32 to index
    %swap3A_91 = tpu.vector_load %arg15[%swap3A] {strides = array<i32>} : memref<16xi32, #tpu.memory_space<vmem>>, vector<16xi32>,
    %swap3A_92 = vector.shape_cast %swap3A_91 : vector<16xi32> to vector<16xi32>
    %swap3A_93 = vector.shape_cast %get3A_88 : vector<16xi32> to vector<16xi32>
    tpu.vector_store %arg15[%swap3A], %swap3A_93 {strides = array<i32>} : memref<16xi32, #tpu.memory_space<vmem>>, vector<16xi32>,
    %scan3A_94 = arith.constant 1 : i32
    %mul3A_95 = arith.constant 10000 : i32
    %mul3A_96 = arith.muli %add3A, %mul3A_95 : i32
    %add3A_97 = arith.constant 9984 : i32
    %add3A_98 = arith.addi %mul3A_96, %add3A_97 : i32
    "tpu.region"() ({
      %run_scoped3A = tpu.sem_alloc : memref<!tpu.dma_semaphore, #tpu.memory_space<semaphore_mem>>
      %dma_start3A_121 = tpu.memref_slice %arg4[%add3A_98] : memref<320000xi32, #tpu.memory_space<hbm>> -> memref<16xi32, #tpu.memory_space<hbm>>
      %dma_start3A_122 = tpu.memref_slice %arg4[%add3A_98] : memref<320000xi32, #tpu.memory_space<hbm>> -> memref<16xi32, #tpu.memory_space<hbm>>
      tpu.enqueue_dma source(%dma_start3A_122 : memref<16xi32, #tpu.memory_space<hbm>>) target(%arg16 : memref<16xi32, #tpu.memory_space<vmem>>) target_semaphore(%run_scoped3A : memref<!tpu.dma_semaphore, #tpu.memory_space<semaphore_mem>>)
      %dma_wait3A_123 = tpu.memref_slice %arg4[%add3A_98] : memref<320000xi32, #tpu.memory_space<hbm>> -> memref<16xi32, #tpu.memory_space<hbm>>
      %dma_wait3A_124 = tpu.memref_slice %arg4[%add3A_98] : memref<320000xi32, #tpu.memory_space<hbm>> -> memref<16xi32, #tpu.memory_space<hbm>>
      tpu.wait_dma2 semaphore(%run_scoped3A : memref<!tpu.dma_semaphore, #tpu.memory_space<semaphore_mem>>) src(%dma_wait3A_124 : memref<16xi32, #tpu.memory_space<hbm>>) dst(%arg16 : memref<16xi32, #tpu.memory_space<vmem>>)
      tpu.yield
    }) : () -> ()
    %dma_start3A_99 = arith.constant 0 : i32
    %dma_start3A_100 = arith.constant 0 : i32
    %dma_start3A_101 = tpu.memref_slice %arg17[%dma_start3A_99, %dma_start3A_100] : memref<64x128xf32, #tpu.memory_space<vmem>> -> memref<16x128xf32, #tpu.memory_space<vmem>>
    %dma_start3A_102 = arith.constant 0 : i32
    %dma_start3A_103 = arith.constant 0 : i32
    %dma_start3A_104 = tpu.memref_slice %arg2[%dma_start3A_102, %dma_start3A_103] : memref<10000x128xf32, #tpu.memory_space<hbm>> -> memref<10000x128xf32, #tpu.memory_space<hbm>>
    tpu.enqueue_indirect_dma source(%dma_start3A_104 : memref<10000x128xf32, #tpu.memory_space<hbm>>) target(%dma_start3A_101 : memref<16x128xf32, #tpu.memory_space<vmem>>) offsets(%arg15 : memref<16xi32, #tpu.memory_space<vmem>>) semaphore(%arg23 : memref<!tpu.dma_semaphore, #tpu.memory_space<semaphore_mem>>)
    %dma_wait3A_105 = arith.constant 0 : i32
    %dma_wait3A_106 = arith.constant 0 : i32
    %dma_wait3A_107 = tpu.memref_slice %arg17[%dma_wait3A_105, %dma_wait3A_106] : memref<64x128xf32, #tpu.memory_space<vmem>> -> memref<16x128xf32, #tpu.memory_space<vmem>>
    %dma_wait3A_108 = arith.constant 0 : i32
    %dma_wait3A_109 = arith.constant 0 : i32
    %dma_wait3A_110 = tpu.memref_slice %arg2[%dma_wait3A_108, %dma_wait3A_109] : memref<10000x128xf32, #tpu.memory_space<hbm>> -> memref<10000x128xf32, #tpu.memory_space<hbm>>
    tpu.wait_indirect_dma semaphore(%arg23 : memref<!tpu.dma_semaphore, #tpu.memory_space<semaphore_mem>>) src(%dma_wait3A_110 : memref<10000x128xf32, #tpu.memory_space<hbm>>) dst(%dma_wait3A_107 : memref<16x128xf32, #tpu.memory_space<vmem>>)
    "tpu.region"() ({
      %run_scoped3A = tpu.sem_alloc : memref<!tpu.dma_semaphore, #tpu.memory_space<semaphore_mem>>
      %dma_start3A_121 = arith.constant 0 : i32
      %dma_start3A_122 = arith.constant 0 : i32
      %dma_start3A_123 = tpu.memref_slice %arg17[%dma_start3A_121, %dma_start3A_122] : memref<64x128xf32, #tpu.memory_space<vmem>> -> memref<16x128xf32, #tpu.memory_space<vmem>>
      %dma_start3A_124 = arith.constant 0 : i32
      %dma_start3A_125 = arith.constant 0 : i32
      %dma_start3A_126 = tpu.memref_slice %arg22[%dma_start3A_124, %dma_start3A_125] : memref<10000x128xf32, #tpu.memory_space<vmem_shared>> -> memref<10000x128xf32, #tpu.memory_space<vmem_shared>>
      tpu.enqueue_indirect_dma source(%dma_start3A_123 : memref<16x128xf32, #tpu.memory_space<vmem>>) target(%dma_start3A_126 : memref<10000x128xf32, #tpu.memory_space<vmem_shared>>) offsets(%arg16 : memref<16xi32, #tpu.memory_space<vmem>>) semaphore(%run_scoped3A : memref<!tpu.dma_semaphore, #tpu.memory_space<semaphore_mem>>) {add = true}
      %dma_wait3A_127 = arith.constant 0 : i32
      %dma_wait3A_128 = arith.constant 0 : i32
      %dma_wait3A_129 = tpu.memref_slice %arg17[%dma_wait3A_127, %dma_wait3A_128] : memref<64x128xf32, #tpu.memory_space<vmem>> -> memref<16x128xf32, #tpu.memory_space<vmem>>
      %dma_wait3A_130 = arith.constant 0 : i32
      %dma_wait3A_131 = arith.constant 0 : i32
      %dma_wait3A_132 = tpu.memref_slice %arg22[%dma_wait3A_130, %dma_wait3A_131] : memref<10000x128xf32, #tpu.memory_space<vmem_shared>> -> memref<10000x128xf32, #tpu.memory_space<vmem_shared>>
      tpu.wait_indirect_dma semaphore(%run_scoped3A : memref<!tpu.dma_semaphore, #tpu.memory_space<semaphore_mem>>) src(%dma_wait3A_129 : memref<16x128xf32, #tpu.memory_space<vmem>>) dst(%dma_wait3A_132 : memref<10000x128xf32, #tpu.memory_space<vmem_shared>>)
      tpu.yield
    }) : () -> ()
    %barrier3A_111 = arith.constant 0 : index
    tpu.barrier barrier_id(%barrier3A_111)
    %mul3A_112 = arith.constant 624 : i32
    %mul3A_113 = arith.muli %arg1, %mul3A_112 : i32
    %mul3A_114 = arith.constant 624 : i32
    %mul3A_115 = arith.muli %arg1, %mul3A_114 : i32
    "tpu.region"() ({
      %run_scoped3A = tpu.sem_alloc : memref<!tpu.dma_semaphore, #tpu.memory_space<semaphore_mem>>
      %dma_start3A_121 = arith.constant 0 : i32
      %dma_start3A_122 = tpu.memref_slice %arg5[%arg0, %mul3A_115, %dma_start3A_121] : memref<2x10000x128xf32, #tpu.memory_space<hbm>> -> memref<1x624x128xf32, #tpu.memory_space<hbm>>
      %dma_start3A_123 = tpu.memref_squeeze %dma_start3A_122 : memref<1x624x128xf32, #tpu.memory_space<hbm>> -> memref<624x128xf32, #tpu.memory_space<hbm>>
      %dma_start3A_124 = arith.constant 0 : i32
      %dma_start3A_125 = tpu.memref_slice %arg22[%mul3A_113, %dma_start3A_124] : memref<10000x128xf32, #tpu.memory_space<vmem_shared>> -> memref<624x128xf32, #tpu.memory_space<vmem_shared>>
      tpu.enqueue_dma source(%dma_start3A_125 : memref<624x128xf32, #tpu.memory_space<vmem_shared>>) target(%dma_start3A_123 : memref<624x128xf32, #tpu.memory_space<hbm>>) target_semaphore(%run_scoped3A : memref<!tpu.dma_semaphore, #tpu.memory_space<semaphore_mem>>)
      %dma_wait3A_126 = arith.constant 0 : i32
      %dma_wait3A_127 = tpu.memref_slice %arg5[%arg0, %mul3A_115, %dma_wait3A_126] : memref<2x10000x128xf32, #tpu.memory_space<hbm>> -> memref<1x624x128xf32, #tpu.memory_space<hbm>>
      %dma_wait3A_128 = tpu.memref_squeeze %dma_wait3A_127 : memref<1x624x128xf32, #tpu.memory_space<hbm>> -> memref<624x128xf32, #tpu.memory_space<hbm>>
      %dma_wait3A_129 = arith.constant 0 : i32
      %dma_wait3A_130 = tpu.memref_slice %arg22[%mul3A_113, %dma_wait3A_129] : memref<10000x128xf32, #tpu.memory_space<vmem_shared>> -> memref<624x128xf32, #tpu.memory_space<vmem_shared>>
      tpu.wait_dma2 semaphore(%run_scoped3A : memref<!tpu.dma_semaphore, #tpu.memory_space<semaphore_mem>>) src(%dma_wait3A_130 : memref<624x128xf32, #tpu.memory_space<vmem_shared>>) dst(%dma_wait3A_128 : memref<624x128xf32, #tpu.memory_space<hbm>>)
      tpu.yield
    }) : () -> ()
    %eq3A_116 = arith.constant 0 : i32
    %eq3A_117 = arith.cmpi eq, %arg1, %eq3A_116 : i32
    %convert_element_type3A_118 = arith.extui %eq3A_117 : i1 to i32
    %cond3A_119 = arith.constant 0 : i32
    %cond3A_120 = arith.cmpi ne, %convert_element_type3A_118, %cond3A_119 : i32
    scf.if %cond3A_120 {
      "tpu.region"() ({
        %run_scoped3A = tpu.sem_alloc : memref<!tpu.dma_semaphore, #tpu.memory_space<semaphore_mem>>
        %dma_start3A_121 = arith.constant 9984 : i32
        %dma_start3A_122 = arith.constant 0 : i32
        %dma_start3A_123 = tpu.memref_slice %arg5[%arg0, %dma_start3A_121, %dma_start3A_122] : memref<2x10000x128xf32, #tpu.memory_space<hbm>> -> memref<1x16x128xf32, #tpu.memory_space<hbm>>
        %dma_start3A_124 = tpu.memref_squeeze %dma_start3A_123 : memref<1x16x128xf32, #tpu.memory_space<hbm>> -> memref<16x128xf32, #tpu.memory_space<hbm>>
        %dma_start3A_125 = arith.constant 9984 : i32
        %dma_start3A_126 = arith.constant 0 : i32
        %dma_start3A_127 = tpu.memref_slice %arg22[%dma_start3A_125, %dma_start3A_126] : memref<10000x128xf32, #tpu.memory_space<vmem_shared>> -> memref<16x128xf32, #tpu.memory_space<vmem_shared>>
        tpu.enqueue_dma source(%dma_start3A_127 : memref<16x128xf32, #tpu.memory_space<vmem_shared>>) target(%dma_start3A_124 : memref<16x128xf32, #tpu.memory_space<hbm>>) target_semaphore(%run_scoped3A : memref<!tpu.dma_semaphore, #tpu.memory_space<semaphore_mem>>)
        %dma_wait3A_128 = arith.constant 9984 : i32
        %dma_wait3A_129 = arith.constant 0 : i32
        %dma_wait3A_130 = tpu.memref_slice %arg5[%arg0, %dma_wait3A_128, %dma_wait3A_129] : memref<2x10000x128xf32, #tpu.memory_space<hbm>> -> memref<1x16x128xf32, #tpu.memory_space<hbm>>
        %dma_wait3A_131 = tpu.memref_squeeze %dma_wait3A_130 : memref<1x16x128xf32, #tpu.memory_space<hbm>> -> memref<16x128xf32, #tpu.memory_space<hbm>>
        %dma_wait3A_132 = arith.constant 9984 : i32
        %dma_wait3A_133 = arith.constant 0 : i32
        %dma_wait3A_134 = tpu.memref_slice %arg22[%dma_wait3A_132, %dma_wait3A_133] : memref<10000x128xf32, #tpu.memory_space<vmem_shared>> -> memref<16x128xf32, #tpu.memory_space<vmem_shared>>
        tpu.wait_dma2 semaphore(%run_scoped3A : memref<!tpu.dma_semaphore, #tpu.memory_space<semaphore_mem>>) src(%dma_wait3A_134 : memref<16x128xf32, #tpu.memory_space<vmem_shared>>) dst(%dma_wait3A_131 : memref<16x128xf32, #tpu.memory_space<hbm>>)
        tpu.yield
      }) : () -> ()
    } else {
    }
    return
  }
}

#map = affine_map<(d0, d1) -> (0, 0)>
module attributes {stable_mosaic.version = 14 : i64} {
  func.func @k(%arg0: i32, %arg1: i32, %arg2: memref<32x10000xi32, #tpu.memory_space<hbm>>, %arg3: memref<2x10000xf32, #tpu.memory_space<hbm>>, %arg4: memref<10000xi32, #tpu.memory_space<vmem>>, %arg5: memref<128xi32, #tpu.memory_space<vmem>>, %arg6: memref<128xi32, #tpu.memory_space<vmem>>, %arg7: memref<16xi32, #tpu.memory_space<vmem>>, %arg8: memref<128xf32, #tpu.memory_space<vmem>>, %arg9: memref<1008xf32, #tpu.memory_space<vmem>>, %arg10: memref<10000xf32, #tpu.memory_space<vmem_shared>>, %arg11: memref<!tpu.dma_semaphore, #tpu.memory_space<semaphore_mem>>, %arg12: memref<!tpu.dma_semaphore, #tpu.memory_space<semaphore_mem>>) attributes {dimension_semantics = [#tpu.dimension_semantics<core_parallel>, #tpu.dimension_semantics<subcore_parallel>], iteration_bounds = array<i64: 2, 16>, scalar_prefetch = 0 : i64, scratch_operands = 9 : i64, tpu.core_type = #tpu.core_type<sc_vector_subcore>, window_params = [{transform_indices = #map}, {transform_indices = #map}]} {
    %mul3A = arith.constant 16 : i32
    %mul3A_0 = arith.muli %arg0, %mul3A : i32
    %add3A = arith.addi %mul3A_0, %arg1 : i32
    %dma_start3A = arith.constant 0 : i32
    %dma_start3A_1 = tpu.memref_slice %arg2[%add3A, %dma_start3A] : memref<32x10000xi32, #tpu.memory_space<hbm>> -> memref<1x10000xi32, #tpu.memory_space<hbm>>
    %dma_start3A_2 = tpu.memref_squeeze %dma_start3A_1 : memref<1x10000xi32, #tpu.memory_space<hbm>> -> memref<10000xi32, #tpu.memory_space<hbm>>
    %dma_start3A_3 = arith.constant 0 : i32
    %dma_start3A_4 = tpu.memref_slice %arg2[%add3A, %dma_start3A_3] : memref<32x10000xi32, #tpu.memory_space<hbm>> -> memref<1x10000xi32, #tpu.memory_space<hbm>>
    %dma_start3A_5 = tpu.memref_squeeze %dma_start3A_4 : memref<1x10000xi32, #tpu.memory_space<hbm>> -> memref<10000xi32, #tpu.memory_space<hbm>>
    tpu.enqueue_dma source(%dma_start3A_5 : memref<10000xi32, #tpu.memory_space<hbm>>) target(%arg4 : memref<10000xi32, #tpu.memory_space<vmem>>) target_semaphore(%arg11 : memref<!tpu.dma_semaphore, #tpu.memory_space<semaphore_mem>>)
    %scan3A = arith.constant 0 : i32
    %scan3A_6 = arith.constant 0 : i32
    %scan3A_7 = arith.constant 63 : i32
    %scan3A_8 = arith.addi %scan3A_6, %scan3A_7 : i32
    %scan3A_9 = arith.constant 1 : i32
    scf.for %scan3A_48 = %scan3A_6 to %scan3A_8 step %scan3A_9  : i32 {
      %broadcast_in_dim3A = arith.constant 0.000000e+00 : f32
      %broadcast_in_dim3A_49 = vector.broadcast %broadcast_in_dim3A : f32 to vector<16xf32>
      %mul3A_50 = arith.constant 16 : i32
      %mul3A_51 = arith.muli %scan3A_48, %mul3A_50 : i32
      %swap3A_52 = arith.index_cast %mul3A_51 : i32 to index
      %swap3A_53 = tpu.vector_load %arg9[%swap3A_52] {strides = array<i32>} : memref<1008xf32, #tpu.memory_space<vmem>>, vector<16xf32>,
      %swap3A_54 = vector.shape_cast %swap3A_53 : vector<16xf32> to vector<16xf32>
      %swap3A_55 = vector.shape_cast %broadcast_in_dim3A_49 : vector<16xf32> to vector<16xf32>
      tpu.vector_store %arg9[%swap3A_52], %swap3A_55 {strides = array<i32>} : memref<1008xf32, #tpu.memory_space<vmem>>, vector<16xf32>,
    }
    %scan3A_10 = arith.constant 63 : i32
    %scan3A_11 = arith.constant 0 : i32
    %scan3A_12 = arith.constant 0 : i32
    %scan3A_13 = arith.constant 8 : i32
    %scan3A_14 = arith.addi %scan3A_12, %scan3A_13 : i32
    %scan3A_15 = arith.constant 1 : i32
    scf.for %scan3A_48 = %scan3A_12 to %scan3A_14 step %scan3A_15  : i32 {
      %broadcast_in_dim3A = arith.constant 1.000000e+00 : f32
      %broadcast_in_dim3A_49 = vector.broadcast %broadcast_in_dim3A : f32 to vector<16xf32>
      %mul3A_50 = arith.constant 16 : i32
      %mul3A_51 = arith.muli %scan3A_48, %mul3A_50 : i32
      %swap3A_52 = arith.index_cast %mul3A_51 : i32 to index
      %swap3A_53 = tpu.vector_load %arg8[%swap3A_52] {strides = array<i32>} : memref<128xf32, #tpu.memory_space<vmem>>, vector<16xf32>,
      %swap3A_54 = vector.shape_cast %swap3A_53 : vector<16xf32> to vector<16xf32>
      %swap3A_55 = vector.shape_cast %broadcast_in_dim3A_49 : vector<16xf32> to vector<16xf32>
      tpu.vector_store %arg8[%swap3A_52], %swap3A_55 {strides = array<i32>} : memref<128xf32, #tpu.memory_space<vmem>>, vector<16xf32>,
    }
    %scan3A_16 = arith.constant 8 : i32
    %lt3A = arith.constant 10 : i32
    %lt3A_17 = arith.cmpi slt, %arg1, %lt3A : i32
    %convert_element_type3A = arith.extui %lt3A_17 : i1 to i32
    %cond3A = arith.constant 0 : i32
    %cond3A_18 = arith.cmpi ne, %convert_element_type3A, %cond3A : i32
    scf.if %cond3A_18 {
      %mul3A_48 = arith.constant 1000 : i32
      %mul3A_49 = arith.muli %arg1, %mul3A_48 : i32
      "tpu.region"() ({
        %run_scoped3A = tpu.sem_alloc : memref<!tpu.dma_semaphore, #tpu.memory_space<semaphore_mem>>
        %dma_start3A_50 = arith.constant 0 : i32
        %dma_start3A_51 = tpu.memref_slice %arg9[%dma_start3A_50] : memref<1008xf32, #tpu.memory_space<vmem>> -> memref<1000xf32, #tpu.memory_space<vmem>>
        %dma_start3A_52 = tpu.memref_slice %arg10[%mul3A_49] : memref<10000xf32, #tpu.memory_space<vmem_shared>> -> memref<1000xf32, #tpu.memory_space<vmem_shared>>
        %dma_start3A_53 = tpu.memref_slice %arg10[%mul3A_49] : memref<10000xf32, #tpu.memory_space<vmem_shared>> -> memref<1000xf32, #tpu.memory_space<vmem_shared>>
        %dma_start3A_54 = arith.constant 0 : i32
        %dma_start3A_55 = tpu.memref_slice %arg9[%dma_start3A_54] : memref<1008xf32, #tpu.memory_space<vmem>> -> memref<1000xf32, #tpu.memory_space<vmem>>
        tpu.enqueue_dma source(%dma_start3A_55 : memref<1000xf32, #tpu.memory_space<vmem>>) target(%dma_start3A_53 : memref<1000xf32, #tpu.memory_space<vmem_shared>>) target_semaphore(%run_scoped3A : memref<!tpu.dma_semaphore, #tpu.memory_space<semaphore_mem>>)
        %dma_wait3A_56 = arith.constant 0 : i32
        %dma_wait3A_57 = tpu.memref_slice %arg9[%dma_wait3A_56] : memref<1008xf32, #tpu.memory_space<vmem>> -> memref<1000xf32, #tpu.memory_space<vmem>>
        %dma_wait3A_58 = tpu.memref_slice %arg10[%mul3A_49] : memref<10000xf32, #tpu.memory_space<vmem_shared>> -> memref<1000xf32, #tpu.memory_space<vmem_shared>>
        %dma_wait3A_59 = tpu.memref_slice %arg10[%mul3A_49] : memref<10000xf32, #tpu.memory_space<vmem_shared>> -> memref<1000xf32, #tpu.memory_space<vmem_shared>>
        %dma_wait3A_60 = arith.constant 0 : i32
        %dma_wait3A_61 = tpu.memref_slice %arg9[%dma_wait3A_60] : memref<1008xf32, #tpu.memory_space<vmem>> -> memref<1000xf32, #tpu.memory_space<vmem>>
        tpu.wait_dma2 semaphore(%run_scoped3A : memref<!tpu.dma_semaphore, #tpu.memory_space<semaphore_mem>>) src(%dma_wait3A_61 : memref<1000xf32, #tpu.memory_space<vmem>>) dst(%dma_wait3A_59 : memref<1000xf32, #tpu.memory_space<vmem_shared>>)
        tpu.yield
      }) : () -> ()
    } else {
    }
    %dma_wait3A = arith.constant 0 : i32
    %dma_wait3A_19 = tpu.memref_slice %arg2[%add3A, %dma_wait3A] : memref<32x10000xi32, #tpu.memory_space<hbm>> -> memref<1x10000xi32, #tpu.memory_space<hbm>>
    %dma_wait3A_20 = tpu.memref_squeeze %dma_wait3A_19 : memref<1x10000xi32, #tpu.memory_space<hbm>> -> memref<10000xi32, #tpu.memory_space<hbm>>
    %dma_wait3A_21 = arith.constant 0 : i32
    %dma_wait3A_22 = tpu.memref_slice %arg2[%add3A, %dma_wait3A_21] : memref<32x10000xi32, #tpu.memory_space<hbm>> -> memref<1x10000xi32, #tpu.memory_space<hbm>>
    %dma_wait3A_23 = tpu.memref_squeeze %dma_wait3A_22 : memref<1x10000xi32, #tpu.memory_space<hbm>> -> memref<10000xi32, #tpu.memory_space<hbm>>
    tpu.wait_dma2 semaphore(%arg11 : memref<!tpu.dma_semaphore, #tpu.memory_space<semaphore_mem>>) src(%dma_wait3A_23 : memref<10000xi32, #tpu.memory_space<hbm>>) dst(%arg4 : memref<10000xi32, #tpu.memory_space<vmem>>)
    %barrier3A = arith.constant 0 : index
    tpu.barrier barrier_id(%barrier3A)
    %scan3A_24 = arith.constant 0 : i32
    %scan3A_25 = arith.constant 0 : i32
    %scan3A_26 = arith.constant 8 : i32
    %scan3A_27 = arith.addi %scan3A_25, %scan3A_26 : i32
    %scan3A_28 = arith.constant 1 : i32
    scf.for %scan3A_48 = %scan3A_25 to %scan3A_27 step %scan3A_28  : i32 {
      %mul3A_49 = arith.constant 16 : i32
      %mul3A_50 = arith.muli %scan3A_48, %mul3A_49 : i32
      %add3A_51 = arith.constant 0 : i32
      %add3A_52 = arith.addi %add3A_51, %mul3A_50 : i32
      %get3A_53 = arith.index_cast %add3A_52 : i32 to index
      %get3A_54 = tpu.vector_load %arg4[%get3A_53] {strides = array<i32>} : memref<10000xi32, #tpu.memory_space<vmem>>, vector<16xi32>,
      %get3A_55 = vector.shape_cast %get3A_54 : vector<16xi32> to vector<16xi32>
      %mul3A_56 = arith.constant 16 : i32
      %mul3A_57 = arith.muli %scan3A_48, %mul3A_56 : i32
      %swap3A_58 = arith.index_cast %mul3A_57 : i32 to index
      %swap3A_59 = tpu.vector_load %arg5[%swap3A_58] {strides = array<i32>} : memref<128xi32, #tpu.memory_space<vmem>>, vector<16xi32>,
      %swap3A_60 = vector.shape_cast %swap3A_59 : vector<16xi32> to vector<16xi32>
      %swap3A_61 = vector.shape_cast %get3A_55 : vector<16xi32> to vector<16xi32>
      tpu.vector_store %arg5[%swap3A_58], %swap3A_61 {strides = array<i32>} : memref<128xi32, #tpu.memory_space<vmem>>, vector<16xi32>,
    }
    %scan3A_29 = arith.constant 8 : i32
    %dma_start3A_30 = arith.constant 0 : i32
    %dma_start3A_31 = tpu.memref_slice %arg10[%dma_start3A_30] : memref<10000xf32, #tpu.memory_space<vmem_shared>> -> memref<10000xf32, #tpu.memory_space<vmem_shared>>
    tpu.enqueue_indirect_dma source(%arg8 : memref<128xf32, #tpu.memory_space<vmem>>) target(%dma_start3A_31 : memref<10000xf32, #tpu.memory_space<vmem_shared>>) offsets(%arg5 : memref<128xi32, #tpu.memory_space<vmem>>) semaphore(%arg11 : memref<!tpu.dma_semaphore, #tpu.memory_space<semaphore_mem>>) {add = true}
    %scan3A_32 = arith.constant 0 : i32
    %scan3A_33 = arith.constant 0 : i32
    %scan3A_34 = arith.constant 39 : i32
    %scan3A_35 = arith.addi %scan3A_33, %scan3A_34 : i32
    %scan3A_36 = arith.constant 1 : i32
    scf.for %scan3A_48 = %scan3A_33 to %scan3A_35 step %scan3A_36  : i32 {
      %mul3A_49 = arith.constant 2 : i32
      %mul3A_50 = arith.muli %mul3A_49, %scan3A_48 : i32
      %add3A_51 = arith.constant 1 : i32
      %add3A_52 = arith.addi %mul3A_50, %add3A_51 : i32
      %scan3A_53 = arith.constant 0 : i32
      %scan3A_54 = arith.constant 0 : i32
      %scan3A_55 = arith.constant 8 : i32
      %scan3A_56 = arith.addi %scan3A_54, %scan3A_55 : i32
      %scan3A_57 = arith.constant 1 : i32
      scf.for %scan3A_80 = %scan3A_54 to %scan3A_56 step %scan3A_57  : i32 {
        %mul3A_81 = arith.constant 128 : i32
        %mul3A_82 = arith.muli %add3A_52, %mul3A_81 : i32
        %mul3A_83 = arith.constant 16 : i32
        %mul3A_84 = arith.muli %scan3A_80, %mul3A_83 : i32
        %add3A_85 = arith.addi %mul3A_82, %mul3A_84 : i32
        %get3A_86 = arith.index_cast %add3A_85 : i32 to index
        %get3A_87 = tpu.vector_load %arg4[%get3A_86] {strides = array<i32>} : memref<10000xi32, #tpu.memory_space<vmem>>, vector<16xi32>,
        %get3A_88 = vector.shape_cast %get3A_87 : vector<16xi32> to vector<16xi32>
        %mul3A_89 = arith.constant 16 : i32
        %mul3A_90 = arith.muli %scan3A_80, %mul3A_89 : i32
        %swap3A_91 = arith.index_cast %mul3A_90 : i32 to index
        %swap3A_92 = tpu.vector_load %arg6[%swap3A_91] {strides = array<i32>} : memref<128xi32, #tpu.memory_space<vmem>>, vector<16xi32>,
        %swap3A_93 = vector.shape_cast %swap3A_92 : vector<16xi32> to vector<16xi32>
        %swap3A_94 = vector.shape_cast %get3A_88 : vector<16xi32> to vector<16xi32>
        tpu.vector_store %arg6[%swap3A_91], %swap3A_94 {strides = array<i32>} : memref<128xi32, #tpu.memory_space<vmem>>, vector<16xi32>,
      }
      %scan3A_58 = arith.constant 8 : i32
      %dma_start3A_59 = arith.constant 0 : i32
      %dma_start3A_60 = tpu.memref_slice %arg10[%dma_start3A_59] : memref<10000xf32, #tpu.memory_space<vmem_shared>> -> memref<10000xf32, #tpu.memory_space<vmem_shared>>
      tpu.enqueue_indirect_dma source(%arg8 : memref<128xf32, #tpu.memory_space<vmem>>) target(%dma_start3A_60 : memref<10000xf32, #tpu.memory_space<vmem_shared>>) offsets(%arg6 : memref<128xi32, #tpu.memory_space<vmem>>) semaphore(%arg12 : memref<!tpu.dma_semaphore, #tpu.memory_space<semaphore_mem>>) {add = true}
      %dma_wait3A_61 = arith.constant 0 : i32
      %dma_wait3A_62 = tpu.memref_slice %arg2[%add3A, %dma_wait3A_61] : memref<32x10000xi32, #tpu.memory_space<hbm>> -> memref<1x128xi32, #tpu.memory_space<hbm>>
      %dma_wait3A_63 = tpu.memref_squeeze %dma_wait3A_62 : memref<1x128xi32, #tpu.memory_space<hbm>> -> memref<128xi32, #tpu.memory_space<hbm>>
      %dma_wait3A_64 = arith.constant 0 : i32
      %dma_wait3A_65 = tpu.memref_slice %arg2[%add3A, %dma_wait3A_64] : memref<32x10000xi32, #tpu.memory_space<hbm>> -> memref<1x128xi32, #tpu.memory_space<hbm>>
      %dma_wait3A_66 = tpu.memref_squeeze %dma_wait3A_65 : memref<1x128xi32, #tpu.memory_space<hbm>> -> memref<128xi32, #tpu.memory_space<hbm>>
      tpu.wait_dma2 semaphore(%arg11 : memref<!tpu.dma_semaphore, #tpu.memory_space<semaphore_mem>>) src(%dma_wait3A_66 : memref<128xi32, #tpu.memory_space<hbm>>) dst(%arg5 : memref<128xi32, #tpu.memory_space<vmem>>)
      %add3A_67 = arith.constant 2 : i32
      %add3A_68 = arith.addi %mul3A_50, %add3A_67 : i32
      %lt3A_69 = arith.constant 78 : i32
      %lt3A_70 = arith.cmpi slt, %add3A_68, %lt3A_69 : i32
      %convert_element_type3A_71 = arith.extui %lt3A_70 : i1 to i32
      %cond3A_72 = arith.constant 0 : i32
      %cond3A_73 = arith.cmpi ne, %convert_element_type3A_71, %cond3A_72 : i32
      scf.if %cond3A_73 {
        %add3A_80 = arith.constant 2 : i32
        %add3A_81 = arith.addi %mul3A_50, %add3A_80 : i32
        %scan3A_82 = arith.constant 0 : i32
        %scan3A_83 = arith.constant 0 : i32
        %scan3A_84 = arith.constant 8 : i32
        %scan3A_85 = arith.addi %scan3A_83, %scan3A_84 : i32
        %scan3A_86 = arith.constant 1 : i32
        scf.for %scan3A_90 = %scan3A_83 to %scan3A_85 step %scan3A_86  : i32 {
          %mul3A_91 = arith.constant 128 : i32
          %mul3A_92 = arith.muli %add3A_81, %mul3A_91 : i32
          %mul3A_93 = arith.constant 16 : i32
          %mul3A_94 = arith.muli %scan3A_90, %mul3A_93 : i32
          %add3A_95 = arith.addi %mul3A_92, %mul3A_94 : i32
          %get3A_96 = arith.index_cast %add3A_95 : i32 to index
          %get3A_97 = tpu.vector_load %arg4[%get3A_96] {strides = array<i32>} : memref<10000xi32, #tpu.memory_space<vmem>>, vector<16xi32>,
          %get3A_98 = vector.shape_cast %get3A_97 : vector<16xi32> to vector<16xi32>
          %mul3A_99 = arith.constant 16 : i32
          %mul3A_100 = arith.muli %scan3A_90, %mul3A_99 : i32
          %swap3A_101 = arith.index_cast %mul3A_100 : i32 to index
          %swap3A_102 = tpu.vector_load %arg5[%swap3A_101] {strides = array<i32>} : memref<128xi32, #tpu.memory_space<vmem>>, vector<16xi32>,
          %swap3A_103 = vector.shape_cast %swap3A_102 : vector<16xi32> to vector<16xi32>
          %swap3A_104 = vector.shape_cast %get3A_98 : vector<16xi32> to vector<16xi32>
          tpu.vector_store %arg5[%swap3A_101], %swap3A_104 {strides = array<i32>} : memref<128xi32, #tpu.memory_space<vmem>>, vector<16xi32>,
        }
        %scan3A_87 = arith.constant 8 : i32
        %dma_start3A_88 = arith.constant 0 : i32
        %dma_start3A_89 = tpu.memref_slice %arg10[%dma_start3A_88] : memref<10000xf32, #tpu.memory_space<vmem_shared>> -> memref<10000xf32, #tpu.memory_space<vmem_shared>>
        tpu.enqueue_indirect_dma source(%arg8 : memref<128xf32, #tpu.memory_space<vmem>>) target(%dma_start3A_89 : memref<10000xf32, #tpu.memory_space<vmem_shared>>) offsets(%arg5 : memref<128xi32, #tpu.memory_space<vmem>>) semaphore(%arg11 : memref<!tpu.dma_semaphore, #tpu.memory_space<semaphore_mem>>) {add = true}
      } else {
      }
      %dma_wait3A_74 = arith.constant 0 : i32
      %dma_wait3A_75 = tpu.memref_slice %arg2[%add3A, %dma_wait3A_74] : memref<32x10000xi32, #tpu.memory_space<hbm>> -> memref<1x128xi32, #tpu.memory_space<hbm>>
      %dma_wait3A_76 = tpu.memref_squeeze %dma_wait3A_75 : memref<1x128xi32, #tpu.memory_space<hbm>> -> memref<128xi32, #tpu.memory_space<hbm>>
      %dma_wait3A_77 = arith.constant 0 : i32
      %dma_wait3A_78 = tpu.memref_slice %arg2[%add3A, %dma_wait3A_77] : memref<32x10000xi32, #tpu.memory_space<hbm>> -> memref<1x128xi32, #tpu.memory_space<hbm>>
      %dma_wait3A_79 = tpu.memref_squeeze %dma_wait3A_78 : memref<1x128xi32, #tpu.memory_space<hbm>> -> memref<128xi32, #tpu.memory_space<hbm>>
      tpu.wait_dma2 semaphore(%arg12 : memref<!tpu.dma_semaphore, #tpu.memory_space<semaphore_mem>>) src(%dma_wait3A_79 : memref<128xi32, #tpu.memory_space<hbm>>) dst(%arg6 : memref<128xi32, #tpu.memory_space<vmem>>)
    }
    %scan3A_37 = arith.constant 39 : i32
    %get3A = arith.constant 9984 : index
    %get3A_38 = tpu.vector_load %arg4[%get3A] {strides = array<i32>} : memref<10000xi32, #tpu.memory_space<vmem>>, vector<16xi32>,
    %get3A_39 = vector.shape_cast %get3A_38 : vector<16xi32> to vector<16xi32>
    %swap3A = arith.constant 0 : index
    %swap3A_40 = tpu.vector_load %arg7[%swap3A] {strides = array<i32>} : memref<16xi32, #tpu.memory_space<vmem>>, vector<16xi32>,
    %swap3A_41 = vector.shape_cast %swap3A_40 : vector<16xi32> to vector<16xi32>
    %swap3A_42 = vector.shape_cast %get3A_39 : vector<16xi32> to vector<16xi32>
    tpu.vector_store %arg7[%swap3A], %swap3A_42 {strides = array<i32>} : memref<16xi32, #tpu.memory_space<vmem>>, vector<16xi32>,
    "tpu.region"() ({
      %run_scoped3A = tpu.sem_alloc : memref<!tpu.dma_semaphore, #tpu.memory_space<semaphore_mem>>
      %dma_start3A_48 = arith.constant 0 : i32
      %dma_start3A_49 = tpu.memref_slice %arg8[%dma_start3A_48] : memref<128xf32, #tpu.memory_space<vmem>> -> memref<16xf32, #tpu.memory_space<vmem>>
      %dma_start3A_50 = arith.constant 0 : i32
      %dma_start3A_51 = tpu.memref_slice %arg10[%dma_start3A_50] : memref<10000xf32, #tpu.memory_space<vmem_shared>> -> memref<10000xf32, #tpu.memory_space<vmem_shared>>
      tpu.enqueue_indirect_dma source(%dma_start3A_49 : memref<16xf32, #tpu.memory_space<vmem>>) target(%dma_start3A_51 : memref<10000xf32, #tpu.memory_space<vmem_shared>>) offsets(%arg7 : memref<16xi32, #tpu.memory_space<vmem>>) semaphore(%run_scoped3A : memref<!tpu.dma_semaphore, #tpu.memory_space<semaphore_mem>>) {add = true}
      %dma_wait3A_52 = arith.constant 0 : i32
      %dma_wait3A_53 = tpu.memref_slice %arg8[%dma_wait3A_52] : memref<128xf32, #tpu.memory_space<vmem>> -> memref<16xf32, #tpu.memory_space<vmem>>
      %dma_wait3A_54 = arith.constant 0 : i32
      %dma_wait3A_55 = tpu.memref_slice %arg10[%dma_wait3A_54] : memref<10000xf32, #tpu.memory_space<vmem_shared>> -> memref<10000xf32, #tpu.memory_space<vmem_shared>>
      tpu.wait_indirect_dma semaphore(%run_scoped3A : memref<!tpu.dma_semaphore, #tpu.memory_space<semaphore_mem>>) src(%dma_wait3A_53 : memref<16xf32, #tpu.memory_space<vmem>>) dst(%dma_wait3A_55 : memref<10000xf32, #tpu.memory_space<vmem_shared>>)
      tpu.yield
    }) : () -> ()
    %barrier3A_43 = arith.constant 0 : index
    tpu.barrier barrier_id(%barrier3A_43)
    %eq3A = arith.constant 0 : i32
    %eq3A_44 = arith.cmpi eq, %arg1, %eq3A : i32
    %convert_element_type3A_45 = arith.extui %eq3A_44 : i1 to i32
    %cond3A_46 = arith.constant 0 : i32
    %cond3A_47 = arith.cmpi ne, %convert_element_type3A_45, %cond3A_46 : i32
    scf.if %cond3A_47 {
      "tpu.region"() ({
        %run_scoped3A = tpu.sem_alloc : memref<!tpu.dma_semaphore, #tpu.memory_space<semaphore_mem>>
        %dma_start3A_48 = arith.constant 0 : i32
        %dma_start3A_49 = tpu.memref_slice %arg3[%arg0, %dma_start3A_48] : memref<2x10000xf32, #tpu.memory_space<hbm>> -> memref<1x10000xf32, #tpu.memory_space<hbm>>
        %dma_start3A_50 = tpu.memref_squeeze %dma_start3A_49 : memref<1x10000xf32, #tpu.memory_space<hbm>> -> memref<10000xf32, #tpu.memory_space<hbm>>
        tpu.enqueue_dma source(%arg10 : memref<10000xf32, #tpu.memory_space<vmem_shared>>) target(%dma_start3A_50 : memref<10000xf32, #tpu.memory_space<hbm>>) target_semaphore(%run_scoped3A : memref<!tpu.dma_semaphore, #tpu.memory_space<semaphore_mem>>)
        %dma_wait3A_51 = arith.constant 0 : i32
        %dma_wait3A_52 = tpu.memref_slice %arg3[%arg0, %dma_wait3A_51] : memref<2x10000xf32, #tpu.memory_space<hbm>> -> memref<1x10000xf32, #tpu.memory_space<hbm>>
        %dma_wait3A_53 = tpu.memref_squeeze %dma_wait3A_52 : memref<1x10000xf32, #tpu.memory_space<hbm>> -> memref<10000xf32, #tpu.memory_space<hbm>>
        tpu.wait_dma2 semaphore(%run_scoped3A : memref<!tpu.dma_semaphore, #tpu.memory_space<semaphore_mem>>) src(%arg10 : memref<10000xf32, #tpu.memory_space<vmem_shared>>) dst(%dma_wait3A_53 : memref<10000xf32, #tpu.memory_space<hbm>>)
        tpu.yield
      }) : () -> ()
    } else {
    }
    return
  }
}

#map = affine_map<(d0, d1) -> (0, 0)>
#map1 = affine_map<(d0, d1) -> (0)>
#map2 = affine_map<(d0, d1) -> (0, 0, 0)>
module attributes {stable_mosaic.version = 14 : i64} {
  func.func @k(%arg0: i32, %arg1: i32, %arg2: memref<10000x128xf32, #tpu.memory_space<hbm>>, %arg3: memref<32x10000xi32, #tpu.memory_space<hbm>>, %arg4: memref<320000xi32, #tpu.memory_space<hbm>>, %arg5: memref<2x10000x128xf32, #tpu.memory_space<hbm>>, %arg6: memref<10000xi32, #tpu.memory_space<vmem>>, %arg7: memref<64xi32, #tpu.memory_space<vmem>>, %arg8: memref<64xi32, #tpu.memory_space<vmem>>, %arg9: memref<64xi32, #tpu.memory_space<vmem>>, %arg10: memref<64xi32, #tpu.memory_space<vmem>>, %arg11: memref<64xi32, #tpu.memory_space<vmem>>, %arg12: memref<64xi32, #tpu.memory_space<vmem>>, %arg13: memref<64xi32, #tpu.memory_space<vmem>>, %arg14: memref<64xi32, #tpu.memory_space<vmem>>, %arg15: memref<16xi32, #tpu.memory_space<vmem>>, %arg16: memref<16xi32, #tpu.memory_space<vmem>>, %arg17: memref<64x128xf32, #tpu.memory_space<vmem>>, %arg18: memref<64x128xf32, #tpu.memory_space<vmem>>, %arg19: memref<64x128xf32, #tpu.memory_space<vmem>>, %arg20: memref<64x128xf32, #tpu.memory_space<vmem>>, %arg21: memref<16x128xf32, #tpu.memory_space<vmem>>, %arg22: memref<10000x128xf32, #tpu.memory_space<vmem_shared>>, %arg23: memref<!tpu.dma_semaphore, #tpu.memory_space<semaphore_mem>>, %arg24: memref<!tpu.dma_semaphore, #tpu.memory_space<semaphore_mem>>, %arg25: memref<!tpu.dma_semaphore, #tpu.memory_space<semaphore_mem>>, %arg26: memref<!tpu.dma_semaphore, #tpu.memory_space<semaphore_mem>>, %arg27: memref<!tpu.dma_semaphore, #tpu.memory_space<semaphore_mem>>, %arg28: memref<!tpu.dma_semaphore, #tpu.memory_space<semaphore_mem>>, %arg29: memref<!tpu.dma_semaphore, #tpu.memory_space<semaphore_mem>>, %arg30: memref<!tpu.dma_semaphore, #tpu.memory_space<semaphore_mem>>, %arg31: memref<!tpu.dma_semaphore, #tpu.memory_space<semaphore_mem>>) attributes {dimension_semantics = [#tpu.dimension_semantics<core_parallel>, #tpu.dimension_semantics<subcore_parallel>], iteration_bounds = array<i64: 2, 16>, scalar_prefetch = 0 : i64, scratch_operands = 26 : i64, tpu.core_type = #tpu.core_type<sc_vector_subcore>, window_params = [{transform_indices = #map}, {transform_indices = #map}, {transform_indices = #map1}, {transform_indices = #map2}]} {
    %mul3A = arith.constant 16 : i32
    %mul3A_0 = arith.muli %arg0, %mul3A : i32
    %add3A = arith.addi %mul3A_0, %arg1 : i32
    %dma_start3A = arith.constant 0 : i32
    %dma_start3A_1 = tpu.memref_slice %arg3[%add3A, %dma_start3A] : memref<32x10000xi32, #tpu.memory_space<hbm>> -> memref<1x10000xi32, #tpu.memory_space<hbm>>
    %dma_start3A_2 = tpu.memref_squeeze %dma_start3A_1 : memref<1x10000xi32, #tpu.memory_space<hbm>> -> memref<10000xi32, #tpu.memory_space<hbm>>
    %dma_start3A_3 = arith.constant 0 : i32
    %dma_start3A_4 = tpu.memref_slice %arg3[%add3A, %dma_start3A_3] : memref<32x10000xi32, #tpu.memory_space<hbm>> -> memref<1x10000xi32, #tpu.memory_space<hbm>>
    %dma_start3A_5 = tpu.memref_squeeze %dma_start3A_4 : memref<1x10000xi32, #tpu.memory_space<hbm>> -> memref<10000xi32, #tpu.memory_space<hbm>>
    tpu.enqueue_dma source(%dma_start3A_5 : memref<10000xi32, #tpu.memory_space<hbm>>) target(%arg6 : memref<10000xi32, #tpu.memory_space<vmem>>) target_semaphore(%arg23 : memref<!tpu.dma_semaphore, #tpu.memory_space<semaphore_mem>>)
    %scan3A = arith.constant 0 : i32
    %scan3A_6 = arith.constant 0 : i32
    %scan3A_7 = arith.constant 16 : i32
    %scan3A_8 = arith.addi %scan3A_6, %scan3A_7 : i32
    %scan3A_9 = arith.constant 1 : i32
    scf.for %scan3A_121 = %scan3A_6 to %scan3A_8 step %scan3A_9  : i32 {
      %scan3A_122 = arith.constant 0 : i32
      %scan3A_123 = arith.constant 8 : i32
      %scan3A_124 = arith.addi %scan3A_122, %scan3A_123 : i32
      %scan3A_125 = arith.constant 1 : i32
      scf.for %scan3A_127 = %scan3A_122 to %scan3A_124 step %scan3A_125  : i32 {
        %broadcast_in_dim3A = arith.constant 0.000000e+00 : f32
        %broadcast_in_dim3A_128 = vector.broadcast %broadcast_in_dim3A : f32 to vector<16xf32>
        %mul3A_129 = arith.constant 16 : i32
        %mul3A_130 = arith.muli %scan3A_127, %mul3A_129 : i32
        %swap3A_131 = arith.index_cast %scan3A_121 : i32 to index
        %swap3A_132 = arith.index_cast %mul3A_130 : i32 to index
        %swap3A_133 = tpu.vector_load %arg21[%swap3A_131, %swap3A_132] {strides = array<i32>} : memref<16x128xf32, #tpu.memory_space<vmem>>, vector<1x16xf32>,
        %swap3A_134 = vector.shape_cast %swap3A_133 : vector<1x16xf32> to vector<16xf32>
        %swap3A_135 = vector.shape_cast %broadcast_in_dim3A_128 : vector<16xf32> to vector<1x16xf32>
        tpu.vector_store %arg21[%swap3A_131, %swap3A_132], %swap3A_135 {strides = array<i32>} : memref<16x128xf32, #tpu.memory_space<vmem>>, vector<1x16xf32>,
      }
      %scan3A_126 = arith.constant 8 : i32
    }
    %scan3A_10 = arith.constant 16 : i32
    %scan3A_11 = arith.constant 0 : i32
    %scan3A_12 = arith.constant 0 : i32
    %scan3A_13 = arith.constant 39 : i32
    %scan3A_14 = arith.addi %scan3A_12, %scan3A_13 : i32
    %scan3A_15 = arith.constant 1 : i32
    scf.for %scan3A_121 = %scan3A_12 to %scan3A_14 step %scan3A_15  : i32 {
      %mul3A_122 = arith.constant 624 : i32
      %mul3A_123 = arith.muli %arg1, %mul3A_122 : i32
      %mul3A_124 = arith.constant 16 : i32
      %mul3A_125 = arith.muli %scan3A_121, %mul3A_124 : i32
      %add3A_126 = arith.addi %mul3A_123, %mul3A_125 : i32
      %dma_start3A_127 = arith.constant 0 : i32
      %dma_start3A_128 = tpu.memref_slice %arg22[%add3A_126, %dma_start3A_127] : memref<10000x128xf32, #tpu.memory_space<vmem_shared>> -> memref<16x128xf32, #tpu.memory_space<vmem_shared>>
      %dma_start3A_129 = arith.constant 0 : i32
      %dma_start3A_130 = tpu.memref_slice %arg22[%add3A_126, %dma_start3A_129] : memref<10000x128xf32, #tpu.memory_space<vmem_shared>> -> memref<16x128xf32, #tpu.memory_space<vmem_shared>>
      tpu.enqueue_dma source(%arg21 : memref<16x128xf32, #tpu.memory_space<vmem>>) target(%dma_start3A_130 : memref<16x128xf32, #tpu.memory_space<vmem_shared>>) target_semaphore(%arg31 : memref<!tpu.dma_semaphore, #tpu.memory_space<semaphore_mem>>)
    }
    %scan3A_16 = arith.constant 39 : i32
    %eq3A = arith.constant 0 : i32
    %eq3A_17 = arith.cmpi eq, %arg1, %eq3A : i32
    %convert_element_type3A = arith.extui %eq3A_17 : i1 to i32
    %cond3A = arith.constant 0 : i32
    %cond3A_18 = arith.cmpi ne, %convert_element_type3A, %cond3A : i32
    scf.if %cond3A_18 {
      "tpu.region"() ({
        %run_scoped3A = tpu.sem_alloc : memref<!tpu.dma_semaphore, #tpu.memory_space<semaphore_mem>>
        %dma_start3A_121 = arith.constant 0 : i32
        %dma_start3A_122 = arith.constant 0 : i32
        %dma_start3A_123 = tpu.memref_slice %arg21[%dma_start3A_121, %dma_start3A_122] : memref<16x128xf32, #tpu.memory_space<vmem>> -> memref<16x128xf32, #tpu.memory_space<vmem>>
        %dma_start3A_124 = arith.constant 9984 : i32
        %dma_start3A_125 = arith.constant 0 : i32
        %dma_start3A_126 = tpu.memref_slice %arg22[%dma_start3A_124, %dma_start3A_125] : memref<10000x128xf32, #tpu.memory_space<vmem_shared>> -> memref<16x128xf32, #tpu.memory_space<vmem_shared>>
        %dma_start3A_127 = arith.constant 9984 : i32
        %dma_start3A_128 = arith.constant 0 : i32
        %dma_start3A_129 = tpu.memref_slice %arg22[%dma_start3A_127, %dma_start3A_128] : memref<10000x128xf32, #tpu.memory_space<vmem_shared>> -> memref<16x128xf32, #tpu.memory_space<vmem_shared>>
        %dma_start3A_130 = arith.constant 0 : i32
        %dma_start3A_131 = arith.constant 0 : i32
        %dma_start3A_132 = tpu.memref_slice %arg21[%dma_start3A_130, %dma_start3A_131] : memref<16x128xf32, #tpu.memory_space<vmem>> -> memref<16x128xf32, #tpu.memory_space<vmem>>
        tpu.enqueue_dma source(%dma_start3A_132 : memref<16x128xf32, #tpu.memory_space<vmem>>) target(%dma_start3A_129 : memref<16x128xf32, #tpu.memory_space<vmem_shared>>) target_semaphore(%run_scoped3A : memref<!tpu.dma_semaphore, #tpu.memory_space<semaphore_mem>>)
        %dma_wait3A_133 = arith.constant 0 : i32
        %dma_wait3A_134 = arith.constant 0 : i32
        %dma_wait3A_135 = tpu.memref_slice %arg21[%dma_wait3A_133, %dma_wait3A_134] : memref<16x128xf32, #tpu.memory_space<vmem>> -> memref<16x128xf32, #tpu.memory_space<vmem>>
        %dma_wait3A_136 = arith.constant 9984 : i32
        %dma_wait3A_137 = arith.constant 0 : i32
        %dma_wait3A_138 = tpu.memref_slice %arg22[%dma_wait3A_136, %dma_wait3A_137] : memref<10000x128xf32, #tpu.memory_space<vmem_shared>> -> memref<16x128xf32, #tpu.memory_space<vmem_shared>>
        %dma_wait3A_139 = arith.constant 9984 : i32
        %dma_wait3A_140 = arith.constant 0 : i32
        %dma_wait3A_141 = tpu.memref_slice %arg22[%dma_wait3A_139, %dma_wait3A_140] : memref<10000x128xf32, #tpu.memory_space<vmem_shared>> -> memref<16x128xf32, #tpu.memory_space<vmem_shared>>
        %dma_wait3A_142 = arith.constant 0 : i32
        %dma_wait3A_143 = arith.constant 0 : i32
        %dma_wait3A_144 = tpu.memref_slice %arg21[%dma_wait3A_142, %dma_wait3A_143] : memref<16x128xf32, #tpu.memory_space<vmem>> -> memref<16x128xf32, #tpu.memory_space<vmem>>
        tpu.wait_dma2 semaphore(%run_scoped3A : memref<!tpu.dma_semaphore, #tpu.memory_space<semaphore_mem>>) src(%dma_wait3A_144 : memref<16x128xf32, #tpu.memory_space<vmem>>) dst(%dma_wait3A_141 : memref<16x128xf32, #tpu.memory_space<vmem_shared>>)
        tpu.yield
      }) : () -> ()
    } else {
    }
    %scan3A_19 = arith.constant 0 : i32
    %scan3A_20 = arith.constant 0 : i32
    %scan3A_21 = arith.constant 39 : i32
    %scan3A_22 = arith.addi %scan3A_20, %scan3A_21 : i32
    %scan3A_23 = arith.constant 1 : i32
    scf.for %scan3A_121 = %scan3A_20 to %scan3A_22 step %scan3A_23  : i32 {
      %dma_wait3A_122 = arith.constant 0 : i32
      %dma_wait3A_123 = arith.constant 0 : i32
      %dma_wait3A_124 = tpu.memref_slice %arg2[%dma_wait3A_122, %dma_wait3A_123] : memref<10000x128xf32, #tpu.memory_space<hbm>> -> memref<16x128xf32, #tpu.memory_space<hbm>>
      %dma_wait3A_125 = arith.constant 0 : i32
      %dma_wait3A_126 = arith.constant 0 : i32
      %dma_wait3A_127 = tpu.memref_slice %arg2[%dma_wait3A_125, %dma_wait3A_126] : memref<10000x128xf32, #tpu.memory_space<hbm>> -> memref<16x128xf32, #tpu.memory_space<hbm>>
      tpu.wait_dma2 semaphore(%arg31 : memref<!tpu.dma_semaphore, #tpu.memory_space<semaphore_mem>>) src(%dma_wait3A_127 : memref<16x128xf32, #tpu.memory_space<hbm>>) dst(%arg21 : memref<16x128xf32, #tpu.memory_space<vmem>>)
    }
    %scan3A_24 = arith.constant 39 : i32
    %dma_wait3A = arith.constant 0 : i32
    %dma_wait3A_25 = tpu.memref_slice %arg3[%add3A, %dma_wait3A] : memref<32x10000xi32, #tpu.memory_space<hbm>> -> memref<1x10000xi32, #tpu.memory_space<hbm>>
    %dma_wait3A_26 = tpu.memref_squeeze %dma_wait3A_25 : memref<1x10000xi32, #tpu.memory_space<hbm>> -> memref<10000xi32, #tpu.memory_space<hbm>>
    %dma_wait3A_27 = arith.constant 0 : i32
    %dma_wait3A_28 = tpu.memref_slice %arg3[%add3A, %dma_wait3A_27] : memref<32x10000xi32, #tpu.memory_space<hbm>> -> memref<1x10000xi32, #tpu.memory_space<hbm>>
    %dma_wait3A_29 = tpu.memref_squeeze %dma_wait3A_28 : memref<1x10000xi32, #tpu.memory_space<hbm>> -> memref<10000xi32, #tpu.memory_space<hbm>>
    tpu.wait_dma2 semaphore(%arg23 : memref<!tpu.dma_semaphore, #tpu.memory_space<semaphore_mem>>) src(%dma_wait3A_29 : memref<10000xi32, #tpu.memory_space<hbm>>) dst(%arg6 : memref<10000xi32, #tpu.memory_space<vmem>>)
    %barrier3A = arith.constant 0 : index
    tpu.barrier barrier_id(%barrier3A)
    %scan3A_30 = arith.constant 0 : i32
    %scan3A_31 = arith.constant 0 : i32
    %scan3A_32 = arith.constant 4 : i32
    %scan3A_33 = arith.addi %scan3A_31, %scan3A_32 : i32
    %scan3A_34 = arith.constant 1 : i32
    scf.for %scan3A_121 = %scan3A_31 to %scan3A_33 step %scan3A_34  : i32 {
      %mul3A_122 = arith.constant 16 : i32
      %mul3A_123 = arith.muli %scan3A_121, %mul3A_122 : i32
      %add3A_124 = arith.constant 0 : i32
      %add3A_125 = arith.addi %add3A_124, %mul3A_123 : i32
      %get3A_126 = arith.index_cast %add3A_125 : i32 to index
      %get3A_127 = tpu.vector_load %arg6[%get3A_126] {strides = array<i32>} : memref<10000xi32, #tpu.memory_space<vmem>>, vector<16xi32>,
      %get3A_128 = vector.shape_cast %get3A_127 : vector<16xi32> to vector<16xi32>
      %mul3A_129 = arith.constant 16 : i32
      %mul3A_130 = arith.muli %scan3A_121, %mul3A_129 : i32
      %swap3A_131 = arith.index_cast %mul3A_130 : i32 to index
      %swap3A_132 = tpu.vector_load %arg7[%swap3A_131] {strides = array<i32>} : memref<64xi32, #tpu.memory_space<vmem>>, vector<16xi32>,
      %swap3A_133 = vector.shape_cast %swap3A_132 : vector<16xi32> to vector<16xi32>
      %swap3A_134 = vector.shape_cast %get3A_128 : vector<16xi32> to vector<16xi32>
      tpu.vector_store %arg7[%swap3A_131], %swap3A_134 {strides = array<i32>} : memref<64xi32, #tpu.memory_space<vmem>>, vector<16xi32>,
    }
    %scan3A_35 = arith.constant 4 : i32
    %dma_start3A_36 = arith.constant 0 : i32
    %dma_start3A_37 = arith.constant 0 : i32
    %dma_start3A_38 = tpu.memref_slice %arg2[%dma_start3A_36, %dma_start3A_37] : memref<10000x128xf32, #tpu.memory_space<hbm>> -> memref<10000x128xf32, #tpu.memory_space<hbm>>
    tpu.enqueue_indirect_dma source(%dma_start3A_38 : memref<10000x128xf32, #tpu.memory_space<hbm>>) target(%arg17 : memref<64x128xf32, #tpu.memory_space<vmem>>) offsets(%arg7 : memref<64xi32, #tpu.memory_space<vmem>>) semaphore(%arg23 : memref<!tpu.dma_semaphore, #tpu.memory_space<semaphore_mem>>)
    %mul3A_39 = arith.constant 10000 : i32
    %mul3A_40 = arith.muli %add3A, %mul3A_39 : i32
    %add3A_41 = arith.constant 0 : i32
    %add3A_42 = arith.addi %mul3A_40, %add3A_41 : i32
    %dma_start3A_43 = tpu.memref_slice %arg4[%add3A_42] : memref<320000xi32, #tpu.memory_space<hbm>> -> memref<64xi32, #tpu.memory_space<hbm>>
    %dma_start3A_44 = tpu.memref_slice %arg4[%add3A_42] : memref<320000xi32, #tpu.memory_space<hbm>> -> memref<64xi32, #tpu.memory_space<hbm>>
    tpu.enqueue_dma source(%dma_start3A_44 : memref<64xi32, #tpu.memory_space<hbm>>) target(%arg11 : memref<64xi32, #tpu.memory_space<vmem>>) target_semaphore(%arg27 : memref<!tpu.dma_semaphore, #tpu.memory_space<semaphore_mem>>)
    %scan3A_45 = arith.constant 0 : i32
    %scan3A_46 = arith.constant 0 : i32
    %scan3A_47 = arith.constant 4 : i32
    %scan3A_48 = arith.addi %scan3A_46, %scan3A_47 : i32
    %scan3A_49 = arith.constant 1 : i32
    scf.for %scan3A_121 = %scan3A_46 to %scan3A_48 step %scan3A_49  : i32 {
      %mul3A_122 = arith.constant 16 : i32
      %mul3A_123 = arith.muli %scan3A_121, %mul3A_122 : i32
      %add3A_124 = arith.constant 64 : i32
      %add3A_125 = arith.addi %add3A_124, %mul3A_123 : i32
      %get3A_126 = arith.index_cast %add3A_125 : i32 to index
      %get3A_127 = tpu.vector_load %arg6[%get3A_126] {strides = array<i32>} : memref<10000xi32, #tpu.memory_space<vmem>>, vector<16xi32>,
      %get3A_128 = vector.shape_cast %get3A_127 : vector<16xi32> to vector<16xi32>
      %mul3A_129 = arith.constant 16 : i32
      %mul3A_130 = arith.muli %scan3A_121, %mul3A_129 : i32
      %swap3A_131 = arith.index_cast %mul3A_130 : i32 to index
      %swap3A_132 = tpu.vector_load %arg8[%swap3A_131] {strides = array<i32>} : memref<64xi32, #tpu.memory_space<vmem>>, vector<16xi32>,
      %swap3A_133 = vector.shape_cast %swap3A_132 : vector<16xi32> to vector<16xi32>
      %swap3A_134 = vector.shape_cast %get3A_128 : vector<16xi32> to vector<16xi32>
      tpu.vector_store %arg8[%swap3A_131], %swap3A_134 {strides = array<i32>} : memref<64xi32, #tpu.memory_space<vmem>>, vector<16xi32>,
    }
    %scan3A_50 = arith.constant 4 : i32
    %dma_start3A_51 = arith.constant 0 : i32
    %dma_start3A_52 = arith.constant 0 : i32
    %dma_start3A_53 = tpu.memref_slice %arg2[%dma_start3A_51, %dma_start3A_52] : memref<10000x128xf32, #tpu.memory_space<hbm>> -> memref<10000x128xf32, #tpu.memory_space<hbm>>
    tpu.enqueue_indirect_dma source(%dma_start3A_53 : memref<10000x128xf32, #tpu.memory_space<hbm>>) target(%arg18 : memref<64x128xf32, #tpu.memory_space<vmem>>) offsets(%arg8 : memref<64xi32, #tpu.memory_space<vmem>>) semaphore(%arg24 : memref<!tpu.dma_semaphore, #tpu.memory_space<semaphore_mem>>)
    %mul3A_54 = arith.constant 10000 : i32
    %mul3A_55 = arith.muli %add3A, %mul3A_54 : i32
    %add3A_56 = arith.constant 64 : i32
    %add3A_57 = arith.addi %mul3A_55, %add3A_56 : i32
    %dma_start3A_58 = tpu.memref_slice %arg4[%add3A_57] : memref<320000xi32, #tpu.memory_space<hbm>> -> memref<64xi32, #tpu.memory_space<hbm>>
    %dma_start3A_59 = tpu.memref_slice %arg4[%add3A_57] : memref<320000xi32, #tpu.memory_space<hbm>> -> memref<64xi32, #tpu.memory_space<hbm>>
    tpu.enqueue_dma source(%dma_start3A_59 : memref<64xi32, #tpu.memory_space<hbm>>) target(%arg12 : memref<64xi32, #tpu.memory_space<vmem>>) target_semaphore(%arg28 : memref<!tpu.dma_semaphore, #tpu.memory_space<semaphore_mem>>)
    %scan3A_60 = arith.constant 0 : i32
    %scan3A_61 = arith.constant 0 : i32
    %scan3A_62 = arith.constant 4 : i32
    %scan3A_63 = arith.addi %scan3A_61, %scan3A_62 : i32
    %scan3A_64 = arith.constant 1 : i32
    scf.for %scan3A_121 = %scan3A_61 to %scan3A_63 step %scan3A_64  : i32 {
      %mul3A_122 = arith.constant 16 : i32
      %mul3A_123 = arith.muli %scan3A_121, %mul3A_122 : i32
      %add3A_124 = arith.constant 128 : i32
      %add3A_125 = arith.addi %add3A_124, %mul3A_123 : i32
      %get3A_126 = arith.index_cast %add3A_125 : i32 to index
      %get3A_127 = tpu.vector_load %arg6[%get3A_126] {strides = array<i32>} : memref<10000xi32, #tpu.memory_space<vmem>>, vector<16xi32>,
      %get3A_128 = vector.shape_cast %get3A_127 : vector<16xi32> to vector<16xi32>
      %mul3A_129 = arith.constant 16 : i32
      %mul3A_130 = arith.muli %scan3A_121, %mul3A_129 : i32
      %swap3A_131 = arith.index_cast %mul3A_130 : i32 to index
      %swap3A_132 = tpu.vector_load %arg9[%swap3A_131] {strides = array<i32>} : memref<64xi32, #tpu.memory_space<vmem>>, vector<16xi32>,
      %swap3A_133 = vector.shape_cast %swap3A_132 : vector<16xi32> to vector<16xi32>
      %swap3A_134 = vector.shape_cast %get3A_128 : vector<16xi32> to vector<16xi32>
      tpu.vector_store %arg9[%swap3A_131], %swap3A_134 {strides = array<i32>} : memref<64xi32, #tpu.memory_space<vmem>>, vector<16xi32>,
    }
    %scan3A_65 = arith.constant 4 : i32
    %dma_start3A_66 = arith.constant 0 : i32
    %dma_start3A_67 = arith.constant 0 : i32
    %dma_start3A_68 = tpu.memref_slice %arg2[%dma_start3A_66, %dma_start3A_67] : memref<10000x128xf32, #tpu.memory_space<hbm>> -> memref<10000x128xf32, #tpu.memory_space<hbm>>
    tpu.enqueue_indirect_dma source(%dma_start3A_68 : memref<10000x128xf32, #tpu.memory_space<hbm>>) target(%arg19 : memref<64x128xf32, #tpu.memory_space<vmem>>) offsets(%arg9 : memref<64xi32, #tpu.memory_space<vmem>>) semaphore(%arg25 : memref<!tpu.dma_semaphore, #tpu.memory_space<semaphore_mem>>)
    %mul3A_69 = arith.constant 10000 : i32
    %mul3A_70 = arith.muli %add3A, %mul3A_69 : i32
    %add3A_71 = arith.constant 128 : i32
    %add3A_72 = arith.addi %mul3A_70, %add3A_71 : i32
    %dma_start3A_73 = tpu.memref_slice %arg4[%add3A_72] : memref<320000xi32, #tpu.memory_space<hbm>> -> memref<64xi32, #tpu.memory_space<hbm>>
    %dma_start3A_74 = tpu.memref_slice %arg4[%add3A_72] : memref<320000xi32, #tpu.memory_space<hbm>> -> memref<64xi32, #tpu.memory_space<hbm>>
    tpu.enqueue_dma source(%dma_start3A_74 : memref<64xi32, #tpu.memory_space<hbm>>) target(%arg13 : memref<64xi32, #tpu.memory_space<vmem>>) target_semaphore(%arg29 : memref<!tpu.dma_semaphore, #tpu.memory_space<semaphore_mem>>)
    %scan3A_75 = arith.constant 0 : i32
    %scan3A_76 = arith.constant 0 : i32
    %scan3A_77 = arith.constant 39 : i32
    %scan3A_78 = arith.addi %scan3A_76, %scan3A_77 : i32
    %scan3A_79 = arith.constant 1 : i32
    scf.for %scan3A_121 = %scan3A_76 to %scan3A_78 step %scan3A_79  : i32 {
      %mul3A_122 = arith.constant 4 : i32
      %mul3A_123 = arith.muli %mul3A_122, %scan3A_121 : i32
      %add3A_124 = arith.constant 4 : i32
      %add3A_125 = arith.addi %mul3A_123, %add3A_124 : i32
      %sub3A = arith.constant 1 : i32
      %sub3A_126 = arith.subi %add3A_125, %sub3A : i32
      %scan3A_127 = arith.constant 0 : i32
      %scan3A_128 = arith.constant 0 : i32
      %scan3A_129 = arith.constant 4 : i32
      %scan3A_130 = arith.addi %scan3A_128, %scan3A_129 : i32
      %scan3A_131 = arith.constant 1 : i32
      scf.for %scan3A_209 = %scan3A_128 to %scan3A_130 step %scan3A_131  : i32 {
        %mul3A_210 = arith.constant 64 : i32
        %mul3A_211 = arith.muli %sub3A_126, %mul3A_210 : i32
        %mul3A_212 = arith.constant 16 : i32
        %mul3A_213 = arith.muli %scan3A_209, %mul3A_212 : i32
        %add3A_214 = arith.addi %mul3A_211, %mul3A_213 : i32
        %get3A_215 = arith.index_cast %add3A_214 : i32 to index
        %get3A_216 = tpu.vector_load %arg6[%get3A_215] {strides = array<i32>} : memref<10000xi32, #tpu.memory_space<vmem>>, vector<16xi32>,
        %get3A_217 = vector.shape_cast %get3A_216 : vector<16xi32> to vector<16xi32>
        %mul3A_218 = arith.constant 16 : i32
        %mul3A_219 = arith.muli %scan3A_209, %mul3A_218 : i32
        %swap3A_220 = arith.index_cast %mul3A_219 : i32 to index
        %swap3A_221 = tpu.vector_load %arg10[%swap3A_220] {strides = array<i32>} : memref<64xi32, #tpu.memory_space<vmem>>, vector<16xi32>,
        %swap3A_222 = vector.shape_cast %swap3A_221 : vector<16xi32> to vector<16xi32>
        %swap3A_223 = vector.shape_cast %get3A_217 : vector<16xi32> to vector<16xi32>
        tpu.vector_store %arg10[%swap3A_220], %swap3A_223 {strides = array<i32>} : memref<64xi32, #tpu.memory_space<vmem>>, vector<16xi32>,
      }
      %scan3A_132 = arith.constant 4 : i32
      %dma_start3A_133 = arith.constant 0 : i32
      %dma_start3A_134 = arith.constant 0 : i32
      %dma_start3A_135 = tpu.memref_slice %arg2[%dma_start3A_133, %dma_start3A_134] : memref<10000x128xf32, #tpu.memory_space<hbm>> -> memref<10000x128xf32, #tpu.memory_space<hbm>>
      tpu.enqueue_indirect_dma source(%dma_start3A_135 : memref<10000x128xf32, #tpu.memory_space<hbm>>) target(%arg20 : memref<64x128xf32, #tpu.memory_space<vmem>>) offsets(%arg10 : memref<64xi32, #tpu.memory_space<vmem>>) semaphore(%arg26 : memref<!tpu.dma_semaphore, #tpu.memory_space<semaphore_mem>>)
      %mul3A_136 = arith.constant 10000 : i32
      %mul3A_137 = arith.muli %add3A, %mul3A_136 : i32
      %mul3A_138 = arith.constant 64 : i32
      %mul3A_139 = arith.muli %sub3A_126, %mul3A_138 : i32
      %add3A_140 = arith.addi %mul3A_137, %mul3A_139 : i32
      %dma_start3A_141 = tpu.memref_slice %arg4[%add3A_140] : memref<320000xi32, #tpu.memory_space<hbm>> -> memref<64xi32, #tpu.memory_space<hbm>>
      %dma_start3A_142 = tpu.memref_slice %arg4[%add3A_140] : memref<320000xi32, #tpu.memory_space<hbm>> -> memref<64xi32, #tpu.memory_space<hbm>>
      tpu.enqueue_dma source(%dma_start3A_142 : memref<64xi32, #tpu.memory_space<hbm>>) target(%arg14 : memref<64xi32, #tpu.memory_space<vmem>>) target_semaphore(%arg30 : memref<!tpu.dma_semaphore, #tpu.memory_space<semaphore_mem>>)
      %dma_wait3A_143 = arith.constant 0 : i32
      %dma_wait3A_144 = arith.constant 0 : i32
      %dma_wait3A_145 = tpu.memref_slice %arg2[%dma_wait3A_143, %dma_wait3A_144] : memref<10000x128xf32, #tpu.memory_space<hbm>> -> memref<64x128xf32, #tpu.memory_space<hbm>>
      %dma_wait3A_146 = arith.constant 0 : i32
      %dma_wait3A_147 = arith.constant 0 : i32
      %dma_wait3A_148 = tpu.memref_slice %arg2[%dma_wait3A_146, %dma_wait3A_147] : memref<10000x128xf32, #tpu.memory_space<hbm>> -> memref<64x128xf32, #tpu.memory_space<hbm>>
      tpu.wait_dma2 semaphore(%arg23 : memref<!tpu.dma_semaphore, #tpu.memory_space<semaphore_mem>>) src(%dma_wait3A_148 : memref<64x128xf32, #tpu.memory_space<hbm>>) dst(%arg17 : memref<64x128xf32, #tpu.memory_space<vmem>>)
      %dma_wait3A_149 = arith.constant 0 : i32
      %dma_wait3A_150 = tpu.memref_slice %arg4[%dma_wait3A_149] : memref<320000xi32, #tpu.memory_space<hbm>> -> memref<64xi32, #tpu.memory_space<hbm>>
      %dma_wait3A_151 = arith.constant 0 : i32
      %dma_wait3A_152 = tpu.memref_slice %arg4[%dma_wait3A_151] : memref<320000xi32, #tpu.memory_space<hbm>> -> memref<64xi32, #tpu.memory_space<hbm>>
      tpu.wait_dma2 semaphore(%arg27 : memref<!tpu.dma_semaphore, #tpu.memory_space<semaphore_mem>>) src(%dma_wait3A_152 : memref<64xi32, #tpu.memory_space<hbm>>) dst(%arg11 : memref<64xi32, #tpu.memory_space<vmem>>)
      "tpu.region"() ({
        %run_scoped3A = tpu.sem_alloc : memref<!tpu.dma_semaphore, #tpu.memory_space<semaphore_mem>>
        %dma_start3A_209 = arith.constant 0 : i32
        %dma_start3A_210 = arith.constant 0 : i32
        %dma_start3A_211 = tpu.memref_slice %arg22[%dma_start3A_209, %dma_start3A_210] : memref<10000x128xf32, #tpu.memory_space<vmem_shared>> -> memref<10000x128xf32, #tpu.memory_space<vmem_shared>>
        tpu.enqueue_indirect_dma source(%arg17 : memref<64x128xf32, #tpu.memory_space<vmem>>) target(%dma_start3A_211 : memref<10000x128xf32, #tpu.memory_space<vmem_shared>>) offsets(%arg11 : memref<64xi32, #tpu.memory_space<vmem>>) semaphore(%run_scoped3A : memref<!tpu.dma_semaphore, #tpu.memory_space<semaphore_mem>>) {add = true}
        %dma_wait3A_212 = arith.constant 0 : i32
        %dma_wait3A_213 = arith.constant 0 : i32
        %dma_wait3A_214 = tpu.memref_slice %arg22[%dma_wait3A_212, %dma_wait3A_213] : memref<10000x128xf32, #tpu.memory_space<vmem_shared>> -> memref<10000x128xf32, #tpu.memory_space<vmem_shared>>
        tpu.wait_indirect_dma semaphore(%run_scoped3A : memref<!tpu.dma_semaphore, #tpu.memory_space<semaphore_mem>>) src(%arg17 : memref<64x128xf32, #tpu.memory_space<vmem>>) dst(%dma_wait3A_214 : memref<10000x128xf32, #tpu.memory_space<vmem_shared>>)
        tpu.yield
      }) : () -> ()
      %add3A_153 = arith.constant 4 : i32
      %add3A_154 = arith.addi %mul3A_123, %add3A_153 : i32
      %add3A_155 = arith.constant 0 : i32
      %add3A_156 = arith.addi %add3A_154, %add3A_155 : i32
      %lt3A = arith.constant 156 : i32
      %lt3A_157 = arith.cmpi slt, %add3A_156, %lt3A : i32
      %convert_element_type3A_158 = arith.extui %lt3A_157 : i1 to i32
      %cond3A_159 = arith.constant 0 : i32
      %cond3A_160 = arith.cmpi ne, %convert_element_type3A_158, %cond3A_159 : i32
      scf.if %cond3A_160 {
        %add3A_209 = arith.constant 4 : i32
        %add3A_210 = arith.addi %mul3A_123, %add3A_209 : i32
        %add3A_211 = arith.constant 0 : i32
        %add3A_212 = arith.addi %add3A_210, %add3A_211 : i32
        %scan3A_213 = arith.constant 0 : i32
        %scan3A_214 = arith.constant 0 : i32
        %scan3A_215 = arith.constant 4 : i32
        %scan3A_216 = arith.addi %scan3A_214, %scan3A_215 : i32
        %scan3A_217 = arith.constant 1 : i32
        scf.for %scan3A_229 = %scan3A_214 to %scan3A_216 step %scan3A_217  : i32 {
          %mul3A_230 = arith.constant 64 : i32
          %mul3A_231 = arith.muli %add3A_212, %mul3A_230 : i32
          %mul3A_232 = arith.constant 16 : i32
          %mul3A_233 = arith.muli %scan3A_229, %mul3A_232 : i32
          %add3A_234 = arith.addi %mul3A_231, %mul3A_233 : i32
          %get3A_235 = arith.index_cast %add3A_234 : i32 to index
          %get3A_236 = tpu.vector_load %arg6[%get3A_235] {strides = array<i32>} : memref<10000xi32, #tpu.memory_space<vmem>>, vector<16xi32>,
          %get3A_237 = vector.shape_cast %get3A_236 : vector<16xi32> to vector<16xi32>
          %mul3A_238 = arith.constant 16 : i32
          %mul3A_239 = arith.muli %scan3A_229, %mul3A_238 : i32
          %swap3A_240 = arith.index_cast %mul3A_239 : i32 to index
          %swap3A_241 = tpu.vector_load %arg7[%swap3A_240] {strides = array<i32>} : memref<64xi32, #tpu.memory_space<vmem>>, vector<16xi32>,
          %swap3A_242 = vector.shape_cast %swap3A_241 : vector<16xi32> to vector<16xi32>
          %swap3A_243 = vector.shape_cast %get3A_237 : vector<16xi32> to vector<16xi32>
          tpu.vector_store %arg7[%swap3A_240], %swap3A_243 {strides = array<i32>} : memref<64xi32, #tpu.memory_space<vmem>>, vector<16xi32>,
        }
        %scan3A_218 = arith.constant 4 : i32
        %dma_start3A_219 = arith.constant 0 : i32
        %dma_start3A_220 = arith.constant 0 : i32
        %dma_start3A_221 = tpu.memref_slice %arg2[%dma_start3A_219, %dma_start3A_220] : memref<10000x128xf32, #tpu.memory_space<hbm>> -> memref<10000x128xf32, #tpu.memory_space<hbm>>
        tpu.enqueue_indirect_dma source(%dma_start3A_221 : memref<10000x128xf32, #tpu.memory_space<hbm>>) target(%arg17 : memref<64x128xf32, #tpu.memory_space<vmem>>) offsets(%arg7 : memref<64xi32, #tpu.memory_space<vmem>>) semaphore(%arg23 : memref<!tpu.dma_semaphore, #tpu.memory_space<semaphore_mem>>)
        %mul3A_222 = arith.constant 10000 : i32
        %mul3A_223 = arith.muli %add3A, %mul3A_222 : i32
        %mul3A_224 = arith.constant 64 : i32
        %mul3A_225 = arith.muli %add3A_212, %mul3A_224 : i32
        %add3A_226 = arith.addi %mul3A_223, %mul3A_225 : i32
        %dma_start3A_227 = tpu.memref_slice %arg4[%add3A_226] : memref<320000xi32, #tpu.memory_space<hbm>> -> memref<64xi32, #tpu.memory_space<hbm>>
        %dma_start3A_228 = tpu.memref_slice %arg4[%add3A_226] : memref<320000xi32, #tpu.memory_space<hbm>> -> memref<64xi32, #tpu.memory_space<hbm>>
        tpu.enqueue_dma source(%dma_start3A_228 : memref<64xi32, #tpu.memory_space<hbm>>) target(%arg11 : memref<64xi32, #tpu.memory_space<vmem>>) target_semaphore(%arg27 : memref<!tpu.dma_semaphore, #tpu.memory_space<semaphore_mem>>)
      } else {
      }
      %dma_wait3A_161 = arith.constant 0 : i32
      %dma_wait3A_162 = arith.constant 0 : i32
      %dma_wait3A_163 = tpu.memref_slice %arg2[%dma_wait3A_161, %dma_wait3A_162] : memref<10000x128xf32, #tpu.memory_space<hbm>> -> memref<64x128xf32, #tpu.memory_space<hbm>>
      %dma_wait3A_164 = arith.constant 0 : i32
      %dma_wait3A_165 = arith.constant 0 : i32
      %dma_wait3A_166 = tpu.memref_slice %arg2[%dma_wait3A_164, %dma_wait3A_165] : memref<10000x128xf32, #tpu.memory_space<hbm>> -> memref<64x128xf32, #tpu.memory_space<hbm>>
      tpu.wait_dma2 semaphore(%arg24 : memref<!tpu.dma_semaphore, #tpu.memory_space<semaphore_mem>>) src(%dma_wait3A_166 : memref<64x128xf32, #tpu.memory_space<hbm>>) dst(%arg18 : memref<64x128xf32, #tpu.memory_space<vmem>>)
      %dma_wait3A_167 = arith.constant 0 : i32
      %dma_wait3A_168 = tpu.memref_slice %arg4[%dma_wait3A_167] : memref<320000xi32, #tpu.memory_space<hbm>> -> memref<64xi32, #tpu.memory_space<hbm>>
      %dma_wait3A_169 = arith.constant 0 : i32
      %dma_wait3A_170 = tpu.memref_slice %arg4[%dma_wait3A_169] : memref<320000xi32, #tpu.memory_space<hbm>> -> memref<64xi32, #tpu.memory_space<hbm>>
      tpu.wait_dma2 semaphore(%arg28 : memref<!tpu.dma_semaphore, #tpu.memory_space<semaphore_mem>>) src(%dma_wait3A_170 : memref<64xi32, #tpu.memory_space<hbm>>) dst(%arg12 : memref<64xi32, #tpu.memory_space<vmem>>)
      "tpu.region"() ({
        %run_scoped3A = tpu.sem_alloc : memref<!tpu.dma_semaphore, #tpu.memory_space<semaphore_mem>>
        %dma_start3A_209 = arith.constant 0 : i32
        %dma_start3A_210 = arith.constant 0 : i32
        %dma_start3A_211 = tpu.memref_slice %arg22[%dma_start3A_209, %dma_start3A_210] : memref<10000x128xf32, #tpu.memory_space<vmem_shared>> -> memref<10000x128xf32, #tpu.memory_space<vmem_shared>>
        tpu.enqueue_indirect_dma source(%arg18 : memref<64x128xf32, #tpu.memory_space<vmem>>) target(%dma_start3A_211 : memref<10000x128xf32, #tpu.memory_space<vmem_shared>>) offsets(%arg12 : memref<64xi32, #tpu.memory_space<vmem>>) semaphore(%run_scoped3A : memref<!tpu.dma_semaphore, #tpu.memory_space<semaphore_mem>>) {add = true}
        %dma_wait3A_212 = arith.constant 0 : i32
        %dma_wait3A_213 = arith.constant 0 : i32
        %dma_wait3A_214 = tpu.memref_slice %arg22[%dma_wait3A_212, %dma_wait3A_213] : memref<10000x128xf32, #tpu.memory_space<vmem_shared>> -> memref<10000x128xf32, #tpu.memory_space<vmem_shared>>
        tpu.wait_indirect_dma semaphore(%run_scoped3A : memref<!tpu.dma_semaphore, #tpu.memory_space<semaphore_mem>>) src(%arg18 : memref<64x128xf32, #tpu.memory_space<vmem>>) dst(%dma_wait3A_214 : memref<10000x128xf32, #tpu.memory_space<vmem_shared>>)
        tpu.yield
      }) : () -> ()
      %add3A_171 = arith.constant 4 : i32
      %add3A_172 = arith.addi %mul3A_123, %add3A_171 : i32
      %add3A_173 = arith.constant 1 : i32
      %add3A_174 = arith.addi %add3A_172, %add3A_173 : i32
      %lt3A_175 = arith.constant 156 : i32
      %lt3A_176 = arith.cmpi slt, %add3A_174, %lt3A_175 : i32
      %convert_element_type3A_177 = arith.extui %lt3A_176 : i1 to i32
      %cond3A_178 = arith.constant 0 : i32
      %cond3A_179 = arith.cmpi ne, %convert_element_type3A_177, %cond3A_178 : i32
      scf.if %cond3A_179 {
        %add3A_209 = arith.constant 4 : i32
        %add3A_210 = arith.addi %mul3A_123, %add3A_209 : i32
        %add3A_211 = arith.constant 1 : i32
        %add3A_212 = arith.addi %add3A_210, %add3A_211 : i32
        %scan3A_213 = arith.constant 0 : i32
        %scan3A_214 = arith.constant 0 : i32
        %scan3A_215 = arith.constant 4 : i32
        %scan3A_216 = arith.addi %scan3A_214, %scan3A_215 : i32
        %scan3A_217 = arith.constant 1 : i32
        scf.for %scan3A_229 = %scan3A_214 to %scan3A_216 step %scan3A_217  : i32 {
          %mul3A_230 = arith.constant 64 : i32
          %mul3A_231 = arith.muli %add3A_212, %mul3A_230 : i32
          %mul3A_232 = arith.constant 16 : i32
          %mul3A_233 = arith.muli %scan3A_229, %mul3A_232 : i32
          %add3A_234 = arith.addi %mul3A_231, %mul3A_233 : i32
          %get3A_235 = arith.index_cast %add3A_234 : i32 to index
          %get3A_236 = tpu.vector_load %arg6[%get3A_235] {strides = array<i32>} : memref<10000xi32, #tpu.memory_space<vmem>>, vector<16xi32>,
          %get3A_237 = vector.shape_cast %get3A_236 : vector<16xi32> to vector<16xi32>
          %mul3A_238 = arith.constant 16 : i32
          %mul3A_239 = arith.muli %scan3A_229, %mul3A_238 : i32
          %swap3A_240 = arith.index_cast %mul3A_239 : i32 to index
          %swap3A_241 = tpu.vector_load %arg8[%swap3A_240] {strides = array<i32>} : memref<64xi32, #tpu.memory_space<vmem>>, vector<16xi32>,
          %swap3A_242 = vector.shape_cast %swap3A_241 : vector<16xi32> to vector<16xi32>
          %swap3A_243 = vector.shape_cast %get3A_237 : vector<16xi32> to vector<16xi32>
          tpu.vector_store %arg8[%swap3A_240], %swap3A_243 {strides = array<i32>} : memref<64xi32, #tpu.memory_space<vmem>>, vector<16xi32>,
        }
        %scan3A_218 = arith.constant 4 : i32
        %dma_start3A_219 = arith.constant 0 : i32
        %dma_start3A_220 = arith.constant 0 : i32
        %dma_start3A_221 = tpu.memref_slice %arg2[%dma_start3A_219, %dma_start3A_220] : memref<10000x128xf32, #tpu.memory_space<hbm>> -> memref<10000x128xf32, #tpu.memory_space<hbm>>
        tpu.enqueue_indirect_dma source(%dma_start3A_221 : memref<10000x128xf32, #tpu.memory_space<hbm>>) target(%arg18 : memref<64x128xf32, #tpu.memory_space<vmem>>) offsets(%arg8 : memref<64xi32, #tpu.memory_space<vmem>>) semaphore(%arg24 : memref<!tpu.dma_semaphore, #tpu.memory_space<semaphore_mem>>)
        %mul3A_222 = arith.constant 10000 : i32
        %mul3A_223 = arith.muli %add3A, %mul3A_222 : i32
        %mul3A_224 = arith.constant 64 : i32
        %mul3A_225 = arith.muli %add3A_212, %mul3A_224 : i32
        %add3A_226 = arith.addi %mul3A_223, %mul3A_225 : i32
        %dma_start3A_227 = tpu.memref_slice %arg4[%add3A_226] : memref<320000xi32, #tpu.memory_space<hbm>> -> memref<64xi32, #tpu.memory_space<hbm>>
        %dma_start3A_228 = tpu.memref_slice %arg4[%add3A_226] : memref<320000xi32, #tpu.memory_space<hbm>> -> memref<64xi32, #tpu.memory_space<hbm>>
        tpu.enqueue_dma source(%dma_start3A_228 : memref<64xi32, #tpu.memory_space<hbm>>) target(%arg12 : memref<64xi32, #tpu.memory_space<vmem>>) target_semaphore(%arg28 : memref<!tpu.dma_semaphore, #tpu.memory_space<semaphore_mem>>)
      } else {
      }
      %dma_wait3A_180 = arith.constant 0 : i32
      %dma_wait3A_181 = arith.constant 0 : i32
      %dma_wait3A_182 = tpu.memref_slice %arg2[%dma_wait3A_180, %dma_wait3A_181] : memref<10000x128xf32, #tpu.memory_space<hbm>> -> memref<64x128xf32, #tpu.memory_space<hbm>>
      %dma_wait3A_183 = arith.constant 0 : i32
      %dma_wait3A_184 = arith.constant 0 : i32
      %dma_wait3A_185 = tpu.memref_slice %arg2[%dma_wait3A_183, %dma_wait3A_184] : memref<10000x128xf32, #tpu.memory_space<hbm>> -> memref<64x128xf32, #tpu.memory_space<hbm>>
      tpu.wait_dma2 semaphore(%arg25 : memref<!tpu.dma_semaphore, #tpu.memory_space<semaphore_mem>>) src(%dma_wait3A_185 : memref<64x128xf32, #tpu.memory_space<hbm>>) dst(%arg19 : memref<64x128xf32, #tpu.memory_space<vmem>>)
      %dma_wait3A_186 = arith.constant 0 : i32
      %dma_wait3A_187 = tpu.memref_slice %arg4[%dma_wait3A_186] : memref<320000xi32, #tpu.memory_space<hbm>> -> memref<64xi32, #tpu.memory_space<hbm>>
      %dma_wait3A_188 = arith.constant 0 : i32
      %dma_wait3A_189 = tpu.memref_slice %arg4[%dma_wait3A_188] : memref<320000xi32, #tpu.memory_space<hbm>> -> memref<64xi32, #tpu.memory_space<hbm>>
      tpu.wait_dma2 semaphore(%arg29 : memref<!tpu.dma_semaphore, #tpu.memory_space<semaphore_mem>>) src(%dma_wait3A_189 : memref<64xi32, #tpu.memory_space<hbm>>) dst(%arg13 : memref<64xi32, #tpu.memory_space<vmem>>)
      "tpu.region"() ({
        %run_scoped3A = tpu.sem_alloc : memref<!tpu.dma_semaphore, #tpu.memory_space<semaphore_mem>>
        %dma_start3A_209 = arith.constant 0 : i32
        %dma_start3A_210 = arith.constant 0 : i32
        %dma_start3A_211 = tpu.memref_slice %arg22[%dma_start3A_209, %dma_start3A_210] : memref<10000x128xf32, #tpu.memory_space<vmem_shared>> -> memref<10000x128xf32, #tpu.memory_space<vmem_shared>>
        tpu.enqueue_indirect_dma source(%arg19 : memref<64x128xf32, #tpu.memory_space<vmem>>) target(%dma_start3A_211 : memref<10000x128xf32, #tpu.memory_space<vmem_shared>>) offsets(%arg13 : memref<64xi32, #tpu.memory_space<vmem>>) semaphore(%run_scoped3A : memref<!tpu.dma_semaphore, #tpu.memory_space<semaphore_mem>>) {add = true}
        %dma_wait3A_212 = arith.constant 0 : i32
        %dma_wait3A_213 = arith.constant 0 : i32
        %dma_wait3A_214 = tpu.memref_slice %arg22[%dma_wait3A_212, %dma_wait3A_213] : memref<10000x128xf32, #tpu.memory_space<vmem_shared>> -> memref<10000x128xf32, #tpu.memory_space<vmem_shared>>
        tpu.wait_indirect_dma semaphore(%run_scoped3A : memref<!tpu.dma_semaphore, #tpu.memory_space<semaphore_mem>>) src(%arg19 : memref<64x128xf32, #tpu.memory_space<vmem>>) dst(%dma_wait3A_214 : memref<10000x128xf32, #tpu.memory_space<vmem_shared>>)
        tpu.yield
      }) : () -> ()
      %add3A_190 = arith.constant 4 : i32
      %add3A_191 = arith.addi %mul3A_123, %add3A_190 : i32
      %add3A_192 = arith.constant 2 : i32
      %add3A_193 = arith.addi %add3A_191, %add3A_192 : i32
      %lt3A_194 = arith.constant 156 : i32
      %lt3A_195 = arith.cmpi slt, %add3A_193, %lt3A_194 : i32
      %convert_element_type3A_196 = arith.extui %lt3A_195 : i1 to i32
      %cond3A_197 = arith.constant 0 : i32
      %cond3A_198 = arith.cmpi ne, %convert_element_type3A_196, %cond3A_197 : i32
      scf.if %cond3A_198 {
        %add3A_209 = arith.constant 4 : i32
        %add3A_210 = arith.addi %mul3A_123, %add3A_209 : i32
        %add3A_211 = arith.constant 2 : i32
        %add3A_212 = arith.addi %add3A_210, %add3A_211 : i32
        %scan3A_213 = arith.constant 0 : i32
        %scan3A_214 = arith.constant 0 : i32
        %scan3A_215 = arith.constant 4 : i32
        %scan3A_216 = arith.addi %scan3A_214, %scan3A_215 : i32
        %scan3A_217 = arith.constant 1 : i32
        scf.for %scan3A_229 = %scan3A_214 to %scan3A_216 step %scan3A_217  : i32 {
          %mul3A_230 = arith.constant 64 : i32
          %mul3A_231 = arith.muli %add3A_212, %mul3A_230 : i32
          %mul3A_232 = arith.constant 16 : i32
          %mul3A_233 = arith.muli %scan3A_229, %mul3A_232 : i32
          %add3A_234 = arith.addi %mul3A_231, %mul3A_233 : i32
          %get3A_235 = arith.index_cast %add3A_234 : i32 to index
          %get3A_236 = tpu.vector_load %arg6[%get3A_235] {strides = array<i32>} : memref<10000xi32, #tpu.memory_space<vmem>>, vector<16xi32>,
          %get3A_237 = vector.shape_cast %get3A_236 : vector<16xi32> to vector<16xi32>
          %mul3A_238 = arith.constant 16 : i32
          %mul3A_239 = arith.muli %scan3A_229, %mul3A_238 : i32
          %swap3A_240 = arith.index_cast %mul3A_239 : i32 to index
          %swap3A_241 = tpu.vector_load %arg9[%swap3A_240] {strides = array<i32>} : memref<64xi32, #tpu.memory_space<vmem>>, vector<16xi32>,
          %swap3A_242 = vector.shape_cast %swap3A_241 : vector<16xi32> to vector<16xi32>
          %swap3A_243 = vector.shape_cast %get3A_237 : vector<16xi32> to vector<16xi32>
          tpu.vector_store %arg9[%swap3A_240], %swap3A_243 {strides = array<i32>} : memref<64xi32, #tpu.memory_space<vmem>>, vector<16xi32>,
        }
        %scan3A_218 = arith.constant 4 : i32
        %dma_start3A_219 = arith.constant 0 : i32
        %dma_start3A_220 = arith.constant 0 : i32
        %dma_start3A_221 = tpu.memref_slice %arg2[%dma_start3A_219, %dma_start3A_220] : memref<10000x128xf32, #tpu.memory_space<hbm>> -> memref<10000x128xf32, #tpu.memory_space<hbm>>
        tpu.enqueue_indirect_dma source(%dma_start3A_221 : memref<10000x128xf32, #tpu.memory_space<hbm>>) target(%arg19 : memref<64x128xf32, #tpu.memory_space<vmem>>) offsets(%arg9 : memref<64xi32, #tpu.memory_space<vmem>>) semaphore(%arg25 : memref<!tpu.dma_semaphore, #tpu.memory_space<semaphore_mem>>)
        %mul3A_222 = arith.constant 10000 : i32
        %mul3A_223 = arith.muli %add3A, %mul3A_222 : i32
        %mul3A_224 = arith.constant 64 : i32
        %mul3A_225 = arith.muli %add3A_212, %mul3A_224 : i32
        %add3A_226 = arith.addi %mul3A_223, %mul3A_225 : i32
        %dma_start3A_227 = tpu.memref_slice %arg4[%add3A_226] : memref<320000xi32, #tpu.memory_space<hbm>> -> memref<64xi32, #tpu.memory_space<hbm>>
        %dma_start3A_228 = tpu.memref_slice %arg4[%add3A_226] : memref<320000xi32, #tpu.memory_space<hbm>> -> memref<64xi32, #tpu.memory_space<hbm>>
        tpu.enqueue_dma source(%dma_start3A_228 : memref<64xi32, #tpu.memory_space<hbm>>) target(%arg13 : memref<64xi32, #tpu.memory_space<vmem>>) target_semaphore(%arg29 : memref<!tpu.dma_semaphore, #tpu.memory_space<semaphore_mem>>)
      } else {
      }
      %dma_wait3A_199 = arith.constant 0 : i32
      %dma_wait3A_200 = arith.constant 0 : i32
      %dma_wait3A_201 = tpu.memref_slice %arg2[%dma_wait3A_199, %dma_wait3A_200] : memref<10000x128xf32, #tpu.memory_space<hbm>> -> memref<64x128xf32, #tpu.memory_space<hbm>>
      %dma_wait3A_202 = arith.constant 0 : i32
      %dma_wait3A_203 = arith.constant 0 : i32
      %dma_wait3A_204 = tpu.memref_slice %arg2[%dma_wait3A_202, %dma_wait3A_203] : memref<10000x128xf32, #tpu.memory_space<hbm>> -> memref<64x128xf32, #tpu.memory_space<hbm>>
      tpu.wait_dma2 semaphore(%arg26 : memref<!tpu.dma_semaphore, #tpu.memory_space<semaphore_mem>>) src(%dma_wait3A_204 : memref<64x128xf32, #tpu.memory_space<hbm>>) dst(%arg20 : memref<64x128xf32, #tpu.memory_space<vmem>>)
      %dma_wait3A_205 = arith.constant 0 : i32
      %dma_wait3A_206 = tpu.memref_slice %arg4[%dma_wait3A_205] : memref<320000xi32, #tpu.memory_space<hbm>> -> memref<64xi32, #tpu.memory_space<hbm>>
      %dma_wait3A_207 = arith.constant 0 : i32
      %dma_wait3A_208 = tpu.memref_slice %arg4[%dma_wait3A_207] : memref<320000xi32, #tpu.memory_space<hbm>> -> memref<64xi32, #tpu.memory_space<hbm>>
      tpu.wait_dma2 semaphore(%arg30 : memref<!tpu.dma_semaphore, #tpu.memory_space<semaphore_mem>>) src(%dma_wait3A_208 : memref<64xi32, #tpu.memory_space<hbm>>) dst(%arg14 : memref<64xi32, #tpu.memory_space<vmem>>)
      "tpu.region"() ({
        %run_scoped3A = tpu.sem_alloc : memref<!tpu.dma_semaphore, #tpu.memory_space<semaphore_mem>>
        %dma_start3A_209 = arith.constant 0 : i32
        %dma_start3A_210 = arith.constant 0 : i32
        %dma_start3A_211 = tpu.memref_slice %arg22[%dma_start3A_209, %dma_start3A_210] : memref<10000x128xf32, #tpu.memory_space<vmem_shared>> -> memref<10000x128xf32, #tpu.memory_space<vmem_shared>>
        tpu.enqueue_indirect_dma source(%arg20 : memref<64x128xf32, #tpu.memory_space<vmem>>) target(%dma_start3A_211 : memref<10000x128xf32, #tpu.memory_space<vmem_shared>>) offsets(%arg14 : memref<64xi32, #tpu.memory_space<vmem>>) semaphore(%run_scoped3A : memref<!tpu.dma_semaphore, #tpu.memory_space<semaphore_mem>>) {add = true}
        %dma_wait3A_212 = arith.constant 0 : i32
        %dma_wait3A_213 = arith.constant 0 : i32
        %dma_wait3A_214 = tpu.memref_slice %arg22[%dma_wait3A_212, %dma_wait3A_213] : memref<10000x128xf32, #tpu.memory_space<vmem_shared>> -> memref<10000x128xf32, #tpu.memory_space<vmem_shared>>
        tpu.wait_indirect_dma semaphore(%run_scoped3A : memref<!tpu.dma_semaphore, #tpu.memory_space<semaphore_mem>>) src(%arg20 : memref<64x128xf32, #tpu.memory_space<vmem>>) dst(%dma_wait3A_214 : memref<10000x128xf32, #tpu.memory_space<vmem_shared>>)
        tpu.yield
      }) : () -> ()
    }
    %scan3A_80 = arith.constant 39 : i32
    %scan3A_81 = arith.constant 0 : i32
    %scan3A_82 = arith.constant 0 : i32
    %mul3A_83 = arith.constant 16 : i32
    %mul3A_84 = arith.muli %scan3A_82, %mul3A_83 : i32
    %add3A_85 = arith.constant 9984 : i32
    %add3A_86 = arith.addi %add3A_85, %mul3A_84 : i32
    %get3A = arith.index_cast %add3A_86 : i32 to index
    %get3A_87 = tpu.vector_load %arg6[%get3A] {strides = array<i32>} : memref<10000xi32, #tpu.memory_space<vmem>>, vector<16xi32>,
    %get3A_88 = vector.shape_cast %get3A_87 : vector<16xi32> to vector<16xi32>
    %mul3A_89 = arith.constant 16 : i32
    %mul3A_90 = arith.muli %scan3A_82, %mul3A_89 : i32
    %swap3A = arith.index_cast %mul3A_90 : i32 to index
    %swap3A_91 = tpu.vector_load %arg15[%swap3A] {strides = array<i32>} : memref<16xi32, #tpu.memory_space<vmem>>, vector<16xi32>,
    %swap3A_92 = vector.shape_cast %swap3A_91 : vector<16xi32> to vector<16xi32>
    %swap3A_93 = vector.shape_cast %get3A_88 : vector<16xi32> to vector<16xi32>
    tpu.vector_store %arg15[%swap3A], %swap3A_93 {strides = array<i32>} : memref<16xi32, #tpu.memory_space<vmem>>, vector<16xi32>,
    %scan3A_94 = arith.constant 1 : i32
    %mul3A_95 = arith.constant 10000 : i32
    %mul3A_96 = arith.muli %add3A, %mul3A_95 : i32
    %add3A_97 = arith.constant 9984 : i32
    %add3A_98 = arith.addi %mul3A_96, %add3A_97 : i32
    "tpu.region"() ({
      %run_scoped3A = tpu.sem_alloc : memref<!tpu.dma_semaphore, #tpu.memory_space<semaphore_mem>>
      %dma_start3A_121 = tpu.memref_slice %arg4[%add3A_98] : memref<320000xi32, #tpu.memory_space<hbm>> -> memref<16xi32, #tpu.memory_space<hbm>>
      %dma_start3A_122 = tpu.memref_slice %arg4[%add3A_98] : memref<320000xi32, #tpu.memory_space<hbm>> -> memref<16xi32, #tpu.memory_space<hbm>>
      tpu.enqueue_dma source(%dma_start3A_122 : memref<16xi32, #tpu.memory_space<hbm>>) target(%arg16 : memref<16xi32, #tpu.memory_space<vmem>>) target_semaphore(%run_scoped3A : memref<!tpu.dma_semaphore, #tpu.memory_space<semaphore_mem>>)
      %dma_wait3A_123 = tpu.memref_slice %arg4[%add3A_98] : memref<320000xi32, #tpu.memory_space<hbm>> -> memref<16xi32, #tpu.memory_space<hbm>>
      %dma_wait3A_124 = tpu.memref_slice %arg4[%add3A_98] : memref<320000xi32, #tpu.memory_space<hbm>> -> memref<16xi32, #tpu.memory_space<hbm>>
      tpu.wait_dma2 semaphore(%run_scoped3A : memref<!tpu.dma_semaphore, #tpu.memory_space<semaphore_mem>>) src(%dma_wait3A_124 : memref<16xi32, #tpu.memory_space<hbm>>) dst(%arg16 : memref<16xi32, #tpu.memory_space<vmem>>)
      tpu.yield
    }) : () -> ()
    %dma_start3A_99 = arith.constant 0 : i32
    %dma_start3A_100 = arith.constant 0 : i32
    %dma_start3A_101 = tpu.memref_slice %arg17[%dma_start3A_99, %dma_start3A_100] : memref<64x128xf32, #tpu.memory_space<vmem>> -> memref<16x128xf32, #tpu.memory_space<vmem>>
    %dma_start3A_102 = arith.constant 0 : i32
    %dma_start3A_103 = arith.constant 0 : i32
    %dma_start3A_104 = tpu.memref_slice %arg2[%dma_start3A_102, %dma_start3A_103] : memref<10000x128xf32, #tpu.memory_space<hbm>> -> memref<10000x128xf32, #tpu.memory_space<hbm>>
    tpu.enqueue_indirect_dma source(%dma_start3A_104 : memref<10000x128xf32, #tpu.memory_space<hbm>>) target(%dma_start3A_101 : memref<16x128xf32, #tpu.memory_space<vmem>>) offsets(%arg15 : memref<16xi32, #tpu.memory_space<vmem>>) semaphore(%arg23 : memref<!tpu.dma_semaphore, #tpu.memory_space<semaphore_mem>>)
    %dma_wait3A_105 = arith.constant 0 : i32
    %dma_wait3A_106 = arith.constant 0 : i32
    %dma_wait3A_107 = tpu.memref_slice %arg17[%dma_wait3A_105, %dma_wait3A_106] : memref<64x128xf32, #tpu.memory_space<vmem>> -> memref<16x128xf32, #tpu.memory_space<vmem>>
    %dma_wait3A_108 = arith.constant 0 : i32
    %dma_wait3A_109 = arith.constant 0 : i32
    %dma_wait3A_110 = tpu.memref_slice %arg2[%dma_wait3A_108, %dma_wait3A_109] : memref<10000x128xf32, #tpu.memory_space<hbm>> -> memref<10000x128xf32, #tpu.memory_space<hbm>>
    tpu.wait_indirect_dma semaphore(%arg23 : memref<!tpu.dma_semaphore, #tpu.memory_space<semaphore_mem>>) src(%dma_wait3A_110 : memref<10000x128xf32, #tpu.memory_space<hbm>>) dst(%dma_wait3A_107 : memref<16x128xf32, #tpu.memory_space<vmem>>)
    "tpu.region"() ({
      %run_scoped3A = tpu.sem_alloc : memref<!tpu.dma_semaphore, #tpu.memory_space<semaphore_mem>>
      %dma_start3A_121 = arith.constant 0 : i32
      %dma_start3A_122 = arith.constant 0 : i32
      %dma_start3A_123 = tpu.memref_slice %arg17[%dma_start3A_121, %dma_start3A_122] : memref<64x128xf32, #tpu.memory_space<vmem>> -> memref<16x128xf32, #tpu.memory_space<vmem>>
      %dma_start3A_124 = arith.constant 0 : i32
      %dma_start3A_125 = arith.constant 0 : i32
      %dma_start3A_126 = tpu.memref_slice %arg22[%dma_start3A_124, %dma_start3A_125] : memref<10000x128xf32, #tpu.memory_space<vmem_shared>> -> memref<10000x128xf32, #tpu.memory_space<vmem_shared>>
      tpu.enqueue_indirect_dma source(%dma_start3A_123 : memref<16x128xf32, #tpu.memory_space<vmem>>) target(%dma_start3A_126 : memref<10000x128xf32, #tpu.memory_space<vmem_shared>>) offsets(%arg16 : memref<16xi32, #tpu.memory_space<vmem>>) semaphore(%run_scoped3A : memref<!tpu.dma_semaphore, #tpu.memory_space<semaphore_mem>>) {add = true}
      %dma_wait3A_127 = arith.constant 0 : i32
      %dma_wait3A_128 = arith.constant 0 : i32
      %dma_wait3A_129 = tpu.memref_slice %arg17[%dma_wait3A_127, %dma_wait3A_128] : memref<64x128xf32, #tpu.memory_space<vmem>> -> memref<16x128xf32, #tpu.memory_space<vmem>>
      %dma_wait3A_130 = arith.constant 0 : i32
      %dma_wait3A_131 = arith.constant 0 : i32
      %dma_wait3A_132 = tpu.memref_slice %arg22[%dma_wait3A_130, %dma_wait3A_131] : memref<10000x128xf32, #tpu.memory_space<vmem_shared>> -> memref<10000x128xf32, #tpu.memory_space<vmem_shared>>
      tpu.wait_indirect_dma semaphore(%run_scoped3A : memref<!tpu.dma_semaphore, #tpu.memory_space<semaphore_mem>>) src(%dma_wait3A_129 : memref<16x128xf32, #tpu.memory_space<vmem>>) dst(%dma_wait3A_132 : memref<10000x128xf32, #tpu.memory_space<vmem_shared>>)
      tpu.yield
    }) : () -> ()
    %barrier3A_111 = arith.constant 0 : index
    tpu.barrier barrier_id(%barrier3A_111)
    %mul3A_112 = arith.constant 624 : i32
    %mul3A_113 = arith.muli %arg1, %mul3A_112 : i32
    %mul3A_114 = arith.constant 624 : i32
    %mul3A_115 = arith.muli %arg1, %mul3A_114 : i32
    "tpu.region"() ({
      %run_scoped3A = tpu.sem_alloc : memref<!tpu.dma_semaphore, #tpu.memory_space<semaphore_mem>>
      %dma_start3A_121 = arith.constant 0 : i32
      %dma_start3A_122 = tpu.memref_slice %arg5[%arg0, %mul3A_115, %dma_start3A_121] : memref<2x10000x128xf32, #tpu.memory_space<hbm>> -> memref<1x624x128xf32, #tpu.memory_space<hbm>>
      %dma_start3A_123 = tpu.memref_squeeze %dma_start3A_122 : memref<1x624x128xf32, #tpu.memory_space<hbm>> -> memref<624x128xf32, #tpu.memory_space<hbm>>
      %dma_start3A_124 = arith.constant 0 : i32
      %dma_start3A_125 = tpu.memref_slice %arg22[%mul3A_113, %dma_start3A_124] : memref<10000x128xf32, #tpu.memory_space<vmem_shared>> -> memref<624x128xf32, #tpu.memory_space<vmem_shared>>
      tpu.enqueue_dma source(%dma_start3A_125 : memref<624x128xf32, #tpu.memory_space<vmem_shared>>) target(%dma_start3A_123 : memref<624x128xf32, #tpu.memory_space<hbm>>) target_semaphore(%run_scoped3A : memref<!tpu.dma_semaphore, #tpu.memory_space<semaphore_mem>>)
      %dma_wait3A_126 = arith.constant 0 : i32
      %dma_wait3A_127 = tpu.memref_slice %arg5[%arg0, %mul3A_115, %dma_wait3A_126] : memref<2x10000x128xf32, #tpu.memory_space<hbm>> -> memref<1x624x128xf32, #tpu.memory_space<hbm>>
      %dma_wait3A_128 = tpu.memref_squeeze %dma_wait3A_127 : memref<1x624x128xf32, #tpu.memory_space<hbm>> -> memref<624x128xf32, #tpu.memory_space<hbm>>
      %dma_wait3A_129 = arith.constant 0 : i32
      %dma_wait3A_130 = tpu.memref_slice %arg22[%mul3A_113, %dma_wait3A_129] : memref<10000x128xf32, #tpu.memory_space<vmem_shared>> -> memref<624x128xf32, #tpu.memory_space<vmem_shared>>
      tpu.wait_dma2 semaphore(%run_scoped3A : memref<!tpu.dma_semaphore, #tpu.memory_space<semaphore_mem>>) src(%dma_wait3A_130 : memref<624x128xf32, #tpu.memory_space<vmem_shared>>) dst(%dma_wait3A_128 : memref<624x128xf32, #tpu.memory_space<hbm>>)
      tpu.yield
    }) : () -> ()
    %eq3A_116 = arith.constant 0 : i32
    %eq3A_117 = arith.cmpi eq, %arg1, %eq3A_116 : i32
    %convert_element_type3A_118 = arith.extui %eq3A_117 : i1 to i32
    %cond3A_119 = arith.constant 0 : i32
    %cond3A_120 = arith.cmpi ne, %convert_element_type3A_118, %cond3A_119 : i32
    scf.if %cond3A_120 {
      "tpu.region"() ({
        %run_scoped3A = tpu.sem_alloc : memref<!tpu.dma_semaphore, #tpu.memory_space<semaphore_mem>>
        %dma_start3A_121 = arith.constant 9984 : i32
        %dma_start3A_122 = arith.constant 0 : i32
        %dma_start3A_123 = tpu.memref_slice %arg5[%arg0, %dma_start3A_121, %dma_start3A_122] : memref<2x10000x128xf32, #tpu.memory_space<hbm>> -> memref<1x16x128xf32, #tpu.memory_space<hbm>>
        %dma_start3A_124 = tpu.memref_squeeze %dma_start3A_123 : memref<1x16x128xf32, #tpu.memory_space<hbm>> -> memref<16x128xf32, #tpu.memory_space<hbm>>
        %dma_start3A_125 = arith.constant 9984 : i32
        %dma_start3A_126 = arith.constant 0 : i32
        %dma_start3A_127 = tpu.memref_slice %arg22[%dma_start3A_125, %dma_start3A_126] : memref<10000x128xf32, #tpu.memory_space<vmem_shared>> -> memref<16x128xf32, #tpu.memory_space<vmem_shared>>
        tpu.enqueue_dma source(%dma_start3A_127 : memref<16x128xf32, #tpu.memory_space<vmem_shared>>) target(%dma_start3A_124 : memref<16x128xf32, #tpu.memory_space<hbm>>) target_semaphore(%run_scoped3A : memref<!tpu.dma_semaphore, #tpu.memory_space<semaphore_mem>>)
        %dma_wait3A_128 = arith.constant 9984 : i32
        %dma_wait3A_129 = arith.constant 0 : i32
        %dma_wait3A_130 = tpu.memref_slice %arg5[%arg0, %dma_wait3A_128, %dma_wait3A_129] : memref<2x10000x128xf32, #tpu.memory_space<hbm>> -> memref<1x16x128xf32, #tpu.memory_space<hbm>>
        %dma_wait3A_131 = tpu.memref_squeeze %dma_wait3A_130 : memref<1x16x128xf32, #tpu.memory_space<hbm>> -> memref<16x128xf32, #tpu.memory_space<hbm>>
        %dma_wait3A_132 = arith.constant 9984 : i32
        %dma_wait3A_133 = arith.constant 0 : i32
        %dma_wait3A_134 = tpu.memref_slice %arg22[%dma_wait3A_132, %dma_wait3A_133] : memref<10000x128xf32, #tpu.memory_space<vmem_shared>> -> memref<16x128xf32, #tpu.memory_space<vmem_shared>>
        tpu.wait_dma2 semaphore(%run_scoped3A : memref<!tpu.dma_semaphore, #tpu.memory_space<semaphore_mem>>) src(%dma_wait3A_134 : memref<16x128xf32, #tpu.memory_space<vmem_shared>>) dst(%dma_wait3A_131 : memref<16x128xf32, #tpu.memory_space<hbm>>)
        tpu.yield
      }) : () -> ()
    } else {
    }
    return
  }
}

module attributes {stable_mosaic.version = 14 : i64} {
  func.func @body(%arg0: i32, %arg1: memref<2x2000x1xf32, #tpu.memory_space<vmem>>, %arg2: memref<2000x128xf32, #tpu.memory_space<vmem>>, %arg3: memref<128x128xf32, #tpu.memory_space<vmem>>, %arg4: memref<128x128xf32, #tpu.memory_space<vmem>>, %arg5: memref<1x128xf32, #tpu.memory_space<vmem>>, %arg6: memref<2000x128xf32, #tpu.memory_space<vmem>>, %arg7: memref<2000x128xf32, #tpu.memory_space<vmem>>, %arg8: memref<2000x1xf32, #tpu.memory_space<vmem>>) attributes {dimension_semantics = [#tpu.dimension_semantics<arbitrary>], iteration_bounds = array<i64: 5>, scalar_prefetch = 0 : i64, scratch_operands = 0 : i64, tpu.core_type = #tpu.core_type<tc>, window_params = [{transform_indices = @transform_0, window_bounds = array<i64: 2, 2000, 1>}, {transform_indices = @transform_1, window_bounds = array<i64: 2000, 128>}, {pipeline_mode = #tpu.pipeline_mode<synchronous>, transform_indices = @transform_2, window_bounds = array<i64: 128, 128>}, {pipeline_mode = #tpu.pipeline_mode<synchronous>, transform_indices = @transform_3, window_bounds = array<i64: 128, 128>}, {pipeline_mode = #tpu.pipeline_mode<synchronous>, transform_indices = @transform_4, window_bounds = array<i64: 1, 128>}, {transform_indices = @transform_5, window_bounds = array<i64: 2000, 128>}, {transform_indices = @transform_6, window_bounds = array<i64: 2000, 128>}, {transform_indices = @transform_7, window_bounds = array<i64: 2000, 1>}]} {
    %get3A = arith.constant 0 : index
    %get3A_0 = arith.constant 0 : index
    %get3A_1 = arith.constant 0 : index
    %get3A_2 = vector.load %arg1[%get3A, %get3A_0, %get3A_1] : memref<2x2000x1xf32, #tpu.memory_space<vmem>>, vector<1x2000x1xf32>
    %get3A_3 = vector.shape_cast %get3A_2 : vector<1x2000x1xf32> to vector<2000x1xf32>
    %get3A_4 = arith.constant 1 : index
    %get3A_5 = arith.constant 0 : index
    %get3A_6 = arith.constant 0 : index
    %get3A_7 = vector.load %arg1[%get3A_4, %get3A_5, %get3A_6] : memref<2x2000x1xf32, #tpu.memory_space<vmem>>, vector<1x2000x1xf32>
    %get3A_8 = vector.shape_cast %get3A_7 : vector<1x2000x1xf32> to vector<2000x1xf32>
    %add3A = arith.addf %get3A_3, %get3A_8 : vector<2000x1xf32>
    %add3A_9 = arith.constant 1.000000e+00 : f32
    %add3A_10 = vector.broadcast %add3A_9 : f32 to vector<2000x1xf32>
    %add3A_11 = arith.addf %add3A, %add3A_10 : vector<2000x1xf32>
    %rsqrt3A = math.rsqrt %add3A_11 : vector<2000x1xf32>
    %get3A_12 = arith.constant 0 : index
    %get3A_13 = arith.constant 0 : index
    %get3A_14 = vector.load %arg2[%get3A_12, %get3A_13] : memref<2000x128xf32, #tpu.memory_space<vmem>>, vector<2000x128xf32>
    %get3A_15 = arith.constant 0 : index
    %get3A_16 = arith.constant 0 : index
    %get3A_17 = vector.load %arg3[%get3A_15, %get3A_16] : memref<128x128xf32, #tpu.memory_space<vmem>>, vector<128x128xf32>
    %dot_general3A = arith.constant dense<0.000000e+00> : vector<2000x128xf32>
    %dot_general3A_18 = tpu.matmul %get3A_14, %get3A_17, %dot_general3A {dimension_numbers = #tpu.dot_dimension_numbers<[1], [0], [0], [1], [0, 0, 1, 1], [], []>, transpose_lhs_hint = false} : vector<2000x128xf32>, vector<128x128xf32>, vector<2000x128xf32> -> vector<2000x128xf32>
    %mul3A = vector.broadcast %rsqrt3A : vector<2000x1xf32> to vector<2000x128xf32>
    %mul3A_19 = arith.mulf %mul3A, %dot_general3A_18 : vector<2000x128xf32>
    %swap3A = arith.constant 0 : index
    %swap3A_20 = arith.constant 0 : index
    %swap3A_21 = vector.load %arg6[%swap3A, %swap3A_20] : memref<2000x128xf32, #tpu.memory_space<vmem>>, vector<2000x128xf32>
    tpu.vector_store %arg6[%swap3A, %swap3A_20], %mul3A_19 {strides = array<i32>} : memref<2000x128xf32, #tpu.memory_space<vmem>>, vector<2000x128xf32>,
    %get3A_22 = arith.constant 0 : index
    %get3A_23 = arith.constant 0 : index
    %get3A_24 = vector.load %arg4[%get3A_22, %get3A_23] : memref<128x128xf32, #tpu.memory_space<vmem>>, vector<128x128xf32>
    %dot_general3A_25 = arith.constant dense<0.000000e+00> : vector<2000x128xf32>
    %dot_general3A_26 = tpu.matmul %get3A_14, %get3A_24, %dot_general3A_25 {dimension_numbers = #tpu.dot_dimension_numbers<[1], [0], [0], [1], [0, 0, 1, 1], [], []>, transpose_lhs_hint = false} : vector<2000x128xf32>, vector<128x128xf32>, vector<2000x128xf32> -> vector<2000x128xf32>
    %get3A_27 = arith.constant 0 : index
    %get3A_28 = arith.constant 0 : index
    %get3A_29 = vector.load %arg5[%get3A_27, %get3A_28] : memref<1x128xf32, #tpu.memory_space<vmem>>, vector<1x128xf32>
    %add3A_30 = vector.broadcast %get3A_29 : vector<1x128xf32> to vector<2000x128xf32>
    %add3A_31 = arith.addf %dot_general3A_26, %add3A_30 : vector<2000x128xf32>
    %swap3A_32 = arith.constant 0 : index
    %swap3A_33 = arith.constant 0 : index
    %swap3A_34 = vector.load %arg7[%swap3A_32, %swap3A_33] : memref<2000x128xf32, #tpu.memory_space<vmem>>, vector<2000x128xf32>
    tpu.vector_store %arg7[%swap3A_32, %swap3A_33], %add3A_31 {strides = array<i32>} : memref<2000x128xf32, #tpu.memory_space<vmem>>, vector<2000x128xf32>,
    %swap3A_35 = arith.constant 0 : index
    %swap3A_36 = arith.constant 0 : index
    %swap3A_37 = vector.load %arg8[%swap3A_35, %swap3A_36] : memref<2000x1xf32, #tpu.memory_space<vmem>>, vector<2000x1xf32>
    tpu.vector_store %arg8[%swap3A_35, %swap3A_36], %rsqrt3A {strides = array<i32>} : memref<2000x1xf32, #tpu.memory_space<vmem>>, vector<2000x1xf32>,
    return
  }
  func.func @transform_0(%arg0: i32) -> (i32, i32, i32) {
    %c0_i32 = arith.constant 0 : i32
    %c0_i32_0 = arith.constant 0 : i32
    %c0_i32_1 = arith.constant 0 : i32
    return %c0_i32, %arg0, %c0_i32_0 : i32, i32, i32
  }
  func.func @transform_1(%arg0: i32) -> (i32, i32) {
    %c0_i32 = arith.constant 0 : i32
    %c0_i32_0 = arith.constant 0 : i32
    return %arg0, %c0_i32 : i32, i32
  }
  func.func @transform_2(%arg0: i32) -> (i32, i32) {
    %c0_i32 = arith.constant 0 : i32
    %c0_i32_0 = arith.constant 0 : i32
    %c0_i32_1 = arith.constant 0 : i32
    return %c0_i32, %c0_i32_0 : i32, i32
  }
  func.func @transform_3(%arg0: i32) -> (i32, i32) {
    %c0_i32 = arith.constant 0 : i32
    %c0_i32_0 = arith.constant 0 : i32
    %c0_i32_1 = arith.constant 0 : i32
    return %c0_i32, %c0_i32_0 : i32, i32
  }
  func.func @transform_4(%arg0: i32) -> (i32, i32) {
    %c0_i32 = arith.constant 0 : i32
    %c0_i32_0 = arith.constant 0 : i32
    %c0_i32_1 = arith.constant 0 : i32
    return %c0_i32, %c0_i32_0 : i32, i32
  }
  func.func @transform_5(%arg0: i32) -> (i32, i32) {
    %c0_i32 = arith.constant 0 : i32
    %c0_i32_0 = arith.constant 0 : i32
    return %arg0, %c0_i32 : i32, i32
  }
  func.func @transform_6(%arg0: i32) -> (i32, i32) {
    %c0_i32 = arith.constant 0 : i32
    %c0_i32_0 = arith.constant 0 : i32
    return %arg0, %c0_i32 : i32, i32
  }
  func.func @transform_7(%arg0: i32) -> (i32, i32) {
    %c0_i32 = arith.constant 0 : i32
    %c0_i32_0 = arith.constant 0 : i32
    return %arg0, %c0_i32 : i32, i32
  }
}

module attributes {stable_mosaic.version = 14 : i64} {
  func.func @body(%arg0: i32, %arg1: memref<2x2000x128xf32, #tpu.memory_space<vmem>>, %arg2: memref<2000x128xf32, #tpu.memory_space<vmem>>, %arg3: memref<2000x1xf32, #tpu.memory_space<vmem>>, %arg4: memref<2000x128xf32, #tpu.memory_space<vmem>>, %arg5: memref<1x128xf32, #tpu.memory_space<vmem>>, %arg6: memref<128x128xf32, #tpu.memory_space<vmem>>, %arg7: memref<128x128xf32, #tpu.memory_space<vmem>>, %arg8: memref<1x128xf32, #tpu.memory_space<vmem>>, %arg9: memref<2000x128xf32, #tpu.memory_space<vmem>>, %arg10: memref<2000x128xf32, #tpu.memory_space<vmem>>) attributes {dimension_semantics = [#tpu.dimension_semantics<arbitrary>], iteration_bounds = array<i64: 5>, scalar_prefetch = 0 : i64, scratch_operands = 0 : i64, tpu.core_type = #tpu.core_type<tc>, window_params = [{transform_indices = @transform_0, window_bounds = array<i64: 2, 2000, 128>}, {transform_indices = @transform_1, window_bounds = array<i64: 2000, 128>}, {transform_indices = @transform_2, window_bounds = array<i64: 2000, 1>}, {transform_indices = @transform_3, window_bounds = array<i64: 2000, 128>}, {pipeline_mode = #tpu.pipeline_mode<synchronous>, transform_indices = @transform_4, window_bounds = array<i64: 1, 128>}, {pipeline_mode = #tpu.pipeline_mode<synchronous>, transform_indices = @transform_5, window_bounds = array<i64: 128, 128>}, {pipeline_mode = #tpu.pipeline_mode<synchronous>, transform_indices = @transform_6, window_bounds = array<i64: 128, 128>}, {pipeline_mode = #tpu.pipeline_mode<synchronous>, transform_indices = @transform_7, window_bounds = array<i64: 1, 128>}, {transform_indices = @transform_8, window_bounds = array<i64: 2000, 128>}, {transform_indices = @transform_9, window_bounds = array<i64: 2000, 128>}]} {
    %get3A = arith.constant 0 : index
    %get3A_0 = arith.constant 0 : index
    %get3A_1 = vector.load %arg3[%get3A, %get3A_0] : memref<2000x1xf32, #tpu.memory_space<vmem>>, vector<2000x1xf32>
    %get3A_2 = arith.constant 0 : index
    %get3A_3 = arith.constant 0 : index
    %get3A_4 = arith.constant 0 : index
    %get3A_5 = vector.load %arg1[%get3A_2, %get3A_3, %get3A_4] : memref<2x2000x128xf32, #tpu.memory_space<vmem>>, vector<1x2000x128xf32>
    %get3A_6 = vector.shape_cast %get3A_5 : vector<1x2000x128xf32> to vector<2000x128xf32>
    %get3A_7 = arith.constant 1 : index
    %get3A_8 = arith.constant 0 : index
    %get3A_9 = arith.constant 0 : index
    %get3A_10 = vector.load %arg1[%get3A_7, %get3A_8, %get3A_9] : memref<2x2000x128xf32, #tpu.memory_space<vmem>>, vector<1x2000x128xf32>
    %get3A_11 = vector.shape_cast %get3A_10 : vector<1x2000x128xf32> to vector<2000x128xf32>
    %add3A = arith.addf %get3A_6, %get3A_11 : vector<2000x128xf32>
    %get3A_12 = arith.constant 0 : index
    %get3A_13 = arith.constant 0 : index
    %get3A_14 = vector.load %arg2[%get3A_12, %get3A_13] : memref<2000x128xf32, #tpu.memory_space<vmem>>, vector<2000x128xf32>
    %add3A_15 = arith.addf %add3A, %get3A_14 : vector<2000x128xf32>
    %mul3A = vector.broadcast %get3A_1 : vector<2000x1xf32> to vector<2000x128xf32>
    %mul3A_16 = arith.mulf %mul3A, %add3A_15 : vector<2000x128xf32>
    %get3A_17 = arith.constant 0 : index
    %get3A_18 = arith.constant 0 : index
    %get3A_19 = vector.load %arg5[%get3A_17, %get3A_18] : memref<1x128xf32, #tpu.memory_space<vmem>>, vector<1x128xf32>
    %add3A_20 = vector.broadcast %get3A_19 : vector<1x128xf32> to vector<2000x128xf32>
    %add3A_21 = arith.addf %mul3A_16, %add3A_20 : vector<2000x128xf32>
    %gt3A = arith.constant 0.000000e+00 : f32
    %gt3A_22 = vector.broadcast %gt3A : f32 to vector<2000x128xf32>
    %gt3A_23 = arith.cmpf ogt, %add3A_21, %gt3A_22 : vector<2000x128xf32>
    %min3A = arith.constant 0.000000e+00 : f32
    %min3A_24 = vector.broadcast %min3A : f32 to vector<2000x128xf32>
    %min3A_25 = arith.minimumf %add3A_21, %min3A_24 : vector<2000x128xf32>
    %exp3A = math.exp %min3A_25 : vector<2000x128xf32>
    %sub3A = arith.constant 1.000000e+00 : f32
    %sub3A_26 = vector.broadcast %sub3A : f32 to vector<2000x128xf32>
    %sub3A_27 = arith.subf %exp3A, %sub3A_26 : vector<2000x128xf32>
    %select_n3A = arith.select %gt3A_23, %add3A_21, %sub3A_27 : vector<2000x128xi1>, vector<2000x128xf32>
    %get3A_28 = arith.constant 0 : index
    %get3A_29 = arith.constant 0 : index
    %get3A_30 = vector.load %arg4[%get3A_28, %get3A_29] : memref<2000x128xf32, #tpu.memory_space<vmem>>, vector<2000x128xf32>
    %add3A_31 = arith.addf %select_n3A, %get3A_30 : vector<2000x128xf32>
    %get3A_32 = arith.constant 0 : index
    %get3A_33 = arith.constant 0 : index
    %get3A_34 = vector.load %arg6[%get3A_32, %get3A_33] : memref<128x128xf32, #tpu.memory_space<vmem>>, vector<128x128xf32>
    %dot_general3A = arith.constant dense<0.000000e+00> : vector<2000x128xf32>
    %dot_general3A_35 = tpu.matmul %add3A_31, %get3A_34, %dot_general3A {dimension_numbers = #tpu.dot_dimension_numbers<[1], [0], [0], [1], [0, 0, 1, 1], [], []>, transpose_lhs_hint = false} : vector<2000x128xf32>, vector<128x128xf32>, vector<2000x128xf32> -> vector<2000x128xf32>
    %mul3A_36 = vector.broadcast %get3A_1 : vector<2000x1xf32> to vector<2000x128xf32>
    %mul3A_37 = arith.mulf %mul3A_36, %dot_general3A_35 : vector<2000x128xf32>
    %swap3A = arith.constant 0 : index
    %swap3A_38 = arith.constant 0 : index
    %swap3A_39 = vector.load %arg9[%swap3A, %swap3A_38] : memref<2000x128xf32, #tpu.memory_space<vmem>>, vector<2000x128xf32>
    tpu.vector_store %arg9[%swap3A, %swap3A_38], %mul3A_37 {strides = array<i32>} : memref<2000x128xf32, #tpu.memory_space<vmem>>, vector<2000x128xf32>,
    %get3A_40 = arith.constant 0 : index
    %get3A_41 = arith.constant 0 : index
    %get3A_42 = vector.load %arg7[%get3A_40, %get3A_41] : memref<128x128xf32, #tpu.memory_space<vmem>>, vector<128x128xf32>
    %dot_general3A_43 = arith.constant dense<0.000000e+00> : vector<2000x128xf32>
    %dot_general3A_44 = tpu.matmul %add3A_31, %get3A_42, %dot_general3A_43 {dimension_numbers = #tpu.dot_dimension_numbers<[1], [0], [0], [1], [0, 0, 1, 1], [], []>, transpose_lhs_hint = false} : vector<2000x128xf32>, vector<128x128xf32>, vector<2000x128xf32> -> vector<2000x128xf32>
    %get3A_45 = arith.constant 0 : index
    %get3A_46 = arith.constant 0 : index
    %get3A_47 = vector.load %arg8[%get3A_45, %get3A_46] : memref<1x128xf32, #tpu.memory_space<vmem>>, vector<1x128xf32>
    %add3A_48 = vector.broadcast %get3A_47 : vector<1x128xf32> to vector<2000x128xf32>
    %add3A_49 = arith.addf %dot_general3A_44, %add3A_48 : vector<2000x128xf32>
    %swap3A_50 = arith.constant 0 : index
    %swap3A_51 = arith.constant 0 : index
    %swap3A_52 = vector.load %arg10[%swap3A_50, %swap3A_51] : memref<2000x128xf32, #tpu.memory_space<vmem>>, vector<2000x128xf32>
    tpu.vector_store %arg10[%swap3A_50, %swap3A_51], %add3A_49 {strides = array<i32>} : memref<2000x128xf32, #tpu.memory_space<vmem>>, vector<2000x128xf32>,
    return
  }
  func.func @transform_0(%arg0: i32) -> (i32, i32, i32) {
    %c0_i32 = arith.constant 0 : i32
    %c0_i32_0 = arith.constant 0 : i32
    %c0_i32_1 = arith.constant 0 : i32
    return %c0_i32, %arg0, %c0_i32_0 : i32, i32, i32
  }
  func.func @transform_1(%arg0: i32) -> (i32, i32) {
    %c0_i32 = arith.constant 0 : i32
    %c0_i32_0 = arith.constant 0 : i32
    return %arg0, %c0_i32 : i32, i32
  }
  func.func @transform_2(%arg0: i32) -> (i32, i32) {
    %c0_i32 = arith.constant 0 : i32
    %c0_i32_0 = arith.constant 0 : i32
    return %arg0, %c0_i32 : i32, i32
  }
  func.func @transform_3(%arg0: i32) -> (i32, i32) {
    %c0_i32 = arith.constant 0 : i32
    %c0_i32_0 = arith.constant 0 : i32
    return %arg0, %c0_i32 : i32, i32
  }
  func.func @transform_4(%arg0: i32) -> (i32, i32) {
    %c0_i32 = arith.constant 0 : i32
    %c0_i32_0 = arith.constant 0 : i32
    %c0_i32_1 = arith.constant 0 : i32
    return %c0_i32, %c0_i32_0 : i32, i32
  }
  func.func @transform_5(%arg0: i32) -> (i32, i32) {
    %c0_i32 = arith.constant 0 : i32
    %c0_i32_0 = arith.constant 0 : i32
    %c0_i32_1 = arith.constant 0 : i32
    return %c0_i32, %c0_i32_0 : i32, i32
  }
  func.func @transform_6(%arg0: i32) -> (i32, i32) {
    %c0_i32 = arith.constant 0 : i32
    %c0_i32_0 = arith.constant 0 : i32
    %c0_i32_1 = arith.constant 0 : i32
    return %c0_i32, %c0_i32_0 : i32, i32
  }
  func.func @transform_7(%arg0: i32) -> (i32, i32) {
    %c0_i32 = arith.constant 0 : i32
    %c0_i32_0 = arith.constant 0 : i32
    %c0_i32_1 = arith.constant 0 : i32
    return %c0_i32, %c0_i32_0 : i32, i32
  }
  func.func @transform_8(%arg0: i32) -> (i32, i32) {
    %c0_i32 = arith.constant 0 : i32
    %c0_i32_0 = arith.constant 0 : i32
    return %arg0, %c0_i32 : i32, i32
  }
  func.func @transform_9(%arg0: i32) -> (i32, i32) {
    %c0_i32 = arith.constant 0 : i32
    %c0_i32_0 = arith.constant 0 : i32
    return %arg0, %c0_i32 : i32, i32
  }
}

module attributes {stable_mosaic.version = 14 : i64} {
  func.func @body(%arg0: i32, %arg1: memref<2x2000x128xf32, #tpu.memory_space<vmem>>, %arg2: memref<2000x128xf32, #tpu.memory_space<vmem>>, %arg3: memref<2000x1xf32, #tpu.memory_space<vmem>>, %arg4: memref<2000x128xf32, #tpu.memory_space<vmem>>, %arg5: memref<1x128xf32, #tpu.memory_space<vmem>>, %arg6: memref<2000x128xf32, #tpu.memory_space<vmem>>) attributes {dimension_semantics = [#tpu.dimension_semantics<arbitrary>], iteration_bounds = array<i64: 5>, scalar_prefetch = 0 : i64, scratch_operands = 0 : i64, tpu.core_type = #tpu.core_type<tc>, window_params = [{transform_indices = @transform_0, window_bounds = array<i64: 2, 2000, 128>}, {transform_indices = @transform_1, window_bounds = array<i64: 2000, 128>}, {transform_indices = @transform_2, window_bounds = array<i64: 2000, 1>}, {transform_indices = @transform_3, window_bounds = array<i64: 2000, 128>}, {pipeline_mode = #tpu.pipeline_mode<synchronous>, transform_indices = @transform_4, window_bounds = array<i64: 1, 128>}, {transform_indices = @transform_5, window_bounds = array<i64: 2000, 128>}]} {
    %get3A = arith.constant 0 : index
    %get3A_0 = arith.constant 0 : index
    %get3A_1 = arith.constant 0 : index
    %get3A_2 = vector.load %arg1[%get3A, %get3A_0, %get3A_1] : memref<2x2000x128xf32, #tpu.memory_space<vmem>>, vector<1x2000x128xf32>
    %get3A_3 = vector.shape_cast %get3A_2 : vector<1x2000x128xf32> to vector<2000x128xf32>
    %get3A_4 = arith.constant 1 : index
    %get3A_5 = arith.constant 0 : index
    %get3A_6 = arith.constant 0 : index
    %get3A_7 = vector.load %arg1[%get3A_4, %get3A_5, %get3A_6] : memref<2x2000x128xf32, #tpu.memory_space<vmem>>, vector<1x2000x128xf32>
    %get3A_8 = vector.shape_cast %get3A_7 : vector<1x2000x128xf32> to vector<2000x128xf32>
    %add3A = arith.addf %get3A_3, %get3A_8 : vector<2000x128xf32>
    %get3A_9 = arith.constant 0 : index
    %get3A_10 = arith.constant 0 : index
    %get3A_11 = vector.load %arg3[%get3A_9, %get3A_10] : memref<2000x1xf32, #tpu.memory_space<vmem>>, vector<2000x1xf32>
    %get3A_12 = arith.constant 0 : index
    %get3A_13 = arith.constant 0 : index
    %get3A_14 = vector.load %arg2[%get3A_12, %get3A_13] : memref<2000x128xf32, #tpu.memory_space<vmem>>, vector<2000x128xf32>
    %add3A_15 = arith.addf %add3A, %get3A_14 : vector<2000x128xf32>
    %mul3A = vector.broadcast %get3A_11 : vector<2000x1xf32> to vector<2000x128xf32>
    %mul3A_16 = arith.mulf %mul3A, %add3A_15 : vector<2000x128xf32>
    %get3A_17 = arith.constant 0 : index
    %get3A_18 = arith.constant 0 : index
    %get3A_19 = vector.load %arg5[%get3A_17, %get3A_18] : memref<1x128xf32, #tpu.memory_space<vmem>>, vector<1x128xf32>
    %add3A_20 = vector.broadcast %get3A_19 : vector<1x128xf32> to vector<2000x128xf32>
    %add3A_21 = arith.addf %mul3A_16, %add3A_20 : vector<2000x128xf32>
    %get3A_22 = arith.constant 0 : index
    %get3A_23 = arith.constant 0 : index
    %get3A_24 = vector.load %arg4[%get3A_22, %get3A_23] : memref<2000x128xf32, #tpu.memory_space<vmem>>, vector<2000x128xf32>
    %add3A_25 = arith.addf %add3A_21, %get3A_24 : vector<2000x128xf32>
    %swap3A = arith.constant 0 : index
    %swap3A_26 = arith.constant 0 : index
    %swap3A_27 = vector.load %arg6[%swap3A, %swap3A_26] : memref<2000x128xf32, #tpu.memory_space<vmem>>, vector<2000x128xf32>
    tpu.vector_store %arg6[%swap3A, %swap3A_26], %add3A_25 {strides = array<i32>} : memref<2000x128xf32, #tpu.memory_space<vmem>>, vector<2000x128xf32>,
    return
  }
  func.func @transform_0(%arg0: i32) -> (i32, i32, i32) {
    %c0_i32 = arith.constant 0 : i32
    %c0_i32_0 = arith.constant 0 : i32
    %c0_i32_1 = arith.constant 0 : i32
    return %c0_i32, %arg0, %c0_i32_0 : i32, i32, i32
  }
  func.func @transform_1(%arg0: i32) -> (i32, i32) {
    %c0_i32 = arith.constant 0 : i32
    %c0_i32_0 = arith.constant 0 : i32
    return %arg0, %c0_i32 : i32, i32
  }
  func.func @transform_2(%arg0: i32) -> (i32, i32) {
    %c0_i32 = arith.constant 0 : i32
    %c0_i32_0 = arith.constant 0 : i32
    return %arg0, %c0_i32 : i32, i32
  }
  func.func @transform_3(%arg0: i32) -> (i32, i32) {
    %c0_i32 = arith.constant 0 : i32
    %c0_i32_0 = arith.constant 0 : i32
    return %arg0, %c0_i32 : i32, i32
  }
  func.func @transform_4(%arg0: i32) -> (i32, i32) {
    %c0_i32 = arith.constant 0 : i32
    %c0_i32_0 = arith.constant 0 : i32
    %c0_i32_1 = arith.constant 0 : i32
    return %c0_i32, %c0_i32_0 : i32, i32
  }
  func.func @transform_5(%arg0: i32) -> (i32, i32) {
    %c0_i32 = arith.constant 0 : i32
    %c0_i32_0 = arith.constant 0 : i32
    return %arg0, %c0_i32 : i32, i32
  }
}

</mosaic_0001>

<sc_bundles>
// kernel: kernel.10.cloned.1.call-start
scs
__scs_entry_jumppad:
0x0: {  	(pc) =	sbr.rel $0x88, $3  }
0x1: {  	(tag) =	ssettag $0x0;
	lr =	simm.s32 $0x1  }
0x2: {  	[smem:$0x3F93] =	sst lr;
	_ =	strace $0xD0000000  }
0x3: {  	_ = 	snop  }
0x4: {  	_ = 	snop  }
0x5: {  	_ = 	snop  }
0x6: {  	_ = 	snop  }
0x7: {  	_ = 	snop  }
__scs_overlays_trampoline_lowered:
0x8: {  	[smem:$0x3FA2] =	sst s0  }
0x9: {  	[smem:$0x3FA3] =	sst s1  }
0xa: {  	[smem:$0x3FA4] =	sst s2  }
0xb: {  	[smem:$0x3FA5] =	sst s3  }
0xc: {  	[smem:$0x3FA6] =	sst s4  }
0xd: {  	[smem:$0x3FA7] =	sst s5  }
0xe: {  	[smem:$0x3FA8] =	sst s6  }
0xf: {  	[smem:$0x3FA9] =	sst s7  }
0x10: {  	[smem:$0x3FAA] =	sst s8  }
0x11: {  	[smem:$0x3FAB] =	sst s9;
	s0 =	simm.s32 @!p0 $0x0  }
0x12: {  	s1 =	sld [smem:$0x3F91];
	s0 =	simm.s32 @p0 $0x1  }
0x13: {  	[smem:$0x3FAC] =	sst s0;
	s0 =	simm.s32 @!p1 $0x0  }
0x14: {  	s2 =	sld [smem:$0x3F90];
	s0 =	simm.s32 @p1 $0x1  }
0x15: {  	[smem:$0x3FAD] =	sst s0;
	s0 =	simm.s32 @!p2 $0x0  }
0x16: {  	s3 =	sld [smem:$0x3FDB];
	s0 =	simm.s32 @p2 $0x1  }
0x17: {  	s4 =	simm.s32 $0x1BF5;
	[smem:$0x3FAF] =	sst s0  }
0x18: {  	s0 =	sld [smem:$0x3F92];
	_ =	swait.ge [sflag:s4], $0x0  }
0x19: {  	s7 =	sld [smem:$0x3F93]  }
0x1a: {  	s8 =	sadd.s32 $0xFFFFE003, lr  }
0x1b: {  	s9 =	sadd.s32 $0xFFFFFEF7, lr;
	s5 =	simm.s32 $0xFFFFFFFF;
	p2 =	slt.u32 s8, $0xFFFFF086  }
0x1c: {  	p1 =	slt.u32 s9, $0xF7A;
	s5 =	simm.s32 @!p2 $0x0  }
0x1d: {  	s5 =	simm.s32 @p1 $0x1;
	p0 =	seq.s32 s7, s2  }
0x1e: {  	s7 =	smul.u32 @!p0 $0xF7A, s2;
	p2 =	seq.s32 @!p0 s5, $0x0  }
0x1f: {  	s9 =	smul.u32 $0xF7A, s1;
	s8 =	simm.s32 @!p0 $0x1BF5;
	p2 =	por !p2, p0  }
0x20: {  	[sflag:s8] =	ssyncset.s32 @!p0 $0xFFFFF086;
	s6 =	sadd.s32 @!p0 s3, s7;
	s7 =	simm.s32 @!p0 $0x108  }
0x21: {  	s3 =	sadd.s32 s3, s9;
	s6 =	sadd.s32 @!p0 $0x88, s6;
	s7 =	simm.s32 @p2 $0x1082  }
0x22: {  	[simem:s7], [sflag:s8] =	dma.local @!p0 [hbm:s6], $0xF7A  }
0x23: {  	s9 =	sor.u32 $0xD0000000, s2;
	s6 =	simm.s32 $0x108;
	_ =	swait.ge @!p0 [sflag:s8], $0x0  }
0x24: {  	s3 =	sadd.s32 $0x88, s3;
	s6 =	simm.s32 @!p1 $0x1082;
	[sflag:s4] =	ssyncset.s32 $0xFFFFF086  }
0x25: {  	[simem:s6], [sflag:s4] =	dma.local [hbm:s3], $0xF7A  }
0x26: {  	[smem:$0x3F93] =	sst s1;
	(tag) =	ssettag s2;
	_ =	strace s9  }
0x27: {  	s1 =	sld [smem:$0x3FA3]  }
0x28: {  	s2 =	sld [smem:$0x3FA4]  }
0x29: {  	s4 =	sld [smem:$0x3FA6]  }
0x2a: {  	p0 =	seq.s32 s5, $0x0;
	s5 =	sld [smem:$0x3FA7]  }
0x2b: {  	s6 =	sld [smem:$0x3FA8]  }
0x2c: {  	s7 =	sld [smem:$0x3FA9]  }
0x2d: {  	s3 =	simm.s32 $0x108;
	s8 =	sld [smem:$0x3FAA]  }
0x2e: {  	s3 =	simm.s32 @!p0 $0x1082;
	s9 =	sld [smem:$0x3FAB]  }
0x2f: {  	lr =	sadd.s32 s0, s3;
	s0 =	sld [smem:$0x3FA2]  }
0x30: {  	s3 =	sld [smem:$0x3FA5]  }
0x31: {  	[smem:$0x3FAE] =	sst s10  }
0x32: {  	s10 =	sld [smem:$0x3FAC];
	_ =	sdelay $0x3  }
0x33: {  	p0 =	seq.s32 s10, $0x1;
	s10 =	sld [smem:$0x3FAE];
	_ =	sdelay $0x3  }
0x34: {  	[smem:$0x3FAE] =	sst s10  }
0x35: {  	s10 =	sld [smem:$0x3FAD];
	_ =	sdelay $0x3  }
0x36: {  	p1 =	seq.s32 s10, $0x1;
	s10 =	sld [smem:$0x3FAE];
	_ =	sdelay $0x3  }
0x37: {  	[smem:$0x3FAE] =	sst s10  }
0x38: {  	s10 =	sld [smem:$0x3FAF]  }
0x39: {  	_ = 	snop;
	(pc) =	sbr.ind lr, $3  }
0x3a: {  	_ = 	snop  }
0x3b: {  	_ = 	snop  }
0x3c: {  	p2 =	seq.s32 s10, $0x1;
	s10 =	sld [smem:$0x3FAE]  }
0x3d: {  	_ =	shalt  }
0x3e: {  	_ =	shalt  }
0x3f: {  	_ =	shalt  }
0x40: {  	_ =	shalt  }
0x41: {  	_ =	shalt  }
0x42: {  	_ =	shalt  }
0x43: {  	_ =	shalt  }
0x44: {  	_ =	shalt  }
0x45: {  	_ =	shalt  }
0x46: {  	_ =	shalt  }
0x47: {  	_ =	shalt  }
0x48: {  	_ =	shalt  }
0x49: {  	_ =	shalt  }
0x4a: {  	_ =	shalt  }
0x4b: {  	_ =	shalt  }
0x4c: {  	_ =	shalt  }
0x4d: {  	_ =	shalt  }
0x4e: {  	_ =	shalt  }
0x4f: {  	_ =	shalt  }
0x50: {  	_ =	shalt  }
0x51: {  	_ =	shalt  }
0x52: {  	_ =	shalt  }
0x53: {  	_ =	shalt  }
0x54: {  	_ =	shalt  }
0x55: {  	_ =	shalt  }
0x56: {  	_ =	shalt  }
0x57: {  	_ =	shalt  }
0x58: {  	_ =	shalt  }
0x59: {  	_ =	shalt  }
0x5a: {  	_ =	shalt  }
0x5b: {  	_ =	shalt  }
0x5c: {  	_ =	shalt  }
0x5d: {  	_ =	shalt  }
0x5e: {  	_ =	shalt  }
0x5f: {  	_ =	shalt  }
0x60: {  	_ =	shalt  }
0x61: {  	_ =	shalt  }
0x62: {  	_ =	shalt  }
0x63: {  	_ =	shalt  }
0x64: {  	_ =	shalt  }
0x65: {  	_ =	shalt  }
0x66: {  	_ =	shalt  }
0x67: {  	_ =	shalt  }
0x68: {  	_ =	shalt  }
0x69: {  	_ =	shalt  }
0x6a: {  	_ =	shalt  }
0x6b: {  	_ =	shalt  }
0x6c: {  	_ =	shalt  }
0x6d: {  	_ =	shalt  }
0x6e: {  	_ =	shalt  }
0x6f: {  	_ =	shalt  }
0x70: {  	_ =	shalt  }
0x71: {  	_ =	shalt  }
0x72: {  	_ =	shalt  }
0x73: {  	_ =	shalt  }
0x74: {  	_ =	shalt  }
0x75: {  	_ =	shalt  }
0x76: {  	_ =	shalt  }
0x77: {  	_ =	shalt  }
0x78: {  	_ =	shalt  }
0x79: {  	_ =	shalt  }
0x7a: {  	_ =	shalt  }
0x7b: {  	_ =	shalt  }
0x7c: {  	_ =	shalt  }
0x7d: {  	_ =	shalt  }
0x7e: {  	_ =	shalt  }
0x7f: {  	_ =	shalt  }
0x80: {  	_ =	shalt  }
0x81: {  	_ =	shalt  }
0x82: {  	_ =	shalt  }
0x83: {  	_ =	shalt  }
0x84: {  	_ =	shalt  }
0x85: {  	_ =	shalt  }
0x86: {  	_ =	shalt  }
0x87: {  	_ =	shalt  }
.Lfunc_end0:
.L_simem_size_0:
called_computation_lowered:
.L_overlay_start_0:
0x88: {  	s2 =	sld [smem:$0x3FD9]  }
0x89: {  	s3 =	sld [smem:$0x3FFE];
	_ =	sdelay $0x1  }
0x8a: {  	s1 =	srdreg.scid  }
0x8b: {  	s0 =	sand.u32 $0x1, s1  }
0x8c: {  	s17 =	sshll.u32 s0, $0xA;
	s2 =	sadd.s32 s3, s2  }
0x8d: {  	s2 =	sadd.s32 s2, s17  }
0x8e: {  	[smem:$0x3FBA] =	sst s2  }
0x8f: {  	_ = 	snop  }
0x90: {  	s2 =	sld [smem:$0x3FD0];
	(tm) =	ssettm $0x1  }
0x91: {  	s18 =	sld [smem:$0x3FFB];
	_ =	sdelay $0x3  }
0x92: {  	_ =	strace s18  }
0x93: {  	s3 =	sld [smem:$0x3FFC];
	_ =	sdelay $0x3  }
0x94: {  	_ =	strace s3  }
0x95: {  	s3 =	sld [smem:$0x3FFD];
	_ =	sdelay $0x3  }
0x96: {  	_ =	strace s3  }
0x97: {  	_ =	strace $0x8FFFFFFF  }
0x98: {  	s19 =	sld [smem:$0x3FDB];
	_ =	sdelay $0x1  }
0x99: {  	s4 =	simm.s32 $_scs_section_size  }
0x9a: {  	s5 =	simm.s32 $_size__tile_overlayer_lowered;
	s6 =	simm.s32 $_tile_overlayer_lowered  }
0x9b: {  	s22 =	simm.s32 $0x1BFF;
	s21 =	sshll.u32 s6, $0x1;
	s3 =	sadd.s32 s4, s19  }
0x9c: {  	s7 =	simm.s32 $0x0;
	s20 =	sshll.u32 s5, $0x1;
	s5 =	sadd.s32 s21, s3  }
0x9d: {  	[timem:s7], [sflag:s22] =	dma.local [hbm:s5], s20  }
0x9e: {  	_ =	swait.ge [sflag:s22], s20  }
0x9f: {  	s4 =	ssub.s32 $0x0, s20;
	[sflag:s22] =	ssyncset.done $0x0  }
0xa0: {  	[sflag:s22] =	ssyncadd.s32 s4;
	_ =	sdelay $0x1  }
0xa1: {  	s23 =	simm.s32 $0x1B8B  }
0xa2: {  	_ =	swait.ge [sflag:s23], $0x1  }
0xa3: {  	[sflag:s23] =	ssyncset.done $0x0  }
0xa4: {  	s25 =	simm.s32 $0x1B8E;
	s24 =	sld [smem:$0x3FFE];
	[sflag:s23] =	ssyncadd.s32 $0xFFFFFFFF  }
0xa5: {  	s26 =	simm.s32 $execute0_lowered;
	[smem:$0x3FD2] =	sst s25  }
0xa6: {  	s5 =	sshll.u32 s26, $0x1;
	_ =	strace $0x80000046;
	[dreg:$0x1] =	wrdreg $0xFFFFFFFF  }
0xa7: {  	s28 =	simm.s32 $_size_execute0_lowered;
	s3 =	sadd.s32 s3, s5;
	[dreg:$0x0] =	wrdreg $0x0  }
0xa8: {  	s5 =	sshll.u32 s28, $0x1;
	[dreg:$0x2] =	wrdreg s3  }
0xa9: {  	[dreg:$0x3] =	wrdreg s5  }
0xaa: {  	[dreg:$0x4] =	wrdreg $0xC0  }
0xab: {  	_ =	task [dreg:s7], $0x5FFFF  }
0xac: {  	[dreg:$0x1] =	wrdreg $0xFFFFFFFF  }
0xad: {  	[dreg:$0x0] =	wrdreg $0x60  }
0xae: {  	[dreg:$0x2] =	wrdreg s2  }
0xaf: {  	[dreg:$0x3] =	wrdreg s24  }
0xb0: {  	[dreg:$0x4] =	wrdreg $0x2D800  }
0xb1: {  	[dreg:$0x5] =	wrdreg $0x9  }
0xb2: {  	_ =	task.clear_ibuf [dreg:s7], $0x6FFFF;
	_ =	strace $0x90000046  }
0xb3: {  	s29 =	simm.s32 $0x9;
	_ =	strace $0x80000048  }
0xb4: {  	_ =	swait.ge [sflag:s29], $0x1  }
0xb5: {  	[sflag:s29] =	ssyncadd.s32 $0xFFFFFFFF  }
0xb6: {  	_ =	strace $0x90000048  }
0xb7: {  	_ =	sfence  }
0xb8: {  	s30 =	sld [smem:$0x0];
	_ =	sdelay $0x2  }
0xb9: {  	s31 =	sshll.u32 s1, $0xD;
	s1 =	sshrl.u32 s1, $0x2  }
0xba: {  	s3 =	sand.u32 $0x4000, s31;
	s1 =	sadd.s32 s1, s30  }
0xbb: {  	s0 =	sor.u32 s3, s0;
	s1 =	sshll.u32 s1, $0x11  }
0xbc: {  	s0 =	sor.u32 s1, s0  }
0xbd: {  	s0 =	sadd.s32 $0x8F2B, s0  }
0xbe: {  	[sflag:s0] =	ssyncadd.remote.s32 $0x1  }
0xbf: {  	_ =	sfence.sel $0xFFFF  }
0xc0: {  	[dreg:$0x0] =	wrdreg $0xFFFFFFFF;
	(pc) =	sbr.abs _section_cstart, $3  }
0xc1: {  	[dreg:$0x1] =	wrdreg $0xFFFFFFFF  }
0xc2: {  	_ =	task.clear_ibuf [dreg:s7], $0x2FFFF;
	_ =	strace $0x9FFFFFFF  }
0xc3: {  	(tm) =	ssettm $0x7FFFFFFF  }
tec
execute0_lowered:
.L_overlay_start_1:
0x0: {  	(tag) =	ssettag $0x1  }
0x1: {  	s3 =	rddreg [dreg:$0x0]  }
0x2: {  	s0 =	srdreg.scid;
	s4 =	rddreg [dreg:$0x1]  }
0x3: {  	s1 =	rddreg [dreg:$0x2];
	s14 =	stileid.u32;
	s2 =	simm.s32 $0x0  }
0x4: {  	s10 =	simm.s32 $0x2780;
	s11 =	simm.s32 $0x2900;
	s12 =	simm.s32 $0x2800  }
0x5: {  	s13 =	simm.s32 $0x2;
	s15 =	simm.s32 $0x2880;
	s16 =	simm.s32 $0x3  }
0x6: {  	s18 =	simm.s32 $0x0;
	s5 =	sand.u32 $0x1, s0;
	s0 =	rddreg [dreg:$0x3]  }
0x7: {  	[smem:$0x7FF] =	sst s2;
	s8 =	sshll.u32 s14, $0x7;
	s9 =	smul.u32 $0xFA0, s14  }
0x8: {  	p1 =	sgt.u32 s14, $0x9;
	p0 =	sne.s32 s14, $0x0;
	s6 =	sshll.u32 s5, $0x4  }
0x9: {  	_ =	strace $0x80000047;
	s5 =	ssub.s32 $0x2, s5;
	s7 =	sor.u32 s14, s6  }
0xa: {  	s8 =	sand.u32 $0x380, s8;
	s17 =	sshrl.u32 @!p0 s1, $0x3;
	s7 =	sshrl.u32 s7, $0x3  }
0xb: {  	s6 =	sadd.s32 s6, s4;
	s28 =	sshrl.u32 s5, $0x1;
	s7 =	smul.u32 $0x13C00, s7  }
0xc: {  	s31 =	sshrl.u32 s9, $0x2;
	s9 =	simm.s32 $0x1;
	s14 =	simm.s32 $0x10  }
0xd: {  	s29 =	ssub.s32 s5, s28;
	s4 =	sadd.s32 s31, s1;
	s7 =	sor.u32 s8, s7  }
0xe: {  	s5 =	sadd.s32 $0xDE00, s6;
	s6 =	smax.u32 s29, $0x1;
	s30 =	sshrl.u32 s7, $0x3  }
0xf: {  	v0 =	vimm.f32 $0.0e+00;
	v1 =	vimm.f32 $1.000000000e+00;
	s8 =	simm.s32 $0x400;
	s7 =	simm.s32 $0x80;
	s3 =	sadd.s32 s3, s30  }
.LBB2_1:
0x10: {  	[tilespmem:s2], [sflag:$0x1] =	stream.strided.gather [hbm4b:s3+s7], $0x2780, s8, s7, $0x38;
	[tilespmem:$0x2FF8] =	vst v63  }
0x11: {  	s19 =	simm.s32 $0x40;
	s20 =	simm.s32 $0x0  }
.LBB2_2:
0x12: {  	p2 =	sne.s32 s19, $0xF80;
	[tilespmem:s20+$0x2980] =	vst v0;
	s20 =	smov.u32 s19;
	s19 =	sadd.s32 $0x40, s19  }
.Ltmp0:
0x13: {  	(pc) =	sbr.rel @p2 .LBB2_2-.Ltmp0, $2  }
0x14: {  	_ =	sdelay $0x2  }
0x15: {  	s20 =	sshra.s32 s20, $0x2  }
0x16: {  	[tilespmem:s20+$0x2980] =	vst v0  }
0x17: {  	[tilespmem:$0x2900] =	vst v1  }
0x18: {  	[tilespmem:$0x2910] =	vst v1  }
0x19: {  	[tilespmem:$0x2920] =	vst v1  }
0x1a: {  	[tilespmem:$0x2930] =	vst v1  }
0x1b: {  	[tilespmem:$0x2940] =	vst v1  }
0x1c: {  	[tilespmem:$0x2950] =	vst v1  }
0x1d: {  	[tilespmem:$0x2960] =	vst v1  }
0x1e: {  	s19 =	simm.s32 @!p1 $0x2980;
	[tilespmem:$0x2970] =	vst v1  }
0x1f: {  	[spmem:s4] =	stream.linear.scatter @!p1 [tilespmem:s19], [sflag:$0x3], $0x3E8, $0x38;
	[tilespmem:$0x2FF8] =	vst v63  }
0x20: {  	s19 =	simm.s32 @!p1 $0x3  }
0x21: {  	_ =	swait.ge @!p1 [sflag:s19], $0x3E8  }
0x22: {  	[sflag:s19] =	ssyncset.done @!p1 $0x0  }
0x23: {  	[sflag:s19] =	ssyncadd.s32 @!p1 $0xFFFFFC18  }
0x24: {  	_ =	swait.ge [sflag:s9], $0x2780  }
0x25: {  	[sflag:s9] =	ssyncset.done $0x0  }
0x26: {  	[sflag:s9] =	ssyncadd.s32 $0xFFFFD880  }
0x27: {  	[bflag:$0x0] =	sbarrier.arrive $0xFFFF  }
0x28: {  	v2 =	vld [tilespmem:$0x0]  }
0x29: {  	v3 =	vld [tilespmem:$0x10]  }
0x2a: {  	v4 =	vld [tilespmem:$0x20]  }
0x2b: {  	v5 =	vld [tilespmem:$0x30]  }
0x2c: {  	v6 =	vld [tilespmem:$0x40]  }
0x2d: {  	v63 =	vld [tilespmem:$0x70];
	[tilespmem:$0x2780] =	vst v2  }
0x2e: {  	v2 =	vld [tilespmem:$0x50];
	[tilespmem:$0x2790] =	vst v3  }
0x2f: {  	v3 =	vld [tilespmem:$0x60];
	[tilespmem:$0x27A0] =	vst v4  }
0x30: {  	[tilespmem:$0x27B0] =	vst v5  }
0x31: {  	[tilespmem:$0x27C0] =	vst v6  }
0x32: {  	[tilespmem:$0x27F0] =	vst v63  }
0x33: {  	[tilespmem:$0x27D0] =	vst v2  }
0x34: {  	s31 =	simm.s32 $0x0;
	[tilespmem:$0x27E0] =	vst v3  }
0x35: {  	[spmem:s1] =	stream.indirect.scatter.add.f32 [tilespmem:s11], [sflag:$0x1], $0x1, s10, s7, $0xb8;
	[tilespmem:$0x2FF8] =	vst v63  }
0x36: {  	v2 =	vld [tilespmem:s31+$0x80];
	_ =	sdelay $0x4  }
0x37: {  	[tilespmem:$0x2800] =	vst v2  }
0x38: {  	v2 =	vld [tilespmem:s31+$0x90];
	_ =	sdelay $0x4  }
0x39: {  	[tilespmem:$0x2810] =	vst v2  }
0x3a: {  	v2 =	vld [tilespmem:s31+$0xA0];
	_ =	sdelay $0x4  }
0x3b: {  	[tilespmem:$0x2820] =	vst v2  }
0x3c: {  	v2 =	vld [tilespmem:s31+$0xB0];
	_ =	sdelay $0x4  }
0x3d: {  	[tilespmem:$0x2830] =	vst v2  }
0x3e: {  	v2 =	vld [tilespmem:s31+$0xC0];
	_ =	sdelay $0x4  }
0x3f: {  	[tilespmem:$0x2840] =	vst v2  }
0x40: {  	v2 =	vld [tilespmem:s31+$0xD0];
	_ =	sdelay $0x4  }
0x41: {  	[tilespmem:$0x2850] =	vst v2  }
0x42: {  	v2 =	vld [tilespmem:s31+$0xE0];
	_ =	sdelay $0x4  }
0x43: {  	[tilespmem:$0x2860] =	vst v2  }
0x44: {  	v2 =	vld [tilespmem:s31+$0xF0];
	_ =	sdelay $0x4  }
0x45: {  	[tilespmem:$0x2870] =	vst v2  }
0x46: {  	[spmem:s1] =	stream.indirect.scatter.add.f32 [tilespmem:s11], [sflag:$0x2], $0x1, s12, s7, $0xb8;
	[tilespmem:$0x2FF8] =	vst v63  }
0x47: {  	_ =	swait.ge [sflag:s9], $0x80  }
0x48: {  	[sflag:s9] =	ssyncset.done $0x0  }
0x49: {  	[sflag:s9] =	ssyncadd.s32 $0xFFFFFF80  }
0x4a: {  	v2 =	vld [tilespmem:s31+$0x100];
	_ =	sdelay $0x4  }
0x4b: {  	[tilespmem:$0x2780] =	vst v2  }
0x4c: {  	v2 =	vld [tilespmem:s31+$0x110];
	_ =	sdelay $0x4  }
0x4d: {  	[tilespmem:$0x2790] =	vst v2  }
0x4e: {  	v2 =	vld [tilespmem:s31+$0x120];
	_ =	sdelay $0x4  }
0x4f: {  	[tilespmem:$0x27A0] =	vst v2  }
0x50: {  	v2 =	vld [tilespmem:s31+$0x130];
	_ =	sdelay $0x4  }
0x51: {  	[tilespmem:$0x27B0] =	vst v2  }
0x52: {  	v2 =	vld [tilespmem:s31+$0x140];
	_ =	sdelay $0x4  }
0x53: {  	[tilespmem:$0x27C0] =	vst v2  }
0x54: {  	v2 =	vld [tilespmem:s31+$0x150];
	_ =	sdelay $0x4  }
0x55: {  	[tilespmem:$0x27D0] =	vst v2  }
0x56: {  	v2 =	vld [tilespmem:s31+$0x160];
	_ =	sdelay $0x4  }
0x57: {  	[tilespmem:$0x27E0] =	vst v2  }
0x58: {  	v2 =	vld [tilespmem:s31+$0x170];
	_ =	sdelay $0x4  }
0x59: {  	[tilespmem:$0x27F0] =	vst v2  }
0x5a: {  	[spmem:s1] =	stream.indirect.scatter.add.f32 [tilespmem:s11], [sflag:$0x1], $0x1, s10, s7, $0xb8;
	[tilespmem:$0x2FF8] =	vst v63  }
0x5b: {  	_ =	swait.ge [sflag:s13], $0x80  }
0x5c: {  	s22 =	simm.s32 $0x800;
	s19 =	simm.s32 $0x400;
	[sflag:s13] =	ssyncset.done $0x0  }
.LBB2_4:
0x5d: {  	s21 =	sshra.s32 s19, $0x2  }
0x5e: {  	[sflag:s13] =	ssyncadd.s32 $0xFFFFFF80;
	s19 =	smov.u32 s22;
	s20 =	sadd.s32 $0x400, s22  }
0x5f: {  	p2 =	sne.s32 s22, $0x9400;
	v2 =	vld [tilespmem:s21+$0x80];
	_ =	sdelay $0x4  }
0x60: {  	[tilespmem:$0x2800] =	vst v2  }
0x61: {  	v2 =	vld [tilespmem:s21+$0x90];
	_ =	sdelay $0x4  }
0x62: {  	[tilespmem:$0x2810] =	vst v2  }
0x63: {  	v2 =	vld [tilespmem:s21+$0xA0];
	_ =	sdelay $0x4  }
0x64: {  	[tilespmem:$0x2820] =	vst v2  }
0x65: {  	v2 =	vld [tilespmem:s21+$0xB0];
	_ =	sdelay $0x4  }
0x66: {  	[tilespmem:$0x2830] =	vst v2  }
0x67: {  	v2 =	vld [tilespmem:s21+$0xC0];
	_ =	sdelay $0x4  }
0x68: {  	[tilespmem:$0x2840] =	vst v2  }
0x69: {  	v2 =	vld [tilespmem:s21+$0xD0];
	_ =	sdelay $0x4  }
0x6a: {  	[tilespmem:$0x2850] =	vst v2  }
0x6b: {  	v2 =	vld [tilespmem:s21+$0xE0];
	_ =	sdelay $0x4  }
0x6c: {  	[tilespmem:$0x2860] =	vst v2  }
0x6d: {  	v2 =	vld [tilespmem:s21+$0xF0];
	_ =	sdelay $0x4  }
0x6e: {  	[tilespmem:$0x2870] =	vst v2  }
0x6f: {  	[spmem:s1] =	stream.indirect.scatter.add.f32 [tilespmem:s11], [sflag:$0x2], $0x1, s12, s7, $0xb8;
	[tilespmem:$0x2FF8] =	vst v63  }
0x70: {  	_ =	swait.ge [sflag:s9], $0x80  }
0x71: {  	[sflag:s9] =	ssyncset.done $0x0  }
0x72: {  	[sflag:s9] =	ssyncadd.s32 $0xFFFFFF80  }
0x73: {  	v2 =	vld [tilespmem:s21+$0x100];
	_ =	sdelay $0x4  }
0x74: {  	[tilespmem:$0x2780] =	vst v2  }
0x75: {  	v2 =	vld [tilespmem:s21+$0x110];
	_ =	sdelay $0x4  }
0x76: {  	[tilespmem:$0x2790] =	vst v2  }
0x77: {  	v2 =	vld [tilespmem:s21+$0x120];
	_ =	sdelay $0x4  }
0x78: {  	[tilespmem:$0x27A0] =	vst v2  }
0x79: {  	v2 =	vld [tilespmem:s21+$0x130];
	_ =	sdelay $0x4  }
0x7a: {  	[tilespmem:$0x27B0] =	vst v2  }
0x7b: {  	v2 =	vld [tilespmem:s21+$0x140];
	_ =	sdelay $0x4  }
0x7c: {  	[tilespmem:$0x27C0] =	vst v2  }
0x7d: {  	v2 =	vld [tilespmem:s21+$0x150];
	_ =	sdelay $0x4  }
0x7e: {  	[tilespmem:$0x27D0] =	vst v2  }
0x7f: {  	v2 =	vld [tilespmem:s21+$0x160];
	_ =	sdelay $0x4  }
0x80: {  	[tilespmem:$0x27E0] =	vst v2  }
0x81: {  	v2 =	vld [tilespmem:s21+$0x170];
	_ =	sdelay $0x3  }
.Ltmp1:
0x82: {  	(pc) =	sbr.rel @p2 .LBB2_4-.Ltmp1, $4  }
0x83: {  	[tilespmem:$0x27F0] =	vst v2  }
0x84: {  	[spmem:s1] =	stream.indirect.scatter.add.f32 [tilespmem:s11], [sflag:$0x1], $0x1, s10, s7, $0xb8;
	[tilespmem:$0x2FF8] =	vst v63  }
0x85: {  	_ =	swait.ge [sflag:s13], $0x80  }
0x86: {  	s22 =	smov.u32 s20;
	[sflag:s13] =	ssyncset.done $0x0  }
0x87: {  	s19 =	sshra.s32 s19, $0x2;
	[sflag:s13] =	ssyncadd.s32 $0xFFFFFF80  }
0x88: {  	v2 =	vld [tilespmem:s19+$0x80];
	_ =	sdelay $0x4  }
0x89: {  	[tilespmem:$0x2800] =	vst v2  }
0x8a: {  	v2 =	vld [tilespmem:s19+$0x90];
	_ =	sdelay $0x4  }
0x8b: {  	[tilespmem:$0x2810] =	vst v2  }
0x8c: {  	v2 =	vld [tilespmem:s19+$0xA0];
	_ =	sdelay $0x4  }
0x8d: {  	[tilespmem:$0x2820] =	vst v2  }
0x8e: {  	v2 =	vld [tilespmem:s19+$0xB0];
	_ =	sdelay $0x4  }
0x8f: {  	[tilespmem:$0x2830] =	vst v2  }
0x90: {  	v2 =	vld [tilespmem:s19+$0xC0];
	_ =	sdelay $0x4  }
0x91: {  	[tilespmem:$0x2840] =	vst v2  }
0x92: {  	v2 =	vld [tilespmem:s19+$0xD0];
	_ =	sdelay $0x4  }
0x93: {  	[tilespmem:$0x2850] =	vst v2  }
0x94: {  	v2 =	vld [tilespmem:s19+$0xE0];
	_ =	sdelay $0x4  }
0x95: {  	[tilespmem:$0x2860] =	vst v2  }
0x96: {  	v2 =	vld [tilespmem:s19+$0xF0];
	_ =	sdelay $0x4  }
0x97: {  	[tilespmem:$0x2870] =	vst v2  }
0x98: {  	[spmem:s1] =	stream.indirect.scatter.add.f32 [tilespmem:s11], [sflag:$0x2], $0x1, s12, s7, $0xb8;
	[tilespmem:$0x2FF8] =	vst v63  }
0x99: {  	_ =	swait.ge [sflag:s9], $0x80  }
0x9a: {  	[sflag:s9] =	ssyncset.done $0x0  }
0x9b: {  	[sflag:s9] =	ssyncadd.s32 $0xFFFFFF80  }
0x9c: {  	v2 =	vld [tilespmem:s19+$0x100];
	_ =	sdelay $0x4  }
0x9d: {  	[tilespmem:$0x2780] =	vst v2  }
0x9e: {  	v2 =	vld [tilespmem:s19+$0x110];
	_ =	sdelay $0x4  }
0x9f: {  	[tilespmem:$0x2790] =	vst v2  }
0xa0: {  	v2 =	vld [tilespmem:s19+$0x120];
	_ =	sdelay $0x4  }
0xa1: {  	[tilespmem:$0x27A0] =	vst v2  }
0xa2: {  	v2 =	vld [tilespmem:s19+$0x130];
	_ =	sdelay $0x4  }
0xa3: {  	[tilespmem:$0x27B0] =	vst v2  }
0xa4: {  	v2 =	vld [tilespmem:s19+$0x140];
	_ =	sdelay $0x4  }
0xa5: {  	[tilespmem:$0x27C0] =	vst v2  }
0xa6: {  	v2 =	vld [tilespmem:s19+$0x150];
	_ =	sdelay $0x4  }
0xa7: {  	[tilespmem:$0x27D0] =	vst v2  }
0xa8: {  	v2 =	vld [tilespmem:s19+$0x160];
	_ =	sdelay $0x4  }
0xa9: {  	[tilespmem:$0x27E0] =	vst v2  }
0xaa: {  	v2 =	vld [tilespmem:s19+$0x170];
	_ =	sdelay $0x4  }
0xab: {  	[tilespmem:$0x27F0] =	vst v2  }
0xac: {  	[spmem:s1] =	stream.indirect.scatter.add.f32 [tilespmem:s11], [sflag:$0x1], $0x1, s10, s7, $0xb8;
	[tilespmem:$0x2FF8] =	vst v63  }
0xad: {  	_ =	swait.ge [sflag:s13], $0x80  }
0xae: {  	[sflag:s13] =	ssyncset.done $0x0  }
0xaf: {  	[sflag:s13] =	ssyncadd.s32 $0xFFFFFF80  }
0xb0: {  	v2 =	vld [tilespmem:$0x2680]  }
0xb1: {  	v3 =	vld [tilespmem:$0x2690]  }
0xb2: {  	v4 =	vld [tilespmem:$0x26A0]  }
0xb3: {  	v5 =	vld [tilespmem:$0x26B0]  }
0xb4: {  	v6 =	vld [tilespmem:$0x26C0]  }
0xb5: {  	v63 =	vld [tilespmem:$0x26F0];
	[tilespmem:$0x2800] =	vst v2  }
0xb6: {  	v2 =	vld [tilespmem:$0x26D0];
	[tilespmem:$0x2810] =	vst v3  }
0xb7: {  	v3 =	vld [tilespmem:$0x26E0];
	[tilespmem:$0x2820] =	vst v4  }
0xb8: {  	[tilespmem:$0x2830] =	vst v5  }
0xb9: {  	[tilespmem:$0x2840] =	vst v6  }
0xba: {  	[tilespmem:$0x2870] =	vst v63  }
0xbb: {  	[tilespmem:$0x2850] =	vst v2  }
0xbc: {  	[tilespmem:$0x2860] =	vst v3  }
0xbd: {  	[spmem:s1] =	stream.indirect.scatter.add.f32 [tilespmem:s11], [sflag:$0x2], $0x1, s12, s7, $0xb8;
	[tilespmem:$0x2FF8] =	vst v63  }
0xbe: {  	_ =	swait.ge [sflag:s9], $0x80  }
0xbf: {  	[sflag:s9] =	ssyncset.done $0x0  }
0xc0: {  	[sflag:s9] =	ssyncadd.s32 $0xFFFFFF80  }
0xc1: {  	_ =	swait.ge [sflag:s13], $0x80  }
0xc2: {  	[sflag:s13] =	ssyncset.done $0x0  }
0xc3: {  	[sflag:s13] =	ssyncadd.s32 $0xFFFFFF80  }
0xc4: {  	v2 =	vld [tilespmem:$0x2700];
	_ =	sdelay $0x4  }
0xc5: {  	[tilespmem:$0x2880] =	vst v2  }
0xc6: {  	[spmem:s1] =	stream.indirect.scatter.add.f32 [tilespmem:s11], [sflag:$0x3], $0x1, s15, s14, $0xb8;
	[tilespmem:$0x2FF8] =	vst v63  }
0xc7: {  	_ =	swait.ge [sflag:s16], $0x10  }
0xc8: {  	s20 =	simm.s32 @!p0 $0x20;
	s21 =	simm.s32 @!p0 $0x10;
	[sflag:s16] =	ssyncset.done $0x0  }
0xc9: {  	s22 =	simm.s32 @!p0 $0x1C03;
	s18 =	sadd.s32 $0x1, s18;
	[sflag:s16] =	ssyncadd.s32 $0xFFFFFFF0  }
0xca: {  	p2 =	sne.s32 s18, s6;
	s19 =	simm.s32 @!p0 $0x1;
	[bflag:$0x0] =	sbarrier.arrive $0xFFFF  }
0xcb: {  	[hbm:s5@s20], [sflag:s22] =	dma.strided @!p0 [spmem:s17@s21], $0x4F0, s19, $0x10   }
.Ltmp2:
0xcc: {  	_ = 	snop;
	(pc) =	sbr.rel @p2 .LBB2_1-.Ltmp2, $4  }
0xcd: {  	s19 =	simm.s32 @!p0 $0x3  }
0xce: {  	_ =	swait.ge @!p0 [sflag:s19], $0x4F0  }
0xcf: {  	[sflag:s19] =	ssyncset.done @!p0 $0x0  }
0xd0: {  	[sflag:s19] =	ssyncadd.s32 @!p0 $0xFFFFFB10  }
0xd1: {  	_ =	sfence.sel $0x180000  }
0xd2: {  	[bflag:$0x0] =	sbarrier.arrive $0xFFFF  }
0xd3: {  	_ =	strace $0x90000047  }
0xd4: {  	s0 =	sadd.s32 @!p0 $0x100000, s0;
	[bflag:$0x2] =	sbarrier.arrive $0xFFFF  }
0xd5: {  	[sflag:s0] =	ssyncadd.tile.s32 @!p0 $0x1;
	_ =	shalt  }
.Lfunc_end2:
_tile_overlayer_lowered:
.L_overlay_start_2:
0xd6: {  	(tag) =	ssettag $0x2  }
0xd7: {  	s0 =	rddreg [dreg:$0x0];
	s2 =	stileid.u32  }
0xd8: {  	s1 =	rddreg [dreg:$0x1];
	p0 =	sne.s32 s2, $0x0  }
0xd9: {  	s3 =	rddreg [dreg:$0x2];
	[bflag:$0x3] =	sbarrier.arrive $0xFFFF;
	s2 =	simm.s32 @!p0 $0x1C03  }
0xda: {  	[timem:s3], [sflag:s2] =	dma.local @!p0 [hbm:s0], s1  }
0xdb: {  	s0 =	simm.s32 @!p0 $0x3  }
0xdc: {  	_ =	swait.ge @!p0 [sflag:s0], s1  }
0xdd: {  	s1 =	ssub.s32 @!p0 $0x0, s1;
	[sflag:s0] =	ssyncset.done @!p0 $0x0  }
0xde: {  	[sflag:s0] =	ssyncadd.s32 @!p0 s1  }
0xdf: {  	[bflag:$0x3] =	sbarrier.arrive $0xFFFF  }
0xe0: {  	_ =	shalt  }

// kernel: kernel.13.cloned.1.call-start
scs
__scs_entry_jumppad:
0x0: {  	(pc) =	sbr.rel $0x88, $3  }
0x1: {  	(tag) =	ssettag $0x0;
	lr =	simm.s32 $0x1  }
0x2: {  	[smem:$0x3F93] =	sst lr;
	_ =	strace $0xD0000000  }
0x3: {  	_ = 	snop  }
0x4: {  	_ = 	snop  }
0x5: {  	_ = 	snop  }
0x6: {  	_ = 	snop  }
0x7: {  	_ = 	snop  }
__scs_overlays_trampoline_lowered:
0x8: {  	[smem:$0x3FA2] =	sst s0  }
0x9: {  	[smem:$0x3FA3] =	sst s1  }
0xa: {  	[smem:$0x3FA4] =	sst s2  }
0xb: {  	[smem:$0x3FA5] =	sst s3  }
0xc: {  	[smem:$0x3FA6] =	sst s4  }
0xd: {  	[smem:$0x3FA7] =	sst s5  }
0xe: {  	[smem:$0x3FA8] =	sst s6  }
0xf: {  	[smem:$0x3FA9] =	sst s7  }
0x10: {  	[smem:$0x3FAA] =	sst s8  }
0x11: {  	[smem:$0x3FAB] =	sst s9;
	s0 =	simm.s32 @!p0 $0x0  }
0x12: {  	s1 =	sld [smem:$0x3F91];
	s0 =	simm.s32 @p0 $0x1  }
0x13: {  	[smem:$0x3FAC] =	sst s0;
	s0 =	simm.s32 @!p1 $0x0  }
0x14: {  	s2 =	sld [smem:$0x3F90];
	s0 =	simm.s32 @p1 $0x1  }
0x15: {  	[smem:$0x3FAD] =	sst s0;
	s0 =	simm.s32 @!p2 $0x0  }
0x16: {  	s3 =	sld [smem:$0x3FDB];
	s0 =	simm.s32 @p2 $0x1  }
0x17: {  	s4 =	simm.s32 $0x1BF5;
	[smem:$0x3FAF] =	sst s0  }
0x18: {  	s0 =	sld [smem:$0x3F92];
	_ =	swait.ge [sflag:s4], $0x0  }
0x19: {  	s7 =	sld [smem:$0x3F93]  }
0x1a: {  	s8 =	sadd.s32 $0xFFFFE003, lr  }
0x1b: {  	s9 =	sadd.s32 $0xFFFFFEF7, lr;
	s5 =	simm.s32 $0xFFFFFFFF;
	p2 =	slt.u32 s8, $0xFFFFF086  }
0x1c: {  	p1 =	slt.u32 s9, $0xF7A;
	s5 =	simm.s32 @!p2 $0x0  }
0x1d: {  	s5 =	simm.s32 @p1 $0x1;
	p0 =	seq.s32 s7, s2  }
0x1e: {  	s7 =	smul.u32 @!p0 $0xF7A, s2;
	p2 =	seq.s32 @!p0 s5, $0x0  }
0x1f: {  	s9 =	smul.u32 $0xF7A, s1;
	s8 =	simm.s32 @!p0 $0x1BF5;
	p2 =	por !p2, p0  }
0x20: {  	[sflag:s8] =	ssyncset.s32 @!p0 $0xFFFFF086;
	s6 =	sadd.s32 @!p0 s3, s7;
	s7 =	simm.s32 @!p0 $0x108  }
0x21: {  	s3 =	sadd.s32 s3, s9;
	s6 =	sadd.s32 @!p0 $0x88, s6;
	s7 =	simm.s32 @p2 $0x1082  }
0x22: {  	[simem:s7], [sflag:s8] =	dma.local @!p0 [hbm:s6], $0xF7A  }
0x23: {  	s9 =	sor.u32 $0xD0000000, s2;
	s6 =	simm.s32 $0x108;
	_ =	swait.ge @!p0 [sflag:s8], $0x0  }
0x24: {  	s3 =	sadd.s32 $0x88, s3;
	s6 =	simm.s32 @!p1 $0x1082;
	[sflag:s4] =	ssyncset.s32 $0xFFFFF086  }
0x25: {  	[simem:s6], [sflag:s4] =	dma.local [hbm:s3], $0xF7A  }
0x26: {  	[smem:$0x3F93] =	sst s1;
	(tag) =	ssettag s2;
	_ =	strace s9  }
0x27: {  	s1 =	sld [smem:$0x3FA3]  }
0x28: {  	s2 =	sld [smem:$0x3FA4]  }
0x29: {  	s4 =	sld [smem:$0x3FA6]  }
0x2a: {  	p0 =	seq.s32 s5, $0x0;
	s5 =	sld [smem:$0x3FA7]  }
0x2b: {  	s6 =	sld [smem:$0x3FA8]  }
0x2c: {  	s7 =	sld [smem:$0x3FA9]  }
0x2d: {  	s3 =	simm.s32 $0x108;
	s8 =	sld [smem:$0x3FAA]  }
0x2e: {  	s3 =	simm.s32 @!p0 $0x1082;
	s9 =	sld [smem:$0x3FAB]  }
0x2f: {  	lr =	sadd.s32 s0, s3;
	s0 =	sld [smem:$0x3FA2]  }
0x30: {  	s3 =	sld [smem:$0x3FA5]  }
0x31: {  	[smem:$0x3FAE] =	sst s10  }
0x32: {  	s10 =	sld [smem:$0x3FAC];
	_ =	sdelay $0x3  }
0x33: {  	p0 =	seq.s32 s10, $0x1;
	s10 =	sld [smem:$0x3FAE];
	_ =	sdelay $0x3  }
0x34: {  	[smem:$0x3FAE] =	sst s10  }
0x35: {  	s10 =	sld [smem:$0x3FAD];
	_ =	sdelay $0x3  }
0x36: {  	p1 =	seq.s32 s10, $0x1;
	s10 =	sld [smem:$0x3FAE];
	_ =	sdelay $0x3  }
0x37: {  	[smem:$0x3FAE] =	sst s10  }
0x38: {  	s10 =	sld [smem:$0x3FAF]  }
0x39: {  	_ = 	snop;
	(pc) =	sbr.ind lr, $3  }
0x3a: {  	_ = 	snop  }
0x3b: {  	_ = 	snop  }
0x3c: {  	p2 =	seq.s32 s10, $0x1;
	s10 =	sld [smem:$0x3FAE]  }
0x3d: {  	_ =	shalt  }
0x3e: {  	_ =	shalt  }
0x3f: {  	_ =	shalt  }
0x40: {  	_ =	shalt  }
0x41: {  	_ =	shalt  }
0x42: {  	_ =	shalt  }
0x43: {  	_ =	shalt  }
0x44: {  	_ =	shalt  }
0x45: {  	_ =	shalt  }
0x46: {  	_ =	shalt  }
0x47: {  	_ =	shalt  }
0x48: {  	_ =	shalt  }
0x49: {  	_ =	shalt  }
0x4a: {  	_ =	shalt  }
0x4b: {  	_ =	shalt  }
0x4c: {  	_ =	shalt  }
0x4d: {  	_ =	shalt  }
0x4e: {  	_ =	shalt  }
0x4f: {  	_ =	shalt  }
0x50: {  	_ =	shalt  }
0x51: {  	_ =	shalt  }
0x52: {  	_ =	shalt  }
0x53: {  	_ =	shalt  }
0x54: {  	_ =	shalt  }
0x55: {  	_ =	shalt  }
0x56: {  	_ =	shalt  }
0x57: {  	_ =	shalt  }
0x58: {  	_ =	shalt  }
0x59: {  	_ =	shalt  }
0x5a: {  	_ =	shalt  }
0x5b: {  	_ =	shalt  }
0x5c: {  	_ =	shalt  }
0x5d: {  	_ =	shalt  }
0x5e: {  	_ =	shalt  }
0x5f: {  	_ =	shalt  }
0x60: {  	_ =	shalt  }
0x61: {  	_ =	shalt  }
0x62: {  	_ =	shalt  }
0x63: {  	_ =	shalt  }
0x64: {  	_ =	shalt  }
0x65: {  	_ =	shalt  }
0x66: {  	_ =	shalt  }
0x67: {  	_ =	shalt  }
0x68: {  	_ =	shalt  }
0x69: {  	_ =	shalt  }
0x6a: {  	_ =	shalt  }
0x6b: {  	_ =	shalt  }
0x6c: {  	_ =	shalt  }
0x6d: {  	_ =	shalt  }
0x6e: {  	_ =	shalt  }
0x6f: {  	_ =	shalt  }
0x70: {  	_ =	shalt  }
0x71: {  	_ =	shalt  }
0x72: {  	_ =	shalt  }
0x73: {  	_ =	shalt  }
0x74: {  	_ =	shalt  }
0x75: {  	_ =	shalt  }
0x76: {  	_ =	shalt  }
0x77: {  	_ =	shalt  }
0x78: {  	_ =	shalt  }
0x79: {  	_ =	shalt  }
0x7a: {  	_ =	shalt  }
0x7b: {  	_ =	shalt  }
0x7c: {  	_ =	shalt  }
0x7d: {  	_ =	shalt  }
0x7e: {  	_ =	shalt  }
0x7f: {  	_ =	shalt  }
0x80: {  	_ =	shalt  }
0x81: {  	_ =	shalt  }
0x82: {  	_ =	shalt  }
0x83: {  	_ =	shalt  }
0x84: {  	_ =	shalt  }
0x85: {  	_ =	shalt  }
0x86: {  	_ =	shalt  }
0x87: {  	_ =	shalt  }
.Lfunc_end0:
.L_simem_size_0:
called_computation.1_lowered:
.L_overlay_start_0:
0x88: {  	s2 =	sld [smem:$0x3FD9]  }
0x89: {  	s3 =	sld [smem:$0x3FFE];
	_ =	sdelay $0x1  }
0x8a: {  	s1 =	srdreg.scid  }
0x8b: {  	s0 =	sand.u32 $0x1, s1  }
0x8c: {  	s17 =	sshll.u32 s0, $0xA;
	s2 =	sadd.s32 s3, s2  }
0x8d: {  	s2 =	sadd.s32 s2, s17  }
0x8e: {  	[smem:$0x3FBA] =	sst s2  }
0x8f: {  	_ = 	snop  }
0x90: {  	s2 =	sld [smem:$0x3FD0];
	(tm) =	ssettm $0x1  }
0x91: {  	s18 =	sld [smem:$0x3FFB];
	_ =	sdelay $0x3  }
0x92: {  	_ =	strace s18  }
0x93: {  	s3 =	sld [smem:$0x3FFC];
	_ =	sdelay $0x3  }
0x94: {  	_ =	strace s3  }
0x95: {  	s3 =	sld [smem:$0x3FFD];
	_ =	sdelay $0x3  }
0x96: {  	_ =	strace s3  }
0x97: {  	_ =	strace $0x8FFFFFFF  }
0x98: {  	s19 =	sld [smem:$0x3FDB];
	_ =	sdelay $0x1  }
0x99: {  	s4 =	simm.s32 $_scs_section_size  }
0x9a: {  	s5 =	simm.s32 $_size__tile_overlayer_lowered;
	s6 =	simm.s32 $_tile_overlayer_lowered  }
0x9b: {  	s22 =	simm.s32 $0x1BFF;
	s21 =	sshll.u32 s6, $0x1;
	s3 =	sadd.s32 s4, s19  }
0x9c: {  	s7 =	simm.s32 $0x0;
	s20 =	sshll.u32 s5, $0x1;
	s5 =	sadd.s32 s21, s3  }
0x9d: {  	[timem:s7], [sflag:s22] =	dma.local [hbm:s5], s20  }
0x9e: {  	_ =	swait.ge [sflag:s22], s20  }
0x9f: {  	s4 =	ssub.s32 $0x0, s20;
	[sflag:s22] =	ssyncset.done $0x0  }
0xa0: {  	[sflag:s22] =	ssyncadd.s32 s4;
	_ =	sdelay $0x1  }
0xa1: {  	s23 =	simm.s32 $0x1B8B  }
0xa2: {  	_ =	swait.ge [sflag:s23], $0x1  }
0xa3: {  	[sflag:s23] =	ssyncset.done $0x0  }
0xa4: {  	s25 =	simm.s32 $0x1B8E;
	s24 =	sld [smem:$0x3FFE];
	[sflag:s23] =	ssyncadd.s32 $0xFFFFFFFF  }
0xa5: {  	s26 =	simm.s32 $execute0_lowered;
	[smem:$0x3FD2] =	sst s25  }
0xa6: {  	s5 =	sshll.u32 s26, $0x1;
	_ =	strace $0x80000049;
	[dreg:$0x1] =	wrdreg $0xFFFFFFFF  }
0xa7: {  	s28 =	simm.s32 $_size_execute0_lowered;
	s3 =	sadd.s32 s3, s5;
	[dreg:$0x0] =	wrdreg $0x0  }
0xa8: {  	s5 =	sshll.u32 s28, $0x1;
	[dreg:$0x2] =	wrdreg s3  }
0xa9: {  	[dreg:$0x3] =	wrdreg s5  }
0xaa: {  	[dreg:$0x4] =	wrdreg $0xC0  }
0xab: {  	_ =	task [dreg:s7], $0x5FFFF  }
0xac: {  	[dreg:$0x1] =	wrdreg $0xFFFFFFFF  }
0xad: {  	[dreg:$0x0] =	wrdreg $0x60  }
0xae: {  	[dreg:$0x2] =	wrdreg s2  }
0xaf: {  	[dreg:$0x3] =	wrdreg s24  }
0xb0: {  	[dreg:$0x4] =	wrdreg $0xB4800  }
0xb1: {  	[dreg:$0x5] =	wrdreg $0x9  }
0xb2: {  	_ =	task.clear_ibuf [dreg:s7], $0x6FFFF;
	_ =	strace $0x90000049  }
0xb3: {  	s29 =	simm.s32 $0x9;
	_ =	strace $0x8000004B  }
0xb4: {  	_ =	swait.ge [sflag:s29], $0x1  }
0xb5: {  	[sflag:s29] =	ssyncadd.s32 $0xFFFFFFFF  }
0xb6: {  	_ =	strace $0x9000004B  }
0xb7: {  	_ =	sfence  }
0xb8: {  	s30 =	sld [smem:$0x0];
	_ =	sdelay $0x2  }
0xb9: {  	s31 =	sshll.u32 s1, $0xD;
	s1 =	sshrl.u32 s1, $0x2  }
0xba: {  	s3 =	sand.u32 $0x4000, s31;
	s1 =	sadd.s32 s1, s30  }
0xbb: {  	s0 =	sor.u32 s3, s0;
	s1 =	sshll.u32 s1, $0x11  }
0xbc: {  	s0 =	sor.u32 s1, s0  }
0xbd: {  	s0 =	sadd.s32 $0x8F2B, s0  }
0xbe: {  	[sflag:s0] =	ssyncadd.remote.s32 $0x1  }
0xbf: {  	_ =	sfence.sel $0xFFFF  }
0xc0: {  	[dreg:$0x0] =	wrdreg $0xFFFFFFFF;
	(pc) =	sbr.abs _section_cstart, $3  }
0xc1: {  	[dreg:$0x1] =	wrdreg $0xFFFFFFFF  }
0xc2: {  	_ =	task.clear_ibuf [dreg:s7], $0x2FFFF;
	_ =	strace $0x9FFFFFFF  }
0xc3: {  	(tm) =	ssettm $0x7FFFFFFF  }
tec
execute0_lowered:
.L_overlay_start_1:
0x0: {  	(tag) =	ssettag $0x1  }
0x1: {  	s0 =	srdreg.scid  }
0x2: {  	s11 =	stileid.u32;
	s6 =	rddreg [dreg:$0x1]  }
0x3: {  	s0 =	sand.u32 $0x1, s0;
	s4 =	sshll.u32 s11, $0x7;
	s19 =	smul.u32 $0x4E000, s11  }
0x4: {  	s30 =	smul.u32 $0x2710, s11;
	s1 =	sshll.u32 s0, $0x4;
	s7 =	sand.u32 $0x380, s4  }
0x5: {  	s4 =	simm.s32 $0x0;
	s8 =	ssub.s32 $0x2, s0;
	s20 =	smul.u32 $0x138800, s0  }
0x6: {  	s0 =	smul.u32 $0x27100, s0;
	s2 =	sor.u32 s11, s1;
	s1 =	rddreg [dreg:$0x0]  }
0x7: {  	[smem:$0x7FF] =	sst s4;
	s9 =	sshrl.u32 s8, $0x1;
	s3 =	sshrl.u32 s2, $0x3  }
0x8: {  	s10 =	ssub.s32 s8, s9;
	s8 =	sshrl.u32 s19, $0x2;
	s0 =	sadd.s32 s30, s0  }
0x9: {  	s5 =	smul.u32 $0x13C00, s3;
	s3 =	rddreg [dreg:$0x2];
	_ =	strace $0x8000004A  }
0xa: {  	s31 =	smax.u32 s10, $0x1;
	s13 =	sadd.s32 $0xC0, s0;
	s15 =	sadd.s32 $0x180, s0  }
0xb: {  	s16 =	sadd.s32 $0x140, s0;
	s0 =	sadd.s32 $0x100, s0;
	[dreg:$0x11] =	wrdreg s31  }
0xc: {  	s24 =	sadd.s32 s8, s3;
	[dreg:$0x1b] =	wrdreg s0  }
0xd: {  	s25 =	sadd.s32 $0x138000, s3;
	[dreg:$0xa] =	wrdreg s24  }
0xe: {  	s8 =	sadd.s32 $0x1000, s24;
	[dreg:$0xb] =	wrdreg s25  }
0xf: {  	s9 =	sadd.s32 $0x1800, s24;
	[dreg:$0x13] =	wrdreg s8  }
0x10: {  	s10 =	sadd.s32 $0x2000, s24;
	[dreg:$0x14] =	wrdreg s9  }
0x11: {  	s12 =	sadd.s32 $0x2800, s24;
	[dreg:$0x15] =	wrdreg s10  }
0x12: {  	s14 =	sadd.s32 $0x3000, s24;
	[dreg:$0x16] =	wrdreg s12  }
0x13: {  	s19 =	sadd.s32 $0x3800, s24;
	[dreg:$0x17] =	wrdreg s14  }
0x14: {  	s30 =	sadd.s32 $0x6800, s24;
	[dreg:$0x18] =	wrdreg s19  }
0x15: {  	s22 =	smul.u32 $0x13800, s11;
	s31 =	sadd.s32 $0x7000, s24;
	[dreg:$0x1f] =	wrdreg s30  }
0x16: {  	p0 =	sne.s32 s11, $0x0;
	s11 =	sadd.s32 $0xA800, s24;
	[smem:$0x7E5] =	sst s31  }
0x17: {  	s8 =	sadd.s32 $0x9000, s24;
	[smem:$0x7EC] =	sst s11  }
0x18: {  	s9 =	sadd.s32 $0x9800, s24;
	[smem:$0x7E9] =	sst s8  }
0x19: {  	s2 =	smul.u32 $0x2710, s2;
	s10 =	sadd.s32 $0xA000, s24;
	[smem:$0x7EA] =	sst s9  }
0x1a: {  	s12 =	sadd.s32 $0xB000, s24;
	[smem:$0x7EB] =	sst s10  }
0x1b: {  	s2 =	sshrl.u32 s2, $0x3;
	s14 =	sadd.s32 $0xC000, s24;
	[smem:$0x7ED] =	sst s12  }
0x1c: {  	s5 =	sor.u32 s7, s5;
	s19 =	sadd.s32 $0xE800, s24;
	[smem:$0x7EF] =	sst s14  }
0x1d: {  	s5 =	sshrl.u32 s5, $0x3;
	s30 =	sadd.s32 $0x12800, s24;
	[smem:$0x7F4] =	sst s19  }
0x1e: {  	s31 =	sadd.s32 $0x13000, s24;
	s18 =	sadd.s32 s5, s6;
	[smem:$0x7FC] =	sst s30  }
0x1f: {  	s5 =	sadd.s32 $0x4000, s6;
	[smem:$0x7FD] =	sst s31;
	s7 =	sadd.s32 $0xE800, s18  }
0x20: {  	s21 =	sadd.s32 s5, s2;
	[dreg:$0x8] =	wrdreg s7  }
0x21: {  	s2 =	sadd.s32 s22, s20;
	s22 =	simm.s32 $0x2900;
	[dreg:$0x9] =	wrdreg s21  }
0x22: {  	s18 =	sshrl.u32 s16, $0x3;
	s16 =	sadd.s32 $0xD000, s24;
	[dreg:$0x7] =	wrdreg s22  }
0x23: {  	s23 =	sadd.s32 $0x8, s21;
	[smem:$0x7F1] =	sst s16  }
0x24: {  	s26 =	sadd.s32 $0x10, s21;
	[dreg:$0xc] =	wrdreg s23  }
0x25: {  	s28 =	sadd.s32 $0x4E0, s21;
	[dreg:$0xd] =	wrdreg s26  }
0x26: {  	s21 =	sadd.s32 $0x4000, s24;
	[dreg:$0xe] =	wrdreg s28  }
0x27: {  	s7 =	sshrl.u32 s20, $0x3;
	s20 =	sadd.s32 s18, s5;
	[dreg:$0x19] =	wrdreg s21  }
0x28: {  	s6 =	sadd.s32 $0x3F800, s6;
	s18 =	sadd.s32 $0xE000, s24;
	[dreg:$0x6] =	wrdreg s20  }
0x29: {  	s2 =	sshrl.u32 s2, $0x3;
	s22 =	sadd.s32 $0x10000, s24;
	[smem:$0x7F3] =	sst s18  }
0x2a: {  	s2 =	sadd.s32 s6, s2;
	[smem:$0x7F7] =	sst s22  }
0x2b: {  	s29 =	sadd.s32 s6, s7;
	s7 =	sadd.s32 $0x800, s24;
	[dreg:$0xf] =	wrdreg s2  }
0x2c: {  	s23 =	sadd.s32 $0x4800, s24;
	[dreg:$0x12] =	wrdreg s7  }
0x2d: {  	s26 =	sadd.s32 $0x5000, s24;
	[dreg:$0x1a] =	wrdreg s23  }
0x2e: {  	s0 =	simm.s32 $0xAC80;
	s28 =	sadd.s32 $0x5800, s24;
	[dreg:$0x1c] =	wrdreg s26  }
0x2f: {  	s6 =	sshrl.u32 s15, $0x3;
	s15 =	sadd.s32 $0xC800, s24;
	[dreg:$0x1d] =	wrdreg s28  }
0x30: {  	s11 =	simm.s32 $0x40;
	s20 =	sadd.s32 $0xF000, s24;
	[smem:$0x7F0] =	sst s15  }
0x31: {  	s10 =	simm.s32 $0x1;
	s21 =	sadd.s32 $0xF800, s24;
	[smem:$0x7F5] =	sst s20  }
0x32: {  	s12 =	simm.s32 $0x2C80;
	s2 =	sadd.s32 $0x27000, s29;
	[smem:$0x7F6] =	sst s21  }
0x33: {  	s14 =	simm.s32 $0x6C80;
	s17 =	sadd.s32 s6, s5;
	[dreg:$0x10] =	wrdreg s2  }
0x34: {  	s19 =	simm.s32 $0x3;
	s29 =	sadd.s32 $0x6000, s24;
	[dreg:$0x5] =	wrdreg s17  }
0x35: {  	s16 =	simm.s32 $0x8C80;
	s6 =	sadd.s32 $0x8000, s24;
	[dreg:$0x1e] =	wrdreg s29  }
0x36: {  	s18 =	simm.s32 $0x5;
	s7 =	sadd.s32 $0x8800, s24;
	[smem:$0x7E7] =	sst s6  }
0x37: {  	s22 =	simm.s32 $0x8;
	s23 =	sadd.s32 $0x10800, s24;
	[smem:$0x7E8] =	sst s7  }
0x38: {  	s26 =	sadd.s32 $0x11000, s24;
	s28 =	sadd.s32 $0x11800, s24;
	[smem:$0x7F8] =	sst s23  }
0x39: {  	s15 =	simm.s32 $0x2A80;
	s20 =	simm.s32 $0x7;
	[smem:$0x7F9] =	sst s26  }
0x3a: {  	s2 =	sshrl.u32 s13, $0x3;
	s13 =	sadd.s32 $0xB800, s24;
	[smem:$0x7FA] =	sst s28  }
0x3b: {  	s21 =	simm.s32 $0x4;
	s17 =	sadd.s32 $0xD800, s24;
	[smem:$0x7EE] =	sst s13  }
0x3c: {  	s29 =	sadd.s32 $0x12000, s24;
	s6 =	simm.s32 $0x9;
	[smem:$0x7F2] =	sst s17  }
0x3d: {  	s7 =	simm.s32 $0xA;
	s2 =	sadd.s32 s2, s5;
	[smem:$0x7FB] =	sst s29  }
0x3e: {  	s26 =	simm.s32 $0x0;
	[dreg:$0x4] =	wrdreg s2;
	s2 =	sadd.s32 $0x7800, s24  }
0x3f: {  	v0 =	vimm.f32 $0.0e+00;
	s13 =	simm.s32 $0x2980;
	s17 =	simm.s32 $0x2B00;
	[smem:$0x7E6] =	sst s2  }
.LBB2_1:
0x40: {  	s2 =	rddreg [dreg:$0x8];
	s8 =	simm.s32 $0x80;
	s9 =	simm.s32 $0x400  }
0x41: {  	[tilespmem:s4], [sflag:$0x1] =	stream.strided.gather [hbm4b:s2+s8], $0x2780, s9, s8, $0x38;
	[tilespmem:$0x1ED00] =	vst v63  }
0x42: {  	s23 =	simm.s32 $0x200;
	s2 =	simm.s32 $0x0  }
.LBB2_2:
0x43: {  	p1 =	sne.s32 s23, $0x1E00;
	[tilespmem:s2+$0xACF0] =	vst v0  }
0x44: {  	[tilespmem:s2+$0xAC80] =	vst v0  }
0x45: {  	[tilespmem:s2+$0xAC90] =	vst v0  }
.Ltmp0:
0x46: {  	[tilespmem:s2+$0xACA0] =	vst v0;
	(pc) =	sbr.rel @p1 .LBB2_2-.Ltmp0, $4  }
0x47: {  	[tilespmem:s2+$0xACB0] =	vst v0  }
0x48: {  	[tilespmem:s2+$0xACC0] =	vst v0  }
0x49: {  	[tilespmem:s2+$0xACD0] =	vst v0  }
0x4a: {  	[tilespmem:s2+$0xACE0] =	vst v0;
	s2 =	sshra.s32 s23, $0x2;
	s23 =	sadd.s32 $0x200, s23  }
0x4b: {  	[tilespmem:s2+$0xACF0] =	vst v0  }
0x4c: {  	[tilespmem:s2+$0xAC80] =	vst v0  }
0x4d: {  	[tilespmem:s2+$0xAC90] =	vst v0  }
0x4e: {  	[tilespmem:s2+$0xACA0] =	vst v0  }
0x4f: {  	[tilespmem:s2+$0xACB0] =	vst v0  }
0x50: {  	[tilespmem:s2+$0xACC0] =	vst v0  }
0x51: {  	[tilespmem:s2+$0xACD0] =	vst v0  }
0x52: {  	[tilespmem:s2+$0xACE0] =	vst v0;
	s23 =	rddreg [dreg:$0x12]  }
0x53: {  	[spmem:s24] =	stream.linear.scatter [tilespmem:s0], [sflag:$0x9], $0x800, $0x38;
	[tilespmem:$0x1ED00] =	vst v63  }
0x54: {  	s28 =	rddreg [dreg:$0x14]  }
0x55: {  	[spmem:s23] =	stream.linear.scatter [tilespmem:s0], [sflag:$0x9], $0x800, $0x38;
	[tilespmem:$0x1ED00] =	vst v63  }
0x56: {  	s24 =	rddreg [dreg:$0x13]  }
0x57: {  	[spmem:s24] =	stream.linear.scatter [tilespmem:s0], [sflag:$0x9], $0x800, $0x38;
	[tilespmem:$0x1ED00] =	vst v63  }
0x58: {  	s29 =	rddreg [dreg:$0x15]  }
0x59: {  	[spmem:s28] =	stream.linear.scatter [tilespmem:s0], [sflag:$0x9], $0x800, $0x38;
	[tilespmem:$0x1ED00] =	vst v63  }
0x5a: {  	s30 =	rddreg [dreg:$0x16]  }
0x5b: {  	[spmem:s29] =	stream.linear.scatter [tilespmem:s0], [sflag:$0x9], $0x800, $0x38;
	[tilespmem:$0x1ED00] =	vst v63  }
0x5c: {  	s31 =	rddreg [dreg:$0x17]  }
0x5d: {  	[spmem:s30] =	stream.linear.scatter [tilespmem:s0], [sflag:$0x9], $0x800, $0x38;
	[tilespmem:$0x1ED00] =	vst v63  }
0x5e: {  	s8 =	rddreg [dreg:$0x18]  }
0x5f: {  	[spmem:s31] =	stream.linear.scatter [tilespmem:s0], [sflag:$0x9], $0x800, $0x38;
	[tilespmem:$0x1ED00] =	vst v63  }
0x60: {  	s9 =	rddreg [dreg:$0x19]  }
0x61: {  	[spmem:s8] =	stream.linear.scatter [tilespmem:s0], [sflag:$0x9], $0x800, $0x38;
	[tilespmem:$0x1ED00] =	vst v63  }
0x62: {  	s23 =	rddreg [dreg:$0x1a]  }
0x63: {  	[spmem:s9] =	stream.linear.scatter [tilespmem:s0], [sflag:$0x9], $0x800, $0x38;
	[tilespmem:$0x1ED00] =	vst v63  }
0x64: {  	s24 =	rddreg [dreg:$0x1c]  }
0x65: {  	[spmem:s23] =	stream.linear.scatter [tilespmem:s0], [sflag:$0x9], $0x800, $0x38;
	[tilespmem:$0x1ED00] =	vst v63  }
0x66: {  	s28 =	rddreg [dreg:$0x1d]  }
0x67: {  	[spmem:s24] =	stream.linear.scatter [tilespmem:s0], [sflag:$0x9], $0x800, $0x38;
	[tilespmem:$0x1ED00] =	vst v63  }
0x68: {  	s29 =	rddreg [dreg:$0x1e]  }
0x69: {  	[spmem:s28] =	stream.linear.scatter [tilespmem:s0], [sflag:$0x9], $0x800, $0x38;
	[tilespmem:$0x1ED00] =	vst v63  }
0x6a: {  	s30 =	rddreg [dreg:$0x1f]  }
0x6b: {  	[spmem:s29] =	stream.linear.scatter [tilespmem:s0], [sflag:$0x9], $0x800, $0x38;
	[tilespmem:$0x1ED00] =	vst v63  }
0x6c: {  	s31 =	sld [smem:$0x7E5]  }
0x6d: {  	[spmem:s30] =	stream.linear.scatter [tilespmem:s0], [sflag:$0x9], $0x800, $0x38;
	[tilespmem:$0x1ED00] =	vst v63  }
0x6e: {  	s8 =	sld [smem:$0x7E6]  }
0x6f: {  	[spmem:s31] =	stream.linear.scatter [tilespmem:s0], [sflag:$0x9], $0x800, $0x38;
	[tilespmem:$0x1ED00] =	vst v63  }
0x70: {  	s9 =	sld [smem:$0x7E7]  }
0x71: {  	[spmem:s8] =	stream.linear.scatter [tilespmem:s0], [sflag:$0x9], $0x800, $0x38;
	[tilespmem:$0x1ED00] =	vst v63  }
0x72: {  	s23 =	sld [smem:$0x7E8]  }
0x73: {  	[spmem:s9] =	stream.linear.scatter [tilespmem:s0], [sflag:$0x9], $0x800, $0x38;
	[tilespmem:$0x1ED00] =	vst v63  }
0x74: {  	s24 =	sld [smem:$0x7E9]  }
0x75: {  	[spmem:s23] =	stream.linear.scatter [tilespmem:s0], [sflag:$0x9], $0x800, $0x38;
	[tilespmem:$0x1ED00] =	vst v63  }
0x76: {  	s28 =	sld [smem:$0x7EA]  }
0x77: {  	[spmem:s24] =	stream.linear.scatter [tilespmem:s0], [sflag:$0x9], $0x800, $0x38;
	[tilespmem:$0x1ED00] =	vst v63  }
0x78: {  	s29 =	sld [smem:$0x7EB]  }
0x79: {  	[spmem:s28] =	stream.linear.scatter [tilespmem:s0], [sflag:$0x9], $0x800, $0x38;
	[tilespmem:$0x1ED00] =	vst v63  }
0x7a: {  	s30 =	sld [smem:$0x7EC]  }
0x7b: {  	[spmem:s29] =	stream.linear.scatter [tilespmem:s0], [sflag:$0x9], $0x800, $0x38;
	[tilespmem:$0x1ED00] =	vst v63  }
0x7c: {  	s31 =	sld [smem:$0x7ED]  }
0x7d: {  	[spmem:s30] =	stream.linear.scatter [tilespmem:s0], [sflag:$0x9], $0x800, $0x38;
	[tilespmem:$0x1ED00] =	vst v63  }
0x7e: {  	s8 =	sld [smem:$0x7EE]  }
0x7f: {  	[spmem:s31] =	stream.linear.scatter [tilespmem:s0], [sflag:$0x9], $0x800, $0x38;
	[tilespmem:$0x1ED00] =	vst v63  }
0x80: {  	s9 =	sld [smem:$0x7EF]  }
0x81: {  	[spmem:s8] =	stream.linear.scatter [tilespmem:s0], [sflag:$0x9], $0x800, $0x38;
	[tilespmem:$0x1ED00] =	vst v63  }
0x82: {  	s23 =	sld [smem:$0x7F0]  }
0x83: {  	[spmem:s9] =	stream.linear.scatter [tilespmem:s0], [sflag:$0x9], $0x800, $0x38;
	[tilespmem:$0x1ED00] =	vst v63  }
0x84: {  	s24 =	sld [smem:$0x7F1]  }
0x85: {  	[spmem:s23] =	stream.linear.scatter [tilespmem:s0], [sflag:$0x9], $0x800, $0x38;
	[tilespmem:$0x1ED00] =	vst v63  }
0x86: {  	s28 =	sld [smem:$0x7F2]  }
0x87: {  	[spmem:s24] =	stream.linear.scatter [tilespmem:s0], [sflag:$0x9], $0x800, $0x38;
	[tilespmem:$0x1ED00] =	vst v63  }
0x88: {  	s29 =	sld [smem:$0x7F3]  }
0x89: {  	[spmem:s28] =	stream.linear.scatter [tilespmem:s0], [sflag:$0x9], $0x800, $0x38;
	[tilespmem:$0x1ED00] =	vst v63  }
0x8a: {  	s30 =	sld [smem:$0x7F4]  }
0x8b: {  	[spmem:s29] =	stream.linear.scatter [tilespmem:s0], [sflag:$0x9], $0x800, $0x38;
	[tilespmem:$0x1ED00] =	vst v63  }
0x8c: {  	s31 =	sld [smem:$0x7F5]  }
0x8d: {  	[spmem:s30] =	stream.linear.scatter [tilespmem:s0], [sflag:$0x9], $0x800, $0x38;
	[tilespmem:$0x1ED00] =	vst v63  }
0x8e: {  	s8 =	sld [smem:$0x7F6]  }
0x8f: {  	[spmem:s31] =	stream.linear.scatter [tilespmem:s0], [sflag:$0x9], $0x800, $0x38;
	[tilespmem:$0x1ED00] =	vst v63  }
0x90: {  	s9 =	sld [smem:$0x7F7]  }
0x91: {  	[spmem:s8] =	stream.linear.scatter [tilespmem:s0], [sflag:$0x9], $0x800, $0x38;
	[tilespmem:$0x1ED00] =	vst v63  }
0x92: {  	s23 =	sld [smem:$0x7F8]  }
0x93: {  	[spmem:s9] =	stream.linear.scatter [tilespmem:s0], [sflag:$0x9], $0x800, $0x38;
	[tilespmem:$0x1ED00] =	vst v63  }
0x94: {  	s24 =	sld [smem:$0x7F9]  }
0x95: {  	[spmem:s23] =	stream.linear.scatter [tilespmem:s0], [sflag:$0x9], $0x800, $0x38;
	[tilespmem:$0x1ED00] =	vst v63  }
0x96: {  	s28 =	sld [smem:$0x7FA]  }
0x97: {  	[spmem:s24] =	stream.linear.scatter [tilespmem:s0], [sflag:$0x9], $0x800, $0x38;
	[tilespmem:$0x1ED00] =	vst v63  }
0x98: {  	s29 =	sld [smem:$0x7FB]  }
0x99: {  	[spmem:s28] =	stream.linear.scatter [tilespmem:s0], [sflag:$0x9], $0x800, $0x38;
	[tilespmem:$0x1ED00] =	vst v63  }
0x9a: {  	s30 =	sld [smem:$0x7FC]  }
0x9b: {  	[spmem:s29] =	stream.linear.scatter [tilespmem:s0], [sflag:$0x9], $0x800, $0x38;
	[tilespmem:$0x1ED00] =	vst v63  }
0x9c: {  	s31 =	sld [smem:$0x7FD]  }
0x9d: {  	[spmem:s30] =	stream.linear.scatter [tilespmem:s0], [sflag:$0x9], $0x800, $0x38;
	[tilespmem:$0x1ED00] =	vst v63  }
0x9e: {  	_ = 	snop  }
0x9f: {  	[spmem:s31] =	stream.linear.scatter [tilespmem:s0], [sflag:$0x9], $0x800, $0x38;
	[tilespmem:$0x1ED00] =	vst v63  }
0xa0: {  	s2 =	simm.s32 @!p0 $0xAC80  }
0xa1: {  	[spmem:s25] =	stream.linear.scatter @!p0 [tilespmem:s2], [sflag:$0xA], $0x800, $0x38;
	[tilespmem:$0x1ED00] =	vst v63  }
0xa2: {  	s2 =	simm.s32 @!p0 $0xA  }
0xa3: {  	_ =	swait.ge @!p0 [sflag:s2], $0x800  }
0xa4: {  	[sflag:s2] =	ssyncset.done @!p0 $0x0  }
0xa5: {  	[sflag:s2] =	ssyncadd.s32 @!p0 $0xFFFFF800  }
0xa6: {  	_ =	swait.ge [sflag:s6], $0x800  }
0xa7: {  	s2 =	simm.s32 $0x26;
	[sflag:s6] =	ssyncset.done $0x0  }
.LBB2_4:
0xa8: {  	p1 =	sne.s32 s2, $0x1;
	s2 =	sadd.s32 $0xFFFFFFFF, s2;
	[sflag:s6] =	ssyncadd.s32 $0xFFFFF800  }
.Ltmp1:
0xa9: {  	(pc) =	sbr.rel @p1 .LBB2_4-.Ltmp1, $3  }
0xaa: {  	_ =	sdelay $0x1  }
0xab: {  	_ =	swait.ge [sflag:s6], $0x800  }
0xac: {  	[sflag:s6] =	ssyncset.done $0x0  }
0xad: {  	[sflag:s6] =	ssyncadd.s32 $0xFFFFF800  }
0xae: {  	_ =	swait.ge [sflag:s10], $0x2780  }
0xaf: {  	[sflag:s10] =	ssyncset.done $0x0  }
0xb0: {  	[sflag:s10] =	ssyncadd.s32 $0xFFFFD880  }
0xb1: {  	[bflag:$0x0] =	sbarrier.arrive $0xFFFF  }
0xb2: {  	v1 =	vld [tilespmem:$0x0]  }
0xb3: {  	v2 =	vld [tilespmem:$0x10]  }
0xb4: {  	v3 =	vld [tilespmem:$0x20]  }
0xb5: {  	v4 =	vld [tilespmem:$0x30];
	_ =	sdelay $0x1  }
0xb6: {  	[tilespmem:$0x2780] =	vst v1  }
0xb7: {  	[tilespmem:$0x2790] =	vst v2  }
0xb8: {  	[tilespmem:$0x27A0] =	vst v3  }
0xb9: {  	s2 =	simm.s32 $0x2780;
	[tilespmem:$0x27B0] =	vst v4  }
0xba: {  	[tilespmem:s12], [sflag:$0x1] =	stream.indirect.gather [hbm4b:s1+s11], $0x80, s2, s11, $0xb8;
	[tilespmem:$0x1ED00] =	vst v63  }
0xbb: {  	s8 =	rddreg [dreg:$0x9];
	s2 =	simm.s32 $0x0  }
0xbc: {  	[tilespmem:s13], [sflag:$0x5] =	stream.linear.gather [hbm4b:s8+s2], $0x40, $0x38;
	[tilespmem:$0x1ED00] =	vst v63  }
0xbd: {  	v1 =	vld [tilespmem:$0x40]  }
0xbe: {  	v2 =	vld [tilespmem:$0x50]  }
0xbf: {  	v3 =	vld [tilespmem:$0x60]  }
0xc0: {  	v62 =	vld [tilespmem:$0x70];
	_ =	sdelay $0x1  }
0xc1: {  	[tilespmem:$0x2800] =	vst v1  }
0xc2: {  	[tilespmem:$0x2810] =	vst v2  }
0xc3: {  	[tilespmem:$0x2820] =	vst v3  }
0xc4: {  	s24 =	simm.s32 $0x2800;
	s9 =	simm.s32 $0x4C80;
	[tilespmem:$0x2830] =	vst v62  }
0xc5: {  	[tilespmem:s9], [sflag:$0x2] =	stream.indirect.gather [hbm4b:s1+s11], $0x80, s24, s11, $0xb8;
	[tilespmem:$0x1ED00] =	vst v63  }
0xc6: {  	s31 =	simm.s32 $0x2A00;
	s25 =	rddreg [dreg:$0xc]  }
0xc7: {  	[tilespmem:s31], [sflag:$0x6] =	stream.linear.gather [hbm4b:s25+s2], $0x40, $0x38;
	[tilespmem:$0x1ED00] =	vst v63  }
0xc8: {  	v1 =	vld [tilespmem:$0x80]  }
0xc9: {  	v2 =	vld [tilespmem:$0x90]  }
0xca: {  	v3 =	vld [tilespmem:$0xA0]  }
0xcb: {  	v63 =	vld [tilespmem:$0xB0];
	_ =	sdelay $0x1  }
0xcc: {  	[tilespmem:$0x2880] =	vst v1  }
0xcd: {  	[tilespmem:$0x2890] =	vst v2  }
0xce: {  	[tilespmem:$0x28A0] =	vst v3  }
0xcf: {  	s23 =	simm.s32 $0x2880;
	[tilespmem:$0x28B0] =	vst v63  }
0xd0: {  	[tilespmem:s14], [sflag:$0x3] =	stream.indirect.gather [hbm4b:s1+s11], $0x80, s23, s11, $0xb8;
	[tilespmem:$0x1ED00] =	vst v63  }
0xd1: {  	s28 =	simm.s32 $0xE0;
	s24 =	rddreg [dreg:$0xd]  }
0xd2: {  	[tilespmem:s15], [sflag:$0x7] =	stream.linear.gather [hbm4b:s24+s2], $0x40, $0x38;
	[tilespmem:$0x1ED00] =	vst v63  }
0xd3: {  	v1 =	vld [tilespmem:s28+$0xFFFFFFE0];
	_ =	sdelay $0x4  }
0xd4: {  	[tilespmem:$0x2900] =	vst v1  }
0xd5: {  	v1 =	vld [tilespmem:s28+$0xFFFFFFF0];
	_ =	sdelay $0x4  }
0xd6: {  	[tilespmem:$0x2910] =	vst v1  }
0xd7: {  	v1 =	vld [tilespmem:s28+$0x0];
	_ =	sdelay $0x4  }
0xd8: {  	[tilespmem:$0x2920] =	vst v1  }
0xd9: {  	v1 =	vld [tilespmem:s28+$0x10];
	_ =	sdelay $0x3  }
0xda: {  	s25 =	rddreg [dreg:$0x7]  }
0xdb: {  	s23 =	rddreg [dreg:$0x4];
	[tilespmem:$0x2930] =	vst v1  }
0xdc: {  	[tilespmem:s16], [sflag:$0x4] =	stream.indirect.gather [hbm4b:s1+s11], $0x80, s25, s11, $0xb8;
	[tilespmem:$0x1ED00] =	vst v63  }
0xdd: {  	s31 =	sadd.s32 $0x0, s23  }
0xde: {  	[tilespmem:s17], [sflag:$0x8] =	stream.linear.gather [hbm4b:s31+s4], $0x40, $0x38;
	[tilespmem:$0x1ED00] =	vst v63  }
0xdf: {  	_ =	swait.ge [sflag:s10], $0x2000  }
0xe0: {  	[sflag:s10] =	ssyncset.done $0x0  }
0xe1: {  	[sflag:s10] =	ssyncadd.s32 $0xFFFFE000  }
0xe2: {  	_ =	swait.ge [sflag:s18], $0x40  }
0xe3: {  	[sflag:s18] =	ssyncset.done $0x0  }
0xe4: {  	[sflag:s18] =	ssyncadd.s32 $0xFFFFFFC0  }
0xe5: {  	[spmem:s3] =	stream.indirect.scatter.add.f32 [tilespmem:s12], [sflag:$0xA], $0x80, s13, s11, $0xb8;
	[tilespmem:$0x1ED00] =	vst v63  }
0xe6: {  	_ =	swait.ge [sflag:s7], $0x2000  }
0xe7: {  	p1 =	por $0x0, $0x0;
	[sflag:s7] =	ssyncset.done $0x0  }
0xe8: {  	s2 =	simm.s32 @p1 $0x2;
	[sflag:s7] =	ssyncadd.s32 $0xFFFFE000  }
0xe9: {  	_ =	swait.ge @p1 [sflag:s2], $0x2000  }
0xea: {  	[sflag:s2] =	ssyncset.done @p1 $0x0  }
0xeb: {  	[sflag:s2] =	ssyncadd.s32 @p1 $0xFFFFE000;
	s2 =	simm.s32 @p1 $0x6  }
0xec: {  	_ =	swait.ge @p1 [sflag:s2], $0x40  }
0xed: {  	s29 =	simm.s32 @p1 $0x2A00;
	s23 =	simm.s32 @p1 $0x4C80;
	[sflag:s2] =	ssyncset.done @p1 $0x0  }
0xee: {  	s24 =	simm.s32 @p1 $0xA;
	[sflag:s2] =	ssyncadd.s32 @p1 $0xFFFFFFC0;
	s2 =	simm.s32 @p1 $0x40  }
0xef: {  	[spmem:s3] =	stream.indirect.scatter.add.f32 @p1 [tilespmem:s23], [sflag:$0xA], $0x80, s29, s2, $0xb8;
	[tilespmem:$0x1ED00] =	vst v63  }
0xf0: {  	_ =	swait.ge @p1 [sflag:s24], $0x2000  }
0xf1: {  	[sflag:s24] =	ssyncset.done @p1 $0x0  }
0xf2: {  	[sflag:s24] =	ssyncadd.s32 @p1 $0xFFFFE000  }
0xf3: {  	v1 =	vld @!p1 [tilespmem:s28+$0x20];
	_ =	sdelay $0x4  }
0xf4: {  	[tilespmem:$0x2780] =	vst @!p1 v1  }
0xf5: {  	v1 =	vld @!p1 [tilespmem:s28+$0x30];
	_ =	sdelay $0x4  }
0xf6: {  	[tilespmem:$0x2790] =	vst @!p1 v1  }
0xf7: {  	v1 =	vld @!p1 [tilespmem:s28+$0x40];
	_ =	sdelay $0x4  }
0xf8: {  	[tilespmem:$0x27A0] =	vst @!p1 v1  }
0xf9: {  	v1 =	vld @!p1 [tilespmem:s28+$0x50];
	_ =	sdelay $0x3  }
0xfa: {  	s30 =	simm.s32 @!p1 $0x2;
	s23 =	simm.s32 @!p1 $0x40;
	s8 =	rddreg [dreg:$0x1b]  }
0xfb: {  	s29 =	simm.s32 @!p1 $0x2C80;
	s2 =	sshrl.u32 @!p1 s8, $0x3;
	s24 =	simm.s32 @!p1 $0x2780;
	[tilespmem:$0x27B0] =	vst @!p1 v1  }
0xfc: {  	[tilespmem:s29], [sflag:$0x1] =	stream.indirect.gather @!p1 [hbm4b:s1+s23], $0x80, s24, s23, $0xb8;
	[tilespmem:$0x1ED00] =	vst v63  }
0xfd: {  	s2 =	sadd.s32 @!p1 s5, s2;
	s24 =	simm.s32 @!p1 $0x0;
	s29 =	simm.s32 @!p1 $0x2980  }
0xfe: {  	[tilespmem:s29], [sflag:$0x5] =	stream.linear.gather @!p1 [hbm4b:s2+s24], $0x40, $0x38;
	[tilespmem:$0x1ED00] =	vst v63  }
0xff: {  	_ =	swait.ge @!p1 [sflag:s30], $0x2000  }
0x100: {  	[sflag:s30] =	ssyncset.done @!p1 $0x0  }
0x101: {  	s2 =	simm.s32 @!p1 $0x6;
	[sflag:s30] =	ssyncadd.s32 @!p1 $0xFFFFE000  }
0x102: {  	_ =	swait.ge @!p1 [sflag:s2], $0x40  }
0x103: {  	s29 =	simm.s32 @!p1 $0xA;
	[sflag:s2] =	ssyncset.done @!p1 $0x0  }
0x104: {  	s30 =	simm.s32 @!p1 $0x4C80;
	[sflag:s2] =	ssyncadd.s32 @!p1 $0xFFFFFFC0;
	s2 =	simm.s32 @!p1 $0x2A00  }
0x105: {  	[spmem:s3] =	stream.indirect.scatter.add.f32 @!p1 [tilespmem:s30], [sflag:$0xA], $0x80, s2, s23, $0xb8;
	[tilespmem:$0x1ED00] =	vst v63  }
0x106: {  	_ =	swait.ge @!p1 [sflag:s29], $0x2000  }
0x107: {  	[sflag:s29] =	ssyncset.done @!p1 $0x0  }
0x108: {  	[sflag:s29] =	ssyncadd.s32 @!p1 $0xFFFFE000  }
0x109: {  	v1 =	vld @!p1 [tilespmem:s28+$0x60];
	_ =	sdelay $0x4  }
0x10a: {  	[tilespmem:$0x2800] =	vst @!p1 v1  }
0x10b: {  	v1 =	vld @!p1 [tilespmem:s28+$0x70];
	_ =	sdelay $0x4  }
0x10c: {  	[tilespmem:$0x2810] =	vst @!p1 v1  }
0x10d: {  	v1 =	vld @!p1 [tilespmem:s28+$0x80];
	_ =	sdelay $0x4  }
0x10e: {  	[tilespmem:$0x2820] =	vst @!p1 v1  }
0x10f: {  	v1 =	vld @!p1 [tilespmem:s28+$0x90];
	_ =	sdelay $0x4  }
0x110: {  	s31 =	simm.s32 @!p1 $0x2800;
	s29 =	rddreg [dreg:$0x6];
	[tilespmem:$0x2830] =	vst @!p1 v1  }
0x111: {  	[tilespmem:s30], [sflag:$0x2] =	stream.indirect.gather @!p1 [hbm4b:s1+s23], $0x80, s31, s23, $0xb8;
	[tilespmem:$0x1ED00] =	vst v63  }
0x112: {  	s29 =	sadd.s32 @!p1 $0x0, s29  }
0x113: {  	[tilespmem:s2], [sflag:$0x6] =	stream.linear.gather @!p1 [hbm4b:s29+s24], $0x40, $0x38;
	[tilespmem:$0x1ED00] =	vst v63  }
0x114: {  	_ =	swait.ge [sflag:s19], $0x2000  }
0x115: {  	[sflag:s19] =	ssyncset.done $0x0  }
0x116: {  	[sflag:s19] =	ssyncadd.s32 $0xFFFFE000  }
0x117: {  	_ =	swait.ge [sflag:s20], $0x40  }
0x118: {  	[sflag:s20] =	ssyncset.done $0x0  }
0x119: {  	[sflag:s20] =	ssyncadd.s32 $0xFFFFFFC0  }
0x11a: {  	[spmem:s3] =	stream.indirect.scatter.add.f32 [tilespmem:s14], [sflag:$0xA], $0x80, s15, s11, $0xb8;
	[tilespmem:$0x1ED00] =	vst v63  }
0x11b: {  	_ =	swait.ge [sflag:s7], $0x2000  }
0x11c: {  	[sflag:s7] =	ssyncset.done $0x0  }
0x11d: {  	[sflag:s7] =	ssyncadd.s32 $0xFFFFE000  }
0x11e: {  	v1 =	vld @!p1 [tilespmem:s28+$0xA0];
	_ =	sdelay $0x4  }
0x11f: {  	[tilespmem:$0x2880] =	vst @!p1 v1  }
0x120: {  	v1 =	vld @!p1 [tilespmem:s28+$0xB0];
	_ =	sdelay $0x4  }
0x121: {  	[tilespmem:$0x2890] =	vst @!p1 v1  }
0x122: {  	v1 =	vld @!p1 [tilespmem:s28+$0xC0];
	_ =	sdelay $0x4  }
0x123: {  	[tilespmem:$0x28A0] =	vst @!p1 v1  }
0x124: {  	v1 =	vld @!p1 [tilespmem:s28+$0xD0];
	_ =	sdelay $0x4  }
0x125: {  	s30 =	simm.s32 @!p1 $0x6C80;
	s29 =	simm.s32 @!p1 $0x2880;
	s2 =	rddreg [dreg:$0x5];
	[tilespmem:$0x28B0] =	vst @!p1 v1  }
0x126: {  	[tilespmem:s30], [sflag:$0x3] =	stream.indirect.gather @!p1 [hbm4b:s1+s23], $0x80, s29, s23, $0xb8;
	[tilespmem:$0x1ED00] =	vst v63  }
0x127: {  	s2 =	sadd.s32 @!p1 $0x0, s2;
	s23 =	simm.s32 @!p1 $0x2A80  }
0x128: {  	[tilespmem:s23], [sflag:$0x7] =	stream.linear.gather @!p1 [hbm4b:s2+s24], $0x40, $0x38;
	[tilespmem:$0x1ED00] =	vst v63  }
0x129: {  	_ =	swait.ge [sflag:s21], $0x2000  }
0x12a: {  	[sflag:s21] =	ssyncset.done $0x0  }
0x12b: {  	[sflag:s21] =	ssyncadd.s32 $0xFFFFE000  }
0x12c: {  	_ =	swait.ge [sflag:s22], $0x40  }
0x12d: {  	[sflag:s22] =	ssyncset.done $0x0  }
0x12e: {  	[sflag:s22] =	ssyncadd.s32 $0xFFFFFFC0  }
0x12f: {  	[spmem:s3] =	stream.indirect.scatter.add.f32 [tilespmem:s16], [sflag:$0xA], $0x80, s17, s11, $0xb8;
	[tilespmem:$0x1ED00] =	vst v63  }
0x130: {  	_ =	swait.ge [sflag:s7], $0x2000  }
0x131: {  	s29 =	simm.s32 $0x20;
	s30 =	sadd.s32 $0x100, s8;
	[sflag:s7] =	ssyncset.done $0x0  }
.LBB2_6:
0x132: {  	[sflag:s7] =	ssyncadd.s32 $0xFFFFE000;
	s28 =	sadd.s32 $0x100, s28  }
0x133: {  	v1 =	vld [tilespmem:s28+$0xFFFFFFE0];
	_ =	sdelay $0x4  }
0x134: {  	[tilespmem:$0x2900] =	vst v1  }
0x135: {  	v1 =	vld [tilespmem:s28+$0xFFFFFFF0];
	_ =	sdelay $0x4  }
0x136: {  	[tilespmem:$0x2910] =	vst v1  }
0x137: {  	v1 =	vld [tilespmem:s28+$0x0];
	_ =	sdelay $0x4  }
0x138: {  	[tilespmem:$0x2920] =	vst v1  }
0x139: {  	v1 =	vld [tilespmem:s28+$0x10];
	_ =	sdelay $0x3  }
0x13a: {  	s2 =	rddreg [dreg:$0x7]  }
0x13b: {  	s31 =	smov.u32 s29;
	s23 =	rddreg [dreg:$0x4];
	[tilespmem:$0x2930] =	vst v1  }
0x13c: {  	[tilespmem:s16], [sflag:$0x4] =	stream.indirect.gather [hbm4b:s1+s11], $0x80, s2, s11, $0xb8;
	[tilespmem:$0x1ED00] =	vst v63  }
0x13d: {  	s25 =	sadd.s32 s31, s23  }
0x13e: {  	[tilespmem:s17], [sflag:$0x8] =	stream.linear.gather [hbm4b:s25+s4], $0x40, $0x38;
	[tilespmem:$0x1ED00] =	vst v63  }
0x13f: {  	_ =	swait.ge [sflag:s10], $0x2000  }
0x140: {  	[sflag:s10] =	ssyncset.done $0x0  }
0x141: {  	[sflag:s10] =	ssyncadd.s32 $0xFFFFE000  }
0x142: {  	_ =	swait.ge [sflag:s18], $0x40  }
0x143: {  	[sflag:s18] =	ssyncset.done $0x0  }
0x144: {  	[sflag:s18] =	ssyncadd.s32 $0xFFFFFFC0  }
0x145: {  	[spmem:s3] =	stream.indirect.scatter.add.f32 [tilespmem:s12], [sflag:$0xA], $0x80, s13, s11, $0xb8;
	[tilespmem:$0x1ED00] =	vst v63  }
0x146: {  	_ =	swait.ge [sflag:s7], $0x2000  }
0x147: {  	p2 =	seq.s32 s31, $0x4C0;
	[sflag:s7] =	ssyncset.done $0x0  }
0x148: {  	s2 =	simm.s32 @p2 $0x2;
	[sflag:s7] =	ssyncadd.s32 $0xFFFFE000  }
0x149: {  	_ =	swait.ge @p2 [sflag:s2], $0x2000  }
0x14a: {  	[sflag:s2] =	ssyncset.done @p2 $0x0  }
0x14b: {  	[sflag:s2] =	ssyncadd.s32 @p2 $0xFFFFE000;
	s2 =	simm.s32 @p2 $0x6  }
0x14c: {  	s23 =	sshrl.u32 @!p2 s30, $0x3;
	s9 =	simm.s32 @p2 $0xA;
	_ =	swait.ge @p2 [sflag:s2], $0x40  }
0x14d: {  	s24 =	sadd.s32 @!p2 s5, s23;
	s23 =	simm.s32 @p2 $0x4C80;
	[sflag:s2] =	ssyncset.done @p2 $0x0  }
0x14e: {  	s25 =	simm.s32 @p2 $0x2A00;
	[sflag:s2] =	ssyncadd.s32 @p2 $0xFFFFFFC0;
	s2 =	simm.s32 @p2 $0x40  }
0x14f: {  	[spmem:s3] =	stream.indirect.scatter.add.f32 @p2 [tilespmem:s23], [sflag:$0xA], $0x80, s25, s2, $0xb8;
	[tilespmem:$0x1ED00] =	vst v63  }
0x150: {  	_ =	swait.ge @p2 [sflag:s9], $0x2000  }
0x151: {  	[sflag:s9] =	ssyncset.done @p2 $0x0  }
0x152: {  	[sflag:s9] =	ssyncadd.s32 @p2 $0xFFFFE000  }
0x153: {  	v1 =	vld @!p2 [tilespmem:s28+$0x20];
	_ =	sdelay $0x4  }
0x154: {  	[tilespmem:$0x2780] =	vst @!p2 v1  }
0x155: {  	v1 =	vld @!p2 [tilespmem:s28+$0x30];
	_ =	sdelay $0x4  }
0x156: {  	[tilespmem:$0x2790] =	vst @!p2 v1  }
0x157: {  	v1 =	vld @!p2 [tilespmem:s28+$0x40];
	_ =	sdelay $0x4  }
0x158: {  	[tilespmem:$0x27A0] =	vst @!p2 v1  }
0x159: {  	v1 =	vld @!p2 [tilespmem:s28+$0x50];
	_ =	sdelay $0x4  }
0x15a: {  	s2 =	simm.s32 @!p2 $0x40;
	s23 =	simm.s32 @!p2 $0x2C80;
	s9 =	simm.s32 @!p2 $0x2780;
	[tilespmem:$0x27B0] =	vst @!p2 v1  }
0x15b: {  	[tilespmem:s23], [sflag:$0x1] =	stream.indirect.gather @!p2 [hbm4b:s1+s2], $0x80, s9, s2, $0xb8;
	[tilespmem:$0x1ED00] =	vst v63  }
0x15c: {  	s25 =	simm.s32 @!p2 $0x2;
	s23 =	simm.s32 @!p2 $0x0;
	s9 =	simm.s32 @!p2 $0x2980  }
0x15d: {  	[tilespmem:s9], [sflag:$0x5] =	stream.linear.gather @!p2 [hbm4b:s24+s23], $0x40, $0x38;
	[tilespmem:$0x1ED00] =	vst v63  }
0x15e: {  	_ =	swait.ge @!p2 [sflag:s25], $0x2000  }
0x15f: {  	[sflag:s25] =	ssyncset.done @!p2 $0x0  }
0x160: {  	s9 =	simm.s32 @!p2 $0x6;
	[sflag:s25] =	ssyncadd.s32 @!p2 $0xFFFFE000  }
0x161: {  	_ =	swait.ge @!p2 [sflag:s9], $0x40  }
0x162: {  	s24 =	simm.s32 @!p2 $0xA;
	[sflag:s9] =	ssyncset.done @!p2 $0x0  }
0x163: {  	s25 =	simm.s32 @!p2 $0x4C80;
	[sflag:s9] =	ssyncadd.s32 @!p2 $0xFFFFFFC0;
	s9 =	simm.s32 @!p2 $0x2A00  }
0x164: {  	[spmem:s3] =	stream.indirect.scatter.add.f32 @!p2 [tilespmem:s25], [sflag:$0xA], $0x80, s9, s2, $0xb8;
	[tilespmem:$0x1ED00] =	vst v63  }
0x165: {  	_ =	swait.ge @!p2 [sflag:s24], $0x2000  }
0x166: {  	[sflag:s24] =	ssyncset.done @!p2 $0x0  }
0x167: {  	[sflag:s24] =	ssyncadd.s32 @!p2 $0xFFFFE000  }
0x168: {  	v1 =	vld @!p2 [tilespmem:s28+$0x60];
	_ =	sdelay $0x4  }
0x169: {  	[tilespmem:$0x2800] =	vst @!p2 v1  }
0x16a: {  	v1 =	vld @!p2 [tilespmem:s28+$0x70];
	_ =	sdelay $0x4  }
0x16b: {  	[tilespmem:$0x2810] =	vst @!p2 v1  }
0x16c: {  	v1 =	vld @!p2 [tilespmem:s28+$0x80];
	_ =	sdelay $0x4  }
0x16d: {  	[tilespmem:$0x2820] =	vst @!p2 v1  }
0x16e: {  	v1 =	vld @!p2 [tilespmem:s28+$0x90];
	_ =	sdelay $0x4  }
0x16f: {  	s8 =	simm.s32 @!p2 $0x2800;
	s24 =	rddreg [dreg:$0x6];
	[tilespmem:$0x2830] =	vst @!p2 v1  }
0x170: {  	[tilespmem:s25], [sflag:$0x2] =	stream.indirect.gather @!p2 [hbm4b:s1+s2], $0x80, s8, s2, $0xb8;
	[tilespmem:$0x1ED00] =	vst v63  }
0x171: {  	s8 =	sadd.s32 @!p2 s31, s24  }
0x172: {  	[tilespmem:s9], [sflag:$0x6] =	stream.linear.gather @!p2 [hbm4b:s8+s23], $0x40, $0x38;
	[tilespmem:$0x1ED00] =	vst v63  }
0x173: {  	_ =	swait.ge [sflag:s19], $0x2000  }
0x174: {  	[sflag:s19] =	ssyncset.done $0x0  }
0x175: {  	[sflag:s19] =	ssyncadd.s32 $0xFFFFE000  }
0x176: {  	_ =	swait.ge [sflag:s20], $0x40  }
0x177: {  	[sflag:s20] =	ssyncset.done $0x0  }
0x178: {  	[sflag:s20] =	ssyncadd.s32 $0xFFFFFFC0  }
0x179: {  	[spmem:s3] =	stream.indirect.scatter.add.f32 [tilespmem:s14], [sflag:$0xA], $0x80, s15, s11, $0xb8;
	[tilespmem:$0x1ED00] =	vst v63  }
0x17a: {  	_ =	swait.ge [sflag:s7], $0x2000  }
0x17b: {  	[sflag:s7] =	ssyncset.done $0x0  }
0x17c: {  	[sflag:s7] =	ssyncadd.s32 $0xFFFFE000  }
0x17d: {  	v1 =	vld @!p2 [tilespmem:s28+$0xA0];
	_ =	sdelay $0x4  }
0x17e: {  	[tilespmem:$0x2880] =	vst @!p2 v1  }
0x17f: {  	v1 =	vld @!p2 [tilespmem:s28+$0xB0];
	_ =	sdelay $0x4  }
0x180: {  	[tilespmem:$0x2890] =	vst @!p2 v1  }
0x181: {  	v1 =	vld @!p2 [tilespmem:s28+$0xC0];
	_ =	sdelay $0x4  }
0x182: {  	[tilespmem:$0x28A0] =	vst @!p2 v1  }
0x183: {  	v1 =	vld @!p2 [tilespmem:s28+$0xD0];
	_ =	sdelay $0x4  }
0x184: {  	s24 =	simm.s32 @!p2 $0x6C80;
	s9 =	simm.s32 @!p2 $0x2880;
	s8 =	rddreg [dreg:$0x5];
	[tilespmem:$0x28B0] =	vst @!p2 v1  }
0x185: {  	[tilespmem:s24], [sflag:$0x3] =	stream.indirect.gather @!p2 [hbm4b:s1+s2], $0x80, s9, s2, $0xb8;
	[tilespmem:$0x1ED00] =	vst v63  }
0x186: {  	s2 =	sadd.s32 @!p2 s31, s8;
	s8 =	simm.s32 @!p2 $0x2A80  }
0x187: {  	[tilespmem:s8], [sflag:$0x7] =	stream.linear.gather @!p2 [hbm4b:s2+s23], $0x40, $0x38;
	[tilespmem:$0x1ED00] =	vst v63  }
0x188: {  	_ =	swait.ge [sflag:s21], $0x2000  }
0x189: {  	[sflag:s21] =	ssyncset.done $0x0  }
0x18a: {  	s29 =	sadd.s32 $0x20, s29;
	[sflag:s21] =	ssyncadd.s32 $0xFFFFE000  }
0x18b: {  	p1 =	sne.s32 s29, $0x4E0;
	_ =	swait.ge [sflag:s22], $0x40  }
.Ltmp2:
0x18c: {  	[sflag:s22] =	ssyncset.done $0x0;
	(pc) =	sbr.rel @p1 .LBB2_6-.Ltmp2, $4  }
0x18d: {  	[sflag:s22] =	ssyncadd.s32 $0xFFFFFFC0  }
0x18e: {  	[spmem:s3] =	stream.indirect.scatter.add.f32 [tilespmem:s16], [sflag:$0xA], $0x80, s17, s11, $0xb8;
	[tilespmem:$0x1ED00] =	vst v63  }
0x18f: {  	_ =	swait.ge [sflag:s7], $0x2000  }
0x190: {  	s30 =	sadd.s32 $0x100, s30;
	[sflag:s7] =	ssyncset.done $0x0  }
0x191: {  	[sflag:s7] =	ssyncadd.s32 $0xFFFFE000  }
0x192: {  	v1 =	vld [tilespmem:$0x2700];
	_ =	sdelay $0x4  }
0x193: {  	s2 =	rddreg [dreg:$0xe];
	s8 =	simm.s32 $0x2C00;
	[tilespmem:$0x2B80] =	vst v1  }
0x194: {  	[tilespmem:s8], [sflag:$0xA] =	stream.linear.gather [hbm4b:s2+s4], $0x10, $0x38;
	[tilespmem:$0x1ED00] =	vst v63  }
0x195: {  	_ =	swait.ge [sflag:s7], $0x10  }
0x196: {  	[sflag:s7] =	ssyncset.done $0x0  }
0x197: {  	s25 =	simm.s32 $0x10;
	s9 =	simm.s32 $0x2B80;
	[sflag:s7] =	ssyncadd.s32 $0xFFFFFFF0  }
0x198: {  	[tilespmem:s12], [sflag:$0x1] =	stream.indirect.gather [hbm4b:s1+s25], $0x80, s9, s25, $0xb8;
	[tilespmem:$0x1ED00] =	vst v63  }
0x199: {  	_ =	swait.ge [sflag:s10], $0x800  }
0x19a: {  	[sflag:s10] =	ssyncset.done $0x0  }
0x19b: {  	[sflag:s10] =	ssyncadd.s32 $0xFFFFF800  }
0x19c: {  	[spmem:s3] =	stream.indirect.scatter.add.f32 [tilespmem:s12], [sflag:$0xA], $0x80, s8, s25, $0xb8;
	[tilespmem:$0x1ED00] =	vst v63  }
0x19d: {  	_ =	swait.ge [sflag:s7], $0x800  }
0x19e: {  	[sflag:s7] =	ssyncset.done $0x0  }
0x19f: {  	[sflag:s7] =	ssyncadd.s32 $0xFFFFF800  }
0x1a0: {  	s28 =	stileid.u32;
	[bflag:$0x0] =	sbarrier.arrive $0xFFFF  }
0x1a1: {  	s2 =	sshll.u32 s28, $0x6;
	s24 =	rddreg [dreg:$0xa]  }
0x1a2: {  	s2 =	sor.u32 $0x1C0A, s2;
	s30 =	rddreg [dreg:$0xf];
	s29 =	sshrl.u32 s24, $0x3  }
0x1a3: {  	[hbm:s30], [sflag:s2] =	dma.local [spmem:s29], $0x2700  }
0x1a4: {  	_ =	swait.ge [sflag:s7], $0x2700  }
0x1a5: {  	[sflag:s7] =	ssyncset.done $0x0;
	s25 =	rddreg [dreg:$0xb]  }
0x1a6: {  	s9 =	rddreg [dreg:$0x10];
	[sflag:s7] =	ssyncadd.s32 $0xFFFFD900;
	s8 =	sshrl.u32 @!p0 s25, $0x3  }
0x1a7: {  	[hbm:s9], [sflag:s2] =	dma.local @!p0 [spmem:s8], $0x100  }
0x1a8: {  	s2 =	simm.s32 @!p0 $0xA  }
0x1a9: {  	_ =	swait.ge @!p0 [sflag:s2], $0x100  }
0x1aa: {  	s26 =	sadd.s32 $0x1, s26;
	s31 =	rddreg [dreg:$0x11]  }
0x1ab: {  	p1 =	sne.s32 s26, s31  }
.Ltmp3:
0x1ac: {  	_ = 	snop;
	(pc) =	sbr.rel @p1 .LBB2_1-.Ltmp3, $3  }
0x1ad: {  	_ =	sdelay $0x1  }
0x1ae: {  	[sflag:s2] =	ssyncset.done @!p0 $0x0  }
0x1af: {  	[sflag:s2] =	ssyncadd.s32 @!p0 $0xFFFFFF00  }
0x1b0: {  	_ =	sfence.sel $0x180000  }
0x1b1: {  	[bflag:$0x0] =	sbarrier.arrive $0xFFFF  }
0x1b2: {  	_ =	strace $0x9000004A  }
0x1b3: {  	[bflag:$0x2] =	sbarrier.arrive $0xFFFF  }
0x1b4: {  	s0 =	rddreg [dreg:$0x3]  }
0x1b5: {  	s0 =	sadd.s32 @!p0 $0x100000, s0  }
0x1b6: {  	[sflag:s0] =	ssyncadd.tile.s32 @!p0 $0x1;
	_ =	shalt  }
.Lfunc_end2:
_tile_overlayer_lowered:
.L_overlay_start_2:
0x1b7: {  	(tag) =	ssettag $0x2  }
0x1b8: {  	s0 =	rddreg [dreg:$0x0];
	s2 =	stileid.u32  }
0x1b9: {  	s1 =	rddreg [dreg:$0x1];
	p0 =	sne.s32 s2, $0x0  }
0x1ba: {  	s3 =	rddreg [dreg:$0x2];
	[bflag:$0x3] =	sbarrier.arrive $0xFFFF;
	s2 =	simm.s32 @!p0 $0x1C0A  }
0x1bb: {  	[timem:s3], [sflag:s2] =	dma.local @!p0 [hbm:s0], s1  }
0x1bc: {  	s0 =	simm.s32 @!p0 $0xA  }
0x1bd: {  	_ =	swait.ge @!p0 [sflag:s0], s1  }
0x1be: {  	s1 =	ssub.s32 @!p0 $0x0, s1;
	[sflag:s0] =	ssyncset.done @!p0 $0x0  }
0x1bf: {  	[sflag:s0] =	ssyncadd.s32 @!p0 s1  }
0x1c0: {  	[bflag:$0x3] =	sbarrier.arrive $0xFFFF  }
0x1c1: {  	_ =	shalt  }

// kernel: kernel.16.cloned.1.call-start
scs
__scs_entry_jumppad:
0x0: {  	(pc) =	sbr.rel $0x88, $3  }
0x1: {  	(tag) =	ssettag $0x0;
	lr =	simm.s32 $0x1  }
0x2: {  	[smem:$0x3F93] =	sst lr;
	_ =	strace $0xD0000000  }
0x3: {  	_ = 	snop  }
0x4: {  	_ = 	snop  }
0x5: {  	_ = 	snop  }
0x6: {  	_ = 	snop  }
0x7: {  	_ = 	snop  }
__scs_overlays_trampoline_lowered:
0x8: {  	[smem:$0x3FA2] =	sst s0  }
0x9: {  	[smem:$0x3FA3] =	sst s1  }
0xa: {  	[smem:$0x3FA4] =	sst s2  }
0xb: {  	[smem:$0x3FA5] =	sst s3  }
0xc: {  	[smem:$0x3FA6] =	sst s4  }
0xd: {  	[smem:$0x3FA7] =	sst s5  }
0xe: {  	[smem:$0x3FA8] =	sst s6  }
0xf: {  	[smem:$0x3FA9] =	sst s7  }
0x10: {  	[smem:$0x3FAA] =	sst s8  }
0x11: {  	[smem:$0x3FAB] =	sst s9;
	s0 =	simm.s32 @!p0 $0x0  }
0x12: {  	s1 =	sld [smem:$0x3F91];
	s0 =	simm.s32 @p0 $0x1  }
0x13: {  	[smem:$0x3FAC] =	sst s0;
	s0 =	simm.s32 @!p1 $0x0  }
0x14: {  	s2 =	sld [smem:$0x3F90];
	s0 =	simm.s32 @p1 $0x1  }
0x15: {  	[smem:$0x3FAD] =	sst s0;
	s0 =	simm.s32 @!p2 $0x0  }
0x16: {  	s3 =	sld [smem:$0x3FDB];
	s0 =	simm.s32 @p2 $0x1  }
0x17: {  	s4 =	simm.s32 $0x1BF5;
	[smem:$0x3FAF] =	sst s0  }
0x18: {  	s0 =	sld [smem:$0x3F92];
	_ =	swait.ge [sflag:s4], $0x0  }
0x19: {  	s7 =	sld [smem:$0x3F93]  }
0x1a: {  	s8 =	sadd.s32 $0xFFFFE003, lr  }
0x1b: {  	s9 =	sadd.s32 $0xFFFFFEF7, lr;
	s5 =	simm.s32 $0xFFFFFFFF;
	p2 =	slt.u32 s8, $0xFFFFF086  }
0x1c: {  	p1 =	slt.u32 s9, $0xF7A;
	s5 =	simm.s32 @!p2 $0x0  }
0x1d: {  	s5 =	simm.s32 @p1 $0x1;
	p0 =	seq.s32 s7, s2  }
0x1e: {  	s7 =	smul.u32 @!p0 $0xF7A, s2;
	p2 =	seq.s32 @!p0 s5, $0x0  }
0x1f: {  	s9 =	smul.u32 $0xF7A, s1;
	s8 =	simm.s32 @!p0 $0x1BF5;
	p2 =	por !p2, p0  }
0x20: {  	[sflag:s8] =	ssyncset.s32 @!p0 $0xFFFFF086;
	s6 =	sadd.s32 @!p0 s3, s7;
	s7 =	simm.s32 @!p0 $0x108  }
0x21: {  	s3 =	sadd.s32 s3, s9;
	s6 =	sadd.s32 @!p0 $0x88, s6;
	s7 =	simm.s32 @p2 $0x1082  }
0x22: {  	[simem:s7], [sflag:s8] =	dma.local @!p0 [hbm:s6], $0xF7A  }
0x23: {  	s9 =	sor.u32 $0xD0000000, s2;
	s6 =	simm.s32 $0x108;
	_ =	swait.ge @!p0 [sflag:s8], $0x0  }
0x24: {  	s3 =	sadd.s32 $0x88, s3;
	s6 =	simm.s32 @!p1 $0x1082;
	[sflag:s4] =	ssyncset.s32 $0xFFFFF086  }
0x25: {  	[simem:s6], [sflag:s4] =	dma.local [hbm:s3], $0xF7A  }
0x26: {  	[smem:$0x3F93] =	sst s1;
	(tag) =	ssettag s2;
	_ =	strace s9  }
0x27: {  	s1 =	sld [smem:$0x3FA3]  }
0x28: {  	s2 =	sld [smem:$0x3FA4]  }
0x29: {  	s4 =	sld [smem:$0x3FA6]  }
0x2a: {  	p0 =	seq.s32 s5, $0x0;
	s5 =	sld [smem:$0x3FA7]  }
0x2b: {  	s6 =	sld [smem:$0x3FA8]  }
0x2c: {  	s7 =	sld [smem:$0x3FA9]  }
0x2d: {  	s3 =	simm.s32 $0x108;
	s8 =	sld [smem:$0x3FAA]  }
0x2e: {  	s3 =	simm.s32 @!p0 $0x1082;
	s9 =	sld [smem:$0x3FAB]  }
0x2f: {  	lr =	sadd.s32 s0, s3;
	s0 =	sld [smem:$0x3FA2]  }
0x30: {  	s3 =	sld [smem:$0x3FA5]  }
0x31: {  	[smem:$0x3FAE] =	sst s10  }
0x32: {  	s10 =	sld [smem:$0x3FAC];
	_ =	sdelay $0x3  }
0x33: {  	p0 =	seq.s32 s10, $0x1;
	s10 =	sld [smem:$0x3FAE];
	_ =	sdelay $0x3  }
0x34: {  	[smem:$0x3FAE] =	sst s10  }
0x35: {  	s10 =	sld [smem:$0x3FAD];
	_ =	sdelay $0x3  }
0x36: {  	p1 =	seq.s32 s10, $0x1;
	s10 =	sld [smem:$0x3FAE];
	_ =	sdelay $0x3  }
0x37: {  	[smem:$0x3FAE] =	sst s10  }
0x38: {  	s10 =	sld [smem:$0x3FAF]  }
0x39: {  	_ = 	snop;
	(pc) =	sbr.ind lr, $3  }
0x3a: {  	_ = 	snop  }
0x3b: {  	_ = 	snop  }
0x3c: {  	p2 =	seq.s32 s10, $0x1;
	s10 =	sld [smem:$0x3FAE]  }
0x3d: {  	_ =	shalt  }
0x3e: {  	_ =	shalt  }
0x3f: {  	_ =	shalt  }
0x40: {  	_ =	shalt  }
0x41: {  	_ =	shalt  }
0x42: {  	_ =	shalt  }
0x43: {  	_ =	shalt  }
0x44: {  	_ =	shalt  }
0x45: {  	_ =	shalt  }
0x46: {  	_ =	shalt  }
0x47: {  	_ =	shalt  }
0x48: {  	_ =	shalt  }
0x49: {  	_ =	shalt  }
0x4a: {  	_ =	shalt  }
0x4b: {  	_ =	shalt  }
0x4c: {  	_ =	shalt  }
0x4d: {  	_ =	shalt  }
0x4e: {  	_ =	shalt  }
0x4f: {  	_ =	shalt  }
0x50: {  	_ =	shalt  }
0x51: {  	_ =	shalt  }
0x52: {  	_ =	shalt  }
0x53: {  	_ =	shalt  }
0x54: {  	_ =	shalt  }
0x55: {  	_ =	shalt  }
0x56: {  	_ =	shalt  }
0x57: {  	_ =	shalt  }
0x58: {  	_ =	shalt  }
0x59: {  	_ =	shalt  }
0x5a: {  	_ =	shalt  }
0x5b: {  	_ =	shalt  }
0x5c: {  	_ =	shalt  }
0x5d: {  	_ =	shalt  }
0x5e: {  	_ =	shalt  }
0x5f: {  	_ =	shalt  }
0x60: {  	_ =	shalt  }
0x61: {  	_ =	shalt  }
0x62: {  	_ =	shalt  }
0x63: {  	_ =	shalt  }
0x64: {  	_ =	shalt  }
0x65: {  	_ =	shalt  }
0x66: {  	_ =	shalt  }
0x67: {  	_ =	shalt  }
0x68: {  	_ =	shalt  }
0x69: {  	_ =	shalt  }
0x6a: {  	_ =	shalt  }
0x6b: {  	_ =	shalt  }
0x6c: {  	_ =	shalt  }
0x6d: {  	_ =	shalt  }
0x6e: {  	_ =	shalt  }
0x6f: {  	_ =	shalt  }
0x70: {  	_ =	shalt  }
0x71: {  	_ =	shalt  }
0x72: {  	_ =	shalt  }
0x73: {  	_ =	shalt  }
0x74: {  	_ =	shalt  }
0x75: {  	_ =	shalt  }
0x76: {  	_ =	shalt  }
0x77: {  	_ =	shalt  }
0x78: {  	_ =	shalt  }
0x79: {  	_ =	shalt  }
0x7a: {  	_ =	shalt  }
0x7b: {  	_ =	shalt  }
0x7c: {  	_ =	shalt  }
0x7d: {  	_ =	shalt  }
0x7e: {  	_ =	shalt  }
0x7f: {  	_ =	shalt  }
0x80: {  	_ =	shalt  }
0x81: {  	_ =	shalt  }
0x82: {  	_ =	shalt  }
0x83: {  	_ =	shalt  }
0x84: {  	_ =	shalt  }
0x85: {  	_ =	shalt  }
0x86: {  	_ =	shalt  }
0x87: {  	_ =	shalt  }
.Lfunc_end0:
.L_simem_size_0:
called_computation.2_lowered:
.L_overlay_start_0:
0x88: {  	s2 =	sld [smem:$0x3FD9]  }
0x89: {  	s3 =	sld [smem:$0x3FFE];
	_ =	sdelay $0x1  }
0x8a: {  	s1 =	srdreg.scid  }
0x8b: {  	s0 =	sand.u32 $0x1, s1  }
0x8c: {  	s17 =	sshll.u32 s0, $0xA;
	s2 =	sadd.s32 s3, s2  }
0x8d: {  	s2 =	sadd.s32 s2, s17  }
0x8e: {  	[smem:$0x3FBA] =	sst s2  }
0x8f: {  	_ = 	snop  }
0x90: {  	s2 =	sld [smem:$0x3FD0];
	(tm) =	ssettm $0x1  }
0x91: {  	s18 =	sld [smem:$0x3FFB];
	_ =	sdelay $0x3  }
0x92: {  	_ =	strace s18  }
0x93: {  	s3 =	sld [smem:$0x3FFC];
	_ =	sdelay $0x3  }
0x94: {  	_ =	strace s3  }
0x95: {  	s3 =	sld [smem:$0x3FFD];
	_ =	sdelay $0x3  }
0x96: {  	_ =	strace s3  }
0x97: {  	_ =	strace $0x8FFFFFFF  }
0x98: {  	s19 =	sld [smem:$0x3FDB];
	_ =	sdelay $0x1  }
0x99: {  	s4 =	simm.s32 $_scs_section_size  }
0x9a: {  	s5 =	simm.s32 $_size__tile_overlayer_lowered;
	s6 =	simm.s32 $_tile_overlayer_lowered  }
0x9b: {  	s22 =	simm.s32 $0x1BFF;
	s21 =	sshll.u32 s6, $0x1;
	s3 =	sadd.s32 s4, s19  }
0x9c: {  	s7 =	simm.s32 $0x0;
	s20 =	sshll.u32 s5, $0x1;
	s5 =	sadd.s32 s21, s3  }
0x9d: {  	[timem:s7], [sflag:s22] =	dma.local [hbm:s5], s20  }
0x9e: {  	_ =	swait.ge [sflag:s22], s20  }
0x9f: {  	s4 =	ssub.s32 $0x0, s20;
	[sflag:s22] =	ssyncset.done $0x0  }
0xa0: {  	[sflag:s22] =	ssyncadd.s32 s4;
	_ =	sdelay $0x1  }
0xa1: {  	s23 =	simm.s32 $0x1B8B  }
0xa2: {  	_ =	swait.ge [sflag:s23], $0x1  }
0xa3: {  	[sflag:s23] =	ssyncset.done $0x0  }
0xa4: {  	s25 =	simm.s32 $0x1B8E;
	s24 =	sld [smem:$0x3FFE];
	[sflag:s23] =	ssyncadd.s32 $0xFFFFFFFF  }
0xa5: {  	s26 =	simm.s32 $execute0_lowered;
	[smem:$0x3FD2] =	sst s25  }
0xa6: {  	s5 =	sshll.u32 s26, $0x1;
	_ =	strace $0x8000004C;
	[dreg:$0x1] =	wrdreg $0xFFFFFFFF  }
0xa7: {  	s28 =	simm.s32 $_size_execute0_lowered;
	s3 =	sadd.s32 s3, s5;
	[dreg:$0x0] =	wrdreg $0x0  }
0xa8: {  	s5 =	sshll.u32 s28, $0x1;
	[dreg:$0x2] =	wrdreg s3  }
0xa9: {  	[dreg:$0x3] =	wrdreg s5  }
0xaa: {  	[dreg:$0x4] =	wrdreg $0xC0  }
0xab: {  	_ =	task [dreg:s7], $0x5FFFF  }
0xac: {  	[dreg:$0x1] =	wrdreg $0xFFFFFFFF  }
0xad: {  	[dreg:$0x0] =	wrdreg $0x60  }
0xae: {  	[dreg:$0x2] =	wrdreg s2  }
0xaf: {  	[dreg:$0x3] =	wrdreg s24  }
0xb0: {  	[dreg:$0x4] =	wrdreg $0xB4800  }
0xb1: {  	[dreg:$0x5] =	wrdreg $0x9  }
0xb2: {  	_ =	task.clear_ibuf [dreg:s7], $0x6FFFF;
	_ =	strace $0x9000004C  }
0xb3: {  	s29 =	simm.s32 $0x9;
	_ =	strace $0x8000004E  }
0xb4: {  	_ =	swait.ge [sflag:s29], $0x1  }
0xb5: {  	[sflag:s29] =	ssyncadd.s32 $0xFFFFFFFF  }
0xb6: {  	_ =	strace $0x9000004E  }
0xb7: {  	_ =	sfence  }
0xb8: {  	s30 =	sld [smem:$0x0];
	_ =	sdelay $0x2  }
0xb9: {  	s31 =	sshll.u32 s1, $0xD;
	s1 =	sshrl.u32 s1, $0x2  }
0xba: {  	s3 =	sand.u32 $0x4000, s31;
	s1 =	sadd.s32 s1, s30  }
0xbb: {  	s0 =	sor.u32 s3, s0;
	s1 =	sshll.u32 s1, $0x11  }
0xbc: {  	s0 =	sor.u32 s1, s0  }
0xbd: {  	s0 =	sadd.s32 $0x8F2B, s0  }
0xbe: {  	[sflag:s0] =	ssyncadd.remote.s32 $0x1  }
0xbf: {  	_ =	sfence.sel $0xFFFF  }
0xc0: {  	[dreg:$0x0] =	wrdreg $0xFFFFFFFF;
	(pc) =	sbr.abs _section_cstart, $3  }
0xc1: {  	[dreg:$0x1] =	wrdreg $0xFFFFFFFF  }
0xc2: {  	_ =	task.clear_ibuf [dreg:s7], $0x2FFFF;
	_ =	strace $0x9FFFFFFF  }
0xc3: {  	(tm) =	ssettm $0x7FFFFFFF  }
tec
execute0_lowered:
.L_overlay_start_1:
0x0: {  	(tag) =	ssettag $0x1  }
0x1: {  	s0 =	srdreg.scid  }
0x2: {  	s11 =	stileid.u32;
	s6 =	rddreg [dreg:$0x1]  }
0x3: {  	s0 =	sand.u32 $0x1, s0;
	s4 =	sshll.u32 s11, $0x7;
	s19 =	smul.u32 $0x4E000, s11  }
0x4: {  	s30 =	smul.u32 $0x2710, s11;
	s1 =	sshll.u32 s0, $0x4;
	s7 =	sand.u32 $0x380, s4  }
0x5: {  	s4 =	simm.s32 $0x0;
	s8 =	ssub.s32 $0x2, s0;
	s20 =	smul.u32 $0x138800, s0  }
0x6: {  	s0 =	smul.u32 $0x27100, s0;
	s2 =	sor.u32 s11, s1;
	s1 =	rddreg [dreg:$0x0]  }
0x7: {  	[smem:$0x7FF] =	sst s4;
	s9 =	sshrl.u32 s8, $0x1;
	s3 =	sshrl.u32 s2, $0x3  }
0x8: {  	s10 =	ssub.s32 s8, s9;
	s8 =	sshrl.u32 s19, $0x2;
	s0 =	sadd.s32 s30, s0  }
0x9: {  	s5 =	smul.u32 $0x13C00, s3;
	s3 =	rddreg [dreg:$0x2];
	_ =	strace $0x8000004D  }
0xa: {  	s31 =	smax.u32 s10, $0x1;
	s13 =	sadd.s32 $0xC0, s0;
	s15 =	sadd.s32 $0x180, s0  }
0xb: {  	s16 =	sadd.s32 $0x140, s0;
	s0 =	sadd.s32 $0x100, s0;
	[dreg:$0x11] =	wrdreg s31  }
0xc: {  	s24 =	sadd.s32 s8, s3;
	[dreg:$0x1b] =	wrdreg s0  }
0xd: {  	s25 =	sadd.s32 $0x138000, s3;
	[dreg:$0xa] =	wrdreg s24  }
0xe: {  	s8 =	sadd.s32 $0x1000, s24;
	[dreg:$0xb] =	wrdreg s25  }
0xf: {  	s9 =	sadd.s32 $0x1800, s24;
	[dreg:$0x13] =	wrdreg s8  }
0x10: {  	s10 =	sadd.s32 $0x2000, s24;
	[dreg:$0x14] =	wrdreg s9  }
0x11: {  	s12 =	sadd.s32 $0x2800, s24;
	[dreg:$0x15] =	wrdreg s10  }
0x12: {  	s14 =	sadd.s32 $0x3000, s24;
	[dreg:$0x16] =	wrdreg s12  }
0x13: {  	s19 =	sadd.s32 $0x3800, s24;
	[dreg:$0x17] =	wrdreg s14  }
0x14: {  	s30 =	sadd.s32 $0x6800, s24;
	[dreg:$0x18] =	wrdreg s19  }
0x15: {  	s22 =	smul.u32 $0x13800, s11;
	s31 =	sadd.s32 $0x7000, s24;
	[dreg:$0x1f] =	wrdreg s30  }
0x16: {  	p0 =	sne.s32 s11, $0x0;
	s11 =	sadd.s32 $0xA800, s24;
	[smem:$0x7E5] =	sst s31  }
0x17: {  	s8 =	sadd.s32 $0x9000, s24;
	[smem:$0x7EC] =	sst s11  }
0x18: {  	s9 =	sadd.s32 $0x9800, s24;
	[smem:$0x7E9] =	sst s8  }
0x19: {  	s2 =	smul.u32 $0x2710, s2;
	s10 =	sadd.s32 $0xA000, s24;
	[smem:$0x7EA] =	sst s9  }
0x1a: {  	s12 =	sadd.s32 $0xB000, s24;
	[smem:$0x7EB] =	sst s10  }
0x1b: {  	s2 =	sshrl.u32 s2, $0x3;
	s14 =	sadd.s32 $0xC000, s24;
	[smem:$0x7ED] =	sst s12  }
0x1c: {  	s5 =	sor.u32 s7, s5;
	s19 =	sadd.s32 $0xE800, s24;
	[smem:$0x7EF] =	sst s14  }
0x1d: {  	s5 =	sshrl.u32 s5, $0x3;
	s30 =	sadd.s32 $0x12800, s24;
	[smem:$0x7F4] =	sst s19  }
0x1e: {  	s31 =	sadd.s32 $0x13000, s24;
	s18 =	sadd.s32 s5, s6;
	[smem:$0x7FC] =	sst s30  }
0x1f: {  	s5 =	sadd.s32 $0x4000, s6;
	[smem:$0x7FD] =	sst s31;
	s7 =	sadd.s32 $0xE800, s18  }
0x20: {  	s21 =	sadd.s32 s5, s2;
	[dreg:$0x8] =	wrdreg s7  }
0x21: {  	s2 =	sadd.s32 s22, s20;
	s22 =	simm.s32 $0x2900;
	[dreg:$0x9] =	wrdreg s21  }
0x22: {  	s18 =	sshrl.u32 s16, $0x3;
	s16 =	sadd.s32 $0xD000, s24;
	[dreg:$0x7] =	wrdreg s22  }
0x23: {  	s23 =	sadd.s32 $0x8, s21;
	[smem:$0x7F1] =	sst s16  }
0x24: {  	s26 =	sadd.s32 $0x10, s21;
	[dreg:$0xc] =	wrdreg s23  }
0x25: {  	s28 =	sadd.s32 $0x4E0, s21;
	[dreg:$0xd] =	wrdreg s26  }
0x26: {  	s21 =	sadd.s32 $0x4000, s24;
	[dreg:$0xe] =	wrdreg s28  }
0x27: {  	s7 =	sshrl.u32 s20, $0x3;
	s20 =	sadd.s32 s18, s5;
	[dreg:$0x19] =	wrdreg s21  }
0x28: {  	s6 =	sadd.s32 $0x3F800, s6;
	s18 =	sadd.s32 $0xE000, s24;
	[dreg:$0x6] =	wrdreg s20  }
0x29: {  	s2 =	sshrl.u32 s2, $0x3;
	s22 =	sadd.s32 $0x10000, s24;
	[smem:$0x7F3] =	sst s18  }
0x2a: {  	s2 =	sadd.s32 s6, s2;
	[smem:$0x7F7] =	sst s22  }
0x2b: {  	s29 =	sadd.s32 s6, s7;
	s7 =	sadd.s32 $0x800, s24;
	[dreg:$0xf] =	wrdreg s2  }
0x2c: {  	s23 =	sadd.s32 $0x4800, s24;
	[dreg:$0x12] =	wrdreg s7  }
0x2d: {  	s26 =	sadd.s32 $0x5000, s24;
	[dreg:$0x1a] =	wrdreg s23  }
0x2e: {  	s0 =	simm.s32 $0xAC80;
	s28 =	sadd.s32 $0x5800, s24;
	[dreg:$0x1c] =	wrdreg s26  }
0x2f: {  	s6 =	sshrl.u32 s15, $0x3;
	s15 =	sadd.s32 $0xC800, s24;
	[dreg:$0x1d] =	wrdreg s28  }
0x30: {  	s11 =	simm.s32 $0x40;
	s20 =	sadd.s32 $0xF000, s24;
	[smem:$0x7F0] =	sst s15  }
0x31: {  	s10 =	simm.s32 $0x1;
	s21 =	sadd.s32 $0xF800, s24;
	[smem:$0x7F5] =	sst s20  }
0x32: {  	s12 =	simm.s32 $0x2C80;
	s2 =	sadd.s32 $0x27000, s29;
	[smem:$0x7F6] =	sst s21  }
0x33: {  	s14 =	simm.s32 $0x6C80;
	s17 =	sadd.s32 s6, s5;
	[dreg:$0x10] =	wrdreg s2  }
0x34: {  	s19 =	simm.s32 $0x3;
	s29 =	sadd.s32 $0x6000, s24;
	[dreg:$0x5] =	wrdreg s17  }
0x35: {  	s16 =	simm.s32 $0x8C80;
	s6 =	sadd.s32 $0x8000, s24;
	[dreg:$0x1e] =	wrdreg s29  }
0x36: {  	s18 =	simm.s32 $0x5;
	s7 =	sadd.s32 $0x8800, s24;
	[smem:$0x7E7] =	sst s6  }
0x37: {  	s22 =	simm.s32 $0x8;
	s23 =	sadd.s32 $0x10800, s24;
	[smem:$0x7E8] =	sst s7  }
0x38: {  	s26 =	sadd.s32 $0x11000, s24;
	s28 =	sadd.s32 $0x11800, s24;
	[smem:$0x7F8] =	sst s23  }
0x39: {  	s15 =	simm.s32 $0x2A80;
	s20 =	simm.s32 $0x7;
	[smem:$0x7F9] =	sst s26  }
0x3a: {  	s2 =	sshrl.u32 s13, $0x3;
	s13 =	sadd.s32 $0xB800, s24;
	[smem:$0x7FA] =	sst s28  }
0x3b: {  	s21 =	simm.s32 $0x4;
	s17 =	sadd.s32 $0xD800, s24;
	[smem:$0x7EE] =	sst s13  }
0x3c: {  	s29 =	sadd.s32 $0x12000, s24;
	s6 =	simm.s32 $0x9;
	[smem:$0x7F2] =	sst s17  }
0x3d: {  	s7 =	simm.s32 $0xA;
	s2 =	sadd.s32 s2, s5;
	[smem:$0x7FB] =	sst s29  }
0x3e: {  	s26 =	simm.s32 $0x0;
	[dreg:$0x4] =	wrdreg s2;
	s2 =	sadd.s32 $0x7800, s24  }
0x3f: {  	v0 =	vimm.f32 $0.0e+00;
	s13 =	simm.s32 $0x2980;
	s17 =	simm.s32 $0x2B00;
	[smem:$0x7E6] =	sst s2  }
.LBB2_1:
0x40: {  	s2 =	rddreg [dreg:$0x8];
	s8 =	simm.s32 $0x80;
	s9 =	simm.s32 $0x400  }
0x41: {  	[tilespmem:s4], [sflag:$0x1] =	stream.strided.gather [hbm4b:s2+s8], $0x2780, s9, s8, $0x38;
	[tilespmem:$0x1ED00] =	vst v63  }
0x42: {  	s23 =	simm.s32 $0x200;
	s2 =	simm.s32 $0x0  }
.LBB2_2:
0x43: {  	p1 =	sne.s32 s23, $0x1E00;
	[tilespmem:s2+$0xACF0] =	vst v0  }
0x44: {  	[tilespmem:s2+$0xAC80] =	vst v0  }
0x45: {  	[tilespmem:s2+$0xAC90] =	vst v0  }
.Ltmp0:
0x46: {  	[tilespmem:s2+$0xACA0] =	vst v0;
	(pc) =	sbr.rel @p1 .LBB2_2-.Ltmp0, $4  }
0x47: {  	[tilespmem:s2+$0xACB0] =	vst v0  }
0x48: {  	[tilespmem:s2+$0xACC0] =	vst v0  }
0x49: {  	[tilespmem:s2+$0xACD0] =	vst v0  }
0x4a: {  	[tilespmem:s2+$0xACE0] =	vst v0;
	s2 =	sshra.s32 s23, $0x2;
	s23 =	sadd.s32 $0x200, s23  }
0x4b: {  	[tilespmem:s2+$0xACF0] =	vst v0  }
0x4c: {  	[tilespmem:s2+$0xAC80] =	vst v0  }
0x4d: {  	[tilespmem:s2+$0xAC90] =	vst v0  }
0x4e: {  	[tilespmem:s2+$0xACA0] =	vst v0  }
0x4f: {  	[tilespmem:s2+$0xACB0] =	vst v0  }
0x50: {  	[tilespmem:s2+$0xACC0] =	vst v0  }
0x51: {  	[tilespmem:s2+$0xACD0] =	vst v0  }
0x52: {  	[tilespmem:s2+$0xACE0] =	vst v0;
	s23 =	rddreg [dreg:$0x12]  }
0x53: {  	[spmem:s24] =	stream.linear.scatter [tilespmem:s0], [sflag:$0x9], $0x800, $0x38;
	[tilespmem:$0x1ED00] =	vst v63  }
0x54: {  	s28 =	rddreg [dreg:$0x14]  }
0x55: {  	[spmem:s23] =	stream.linear.scatter [tilespmem:s0], [sflag:$0x9], $0x800, $0x38;
	[tilespmem:$0x1ED00] =	vst v63  }
0x56: {  	s24 =	rddreg [dreg:$0x13]  }
0x57: {  	[spmem:s24] =	stream.linear.scatter [tilespmem:s0], [sflag:$0x9], $0x800, $0x38;
	[tilespmem:$0x1ED00] =	vst v63  }
0x58: {  	s29 =	rddreg [dreg:$0x15]  }
0x59: {  	[spmem:s28] =	stream.linear.scatter [tilespmem:s0], [sflag:$0x9], $0x800, $0x38;
	[tilespmem:$0x1ED00] =	vst v63  }
0x5a: {  	s30 =	rddreg [dreg:$0x16]  }
0x5b: {  	[spmem:s29] =	stream.linear.scatter [tilespmem:s0], [sflag:$0x9], $0x800, $0x38;
	[tilespmem:$0x1ED00] =	vst v63  }
0x5c: {  	s31 =	rddreg [dreg:$0x17]  }
0x5d: {  	[spmem:s30] =	stream.linear.scatter [tilespmem:s0], [sflag:$0x9], $0x800, $0x38;
	[tilespmem:$0x1ED00] =	vst v63  }
0x5e: {  	s8 =	rddreg [dreg:$0x18]  }
0x5f: {  	[spmem:s31] =	stream.linear.scatter [tilespmem:s0], [sflag:$0x9], $0x800, $0x38;
	[tilespmem:$0x1ED00] =	vst v63  }
0x60: {  	s9 =	rddreg [dreg:$0x19]  }
0x61: {  	[spmem:s8] =	stream.linear.scatter [tilespmem:s0], [sflag:$0x9], $0x800, $0x38;
	[tilespmem:$0x1ED00] =	vst v63  }
0x62: {  	s23 =	rddreg [dreg:$0x1a]  }
0x63: {  	[spmem:s9] =	stream.linear.scatter [tilespmem:s0], [sflag:$0x9], $0x800, $0x38;
	[tilespmem:$0x1ED00] =	vst v63  }
0x64: {  	s24 =	rddreg [dreg:$0x1c]  }
0x65: {  	[spmem:s23] =	stream.linear.scatter [tilespmem:s0], [sflag:$0x9], $0x800, $0x38;
	[tilespmem:$0x1ED00] =	vst v63  }
0x66: {  	s28 =	rddreg [dreg:$0x1d]  }
0x67: {  	[spmem:s24] =	stream.linear.scatter [tilespmem:s0], [sflag:$0x9], $0x800, $0x38;
	[tilespmem:$0x1ED00] =	vst v63  }
0x68: {  	s29 =	rddreg [dreg:$0x1e]  }
0x69: {  	[spmem:s28] =	stream.linear.scatter [tilespmem:s0], [sflag:$0x9], $0x800, $0x38;
	[tilespmem:$0x1ED00] =	vst v63  }
0x6a: {  	s30 =	rddreg [dreg:$0x1f]  }
0x6b: {  	[spmem:s29] =	stream.linear.scatter [tilespmem:s0], [sflag:$0x9], $0x800, $0x38;
	[tilespmem:$0x1ED00] =	vst v63  }
0x6c: {  	s31 =	sld [smem:$0x7E5]  }
0x6d: {  	[spmem:s30] =	stream.linear.scatter [tilespmem:s0], [sflag:$0x9], $0x800, $0x38;
	[tilespmem:$0x1ED00] =	vst v63  }
0x6e: {  	s8 =	sld [smem:$0x7E6]  }
0x6f: {  	[spmem:s31] =	stream.linear.scatter [tilespmem:s0], [sflag:$0x9], $0x800, $0x38;
	[tilespmem:$0x1ED00] =	vst v63  }
0x70: {  	s9 =	sld [smem:$0x7E7]  }
0x71: {  	[spmem:s8] =	stream.linear.scatter [tilespmem:s0], [sflag:$0x9], $0x800, $0x38;
	[tilespmem:$0x1ED00] =	vst v63  }
0x72: {  	s23 =	sld [smem:$0x7E8]  }
0x73: {  	[spmem:s9] =	stream.linear.scatter [tilespmem:s0], [sflag:$0x9], $0x800, $0x38;
	[tilespmem:$0x1ED00] =	vst v63  }
0x74: {  	s24 =	sld [smem:$0x7E9]  }
0x75: {  	[spmem:s23] =	stream.linear.scatter [tilespmem:s0], [sflag:$0x9], $0x800, $0x38;
	[tilespmem:$0x1ED00] =	vst v63  }
0x76: {  	s28 =	sld [smem:$0x7EA]  }
0x77: {  	[spmem:s24] =	stream.linear.scatter [tilespmem:s0], [sflag:$0x9], $0x800, $0x38;
	[tilespmem:$0x1ED00] =	vst v63  }
0x78: {  	s29 =	sld [smem:$0x7EB]  }
0x79: {  	[spmem:s28] =	stream.linear.scatter [tilespmem:s0], [sflag:$0x9], $0x800, $0x38;
	[tilespmem:$0x1ED00] =	vst v63  }
0x7a: {  	s30 =	sld [smem:$0x7EC]  }
0x7b: {  	[spmem:s29] =	stream.linear.scatter [tilespmem:s0], [sflag:$0x9], $0x800, $0x38;
	[tilespmem:$0x1ED00] =	vst v63  }
0x7c: {  	s31 =	sld [smem:$0x7ED]  }
0x7d: {  	[spmem:s30] =	stream.linear.scatter [tilespmem:s0], [sflag:$0x9], $0x800, $0x38;
	[tilespmem:$0x1ED00] =	vst v63  }
0x7e: {  	s8 =	sld [smem:$0x7EE]  }
0x7f: {  	[spmem:s31] =	stream.linear.scatter [tilespmem:s0], [sflag:$0x9], $0x800, $0x38;
	[tilespmem:$0x1ED00] =	vst v63  }
0x80: {  	s9 =	sld [smem:$0x7EF]  }
0x81: {  	[spmem:s8] =	stream.linear.scatter [tilespmem:s0], [sflag:$0x9], $0x800, $0x38;
	[tilespmem:$0x1ED00] =	vst v63  }
0x82: {  	s23 =	sld [smem:$0x7F0]  }
0x83: {  	[spmem:s9] =	stream.linear.scatter [tilespmem:s0], [sflag:$0x9], $0x800, $0x38;
	[tilespmem:$0x1ED00] =	vst v63  }
0x84: {  	s24 =	sld [smem:$0x7F1]  }
0x85: {  	[spmem:s23] =	stream.linear.scatter [tilespmem:s0], [sflag:$0x9], $0x800, $0x38;
	[tilespmem:$0x1ED00] =	vst v63  }
0x86: {  	s28 =	sld [smem:$0x7F2]  }
0x87: {  	[spmem:s24] =	stream.linear.scatter [tilespmem:s0], [sflag:$0x9], $0x800, $0x38;
	[tilespmem:$0x1ED00] =	vst v63  }
0x88: {  	s29 =	sld [smem:$0x7F3]  }
0x89: {  	[spmem:s28] =	stream.linear.scatter [tilespmem:s0], [sflag:$0x9], $0x800, $0x38;
	[tilespmem:$0x1ED00] =	vst v63  }
0x8a: {  	s30 =	sld [smem:$0x7F4]  }
0x8b: {  	[spmem:s29] =	stream.linear.scatter [tilespmem:s0], [sflag:$0x9], $0x800, $0x38;
	[tilespmem:$0x1ED00] =	vst v63  }
0x8c: {  	s31 =	sld [smem:$0x7F5]  }
0x8d: {  	[spmem:s30] =	stream.linear.scatter [tilespmem:s0], [sflag:$0x9], $0x800, $0x38;
	[tilespmem:$0x1ED00] =	vst v63  }
0x8e: {  	s8 =	sld [smem:$0x7F6]  }
0x8f: {  	[spmem:s31] =	stream.linear.scatter [tilespmem:s0], [sflag:$0x9], $0x800, $0x38;
	[tilespmem:$0x1ED00] =	vst v63  }
0x90: {  	s9 =	sld [smem:$0x7F7]  }
0x91: {  	[spmem:s8] =	stream.linear.scatter [tilespmem:s0], [sflag:$0x9], $0x800, $0x38;
	[tilespmem:$0x1ED00] =	vst v63  }
0x92: {  	s23 =	sld [smem:$0x7F8]  }
0x93: {  	[spmem:s9] =	stream.linear.scatter [tilespmem:s0], [sflag:$0x9], $0x800, $0x38;
	[tilespmem:$0x1ED00] =	vst v63  }
0x94: {  	s24 =	sld [smem:$0x7F9]  }
0x95: {  	[spmem:s23] =	stream.linear.scatter [tilespmem:s0], [sflag:$0x9], $0x800, $0x38;
	[tilespmem:$0x1ED00] =	vst v63  }
0x96: {  	s28 =	sld [smem:$0x7FA]  }
0x97: {  	[spmem:s24] =	stream.linear.scatter [tilespmem:s0], [sflag:$0x9], $0x800, $0x38;
	[tilespmem:$0x1ED00] =	vst v63  }
0x98: {  	s29 =	sld [smem:$0x7FB]  }
0x99: {  	[spmem:s28] =	stream.linear.scatter [tilespmem:s0], [sflag:$0x9], $0x800, $0x38;
	[tilespmem:$0x1ED00] =	vst v63  }
0x9a: {  	s30 =	sld [smem:$0x7FC]  }
0x9b: {  	[spmem:s29] =	stream.linear.scatter [tilespmem:s0], [sflag:$0x9], $0x800, $0x38;
	[tilespmem:$0x1ED00] =	vst v63  }
0x9c: {  	s31 =	sld [smem:$0x7FD]  }
0x9d: {  	[spmem:s30] =	stream.linear.scatter [tilespmem:s0], [sflag:$0x9], $0x800, $0x38;
	[tilespmem:$0x1ED00] =	vst v63  }
0x9e: {  	_ = 	snop  }
0x9f: {  	[spmem:s31] =	stream.linear.scatter [tilespmem:s0], [sflag:$0x9], $0x800, $0x38;
	[tilespmem:$0x1ED00] =	vst v63  }
0xa0: {  	s2 =	simm.s32 @!p0 $0xAC80  }
0xa1: {  	[spmem:s25] =	stream.linear.scatter @!p0 [tilespmem:s2], [sflag:$0xA], $0x800, $0x38;
	[tilespmem:$0x1ED00] =	vst v63  }
0xa2: {  	s2 =	simm.s32 @!p0 $0xA  }
0xa3: {  	_ =	swait.ge @!p0 [sflag:s2], $0x800  }
0xa4: {  	[sflag:s2] =	ssyncset.done @!p0 $0x0  }
0xa5: {  	[sflag:s2] =	ssyncadd.s32 @!p0 $0xFFFFF800  }
0xa6: {  	_ =	swait.ge [sflag:s6], $0x800  }
0xa7: {  	s2 =	simm.s32 $0x26;
	[sflag:s6] =	ssyncset.done $0x0  }
.LBB2_4:
0xa8: {  	p1 =	sne.s32 s2, $0x1;
	s2 =	sadd.s32 $0xFFFFFFFF, s2;
	[sflag:s6] =	ssyncadd.s32 $0xFFFFF800  }
.Ltmp1:
0xa9: {  	(pc) =	sbr.rel @p1 .LBB2_4-.Ltmp1, $3  }
0xaa: {  	_ =	sdelay $0x1  }
0xab: {  	_ =	swait.ge [sflag:s6], $0x800  }
0xac: {  	[sflag:s6] =	ssyncset.done $0x0  }
0xad: {  	[sflag:s6] =	ssyncadd.s32 $0xFFFFF800  }
0xae: {  	_ =	swait.ge [sflag:s10], $0x2780  }
0xaf: {  	[sflag:s10] =	ssyncset.done $0x0  }
0xb0: {  	[sflag:s10] =	ssyncadd.s32 $0xFFFFD880  }
0xb1: {  	[bflag:$0x0] =	sbarrier.arrive $0xFFFF  }
0xb2: {  	v1 =	vld [tilespmem:$0x0]  }
0xb3: {  	v2 =	vld [tilespmem:$0x10]  }
0xb4: {  	v3 =	vld [tilespmem:$0x20]  }
0xb5: {  	v4 =	vld [tilespmem:$0x30];
	_ =	sdelay $0x1  }
0xb6: {  	[tilespmem:$0x2780] =	vst v1  }
0xb7: {  	[tilespmem:$0x2790] =	vst v2  }
0xb8: {  	[tilespmem:$0x27A0] =	vst v3  }
0xb9: {  	s2 =	simm.s32 $0x2780;
	[tilespmem:$0x27B0] =	vst v4  }
0xba: {  	[tilespmem:s12], [sflag:$0x1] =	stream.indirect.gather [hbm4b:s1+s11], $0x80, s2, s11, $0xb8;
	[tilespmem:$0x1ED00] =	vst v63  }
0xbb: {  	s8 =	rddreg [dreg:$0x9];
	s2 =	simm.s32 $0x0  }
0xbc: {  	[tilespmem:s13], [sflag:$0x5] =	stream.linear.gather [hbm4b:s8+s2], $0x40, $0x38;
	[tilespmem:$0x1ED00] =	vst v63  }
0xbd: {  	v1 =	vld [tilespmem:$0x40]  }
0xbe: {  	v2 =	vld [tilespmem:$0x50]  }
0xbf: {  	v3 =	vld [tilespmem:$0x60]  }
0xc0: {  	v62 =	vld [tilespmem:$0x70];
	_ =	sdelay $0x1  }
0xc1: {  	[tilespmem:$0x2800] =	vst v1  }
0xc2: {  	[tilespmem:$0x2810] =	vst v2  }
0xc3: {  	[tilespmem:$0x2820] =	vst v3  }
0xc4: {  	s24 =	simm.s32 $0x2800;
	s9 =	simm.s32 $0x4C80;
	[tilespmem:$0x2830] =	vst v62  }
0xc5: {  	[tilespmem:s9], [sflag:$0x2] =	stream.indirect.gather [hbm4b:s1+s11], $0x80, s24, s11, $0xb8;
	[tilespmem:$0x1ED00] =	vst v63  }
0xc6: {  	s31 =	simm.s32 $0x2A00;
	s25 =	rddreg [dreg:$0xc]  }
0xc7: {  	[tilespmem:s31], [sflag:$0x6] =	stream.linear.gather [hbm4b:s25+s2], $0x40, $0x38;
	[tilespmem:$0x1ED00] =	vst v63  }
0xc8: {  	v1 =	vld [tilespmem:$0x80]  }
0xc9: {  	v2 =	vld [tilespmem:$0x90]  }
0xca: {  	v3 =	vld [tilespmem:$0xA0]  }
0xcb: {  	v63 =	vld [tilespmem:$0xB0];
	_ =	sdelay $0x1  }
0xcc: {  	[tilespmem:$0x2880] =	vst v1  }
0xcd: {  	[tilespmem:$0x2890] =	vst v2  }
0xce: {  	[tilespmem:$0x28A0] =	vst v3  }
0xcf: {  	s23 =	simm.s32 $0x2880;
	[tilespmem:$0x28B0] =	vst v63  }
0xd0: {  	[tilespmem:s14], [sflag:$0x3] =	stream.indirect.gather [hbm4b:s1+s11], $0x80, s23, s11, $0xb8;
	[tilespmem:$0x1ED00] =	vst v63  }
0xd1: {  	s28 =	simm.s32 $0xE0;
	s24 =	rddreg [dreg:$0xd]  }
0xd2: {  	[tilespmem:s15], [sflag:$0x7] =	stream.linear.gather [hbm4b:s24+s2], $0x40, $0x38;
	[tilespmem:$0x1ED00] =	vst v63  }
0xd3: {  	v1 =	vld [tilespmem:s28+$0xFFFFFFE0];
	_ =	sdelay $0x4  }
0xd4: {  	[tilespmem:$0x2900] =	vst v1  }
0xd5: {  	v1 =	vld [tilespmem:s28+$0xFFFFFFF0];
	_ =	sdelay $0x4  }
0xd6: {  	[tilespmem:$0x2910] =	vst v1  }
0xd7: {  	v1 =	vld [tilespmem:s28+$0x0];
	_ =	sdelay $0x4  }
0xd8: {  	[tilespmem:$0x2920] =	vst v1  }
0xd9: {  	v1 =	vld [tilespmem:s28+$0x10];
	_ =	sdelay $0x3  }
0xda: {  	s25 =	rddreg [dreg:$0x7]  }
0xdb: {  	s23 =	rddreg [dreg:$0x4];
	[tilespmem:$0x2930] =	vst v1  }
0xdc: {  	[tilespmem:s16], [sflag:$0x4] =	stream.indirect.gather [hbm4b:s1+s11], $0x80, s25, s11, $0xb8;
	[tilespmem:$0x1ED00] =	vst v63  }
0xdd: {  	s31 =	sadd.s32 $0x0, s23  }
0xde: {  	[tilespmem:s17], [sflag:$0x8] =	stream.linear.gather [hbm4b:s31+s4], $0x40, $0x38;
	[tilespmem:$0x1ED00] =	vst v63  }
0xdf: {  	_ =	swait.ge [sflag:s10], $0x2000  }
0xe0: {  	[sflag:s10] =	ssyncset.done $0x0  }
0xe1: {  	[sflag:s10] =	ssyncadd.s32 $0xFFFFE000  }
0xe2: {  	_ =	swait.ge [sflag:s18], $0x40  }
0xe3: {  	[sflag:s18] =	ssyncset.done $0x0  }
0xe4: {  	[sflag:s18] =	ssyncadd.s32 $0xFFFFFFC0  }
0xe5: {  	[spmem:s3] =	stream.indirect.scatter.add.f32 [tilespmem:s12], [sflag:$0xA], $0x80, s13, s11, $0xb8;
	[tilespmem:$0x1ED00] =	vst v63  }
0xe6: {  	_ =	swait.ge [sflag:s7], $0x2000  }
0xe7: {  	p1 =	por $0x0, $0x0;
	[sflag:s7] =	ssyncset.done $0x0  }
0xe8: {  	s2 =	simm.s32 @p1 $0x2;
	[sflag:s7] =	ssyncadd.s32 $0xFFFFE000  }
0xe9: {  	_ =	swait.ge @p1 [sflag:s2], $0x2000  }
0xea: {  	[sflag:s2] =	ssyncset.done @p1 $0x0  }
0xeb: {  	[sflag:s2] =	ssyncadd.s32 @p1 $0xFFFFE000;
	s2 =	simm.s32 @p1 $0x6  }
0xec: {  	_ =	swait.ge @p1 [sflag:s2], $0x40  }
0xed: {  	s29 =	simm.s32 @p1 $0x2A00;
	s23 =	simm.s32 @p1 $0x4C80;
	[sflag:s2] =	ssyncset.done @p1 $0x0  }
0xee: {  	s24 =	simm.s32 @p1 $0xA;
	[sflag:s2] =	ssyncadd.s32 @p1 $0xFFFFFFC0;
	s2 =	simm.s32 @p1 $0x40  }
0xef: {  	[spmem:s3] =	stream.indirect.scatter.add.f32 @p1 [tilespmem:s23], [sflag:$0xA], $0x80, s29, s2, $0xb8;
	[tilespmem:$0x1ED00] =	vst v63  }
0xf0: {  	_ =	swait.ge @p1 [sflag:s24], $0x2000  }
0xf1: {  	[sflag:s24] =	ssyncset.done @p1 $0x0  }
0xf2: {  	[sflag:s24] =	ssyncadd.s32 @p1 $0xFFFFE000  }
0xf3: {  	v1 =	vld @!p1 [tilespmem:s28+$0x20];
	_ =	sdelay $0x4  }
0xf4: {  	[tilespmem:$0x2780] =	vst @!p1 v1  }
0xf5: {  	v1 =	vld @!p1 [tilespmem:s28+$0x30];
	_ =	sdelay $0x4  }
0xf6: {  	[tilespmem:$0x2790] =	vst @!p1 v1  }
0xf7: {  	v1 =	vld @!p1 [tilespmem:s28+$0x40];
	_ =	sdelay $0x4  }
0xf8: {  	[tilespmem:$0x27A0] =	vst @!p1 v1  }
0xf9: {  	v1 =	vld @!p1 [tilespmem:s28+$0x50];
	_ =	sdelay $0x3  }
0xfa: {  	s30 =	simm.s32 @!p1 $0x2;
	s23 =	simm.s32 @!p1 $0x40;
	s8 =	rddreg [dreg:$0x1b]  }
0xfb: {  	s29 =	simm.s32 @!p1 $0x2C80;
	s2 =	sshrl.u32 @!p1 s8, $0x3;
	s24 =	simm.s32 @!p1 $0x2780;
	[tilespmem:$0x27B0] =	vst @!p1 v1  }
0xfc: {  	[tilespmem:s29], [sflag:$0x1] =	stream.indirect.gather @!p1 [hbm4b:s1+s23], $0x80, s24, s23, $0xb8;
	[tilespmem:$0x1ED00] =	vst v63  }
0xfd: {  	s2 =	sadd.s32 @!p1 s5, s2;
	s24 =	simm.s32 @!p1 $0x0;
	s29 =	simm.s32 @!p1 $0x2980  }
0xfe: {  	[tilespmem:s29], [sflag:$0x5] =	stream.linear.gather @!p1 [hbm4b:s2+s24], $0x40, $0x38;
	[tilespmem:$0x1ED00] =	vst v63  }
0xff: {  	_ =	swait.ge @!p1 [sflag:s30], $0x2000  }
0x100: {  	[sflag:s30] =	ssyncset.done @!p1 $0x0  }
0x101: {  	s2 =	simm.s32 @!p1 $0x6;
	[sflag:s30] =	ssyncadd.s32 @!p1 $0xFFFFE000  }
0x102: {  	_ =	swait.ge @!p1 [sflag:s2], $0x40  }
0x103: {  	s29 =	simm.s32 @!p1 $0xA;
	[sflag:s2] =	ssyncset.done @!p1 $0x0  }
0x104: {  	s30 =	simm.s32 @!p1 $0x4C80;
	[sflag:s2] =	ssyncadd.s32 @!p1 $0xFFFFFFC0;
	s2 =	simm.s32 @!p1 $0x2A00  }
0x105: {  	[spmem:s3] =	stream.indirect.scatter.add.f32 @!p1 [tilespmem:s30], [sflag:$0xA], $0x80, s2, s23, $0xb8;
	[tilespmem:$0x1ED00] =	vst v63  }
0x106: {  	_ =	swait.ge @!p1 [sflag:s29], $0x2000  }
0x107: {  	[sflag:s29] =	ssyncset.done @!p1 $0x0  }
0x108: {  	[sflag:s29] =	ssyncadd.s32 @!p1 $0xFFFFE000  }
0x109: {  	v1 =	vld @!p1 [tilespmem:s28+$0x60];
	_ =	sdelay $0x4  }
0x10a: {  	[tilespmem:$0x2800] =	vst @!p1 v1  }
0x10b: {  	v1 =	vld @!p1 [tilespmem:s28+$0x70];
	_ =	sdelay $0x4  }
0x10c: {  	[tilespmem:$0x2810] =	vst @!p1 v1  }
0x10d: {  	v1 =	vld @!p1 [tilespmem:s28+$0x80];
	_ =	sdelay $0x4  }
0x10e: {  	[tilespmem:$0x2820] =	vst @!p1 v1  }
0x10f: {  	v1 =	vld @!p1 [tilespmem:s28+$0x90];
	_ =	sdelay $0x4  }
0x110: {  	s31 =	simm.s32 @!p1 $0x2800;
	s29 =	rddreg [dreg:$0x6];
	[tilespmem:$0x2830] =	vst @!p1 v1  }
0x111: {  	[tilespmem:s30], [sflag:$0x2] =	stream.indirect.gather @!p1 [hbm4b:s1+s23], $0x80, s31, s23, $0xb8;
	[tilespmem:$0x1ED00] =	vst v63  }
0x112: {  	s29 =	sadd.s32 @!p1 $0x0, s29  }
0x113: {  	[tilespmem:s2], [sflag:$0x6] =	stream.linear.gather @!p1 [hbm4b:s29+s24], $0x40, $0x38;
	[tilespmem:$0x1ED00] =	vst v63  }
0x114: {  	_ =	swait.ge [sflag:s19], $0x2000  }
0x115: {  	[sflag:s19] =	ssyncset.done $0x0  }
0x116: {  	[sflag:s19] =	ssyncadd.s32 $0xFFFFE000  }
0x117: {  	_ =	swait.ge [sflag:s20], $0x40  }
0x118: {  	[sflag:s20] =	ssyncset.done $0x0  }
0x119: {  	[sflag:s20] =	ssyncadd.s32 $0xFFFFFFC0  }
0x11a: {  	[spmem:s3] =	stream.indirect.scatter.add.f32 [tilespmem:s14], [sflag:$0xA], $0x80, s15, s11, $0xb8;
	[tilespmem:$0x1ED00] =	vst v63  }
0x11b: {  	_ =	swait.ge [sflag:s7], $0x2000  }
0x11c: {  	[sflag:s7] =	ssyncset.done $0x0  }
0x11d: {  	[sflag:s7] =	ssyncadd.s32 $0xFFFFE000  }
0x11e: {  	v1 =	vld @!p1 [tilespmem:s28+$0xA0];
	_ =	sdelay $0x4  }
0x11f: {  	[tilespmem:$0x2880] =	vst @!p1 v1  }
0x120: {  	v1 =	vld @!p1 [tilespmem:s28+$0xB0];
	_ =	sdelay $0x4  }
0x121: {  	[tilespmem:$0x2890] =	vst @!p1 v1  }
0x122: {  	v1 =	vld @!p1 [tilespmem:s28+$0xC0];
	_ =	sdelay $0x4  }
0x123: {  	[tilespmem:$0x28A0] =	vst @!p1 v1  }
0x124: {  	v1 =	vld @!p1 [tilespmem:s28+$0xD0];
	_ =	sdelay $0x4  }
0x125: {  	s30 =	simm.s32 @!p1 $0x6C80;
	s29 =	simm.s32 @!p1 $0x2880;
	s2 =	rddreg [dreg:$0x5];
	[tilespmem:$0x28B0] =	vst @!p1 v1  }
0x126: {  	[tilespmem:s30], [sflag:$0x3] =	stream.indirect.gather @!p1 [hbm4b:s1+s23], $0x80, s29, s23, $0xb8;
	[tilespmem:$0x1ED00] =	vst v63  }
0x127: {  	s2 =	sadd.s32 @!p1 $0x0, s2;
	s23 =	simm.s32 @!p1 $0x2A80  }
0x128: {  	[tilespmem:s23], [sflag:$0x7] =	stream.linear.gather @!p1 [hbm4b:s2+s24], $0x40, $0x38;
	[tilespmem:$0x1ED00] =	vst v63  }
0x129: {  	_ =	swait.ge [sflag:s21], $0x2000  }
0x12a: {  	[sflag:s21] =	ssyncset.done $0x0  }
0x12b: {  	[sflag:s21] =	ssyncadd.s32 $0xFFFFE000  }
0x12c: {  	_ =	swait.ge [sflag:s22], $0x40  }
0x12d: {  	[sflag:s22] =	ssyncset.done $0x0  }
0x12e: {  	[sflag:s22] =	ssyncadd.s32 $0xFFFFFFC0  }
0x12f: {  	[spmem:s3] =	stream.indirect.scatter.add.f32 [tilespmem:s16], [sflag:$0xA], $0x80, s17, s11, $0xb8;
	[tilespmem:$0x1ED00] =	vst v63  }
0x130: {  	_ =	swait.ge [sflag:s7], $0x2000  }
0x131: {  	s29 =	simm.s32 $0x20;
	s30 =	sadd.s32 $0x100, s8;
	[sflag:s7] =	ssyncset.done $0x0  }
.LBB2_6:
0x132: {  	[sflag:s7] =	ssyncadd.s32 $0xFFFFE000;
	s28 =	sadd.s32 $0x100, s28  }
0x133: {  	v1 =	vld [tilespmem:s28+$0xFFFFFFE0];
	_ =	sdelay $0x4  }
0x134: {  	[tilespmem:$0x2900] =	vst v1  }
0x135: {  	v1 =	vld [tilespmem:s28+$0xFFFFFFF0];
	_ =	sdelay $0x4  }
0x136: {  	[tilespmem:$0x2910] =	vst v1  }
0x137: {  	v1 =	vld [tilespmem:s28+$0x0];
	_ =	sdelay $0x4  }
0x138: {  	[tilespmem:$0x2920] =	vst v1  }
0x139: {  	v1 =	vld [tilespmem:s28+$0x10];
	_ =	sdelay $0x3  }
0x13a: {  	s2 =	rddreg [dreg:$0x7]  }
0x13b: {  	s31 =	smov.u32 s29;
	s23 =	rddreg [dreg:$0x4];
	[tilespmem:$0x2930] =	vst v1  }
0x13c: {  	[tilespmem:s16], [sflag:$0x4] =	stream.indirect.gather [hbm4b:s1+s11], $0x80, s2, s11, $0xb8;
	[tilespmem:$0x1ED00] =	vst v63  }
0x13d: {  	s25 =	sadd.s32 s31, s23  }
0x13e: {  	[tilespmem:s17], [sflag:$0x8] =	stream.linear.gather [hbm4b:s25+s4], $0x40, $0x38;
	[tilespmem:$0x1ED00] =	vst v63  }
0x13f: {  	_ =	swait.ge [sflag:s10], $0x2000  }
0x140: {  	[sflag:s10] =	ssyncset.done $0x0  }
0x141: {  	[sflag:s10] =	ssyncadd.s32 $0xFFFFE000  }
0x142: {  	_ =	swait.ge [sflag:s18], $0x40  }
0x143: {  	[sflag:s18] =	ssyncset.done $0x0  }
0x144: {  	[sflag:s18] =	ssyncadd.s32 $0xFFFFFFC0  }
0x145: {  	[spmem:s3] =	stream.indirect.scatter.add.f32 [tilespmem:s12], [sflag:$0xA], $0x80, s13, s11, $0xb8;
	[tilespmem:$0x1ED00] =	vst v63  }
0x146: {  	_ =	swait.ge [sflag:s7], $0x2000  }
0x147: {  	p2 =	seq.s32 s31, $0x4C0;
	[sflag:s7] =	ssyncset.done $0x0  }
0x148: {  	s2 =	simm.s32 @p2 $0x2;
	[sflag:s7] =	ssyncadd.s32 $0xFFFFE000  }
0x149: {  	_ =	swait.ge @p2 [sflag:s2], $0x2000  }
0x14a: {  	[sflag:s2] =	ssyncset.done @p2 $0x0  }
0x14b: {  	[sflag:s2] =	ssyncadd.s32 @p2 $0xFFFFE000;
	s2 =	simm.s32 @p2 $0x6  }
0x14c: {  	s23 =	sshrl.u32 @!p2 s30, $0x3;
	s9 =	simm.s32 @p2 $0xA;
	_ =	swait.ge @p2 [sflag:s2], $0x40  }
0x14d: {  	s24 =	sadd.s32 @!p2 s5, s23;
	s23 =	simm.s32 @p2 $0x4C80;
	[sflag:s2] =	ssyncset.done @p2 $0x0  }
0x14e: {  	s25 =	simm.s32 @p2 $0x2A00;
	[sflag:s2] =	ssyncadd.s32 @p2 $0xFFFFFFC0;
	s2 =	simm.s32 @p2 $0x40  }
0x14f: {  	[spmem:s3] =	stream.indirect.scatter.add.f32 @p2 [tilespmem:s23], [sflag:$0xA], $0x80, s25, s2, $0xb8;
	[tilespmem:$0x1ED00] =	vst v63  }
0x150: {  	_ =	swait.ge @p2 [sflag:s9], $0x2000  }
0x151: {  	[sflag:s9] =	ssyncset.done @p2 $0x0  }
0x152: {  	[sflag:s9] =	ssyncadd.s32 @p2 $0xFFFFE000  }
0x153: {  	v1 =	vld @!p2 [tilespmem:s28+$0x20];
	_ =	sdelay $0x4  }
0x154: {  	[tilespmem:$0x2780] =	vst @!p2 v1  }
0x155: {  	v1 =	vld @!p2 [tilespmem:s28+$0x30];
	_ =	sdelay $0x4  }
0x156: {  	[tilespmem:$0x2790] =	vst @!p2 v1  }
0x157: {  	v1 =	vld @!p2 [tilespmem:s28+$0x40];
	_ =	sdelay $0x4  }
0x158: {  	[tilespmem:$0x27A0] =	vst @!p2 v1  }
0x159: {  	v1 =	vld @!p2 [tilespmem:s28+$0x50];
	_ =	sdelay $0x4  }
0x15a: {  	s2 =	simm.s32 @!p2 $0x40;
	s23 =	simm.s32 @!p2 $0x2C80;
	s9 =	simm.s32 @!p2 $0x2780;
	[tilespmem:$0x27B0] =	vst @!p2 v1  }
0x15b: {  	[tilespmem:s23], [sflag:$0x1] =	stream.indirect.gather @!p2 [hbm4b:s1+s2], $0x80, s9, s2, $0xb8;
	[tilespmem:$0x1ED00] =	vst v63  }
0x15c: {  	s25 =	simm.s32 @!p2 $0x2;
	s23 =	simm.s32 @!p2 $0x0;
	s9 =	simm.s32 @!p2 $0x2980  }
0x15d: {  	[tilespmem:s9], [sflag:$0x5] =	stream.linear.gather @!p2 [hbm4b:s24+s23], $0x40, $0x38;
	[tilespmem:$0x1ED00] =	vst v63  }
0x15e: {  	_ =	swait.ge @!p2 [sflag:s25], $0x2000  }
0x15f: {  	[sflag:s25] =	ssyncset.done @!p2 $0x0  }
0x160: {  	s9 =	simm.s32 @!p2 $0x6;
	[sflag:s25] =	ssyncadd.s32 @!p2 $0xFFFFE000  }
0x161: {  	_ =	swait.ge @!p2 [sflag:s9], $0x40  }
0x162: {  	s24 =	simm.s32 @!p2 $0xA;
	[sflag:s9] =	ssyncset.done @!p2 $0x0  }
0x163: {  	s25 =	simm.s32 @!p2 $0x4C80;
	[sflag:s9] =	ssyncadd.s32 @!p2 $0xFFFFFFC0;
	s9 =	simm.s32 @!p2 $0x2A00  }
0x164: {  	[spmem:s3] =	stream.indirect.scatter.add.f32 @!p2 [tilespmem:s25], [sflag:$0xA], $0x80, s9, s2, $0xb8;
	[tilespmem:$0x1ED00] =	vst v63  }
0x165: {  	_ =	swait.ge @!p2 [sflag:s24], $0x2000  }
0x166: {  	[sflag:s24] =	ssyncset.done @!p2 $0x0  }
0x167: {  	[sflag:s24] =	ssyncadd.s32 @!p2 $0xFFFFE000  }
0x168: {  	v1 =	vld @!p2 [tilespmem:s28+$0x60];
	_ =	sdelay $0x4  }
0x169: {  	[tilespmem:$0x2800] =	vst @!p2 v1  }
0x16a: {  	v1 =	vld @!p2 [tilespmem:s28+$0x70];
	_ =	sdelay $0x4  }
0x16b: {  	[tilespmem:$0x2810] =	vst @!p2 v1  }
0x16c: {  	v1 =	vld @!p2 [tilespmem:s28+$0x80];
	_ =	sdelay $0x4  }
0x16d: {  	[tilespmem:$0x2820] =	vst @!p2 v1  }
0x16e: {  	v1 =	vld @!p2 [tilespmem:s28+$0x90];
	_ =	sdelay $0x4  }
0x16f: {  	s8 =	simm.s32 @!p2 $0x2800;
	s24 =	rddreg [dreg:$0x6];
	[tilespmem:$0x2830] =	vst @!p2 v1  }
0x170: {  	[tilespmem:s25], [sflag:$0x2] =	stream.indirect.gather @!p2 [hbm4b:s1+s2], $0x80, s8, s2, $0xb8;
	[tilespmem:$0x1ED00] =	vst v63  }
0x171: {  	s8 =	sadd.s32 @!p2 s31, s24  }
0x172: {  	[tilespmem:s9], [sflag:$0x6] =	stream.linear.gather @!p2 [hbm4b:s8+s23], $0x40, $0x38;
	[tilespmem:$0x1ED00] =	vst v63  }
0x173: {  	_ =	swait.ge [sflag:s19], $0x2000  }
0x174: {  	[sflag:s19] =	ssyncset.done $0x0  }
0x175: {  	[sflag:s19] =	ssyncadd.s32 $0xFFFFE000  }
0x176: {  	_ =	swait.ge [sflag:s20], $0x40  }
0x177: {  	[sflag:s20] =	ssyncset.done $0x0  }
0x178: {  	[sflag:s20] =	ssyncadd.s32 $0xFFFFFFC0  }
0x179: {  	[spmem:s3] =	stream.indirect.scatter.add.f32 [tilespmem:s14], [sflag:$0xA], $0x80, s15, s11, $0xb8;
	[tilespmem:$0x1ED00] =	vst v63  }
0x17a: {  	_ =	swait.ge [sflag:s7], $0x2000  }
0x17b: {  	[sflag:s7] =	ssyncset.done $0x0  }
0x17c: {  	[sflag:s7] =	ssyncadd.s32 $0xFFFFE000  }
0x17d: {  	v1 =	vld @!p2 [tilespmem:s28+$0xA0];
	_ =	sdelay $0x4  }
0x17e: {  	[tilespmem:$0x2880] =	vst @!p2 v1  }
0x17f: {  	v1 =	vld @!p2 [tilespmem:s28+$0xB0];
	_ =	sdelay $0x4  }
0x180: {  	[tilespmem:$0x2890] =	vst @!p2 v1  }
0x181: {  	v1 =	vld @!p2 [tilespmem:s28+$0xC0];
	_ =	sdelay $0x4  }
0x182: {  	[tilespmem:$0x28A0] =	vst @!p2 v1  }
0x183: {  	v1 =	vld @!p2 [tilespmem:s28+$0xD0];
	_ =	sdelay $0x4  }
0x184: {  	s24 =	simm.s32 @!p2 $0x6C80;
	s9 =	simm.s32 @!p2 $0x2880;
	s8 =	rddreg [dreg:$0x5];
	[tilespmem:$0x28B0] =	vst @!p2 v1  }
0x185: {  	[tilespmem:s24], [sflag:$0x3] =	stream.indirect.gather @!p2 [hbm4b:s1+s2], $0x80, s9, s2, $0xb8;
	[tilespmem:$0x1ED00] =	vst v63  }
0x186: {  	s2 =	sadd.s32 @!p2 s31, s8;
	s8 =	simm.s32 @!p2 $0x2A80  }
0x187: {  	[tilespmem:s8], [sflag:$0x7] =	stream.linear.gather @!p2 [hbm4b:s2+s23], $0x40, $0x38;
	[tilespmem:$0x1ED00] =	vst v63  }
0x188: {  	_ =	swait.ge [sflag:s21], $0x2000  }
0x189: {  	[sflag:s21] =	ssyncset.done $0x0  }
0x18a: {  	s29 =	sadd.s32 $0x20, s29;
	[sflag:s21] =	ssyncadd.s32 $0xFFFFE000  }
0x18b: {  	p1 =	sne.s32 s29, $0x4E0;
	_ =	swait.ge [sflag:s22], $0x40  }
.Ltmp2:
0x18c: {  	[sflag:s22] =	ssyncset.done $0x0;
	(pc) =	sbr.rel @p1 .LBB2_6-.Ltmp2, $4  }
0x18d: {  	[sflag:s22] =	ssyncadd.s32 $0xFFFFFFC0  }
0x18e: {  	[spmem:s3] =	stream.indirect.scatter.add.f32 [tilespmem:s16], [sflag:$0xA], $0x80, s17, s11, $0xb8;
	[tilespmem:$0x1ED00] =	vst v63  }
0x18f: {  	_ =	swait.ge [sflag:s7], $0x2000  }
0x190: {  	s30 =	sadd.s32 $0x100, s30;
	[sflag:s7] =	ssyncset.done $0x0  }
0x191: {  	[sflag:s7] =	ssyncadd.s32 $0xFFFFE000  }
0x192: {  	v1 =	vld [tilespmem:$0x2700];
	_ =	sdelay $0x4  }
0x193: {  	s2 =	rddreg [dreg:$0xe];
	s8 =	simm.s32 $0x2C00;
	[tilespmem:$0x2B80] =	vst v1  }
0x194: {  	[tilespmem:s8], [sflag:$0xA] =	stream.linear.gather [hbm4b:s2+s4], $0x10, $0x38;
	[tilespmem:$0x1ED00] =	vst v63  }
0x195: {  	_ =	swait.ge [sflag:s7], $0x10  }
0x196: {  	[sflag:s7] =	ssyncset.done $0x0  }
0x197: {  	s25 =	simm.s32 $0x10;
	s9 =	simm.s32 $0x2B80;
	[sflag:s7] =	ssyncadd.s32 $0xFFFFFFF0  }
0x198: {  	[tilespmem:s12], [sflag:$0x1] =	stream.indirect.gather [hbm4b:s1+s25], $0x80, s9, s25, $0xb8;
	[tilespmem:$0x1ED00] =	vst v63  }
0x199: {  	_ =	swait.ge [sflag:s10], $0x800  }
0x19a: {  	[sflag:s10] =	ssyncset.done $0x0  }
0x19b: {  	[sflag:s10] =	ssyncadd.s32 $0xFFFFF800  }
0x19c: {  	[spmem:s3] =	stream.indirect.scatter.add.f32 [tilespmem:s12], [sflag:$0xA], $0x80, s8, s25, $0xb8;
	[tilespmem:$0x1ED00] =	vst v63  }
0x19d: {  	_ =	swait.ge [sflag:s7], $0x800  }
0x19e: {  	[sflag:s7] =	ssyncset.done $0x0  }
0x19f: {  	[sflag:s7] =	ssyncadd.s32 $0xFFFFF800  }
0x1a0: {  	s28 =	stileid.u32;
	[bflag:$0x0] =	sbarrier.arrive $0xFFFF  }
0x1a1: {  	s2 =	sshll.u32 s28, $0x6;
	s24 =	rddreg [dreg:$0xa]  }
0x1a2: {  	s2 =	sor.u32 $0x1C0A, s2;
	s30 =	rddreg [dreg:$0xf];
	s29 =	sshrl.u32 s24, $0x3  }
0x1a3: {  	[hbm:s30], [sflag:s2] =	dma.local [spmem:s29], $0x2700  }
0x1a4: {  	_ =	swait.ge [sflag:s7], $0x2700  }
0x1a5: {  	[sflag:s7] =	ssyncset.done $0x0;
	s25 =	rddreg [dreg:$0xb]  }
0x1a6: {  	s9 =	rddreg [dreg:$0x10];
	[sflag:s7] =	ssyncadd.s32 $0xFFFFD900;
	s8 =	sshrl.u32 @!p0 s25, $0x3  }
0x1a7: {  	[hbm:s9], [sflag:s2] =	dma.local @!p0 [spmem:s8], $0x100  }
0x1a8: {  	s2 =	simm.s32 @!p0 $0xA  }
0x1a9: {  	_ =	swait.ge @!p0 [sflag:s2], $0x100  }
0x1aa: {  	s26 =	sadd.s32 $0x1, s26;
	s31 =	rddreg [dreg:$0x11]  }
0x1ab: {  	p1 =	sne.s32 s26, s31  }
.Ltmp3:
0x1ac: {  	_ = 	snop;
	(pc) =	sbr.rel @p1 .LBB2_1-.Ltmp3, $3  }
0x1ad: {  	_ =	sdelay $0x1  }
0x1ae: {  	[sflag:s2] =	ssyncset.done @!p0 $0x0  }
0x1af: {  	[sflag:s2] =	ssyncadd.s32 @!p0 $0xFFFFFF00  }
0x1b0: {  	_ =	sfence.sel $0x180000  }
0x1b1: {  	[bflag:$0x0] =	sbarrier.arrive $0xFFFF  }
0x1b2: {  	_ =	strace $0x9000004D  }
0x1b3: {  	[bflag:$0x2] =	sbarrier.arrive $0xFFFF  }
0x1b4: {  	s0 =	rddreg [dreg:$0x3]  }
0x1b5: {  	s0 =	sadd.s32 @!p0 $0x100000, s0  }
0x1b6: {  	[sflag:s0] =	ssyncadd.tile.s32 @!p0 $0x1;
	_ =	shalt  }
.Lfunc_end2:
_tile_overlayer_lowered:
.L_overlay_start_2:
0x1b7: {  	(tag) =	ssettag $0x2  }
0x1b8: {  	s0 =	rddreg [dreg:$0x0];
	s2 =	stileid.u32  }
0x1b9: {  	s1 =	rddreg [dreg:$0x1];
	p0 =	sne.s32 s2, $0x0  }
0x1ba: {  	s3 =	rddreg [dreg:$0x2];
	[bflag:$0x3] =	sbarrier.arrive $0xFFFF;
	s2 =	simm.s32 @!p0 $0x1C0A  }
0x1bb: {  	[timem:s3], [sflag:s2] =	dma.local @!p0 [hbm:s0], s1  }
0x1bc: {  	s0 =	simm.s32 @!p0 $0xA  }
0x1bd: {  	_ =	swait.ge @!p0 [sflag:s0], s1  }
0x1be: {  	s1 =	ssub.s32 @!p0 $0x0, s1;
	[sflag:s0] =	ssyncset.done @!p0 $0x0  }
0x1bf: {  	[sflag:s0] =	ssyncadd.s32 @!p0 s1  }
0x1c0: {  	[bflag:$0x3] =	sbarrier.arrive $0xFFFF  }
0x1c1: {  	_ =	shalt  }

// kernel: kernel.19.cloned.1.call-start
scs
__scs_entry_jumppad:
0x0: {  	(pc) =	sbr.rel $0x88, $3  }
0x1: {  	(tag) =	ssettag $0x0;
	lr =	simm.s32 $0x1  }
0x2: {  	[smem:$0x3F93] =	sst lr;
	_ =	strace $0xD0000000  }
0x3: {  	_ = 	snop  }
0x4: {  	_ = 	snop  }
0x5: {  	_ = 	snop  }
0x6: {  	_ = 	snop  }
0x7: {  	_ = 	snop  }
__scs_overlays_trampoline_lowered:
0x8: {  	[smem:$0x3FA2] =	sst s0  }
0x9: {  	[smem:$0x3FA3] =	sst s1  }
0xa: {  	[smem:$0x3FA4] =	sst s2  }
0xb: {  	[smem:$0x3FA5] =	sst s3  }
0xc: {  	[smem:$0x3FA6] =	sst s4  }
0xd: {  	[smem:$0x3FA7] =	sst s5  }
0xe: {  	[smem:$0x3FA8] =	sst s6  }
0xf: {  	[smem:$0x3FA9] =	sst s7  }
0x10: {  	[smem:$0x3FAA] =	sst s8  }
0x11: {  	[smem:$0x3FAB] =	sst s9;
	s0 =	simm.s32 @!p0 $0x0  }
0x12: {  	s1 =	sld [smem:$0x3F91];
	s0 =	simm.s32 @p0 $0x1  }
0x13: {  	[smem:$0x3FAC] =	sst s0;
	s0 =	simm.s32 @!p1 $0x0  }
0x14: {  	s2 =	sld [smem:$0x3F90];
	s0 =	simm.s32 @p1 $0x1  }
0x15: {  	[smem:$0x3FAD] =	sst s0;
	s0 =	simm.s32 @!p2 $0x0  }
0x16: {  	s3 =	sld [smem:$0x3FDB];
	s0 =	simm.s32 @p2 $0x1  }
0x17: {  	s4 =	simm.s32 $0x1BF5;
	[smem:$0x3FAF] =	sst s0  }
0x18: {  	s0 =	sld [smem:$0x3F92];
	_ =	swait.ge [sflag:s4], $0x0  }
0x19: {  	s7 =	sld [smem:$0x3F93]  }
0x1a: {  	s8 =	sadd.s32 $0xFFFFE003, lr  }
0x1b: {  	s9 =	sadd.s32 $0xFFFFFEF7, lr;
	s5 =	simm.s32 $0xFFFFFFFF;
	p2 =	slt.u32 s8, $0xFFFFF086  }
0x1c: {  	p1 =	slt.u32 s9, $0xF7A;
	s5 =	simm.s32 @!p2 $0x0  }
0x1d: {  	s5 =	simm.s32 @p1 $0x1;
	p0 =	seq.s32 s7, s2  }
0x1e: {  	s7 =	smul.u32 @!p0 $0xF7A, s2;
	p2 =	seq.s32 @!p0 s5, $0x0  }
0x1f: {  	s9 =	smul.u32 $0xF7A, s1;
	s8 =	simm.s32 @!p0 $0x1BF5;
	p2 =	por !p2, p0  }
0x20: {  	[sflag:s8] =	ssyncset.s32 @!p0 $0xFFFFF086;
	s6 =	sadd.s32 @!p0 s3, s7;
	s7 =	simm.s32 @!p0 $0x108  }
0x21: {  	s3 =	sadd.s32 s3, s9;
	s6 =	sadd.s32 @!p0 $0x88, s6;
	s7 =	simm.s32 @p2 $0x1082  }
0x22: {  	[simem:s7], [sflag:s8] =	dma.local @!p0 [hbm:s6], $0xF7A  }
0x23: {  	s9 =	sor.u32 $0xD0000000, s2;
	s6 =	simm.s32 $0x108;
	_ =	swait.ge @!p0 [sflag:s8], $0x0  }
0x24: {  	s3 =	sadd.s32 $0x88, s3;
	s6 =	simm.s32 @!p1 $0x1082;
	[sflag:s4] =	ssyncset.s32 $0xFFFFF086  }
0x25: {  	[simem:s6], [sflag:s4] =	dma.local [hbm:s3], $0xF7A  }
0x26: {  	[smem:$0x3F93] =	sst s1;
	(tag) =	ssettag s2;
	_ =	strace s9  }
0x27: {  	s1 =	sld [smem:$0x3FA3]  }
0x28: {  	s2 =	sld [smem:$0x3FA4]  }
0x29: {  	s4 =	sld [smem:$0x3FA6]  }
0x2a: {  	p0 =	seq.s32 s5, $0x0;
	s5 =	sld [smem:$0x3FA7]  }
0x2b: {  	s6 =	sld [smem:$0x3FA8]  }
0x2c: {  	s7 =	sld [smem:$0x3FA9]  }
0x2d: {  	s3 =	simm.s32 $0x108;
	s8 =	sld [smem:$0x3FAA]  }
0x2e: {  	s3 =	simm.s32 @!p0 $0x1082;
	s9 =	sld [smem:$0x3FAB]  }
0x2f: {  	lr =	sadd.s32 s0, s3;
	s0 =	sld [smem:$0x3FA2]  }
0x30: {  	s3 =	sld [smem:$0x3FA5]  }
0x31: {  	[smem:$0x3FAE] =	sst s10  }
0x32: {  	s10 =	sld [smem:$0x3FAC];
	_ =	sdelay $0x3  }
0x33: {  	p0 =	seq.s32 s10, $0x1;
	s10 =	sld [smem:$0x3FAE];
	_ =	sdelay $0x3  }
0x34: {  	[smem:$0x3FAE] =	sst s10  }
0x35: {  	s10 =	sld [smem:$0x3FAD];
	_ =	sdelay $0x3  }
0x36: {  	p1 =	seq.s32 s10, $0x1;
	s10 =	sld [smem:$0x3FAE];
	_ =	sdelay $0x3  }
0x37: {  	[smem:$0x3FAE] =	sst s10  }
0x38: {  	s10 =	sld [smem:$0x3FAF]  }
0x39: {  	_ = 	snop;
	(pc) =	sbr.ind lr, $3  }
0x3a: {  	_ = 	snop  }
0x3b: {  	_ = 	snop  }
0x3c: {  	p2 =	seq.s32 s10, $0x1;
	s10 =	sld [smem:$0x3FAE]  }
0x3d: {  	_ =	shalt  }
0x3e: {  	_ =	shalt  }
0x3f: {  	_ =	shalt  }
0x40: {  	_ =	shalt  }
0x41: {  	_ =	shalt  }
0x42: {  	_ =	shalt  }
0x43: {  	_ =	shalt  }
0x44: {  	_ =	shalt  }
0x45: {  	_ =	shalt  }
0x46: {  	_ =	shalt  }
0x47: {  	_ =	shalt  }
0x48: {  	_ =	shalt  }
0x49: {  	_ =	shalt  }
0x4a: {  	_ =	shalt  }
0x4b: {  	_ =	shalt  }
0x4c: {  	_ =	shalt  }
0x4d: {  	_ =	shalt  }
0x4e: {  	_ =	shalt  }
0x4f: {  	_ =	shalt  }
0x50: {  	_ =	shalt  }
0x51: {  	_ =	shalt  }
0x52: {  	_ =	shalt  }
0x53: {  	_ =	shalt  }
0x54: {  	_ =	shalt  }
0x55: {  	_ =	shalt  }
0x56: {  	_ =	shalt  }
0x57: {  	_ =	shalt  }
0x58: {  	_ =	shalt  }
0x59: {  	_ =	shalt  }
0x5a: {  	_ =	shalt  }
0x5b: {  	_ =	shalt  }
0x5c: {  	_ =	shalt  }
0x5d: {  	_ =	shalt  }
0x5e: {  	_ =	shalt  }
0x5f: {  	_ =	shalt  }
0x60: {  	_ =	shalt  }
0x61: {  	_ =	shalt  }
0x62: {  	_ =	shalt  }
0x63: {  	_ =	shalt  }
0x64: {  	_ =	shalt  }
0x65: {  	_ =	shalt  }
0x66: {  	_ =	shalt  }
0x67: {  	_ =	shalt  }
0x68: {  	_ =	shalt  }
0x69: {  	_ =	shalt  }
0x6a: {  	_ =	shalt  }
0x6b: {  	_ =	shalt  }
0x6c: {  	_ =	shalt  }
0x6d: {  	_ =	shalt  }
0x6e: {  	_ =	shalt  }
0x6f: {  	_ =	shalt  }
0x70: {  	_ =	shalt  }
0x71: {  	_ =	shalt  }
0x72: {  	_ =	shalt  }
0x73: {  	_ =	shalt  }
0x74: {  	_ =	shalt  }
0x75: {  	_ =	shalt  }
0x76: {  	_ =	shalt  }
0x77: {  	_ =	shalt  }
0x78: {  	_ =	shalt  }
0x79: {  	_ =	shalt  }
0x7a: {  	_ =	shalt  }
0x7b: {  	_ =	shalt  }
0x7c: {  	_ =	shalt  }
0x7d: {  	_ =	shalt  }
0x7e: {  	_ =	shalt  }
0x7f: {  	_ =	shalt  }
0x80: {  	_ =	shalt  }
0x81: {  	_ =	shalt  }
0x82: {  	_ =	shalt  }
0x83: {  	_ =	shalt  }
0x84: {  	_ =	shalt  }
0x85: {  	_ =	shalt  }
0x86: {  	_ =	shalt  }
0x87: {  	_ =	shalt  }
.Lfunc_end0:
.L_simem_size_0:
called_computation.3_lowered:
.L_overlay_start_0:
0x88: {  	s2 =	sld [smem:$0x3FD9]  }
0x89: {  	s3 =	sld [smem:$0x3FFE];
	_ =	sdelay $0x1  }
0x8a: {  	s1 =	srdreg.scid  }
0x8b: {  	s0 =	sand.u32 $0x1, s1  }
0x8c: {  	s17 =	sshll.u32 s0, $0xA;
	s2 =	sadd.s32 s3, s2  }
0x8d: {  	s2 =	sadd.s32 s2, s17  }
0x8e: {  	[smem:$0x3FBA] =	sst s2  }
0x8f: {  	_ = 	snop  }
0x90: {  	s2 =	sld [smem:$0x3FD0];
	(tm) =	ssettm $0x1  }
0x91: {  	s18 =	sld [smem:$0x3FFB];
	_ =	sdelay $0x3  }
0x92: {  	_ =	strace s18  }
0x93: {  	s3 =	sld [smem:$0x3FFC];
	_ =	sdelay $0x3  }
0x94: {  	_ =	strace s3  }
0x95: {  	s3 =	sld [smem:$0x3FFD];
	_ =	sdelay $0x3  }
0x96: {  	_ =	strace s3  }
0x97: {  	_ =	strace $0x8FFFFFFF  }
0x98: {  	s19 =	sld [smem:$0x3FDB];
	_ =	sdelay $0x1  }
0x99: {  	s4 =	simm.s32 $_scs_section_size  }
0x9a: {  	s5 =	simm.s32 $_size__tile_overlayer_lowered;
	s6 =	simm.s32 $_tile_overlayer_lowered  }
0x9b: {  	s22 =	simm.s32 $0x1BFF;
	s21 =	sshll.u32 s6, $0x1;
	s3 =	sadd.s32 s4, s19  }
0x9c: {  	s7 =	simm.s32 $0x0;
	s20 =	sshll.u32 s5, $0x1;
	s5 =	sadd.s32 s21, s3  }
0x9d: {  	[timem:s7], [sflag:s22] =	dma.local [hbm:s5], s20  }
0x9e: {  	_ =	swait.ge [sflag:s22], s20  }
0x9f: {  	s4 =	ssub.s32 $0x0, s20;
	[sflag:s22] =	ssyncset.done $0x0  }
0xa0: {  	[sflag:s22] =	ssyncadd.s32 s4;
	_ =	sdelay $0x1  }
0xa1: {  	s23 =	simm.s32 $0x1B8B  }
0xa2: {  	_ =	swait.ge [sflag:s23], $0x1  }
0xa3: {  	[sflag:s23] =	ssyncset.done $0x0  }
0xa4: {  	s25 =	simm.s32 $0x1B8E;
	s24 =	sld [smem:$0x3FFE];
	[sflag:s23] =	ssyncadd.s32 $0xFFFFFFFF  }
0xa5: {  	s26 =	simm.s32 $execute0_lowered;
	[smem:$0x3FD2] =	sst s25  }
0xa6: {  	s5 =	sshll.u32 s26, $0x1;
	_ =	strace $0x8000004F;
	[dreg:$0x1] =	wrdreg $0xFFFFFFFF  }
0xa7: {  	s28 =	simm.s32 $_size_execute0_lowered;
	s3 =	sadd.s32 s3, s5;
	[dreg:$0x0] =	wrdreg $0x0  }
0xa8: {  	s5 =	sshll.u32 s28, $0x1;
	[dreg:$0x2] =	wrdreg s3  }
0xa9: {  	[dreg:$0x3] =	wrdreg s5  }
0xaa: {  	[dreg:$0x4] =	wrdreg $0xC0  }
0xab: {  	_ =	task [dreg:s7], $0x5FFFF  }
0xac: {  	[dreg:$0x1] =	wrdreg $0xFFFFFFFF  }
0xad: {  	[dreg:$0x0] =	wrdreg $0x60  }
0xae: {  	[dreg:$0x2] =	wrdreg s2  }
0xaf: {  	[dreg:$0x3] =	wrdreg s24  }
0xb0: {  	[dreg:$0x4] =	wrdreg $0xB4800  }
0xb1: {  	[dreg:$0x5] =	wrdreg $0x9  }
0xb2: {  	_ =	task.clear_ibuf [dreg:s7], $0x6FFFF;
	_ =	strace $0x9000004F  }
0xb3: {  	s29 =	simm.s32 $0x9;
	_ =	strace $0x80000051  }
0xb4: {  	_ =	swait.ge [sflag:s29], $0x1  }
0xb5: {  	[sflag:s29] =	ssyncadd.s32 $0xFFFFFFFF  }
0xb6: {  	_ =	strace $0x90000051  }
0xb7: {  	_ =	sfence  }
0xb8: {  	s30 =	sld [smem:$0x0];
	_ =	sdelay $0x2  }
0xb9: {  	s31 =	sshll.u32 s1, $0xD;
	s1 =	sshrl.u32 s1, $0x2  }
0xba: {  	s3 =	sand.u32 $0x4000, s31;
	s1 =	sadd.s32 s1, s30  }
0xbb: {  	s0 =	sor.u32 s3, s0;
	s1 =	sshll.u32 s1, $0x11  }
0xbc: {  	s0 =	sor.u32 s1, s0  }
0xbd: {  	s0 =	sadd.s32 $0x8F2B, s0  }
0xbe: {  	[sflag:s0] =	ssyncadd.remote.s32 $0x1  }
0xbf: {  	_ =	sfence.sel $0xFFFF  }
0xc0: {  	[dreg:$0x0] =	wrdreg $0xFFFFFFFF;
	(pc) =	sbr.abs _section_cstart, $3  }
0xc1: {  	[dreg:$0x1] =	wrdreg $0xFFFFFFFF  }
0xc2: {  	_ =	task.clear_ibuf [dreg:s7], $0x2FFFF;
	_ =	strace $0x9FFFFFFF  }
0xc3: {  	(tm) =	ssettm $0x7FFFFFFF  }
tec
execute0_lowered:
.L_overlay_start_1:
0x0: {  	(tag) =	ssettag $0x1  }
0x1: {  	s0 =	srdreg.scid  }
0x2: {  	s11 =	stileid.u32;
	s6 =	rddreg [dreg:$0x1]  }
0x3: {  	s0 =	sand.u32 $0x1, s0;
	s4 =	sshll.u32 s11, $0x7;
	s19 =	smul.u32 $0x4E000, s11  }
0x4: {  	s30 =	smul.u32 $0x2710, s11;
	s1 =	sshll.u32 s0, $0x4;
	s7 =	sand.u32 $0x380, s4  }
0x5: {  	s4 =	simm.s32 $0x0;
	s8 =	ssub.s32 $0x2, s0;
	s20 =	smul.u32 $0x138800, s0  }
0x6: {  	s0 =	smul.u32 $0x27100, s0;
	s2 =	sor.u32 s11, s1;
	s1 =	rddreg [dreg:$0x0]  }
0x7: {  	[smem:$0x7FF] =	sst s4;
	s9 =	sshrl.u32 s8, $0x1;
	s3 =	sshrl.u32 s2, $0x3  }
0x8: {  	s10 =	ssub.s32 s8, s9;
	s8 =	sshrl.u32 s19, $0x2;
	s0 =	sadd.s32 s30, s0  }
0x9: {  	s5 =	smul.u32 $0x13C00, s3;
	s3 =	rddreg [dreg:$0x2];
	_ =	strace $0x80000050  }
0xa: {  	s31 =	smax.u32 s10, $0x1;
	s13 =	sadd.s32 $0xC0, s0;
	s15 =	sadd.s32 $0x180, s0  }
0xb: {  	s16 =	sadd.s32 $0x140, s0;
	s0 =	sadd.s32 $0x100, s0;
	[dreg:$0x11] =	wrdreg s31  }
0xc: {  	s24 =	sadd.s32 s8, s3;
	[dreg:$0x1b] =	wrdreg s0  }
0xd: {  	s25 =	sadd.s32 $0x138000, s3;
	[dreg:$0xa] =	wrdreg s24  }
0xe: {  	s8 =	sadd.s32 $0x1000, s24;
	[dreg:$0xb] =	wrdreg s25  }
0xf: {  	s9 =	sadd.s32 $0x1800, s24;
	[dreg:$0x13] =	wrdreg s8  }
0x10: {  	s10 =	sadd.s32 $0x2000, s24;
	[dreg:$0x14] =	wrdreg s9  }
0x11: {  	s12 =	sadd.s32 $0x2800, s24;
	[dreg:$0x15] =	wrdreg s10  }
0x12: {  	s14 =	sadd.s32 $0x3000, s24;
	[dreg:$0x16] =	wrdreg s12  }
0x13: {  	s19 =	sadd.s32 $0x3800, s24;
	[dreg:$0x17] =	wrdreg s14  }
0x14: {  	s30 =	sadd.s32 $0x6800, s24;
	[dreg:$0x18] =	wrdreg s19  }
0x15: {  	s22 =	smul.u32 $0x13800, s11;
	s31 =	sadd.s32 $0x7000, s24;
	[dreg:$0x1f] =	wrdreg s30  }
0x16: {  	p0 =	sne.s32 s11, $0x0;
	s11 =	sadd.s32 $0xA800, s24;
	[smem:$0x7E5] =	sst s31  }
0x17: {  	s8 =	sadd.s32 $0x9000, s24;
	[smem:$0x7EC] =	sst s11  }
0x18: {  	s9 =	sadd.s32 $0x9800, s24;
	[smem:$0x7E9] =	sst s8  }
0x19: {  	s2 =	smul.u32 $0x2710, s2;
	s10 =	sadd.s32 $0xA000, s24;
	[smem:$0x7EA] =	sst s9  }
0x1a: {  	s12 =	sadd.s32 $0xB000, s24;
	[smem:$0x7EB] =	sst s10  }
0x1b: {  	s2 =	sshrl.u32 s2, $0x3;
	s14 =	sadd.s32 $0xC000, s24;
	[smem:$0x7ED] =	sst s12  }
0x1c: {  	s5 =	sor.u32 s7, s5;
	s19 =	sadd.s32 $0xE800, s24;
	[smem:$0x7EF] =	sst s14  }
0x1d: {  	s5 =	sshrl.u32 s5, $0x3;
	s30 =	sadd.s32 $0x12800, s24;
	[smem:$0x7F4] =	sst s19  }
0x1e: {  	s31 =	sadd.s32 $0x13000, s24;
	s18 =	sadd.s32 s5, s6;
	[smem:$0x7FC] =	sst s30  }
0x1f: {  	s5 =	sadd.s32 $0x4000, s6;
	[smem:$0x7FD] =	sst s31;
	s7 =	sadd.s32 $0xE800, s18  }
0x20: {  	s21 =	sadd.s32 s5, s2;
	[dreg:$0x8] =	wrdreg s7  }
0x21: {  	s2 =	sadd.s32 s22, s20;
	s22 =	simm.s32 $0x2900;
	[dreg:$0x9] =	wrdreg s21  }
0x22: {  	s18 =	sshrl.u32 s16, $0x3;
	s16 =	sadd.s32 $0xD000, s24;
	[dreg:$0x7] =	wrdreg s22  }
0x23: {  	s23 =	sadd.s32 $0x8, s21;
	[smem:$0x7F1] =	sst s16  }
0x24: {  	s26 =	sadd.s32 $0x10, s21;
	[dreg:$0xc] =	wrdreg s23  }
0x25: {  	s28 =	sadd.s32 $0x4E0, s21;
	[dreg:$0xd] =	wrdreg s26  }
0x26: {  	s21 =	sadd.s32 $0x4000, s24;
	[dreg:$0xe] =	wrdreg s28  }
0x27: {  	s7 =	sshrl.u32 s20, $0x3;
	s20 =	sadd.s32 s18, s5;
	[dreg:$0x19] =	wrdreg s21  }
0x28: {  	s6 =	sadd.s32 $0x18600, s6;
	s18 =	sadd.s32 $0xE000, s24;
	[dreg:$0x6] =	wrdreg s20  }
0x29: {  	s2 =	sshrl.u32 s2, $0x3;
	s22 =	sadd.s32 $0x10000, s24;
	[smem:$0x7F3] =	sst s18  }
0x2a: {  	s2 =	sadd.s32 s6, s2;
	[smem:$0x7F7] =	sst s22  }
0x2b: {  	s29 =	sadd.s32 s6, s7;
	s7 =	sadd.s32 $0x800, s24;
	[dreg:$0xf] =	wrdreg s2  }
0x2c: {  	s23 =	sadd.s32 $0x4800, s24;
	[dreg:$0x12] =	wrdreg s7  }
0x2d: {  	s26 =	sadd.s32 $0x5000, s24;
	[dreg:$0x1a] =	wrdreg s23  }
0x2e: {  	s0 =	simm.s32 $0xAC80;
	s28 =	sadd.s32 $0x5800, s24;
	[dreg:$0x1c] =	wrdreg s26  }
0x2f: {  	s6 =	sshrl.u32 s15, $0x3;
	s15 =	sadd.s32 $0xC800, s24;
	[dreg:$0x1d] =	wrdreg s28  }
0x30: {  	s11 =	simm.s32 $0x40;
	s20 =	sadd.s32 $0xF000, s24;
	[smem:$0x7F0] =	sst s15  }
0x31: {  	s10 =	simm.s32 $0x1;
	s21 =	sadd.s32 $0xF800, s24;
	[smem:$0x7F5] =	sst s20  }
0x32: {  	s12 =	simm.s32 $0x2C80;
	s2 =	sadd.s32 $0x27000, s29;
	[smem:$0x7F6] =	sst s21  }
0x33: {  	s14 =	simm.s32 $0x6C80;
	s17 =	sadd.s32 s6, s5;
	[dreg:$0x10] =	wrdreg s2  }
0x34: {  	s19 =	simm.s32 $0x3;
	s29 =	sadd.s32 $0x6000, s24;
	[dreg:$0x5] =	wrdreg s17  }
0x35: {  	s16 =	simm.s32 $0x8C80;
	s6 =	sadd.s32 $0x8000, s24;
	[dreg:$0x1e] =	wrdreg s29  }
0x36: {  	s18 =	simm.s32 $0x5;
	s7 =	sadd.s32 $0x8800, s24;
	[smem:$0x7E7] =	sst s6  }
0x37: {  	s22 =	simm.s32 $0x8;
	s23 =	sadd.s32 $0x10800, s24;
	[smem:$0x7E8] =	sst s7  }
0x38: {  	s26 =	sadd.s32 $0x11000, s24;
	s28 =	sadd.s32 $0x11800, s24;
	[smem:$0x7F8] =	sst s23  }
0x39: {  	s15 =	simm.s32 $0x2A80;
	s20 =	simm.s32 $0x7;
	[smem:$0x7F9] =	sst s26  }
0x3a: {  	s2 =	sshrl.u32 s13, $0x3;
	s13 =	sadd.s32 $0xB800, s24;
	[smem:$0x7FA] =	sst s28  }
0x3b: {  	s21 =	simm.s32 $0x4;
	s17 =	sadd.s32 $0xD800, s24;
	[smem:$0x7EE] =	sst s13  }
0x3c: {  	s29 =	sadd.s32 $0x12000, s24;
	s6 =	simm.s32 $0x9;
	[smem:$0x7F2] =	sst s17  }
0x3d: {  	s7 =	simm.s32 $0xA;
	s2 =	sadd.s32 s2, s5;
	[smem:$0x7FB] =	sst s29  }
0x3e: {  	s26 =	simm.s32 $0x0;
	[dreg:$0x4] =	wrdreg s2;
	s2 =	sadd.s32 $0x7800, s24  }
0x3f: {  	v0 =	vimm.f32 $0.0e+00;
	s13 =	simm.s32 $0x2980;
	s17 =	simm.s32 $0x2B00;
	[smem:$0x7E6] =	sst s2  }
.LBB2_1:
0x40: {  	s2 =	rddreg [dreg:$0x8];
	s8 =	simm.s32 $0x80;
	s9 =	simm.s32 $0x400  }
0x41: {  	[tilespmem:s4], [sflag:$0x1] =	stream.strided.gather [hbm4b:s2+s8], $0x2780, s9, s8, $0x38;
	[tilespmem:$0x1ED00] =	vst v63  }
0x42: {  	s23 =	simm.s32 $0x200;
	s2 =	simm.s32 $0x0  }
.LBB2_2:
0x43: {  	p1 =	sne.s32 s23, $0x1E00;
	[tilespmem:s2+$0xACF0] =	vst v0  }
0x44: {  	[tilespmem:s2+$0xAC80] =	vst v0  }
0x45: {  	[tilespmem:s2+$0xAC90] =	vst v0  }
.Ltmp0:
0x46: {  	[tilespmem:s2+$0xACA0] =	vst v0;
	(pc) =	sbr.rel @p1 .LBB2_2-.Ltmp0, $4  }
0x47: {  	[tilespmem:s2+$0xACB0] =	vst v0  }
0x48: {  	[tilespmem:s2+$0xACC0] =	vst v0  }
0x49: {  	[tilespmem:s2+$0xACD0] =	vst v0  }
0x4a: {  	[tilespmem:s2+$0xACE0] =	vst v0;
	s2 =	sshra.s32 s23, $0x2;
	s23 =	sadd.s32 $0x200, s23  }
0x4b: {  	[tilespmem:s2+$0xACF0] =	vst v0  }
0x4c: {  	[tilespmem:s2+$0xAC80] =	vst v0  }
0x4d: {  	[tilespmem:s2+$0xAC90] =	vst v0  }
0x4e: {  	[tilespmem:s2+$0xACA0] =	vst v0  }
0x4f: {  	[tilespmem:s2+$0xACB0] =	vst v0  }
0x50: {  	[tilespmem:s2+$0xACC0] =	vst v0  }
0x51: {  	[tilespmem:s2+$0xACD0] =	vst v0  }
0x52: {  	[tilespmem:s2+$0xACE0] =	vst v0;
	s23 =	rddreg [dreg:$0x12]  }
0x53: {  	[spmem:s24] =	stream.linear.scatter [tilespmem:s0], [sflag:$0x9], $0x800, $0x38;
	[tilespmem:$0x1ED00] =	vst v63  }
0x54: {  	s28 =	rddreg [dreg:$0x14]  }
0x55: {  	[spmem:s23] =	stream.linear.scatter [tilespmem:s0], [sflag:$0x9], $0x800, $0x38;
	[tilespmem:$0x1ED00] =	vst v63  }
0x56: {  	s24 =	rddreg [dreg:$0x13]  }
0x57: {  	[spmem:s24] =	stream.linear.scatter [tilespmem:s0], [sflag:$0x9], $0x800, $0x38;
	[tilespmem:$0x1ED00] =	vst v63  }
0x58: {  	s29 =	rddreg [dreg:$0x15]  }
0x59: {  	[spmem:s28] =	stream.linear.scatter [tilespmem:s0], [sflag:$0x9], $0x800, $0x38;
	[tilespmem:$0x1ED00] =	vst v63  }
0x5a: {  	s30 =	rddreg [dreg:$0x16]  }
0x5b: {  	[spmem:s29] =	stream.linear.scatter [tilespmem:s0], [sflag:$0x9], $0x800, $0x38;
	[tilespmem:$0x1ED00] =	vst v63  }
0x5c: {  	s31 =	rddreg [dreg:$0x17]  }
0x5d: {  	[spmem:s30] =	stream.linear.scatter [tilespmem:s0], [sflag:$0x9], $0x800, $0x38;
	[tilespmem:$0x1ED00] =	vst v63  }
0x5e: {  	s8 =	rddreg [dreg:$0x18]  }
0x5f: {  	[spmem:s31] =	stream.linear.scatter [tilespmem:s0], [sflag:$0x9], $0x800, $0x38;
	[tilespmem:$0x1ED00] =	vst v63  }
0x60: {  	s9 =	rddreg [dreg:$0x19]  }
0x61: {  	[spmem:s8] =	stream.linear.scatter [tilespmem:s0], [sflag:$0x9], $0x800, $0x38;
	[tilespmem:$0x1ED00] =	vst v63  }
0x62: {  	s23 =	rddreg [dreg:$0x1a]  }
0x63: {  	[spmem:s9] =	stream.linear.scatter [tilespmem:s0], [sflag:$0x9], $0x800, $0x38;
	[tilespmem:$0x1ED00] =	vst v63  }
0x64: {  	s24 =	rddreg [dreg:$0x1c]  }
0x65: {  	[spmem:s23] =	stream.linear.scatter [tilespmem:s0], [sflag:$0x9], $0x800, $0x38;
	[tilespmem:$0x1ED00] =	vst v63  }
0x66: {  	s28 =	rddreg [dreg:$0x1d]  }
0x67: {  	[spmem:s24] =	stream.linear.scatter [tilespmem:s0], [sflag:$0x9], $0x800, $0x38;
	[tilespmem:$0x1ED00] =	vst v63  }
0x68: {  	s29 =	rddreg [dreg:$0x1e]  }
0x69: {  	[spmem:s28] =	stream.linear.scatter [tilespmem:s0], [sflag:$0x9], $0x800, $0x38;
	[tilespmem:$0x1ED00] =	vst v63  }
0x6a: {  	s30 =	rddreg [dreg:$0x1f]  }
0x6b: {  	[spmem:s29] =	stream.linear.scatter [tilespmem:s0], [sflag:$0x9], $0x800, $0x38;
	[tilespmem:$0x1ED00] =	vst v63  }
0x6c: {  	s31 =	sld [smem:$0x7E5]  }
0x6d: {  	[spmem:s30] =	stream.linear.scatter [tilespmem:s0], [sflag:$0x9], $0x800, $0x38;
	[tilespmem:$0x1ED00] =	vst v63  }
0x6e: {  	s8 =	sld [smem:$0x7E6]  }
0x6f: {  	[spmem:s31] =	stream.linear.scatter [tilespmem:s0], [sflag:$0x9], $0x800, $0x38;
	[tilespmem:$0x1ED00] =	vst v63  }
0x70: {  	s9 =	sld [smem:$0x7E7]  }
0x71: {  	[spmem:s8] =	stream.linear.scatter [tilespmem:s0], [sflag:$0x9], $0x800, $0x38;
	[tilespmem:$0x1ED00] =	vst v63  }
0x72: {  	s23 =	sld [smem:$0x7E8]  }
0x73: {  	[spmem:s9] =	stream.linear.scatter [tilespmem:s0], [sflag:$0x9], $0x800, $0x38;
	[tilespmem:$0x1ED00] =	vst v63  }
0x74: {  	s24 =	sld [smem:$0x7E9]  }
0x75: {  	[spmem:s23] =	stream.linear.scatter [tilespmem:s0], [sflag:$0x9], $0x800, $0x38;
	[tilespmem:$0x1ED00] =	vst v63  }
0x76: {  	s28 =	sld [smem:$0x7EA]  }
0x77: {  	[spmem:s24] =	stream.linear.scatter [tilespmem:s0], [sflag:$0x9], $0x800, $0x38;
	[tilespmem:$0x1ED00] =	vst v63  }
0x78: {  	s29 =	sld [smem:$0x7EB]  }
0x79: {  	[spmem:s28] =	stream.linear.scatter [tilespmem:s0], [sflag:$0x9], $0x800, $0x38;
	[tilespmem:$0x1ED00] =	vst v63  }
0x7a: {  	s30 =	sld [smem:$0x7EC]  }
0x7b: {  	[spmem:s29] =	stream.linear.scatter [tilespmem:s0], [sflag:$0x9], $0x800, $0x38;
	[tilespmem:$0x1ED00] =	vst v63  }
0x7c: {  	s31 =	sld [smem:$0x7ED]  }
0x7d: {  	[spmem:s30] =	stream.linear.scatter [tilespmem:s0], [sflag:$0x9], $0x800, $0x38;
	[tilespmem:$0x1ED00] =	vst v63  }
0x7e: {  	s8 =	sld [smem:$0x7EE]  }
0x7f: {  	[spmem:s31] =	stream.linear.scatter [tilespmem:s0], [sflag:$0x9], $0x800, $0x38;
	[tilespmem:$0x1ED00] =	vst v63  }
0x80: {  	s9 =	sld [smem:$0x7EF]  }
0x81: {  	[spmem:s8] =	stream.linear.scatter [tilespmem:s0], [sflag:$0x9], $0x800, $0x38;
	[tilespmem:$0x1ED00] =	vst v63  }
0x82: {  	s23 =	sld [smem:$0x7F0]  }
0x83: {  	[spmem:s9] =	stream.linear.scatter [tilespmem:s0], [sflag:$0x9], $0x800, $0x38;
	[tilespmem:$0x1ED00] =	vst v63  }
0x84: {  	s24 =	sld [smem:$0x7F1]  }
0x85: {  	[spmem:s23] =	stream.linear.scatter [tilespmem:s0], [sflag:$0x9], $0x800, $0x38;
	[tilespmem:$0x1ED00] =	vst v63  }
0x86: {  	s28 =	sld [smem:$0x7F2]  }
0x87: {  	[spmem:s24] =	stream.linear.scatter [tilespmem:s0], [sflag:$0x9], $0x800, $0x38;
	[tilespmem:$0x1ED00] =	vst v63  }
0x88: {  	s29 =	sld [smem:$0x7F3]  }
0x89: {  	[spmem:s28] =	stream.linear.scatter [tilespmem:s0], [sflag:$0x9], $0x800, $0x38;
	[tilespmem:$0x1ED00] =	vst v63  }
0x8a: {  	s30 =	sld [smem:$0x7F4]  }
0x8b: {  	[spmem:s29] =	stream.linear.scatter [tilespmem:s0], [sflag:$0x9], $0x800, $0x38;
	[tilespmem:$0x1ED00] =	vst v63  }
0x8c: {  	s31 =	sld [smem:$0x7F5]  }
0x8d: {  	[spmem:s30] =	stream.linear.scatter [tilespmem:s0], [sflag:$0x9], $0x800, $0x38;
	[tilespmem:$0x1ED00] =	vst v63  }
0x8e: {  	s8 =	sld [smem:$0x7F6]  }
0x8f: {  	[spmem:s31] =	stream.linear.scatter [tilespmem:s0], [sflag:$0x9], $0x800, $0x38;
	[tilespmem:$0x1ED00] =	vst v63  }
0x90: {  	s9 =	sld [smem:$0x7F7]  }
0x91: {  	[spmem:s8] =	stream.linear.scatter [tilespmem:s0], [sflag:$0x9], $0x800, $0x38;
	[tilespmem:$0x1ED00] =	vst v63  }
0x92: {  	s23 =	sld [smem:$0x7F8]  }
0x93: {  	[spmem:s9] =	stream.linear.scatter [tilespmem:s0], [sflag:$0x9], $0x800, $0x38;
	[tilespmem:$0x1ED00] =	vst v63  }
0x94: {  	s24 =	sld [smem:$0x7F9]  }
0x95: {  	[spmem:s23] =	stream.linear.scatter [tilespmem:s0], [sflag:$0x9], $0x800, $0x38;
	[tilespmem:$0x1ED00] =	vst v63  }
0x96: {  	s28 =	sld [smem:$0x7FA]  }
0x97: {  	[spmem:s24] =	stream.linear.scatter [tilespmem:s0], [sflag:$0x9], $0x800, $0x38;
	[tilespmem:$0x1ED00] =	vst v63  }
0x98: {  	s29 =	sld [smem:$0x7FB]  }
0x99: {  	[spmem:s28] =	stream.linear.scatter [tilespmem:s0], [sflag:$0x9], $0x800, $0x38;
	[tilespmem:$0x1ED00] =	vst v63  }
0x9a: {  	s30 =	sld [smem:$0x7FC]  }
0x9b: {  	[spmem:s29] =	stream.linear.scatter [tilespmem:s0], [sflag:$0x9], $0x800, $0x38;
	[tilespmem:$0x1ED00] =	vst v63  }
0x9c: {  	s31 =	sld [smem:$0x7FD]  }
0x9d: {  	[spmem:s30] =	stream.linear.scatter [tilespmem:s0], [sflag:$0x9], $0x800, $0x38;
	[tilespmem:$0x1ED00] =	vst v63  }
0x9e: {  	_ = 	snop  }
0x9f: {  	[spmem:s31] =	stream.linear.scatter [tilespmem:s0], [sflag:$0x9], $0x800, $0x38;
	[tilespmem:$0x1ED00] =	vst v63  }
0xa0: {  	s2 =	simm.s32 @!p0 $0xAC80  }
0xa1: {  	[spmem:s25] =	stream.linear.scatter @!p0 [tilespmem:s2], [sflag:$0xA], $0x800, $0x38;
	[tilespmem:$0x1ED00] =	vst v63  }
0xa2: {  	s2 =	simm.s32 @!p0 $0xA  }
0xa3: {  	_ =	swait.ge @!p0 [sflag:s2], $0x800  }
0xa4: {  	[sflag:s2] =	ssyncset.done @!p0 $0x0  }
0xa5: {  	[sflag:s2] =	ssyncadd.s32 @!p0 $0xFFFFF800  }
0xa6: {  	_ =	swait.ge [sflag:s6], $0x800  }
0xa7: {  	s2 =	simm.s32 $0x26;
	[sflag:s6] =	ssyncset.done $0x0  }
.LBB2_4:
0xa8: {  	p1 =	sne.s32 s2, $0x1;
	s2 =	sadd.s32 $0xFFFFFFFF, s2;
	[sflag:s6] =	ssyncadd.s32 $0xFFFFF800  }
.Ltmp1:
0xa9: {  	(pc) =	sbr.rel @p1 .LBB2_4-.Ltmp1, $3  }
0xaa: {  	_ =	sdelay $0x1  }
0xab: {  	_ =	swait.ge [sflag:s6], $0x800  }
0xac: {  	[sflag:s6] =	ssyncset.done $0x0  }
0xad: {  	[sflag:s6] =	ssyncadd.s32 $0xFFFFF800  }
0xae: {  	_ =	swait.ge [sflag:s10], $0x2780  }
0xaf: {  	[sflag:s10] =	ssyncset.done $0x0  }
0xb0: {  	[sflag:s10] =	ssyncadd.s32 $0xFFFFD880  }
0xb1: {  	[bflag:$0x0] =	sbarrier.arrive $0xFFFF  }
0xb2: {  	v1 =	vld [tilespmem:$0x0]  }
0xb3: {  	v2 =	vld [tilespmem:$0x10]  }
0xb4: {  	v3 =	vld [tilespmem:$0x20]  }
0xb5: {  	v4 =	vld [tilespmem:$0x30];
	_ =	sdelay $0x1  }
0xb6: {  	[tilespmem:$0x2780] =	vst v1  }
0xb7: {  	[tilespmem:$0x2790] =	vst v2  }
0xb8: {  	[tilespmem:$0x27A0] =	vst v3  }
0xb9: {  	s2 =	simm.s32 $0x2780;
	[tilespmem:$0x27B0] =	vst v4  }
0xba: {  	[tilespmem:s12], [sflag:$0x1] =	stream.indirect.gather [hbm4b:s1+s11], $0x80, s2, s11, $0xb8;
	[tilespmem:$0x1ED00] =	vst v63  }
0xbb: {  	s8 =	rddreg [dreg:$0x9];
	s2 =	simm.s32 $0x0  }
0xbc: {  	[tilespmem:s13], [sflag:$0x5] =	stream.linear.gather [hbm4b:s8+s2], $0x40, $0x38;
	[tilespmem:$0x1ED00] =	vst v63  }
0xbd: {  	v1 =	vld [tilespmem:$0x40]  }
0xbe: {  	v2 =	vld [tilespmem:$0x50]  }
0xbf: {  	v3 =	vld [tilespmem:$0x60]  }
0xc0: {  	v62 =	vld [tilespmem:$0x70];
	_ =	sdelay $0x1  }
0xc1: {  	[tilespmem:$0x2800] =	vst v1  }
0xc2: {  	[tilespmem:$0x2810] =	vst v2  }
0xc3: {  	[tilespmem:$0x2820] =	vst v3  }
0xc4: {  	s24 =	simm.s32 $0x2800;
	s9 =	simm.s32 $0x4C80;
	[tilespmem:$0x2830] =	vst v62  }
0xc5: {  	[tilespmem:s9], [sflag:$0x2] =	stream.indirect.gather [hbm4b:s1+s11], $0x80, s24, s11, $0xb8;
	[tilespmem:$0x1ED00] =	vst v63  }
0xc6: {  	s31 =	simm.s32 $0x2A00;
	s25 =	rddreg [dreg:$0xc]  }
0xc7: {  	[tilespmem:s31], [sflag:$0x6] =	stream.linear.gather [hbm4b:s25+s2], $0x40, $0x38;
	[tilespmem:$0x1ED00] =	vst v63  }
0xc8: {  	v1 =	vld [tilespmem:$0x80]  }
0xc9: {  	v2 =	vld [tilespmem:$0x90]  }
0xca: {  	v3 =	vld [tilespmem:$0xA0]  }
0xcb: {  	v63 =	vld [tilespmem:$0xB0];
	_ =	sdelay $0x1  }
0xcc: {  	[tilespmem:$0x2880] =	vst v1  }
0xcd: {  	[tilespmem:$0x2890] =	vst v2  }
0xce: {  	[tilespmem:$0x28A0] =	vst v3  }
0xcf: {  	s23 =	simm.s32 $0x2880;
	[tilespmem:$0x28B0] =	vst v63  }
0xd0: {  	[tilespmem:s14], [sflag:$0x3] =	stream.indirect.gather [hbm4b:s1+s11], $0x80, s23, s11, $0xb8;
	[tilespmem:$0x1ED00] =	vst v63  }
0xd1: {  	s28 =	simm.s32 $0xE0;
	s24 =	rddreg [dreg:$0xd]  }
0xd2: {  	[tilespmem:s15], [sflag:$0x7] =	stream.linear.gather [hbm4b:s24+s2], $0x40, $0x38;
	[tilespmem:$0x1ED00] =	vst v63  }
0xd3: {  	v1 =	vld [tilespmem:s28+$0xFFFFFFE0];
	_ =	sdelay $0x4  }
0xd4: {  	[tilespmem:$0x2900] =	vst v1  }
0xd5: {  	v1 =	vld [tilespmem:s28+$0xFFFFFFF0];
	_ =	sdelay $0x4  }
0xd6: {  	[tilespmem:$0x2910] =	vst v1  }
0xd7: {  	v1 =	vld [tilespmem:s28+$0x0];
	_ =	sdelay $0x4  }
0xd8: {  	[tilespmem:$0x2920] =	vst v1  }
0xd9: {  	v1 =	vld [tilespmem:s28+$0x10];
	_ =	sdelay $0x3  }
0xda: {  	s25 =	rddreg [dreg:$0x7]  }
0xdb: {  	s23 =	rddreg [dreg:$0x4];
	[tilespmem:$0x2930] =	vst v1  }
0xdc: {  	[tilespmem:s16], [sflag:$0x4] =	stream.indirect.gather [hbm4b:s1+s11], $0x80, s25, s11, $0xb8;
	[tilespmem:$0x1ED00] =	vst v63  }
0xdd: {  	s31 =	sadd.s32 $0x0, s23  }
0xde: {  	[tilespmem:s17], [sflag:$0x8] =	stream.linear.gather [hbm4b:s31+s4], $0x40, $0x38;
	[tilespmem:$0x1ED00] =	vst v63  }
0xdf: {  	_ =	swait.ge [sflag:s10], $0x2000  }
0xe0: {  	[sflag:s10] =	ssyncset.done $0x0  }
0xe1: {  	[sflag:s10] =	ssyncadd.s32 $0xFFFFE000  }
0xe2: {  	_ =	swait.ge [sflag:s18], $0x40  }
0xe3: {  	[sflag:s18] =	ssyncset.done $0x0  }
0xe4: {  	[sflag:s18] =	ssyncadd.s32 $0xFFFFFFC0  }
0xe5: {  	[spmem:s3] =	stream.indirect.scatter.add.f32 [tilespmem:s12], [sflag:$0xA], $0x80, s13, s11, $0xb8;
	[tilespmem:$0x1ED00] =	vst v63  }
0xe6: {  	_ =	swait.ge [sflag:s7], $0x2000  }
0xe7: {  	p1 =	por $0x0, $0x0;
	[sflag:s7] =	ssyncset.done $0x0  }
0xe8: {  	s2 =	simm.s32 @p1 $0x2;
	[sflag:s7] =	ssyncadd.s32 $0xFFFFE000  }
0xe9: {  	_ =	swait.ge @p1 [sflag:s2], $0x2000  }
0xea: {  	[sflag:s2] =	ssyncset.done @p1 $0x0  }
0xeb: {  	[sflag:s2] =	ssyncadd.s32 @p1 $0xFFFFE000;
	s2 =	simm.s32 @p1 $0x6  }
0xec: {  	_ =	swait.ge @p1 [sflag:s2], $0x40  }
0xed: {  	s29 =	simm.s32 @p1 $0x2A00;
	s23 =	simm.s32 @p1 $0x4C80;
	[sflag:s2] =	ssyncset.done @p1 $0x0  }
0xee: {  	s24 =	simm.s32 @p1 $0xA;
	[sflag:s2] =	ssyncadd.s32 @p1 $0xFFFFFFC0;
	s2 =	simm.s32 @p1 $0x40  }
0xef: {  	[spmem:s3] =	stream.indirect.scatter.add.f32 @p1 [tilespmem:s23], [sflag:$0xA], $0x80, s29, s2, $0xb8;
	[tilespmem:$0x1ED00] =	vst v63  }
0xf0: {  	_ =	swait.ge @p1 [sflag:s24], $0x2000  }
0xf1: {  	[sflag:s24] =	ssyncset.done @p1 $0x0  }
0xf2: {  	[sflag:s24] =	ssyncadd.s32 @p1 $0xFFFFE000  }
0xf3: {  	v1 =	vld @!p1 [tilespmem:s28+$0x20];
	_ =	sdelay $0x4  }
0xf4: {  	[tilespmem:$0x2780] =	vst @!p1 v1  }
0xf5: {  	v1 =	vld @!p1 [tilespmem:s28+$0x30];
	_ =	sdelay $0x4  }
0xf6: {  	[tilespmem:$0x2790] =	vst @!p1 v1  }
0xf7: {  	v1 =	vld @!p1 [tilespmem:s28+$0x40];
	_ =	sdelay $0x4  }
0xf8: {  	[tilespmem:$0x27A0] =	vst @!p1 v1  }
0xf9: {  	v1 =	vld @!p1 [tilespmem:s28+$0x50];
	_ =	sdelay $0x3  }
0xfa: {  	s30 =	simm.s32 @!p1 $0x2;
	s23 =	simm.s32 @!p1 $0x40;
	s8 =	rddreg [dreg:$0x1b]  }
0xfb: {  	s29 =	simm.s32 @!p1 $0x2C80;
	s2 =	sshrl.u32 @!p1 s8, $0x3;
	s24 =	simm.s32 @!p1 $0x2780;
	[tilespmem:$0x27B0] =	vst @!p1 v1  }
0xfc: {  	[tilespmem:s29], [sflag:$0x1] =	stream.indirect.gather @!p1 [hbm4b:s1+s23], $0x80, s24, s23, $0xb8;
	[tilespmem:$0x1ED00] =	vst v63  }
0xfd: {  	s2 =	sadd.s32 @!p1 s5, s2;
	s24 =	simm.s32 @!p1 $0x0;
	s29 =	simm.s32 @!p1 $0x2980  }
0xfe: {  	[tilespmem:s29], [sflag:$0x5] =	stream.linear.gather @!p1 [hbm4b:s2+s24], $0x40, $0x38;
	[tilespmem:$0x1ED00] =	vst v63  }
0xff: {  	_ =	swait.ge @!p1 [sflag:s30], $0x2000  }
0x100: {  	[sflag:s30] =	ssyncset.done @!p1 $0x0  }
0x101: {  	s2 =	simm.s32 @!p1 $0x6;
	[sflag:s30] =	ssyncadd.s32 @!p1 $0xFFFFE000  }
0x102: {  	_ =	swait.ge @!p1 [sflag:s2], $0x40  }
0x103: {  	s29 =	simm.s32 @!p1 $0xA;
	[sflag:s2] =	ssyncset.done @!p1 $0x0  }
0x104: {  	s30 =	simm.s32 @!p1 $0x4C80;
	[sflag:s2] =	ssyncadd.s32 @!p1 $0xFFFFFFC0;
	s2 =	simm.s32 @!p1 $0x2A00  }
0x105: {  	[spmem:s3] =	stream.indirect.scatter.add.f32 @!p1 [tilespmem:s30], [sflag:$0xA], $0x80, s2, s23, $0xb8;
	[tilespmem:$0x1ED00] =	vst v63  }
0x106: {  	_ =	swait.ge @!p1 [sflag:s29], $0x2000  }
0x107: {  	[sflag:s29] =	ssyncset.done @!p1 $0x0  }
0x108: {  	[sflag:s29] =	ssyncadd.s32 @!p1 $0xFFFFE000  }
0x109: {  	v1 =	vld @!p1 [tilespmem:s28+$0x60];
	_ =	sdelay $0x4  }
0x10a: {  	[tilespmem:$0x2800] =	vst @!p1 v1  }
0x10b: {  	v1 =	vld @!p1 [tilespmem:s28+$0x70];
	_ =	sdelay $0x4  }
0x10c: {  	[tilespmem:$0x2810] =	vst @!p1 v1  }
0x10d: {  	v1 =	vld @!p1 [tilespmem:s28+$0x80];
	_ =	sdelay $0x4  }
0x10e: {  	[tilespmem:$0x2820] =	vst @!p1 v1  }
0x10f: {  	v1 =	vld @!p1 [tilespmem:s28+$0x90];
	_ =	sdelay $0x4  }
0x110: {  	s31 =	simm.s32 @!p1 $0x2800;
	s29 =	rddreg [dreg:$0x6];
	[tilespmem:$0x2830] =	vst @!p1 v1  }
0x111: {  	[tilespmem:s30], [sflag:$0x2] =	stream.indirect.gather @!p1 [hbm4b:s1+s23], $0x80, s31, s23, $0xb8;
	[tilespmem:$0x1ED00] =	vst v63  }
0x112: {  	s29 =	sadd.s32 @!p1 $0x0, s29  }
0x113: {  	[tilespmem:s2], [sflag:$0x6] =	stream.linear.gather @!p1 [hbm4b:s29+s24], $0x40, $0x38;
	[tilespmem:$0x1ED00] =	vst v63  }
0x114: {  	_ =	swait.ge [sflag:s19], $0x2000  }
0x115: {  	[sflag:s19] =	ssyncset.done $0x0  }
0x116: {  	[sflag:s19] =	ssyncadd.s32 $0xFFFFE000  }
0x117: {  	_ =	swait.ge [sflag:s20], $0x40  }
0x118: {  	[sflag:s20] =	ssyncset.done $0x0  }
0x119: {  	[sflag:s20] =	ssyncadd.s32 $0xFFFFFFC0  }
0x11a: {  	[spmem:s3] =	stream.indirect.scatter.add.f32 [tilespmem:s14], [sflag:$0xA], $0x80, s15, s11, $0xb8;
	[tilespmem:$0x1ED00] =	vst v63  }
0x11b: {  	_ =	swait.ge [sflag:s7], $0x2000  }
0x11c: {  	[sflag:s7] =	ssyncset.done $0x0  }
0x11d: {  	[sflag:s7] =	ssyncadd.s32 $0xFFFFE000  }
0x11e: {  	v1 =	vld @!p1 [tilespmem:s28+$0xA0];
	_ =	sdelay $0x4  }
0x11f: {  	[tilespmem:$0x2880] =	vst @!p1 v1  }
0x120: {  	v1 =	vld @!p1 [tilespmem:s28+$0xB0];
	_ =	sdelay $0x4  }
0x121: {  	[tilespmem:$0x2890] =	vst @!p1 v1  }
0x122: {  	v1 =	vld @!p1 [tilespmem:s28+$0xC0];
	_ =	sdelay $0x4  }
0x123: {  	[tilespmem:$0x28A0] =	vst @!p1 v1  }
0x124: {  	v1 =	vld @!p1 [tilespmem:s28+$0xD0];
	_ =	sdelay $0x4  }
0x125: {  	s30 =	simm.s32 @!p1 $0x6C80;
	s29 =	simm.s32 @!p1 $0x2880;
	s2 =	rddreg [dreg:$0x5];
	[tilespmem:$0x28B0] =	vst @!p1 v1  }
0x126: {  	[tilespmem:s30], [sflag:$0x3] =	stream.indirect.gather @!p1 [hbm4b:s1+s23], $0x80, s29, s23, $0xb8;
	[tilespmem:$0x1ED00] =	vst v63  }
0x127: {  	s2 =	sadd.s32 @!p1 $0x0, s2;
	s23 =	simm.s32 @!p1 $0x2A80  }
0x128: {  	[tilespmem:s23], [sflag:$0x7] =	stream.linear.gather @!p1 [hbm4b:s2+s24], $0x40, $0x38;
	[tilespmem:$0x1ED00] =	vst v63  }
0x129: {  	_ =	swait.ge [sflag:s21], $0x2000  }
0x12a: {  	[sflag:s21] =	ssyncset.done $0x0  }
0x12b: {  	[sflag:s21] =	ssyncadd.s32 $0xFFFFE000  }
0x12c: {  	_ =	swait.ge [sflag:s22], $0x40  }
0x12d: {  	[sflag:s22] =	ssyncset.done $0x0  }
0x12e: {  	[sflag:s22] =	ssyncadd.s32 $0xFFFFFFC0  }
0x12f: {  	[spmem:s3] =	stream.indirect.scatter.add.f32 [tilespmem:s16], [sflag:$0xA], $0x80, s17, s11, $0xb8;
	[tilespmem:$0x1ED00] =	vst v63  }
0x130: {  	_ =	swait.ge [sflag:s7], $0x2000  }
0x131: {  	s29 =	simm.s32 $0x20;
	s30 =	sadd.s32 $0x100, s8;
	[sflag:s7] =	ssyncset.done $0x0  }
.LBB2_6:
0x132: {  	[sflag:s7] =	ssyncadd.s32 $0xFFFFE000;
	s28 =	sadd.s32 $0x100, s28  }
0x133: {  	v1 =	vld [tilespmem:s28+$0xFFFFFFE0];
	_ =	sdelay $0x4  }
0x134: {  	[tilespmem:$0x2900] =	vst v1  }
0x135: {  	v1 =	vld [tilespmem:s28+$0xFFFFFFF0];
	_ =	sdelay $0x4  }
0x136: {  	[tilespmem:$0x2910] =	vst v1  }
0x137: {  	v1 =	vld [tilespmem:s28+$0x0];
	_ =	sdelay $0x4  }
0x138: {  	[tilespmem:$0x2920] =	vst v1  }
0x139: {  	v1 =	vld [tilespmem:s28+$0x10];
	_ =	sdelay $0x3  }
0x13a: {  	s2 =	rddreg [dreg:$0x7]  }
0x13b: {  	s31 =	smov.u32 s29;
	s23 =	rddreg [dreg:$0x4];
	[tilespmem:$0x2930] =	vst v1  }
0x13c: {  	[tilespmem:s16], [sflag:$0x4] =	stream.indirect.gather [hbm4b:s1+s11], $0x80, s2, s11, $0xb8;
	[tilespmem:$0x1ED00] =	vst v63  }
0x13d: {  	s25 =	sadd.s32 s31, s23  }
0x13e: {  	[tilespmem:s17], [sflag:$0x8] =	stream.linear.gather [hbm4b:s25+s4], $0x40, $0x38;
	[tilespmem:$0x1ED00] =	vst v63  }
0x13f: {  	_ =	swait.ge [sflag:s10], $0x2000  }
0x140: {  	[sflag:s10] =	ssyncset.done $0x0  }
0x141: {  	[sflag:s10] =	ssyncadd.s32 $0xFFFFE000  }
0x142: {  	_ =	swait.ge [sflag:s18], $0x40  }
0x143: {  	[sflag:s18] =	ssyncset.done $0x0  }
0x144: {  	[sflag:s18] =	ssyncadd.s32 $0xFFFFFFC0  }
0x145: {  	[spmem:s3] =	stream.indirect.scatter.add.f32 [tilespmem:s12], [sflag:$0xA], $0x80, s13, s11, $0xb8;
	[tilespmem:$0x1ED00] =	vst v63  }
0x146: {  	_ =	swait.ge [sflag:s7], $0x2000  }
0x147: {  	p2 =	seq.s32 s31, $0x4C0;
	[sflag:s7] =	ssyncset.done $0x0  }
0x148: {  	s2 =	simm.s32 @p2 $0x2;
	[sflag:s7] =	ssyncadd.s32 $0xFFFFE000  }
0x149: {  	_ =	swait.ge @p2 [sflag:s2], $0x2000  }
0x14a: {  	[sflag:s2] =	ssyncset.done @p2 $0x0  }
0x14b: {  	[sflag:s2] =	ssyncadd.s32 @p2 $0xFFFFE000;
	s2 =	simm.s32 @p2 $0x6  }
0x14c: {  	s23 =	sshrl.u32 @!p2 s30, $0x3;
	s9 =	simm.s32 @p2 $0xA;
	_ =	swait.ge @p2 [sflag:s2], $0x40  }
0x14d: {  	s24 =	sadd.s32 @!p2 s5, s23;
	s23 =	simm.s32 @p2 $0x4C80;
	[sflag:s2] =	ssyncset.done @p2 $0x0  }
0x14e: {  	s25 =	simm.s32 @p2 $0x2A00;
	[sflag:s2] =	ssyncadd.s32 @p2 $0xFFFFFFC0;
	s2 =	simm.s32 @p2 $0x40  }
0x14f: {  	[spmem:s3] =	stream.indirect.scatter.add.f32 @p2 [tilespmem:s23], [sflag:$0xA], $0x80, s25, s2, $0xb8;
	[tilespmem:$0x1ED00] =	vst v63  }
0x150: {  	_ =	swait.ge @p2 [sflag:s9], $0x2000  }
0x151: {  	[sflag:s9] =	ssyncset.done @p2 $0x0  }
0x152: {  	[sflag:s9] =	ssyncadd.s32 @p2 $0xFFFFE000  }
0x153: {  	v1 =	vld @!p2 [tilespmem:s28+$0x20];
	_ =	sdelay $0x4  }
0x154: {  	[tilespmem:$0x2780] =	vst @!p2 v1  }
0x155: {  	v1 =	vld @!p2 [tilespmem:s28+$0x30];
	_ =	sdelay $0x4  }
0x156: {  	[tilespmem:$0x2790] =	vst @!p2 v1  }
0x157: {  	v1 =	vld @!p2 [tilespmem:s28+$0x40];
	_ =	sdelay $0x4  }
0x158: {  	[tilespmem:$0x27A0] =	vst @!p2 v1  }
0x159: {  	v1 =	vld @!p2 [tilespmem:s28+$0x50];
	_ =	sdelay $0x4  }
0x15a: {  	s2 =	simm.s32 @!p2 $0x40;
	s23 =	simm.s32 @!p2 $0x2C80;
	s9 =	simm.s32 @!p2 $0x2780;
	[tilespmem:$0x27B0] =	vst @!p2 v1  }
0x15b: {  	[tilespmem:s23], [sflag:$0x1] =	stream.indirect.gather @!p2 [hbm4b:s1+s2], $0x80, s9, s2, $0xb8;
	[tilespmem:$0x1ED00] =	vst v63  }
0x15c: {  	s25 =	simm.s32 @!p2 $0x2;
	s23 =	simm.s32 @!p2 $0x0;
	s9 =	simm.s32 @!p2 $0x2980  }
0x15d: {  	[tilespmem:s9], [sflag:$0x5] =	stream.linear.gather @!p2 [hbm4b:s24+s23], $0x40, $0x38;
	[tilespmem:$0x1ED00] =	vst v63  }
0x15e: {  	_ =	swait.ge @!p2 [sflag:s25], $0x2000  }
0x15f: {  	[sflag:s25] =	ssyncset.done @!p2 $0x0  }
0x160: {  	s9 =	simm.s32 @!p2 $0x6;
	[sflag:s25] =	ssyncadd.s32 @!p2 $0xFFFFE000  }
0x161: {  	_ =	swait.ge @!p2 [sflag:s9], $0x40  }
0x162: {  	s24 =	simm.s32 @!p2 $0xA;
	[sflag:s9] =	ssyncset.done @!p2 $0x0  }
0x163: {  	s25 =	simm.s32 @!p2 $0x4C80;
	[sflag:s9] =	ssyncadd.s32 @!p2 $0xFFFFFFC0;
	s9 =	simm.s32 @!p2 $0x2A00  }
0x164: {  	[spmem:s3] =	stream.indirect.scatter.add.f32 @!p2 [tilespmem:s25], [sflag:$0xA], $0x80, s9, s2, $0xb8;
	[tilespmem:$0x1ED00] =	vst v63  }
0x165: {  	_ =	swait.ge @!p2 [sflag:s24], $0x2000  }
0x166: {  	[sflag:s24] =	ssyncset.done @!p2 $0x0  }
0x167: {  	[sflag:s24] =	ssyncadd.s32 @!p2 $0xFFFFE000  }
0x168: {  	v1 =	vld @!p2 [tilespmem:s28+$0x60];
	_ =	sdelay $0x4  }
0x169: {  	[tilespmem:$0x2800] =	vst @!p2 v1  }
0x16a: {  	v1 =	vld @!p2 [tilespmem:s28+$0x70];
	_ =	sdelay $0x4  }
0x16b: {  	[tilespmem:$0x2810] =	vst @!p2 v1  }
0x16c: {  	v1 =	vld @!p2 [tilespmem:s28+$0x80];
	_ =	sdelay $0x4  }
0x16d: {  	[tilespmem:$0x2820] =	vst @!p2 v1  }
0x16e: {  	v1 =	vld @!p2 [tilespmem:s28+$0x90];
	_ =	sdelay $0x4  }
0x16f: {  	s8 =	simm.s32 @!p2 $0x2800;
	s24 =	rddreg [dreg:$0x6];
	[tilespmem:$0x2830] =	vst @!p2 v1  }
0x170: {  	[tilespmem:s25], [sflag:$0x2] =	stream.indirect.gather @!p2 [hbm4b:s1+s2], $0x80, s8, s2, $0xb8;
	[tilespmem:$0x1ED00] =	vst v63  }
0x171: {  	s8 =	sadd.s32 @!p2 s31, s24  }
0x172: {  	[tilespmem:s9], [sflag:$0x6] =	stream.linear.gather @!p2 [hbm4b:s8+s23], $0x40, $0x38;
	[tilespmem:$0x1ED00] =	vst v63  }
0x173: {  	_ =	swait.ge [sflag:s19], $0x2000  }
0x174: {  	[sflag:s19] =	ssyncset.done $0x0  }
0x175: {  	[sflag:s19] =	ssyncadd.s32 $0xFFFFE000  }
0x176: {  	_ =	swait.ge [sflag:s20], $0x40  }
0x177: {  	[sflag:s20] =	ssyncset.done $0x0  }
0x178: {  	[sflag:s20] =	ssyncadd.s32 $0xFFFFFFC0  }
0x179: {  	[spmem:s3] =	stream.indirect.scatter.add.f32 [tilespmem:s14], [sflag:$0xA], $0x80, s15, s11, $0xb8;
	[tilespmem:$0x1ED00] =	vst v63  }
0x17a: {  	_ =	swait.ge [sflag:s7], $0x2000  }
0x17b: {  	[sflag:s7] =	ssyncset.done $0x0  }
0x17c: {  	[sflag:s7] =	ssyncadd.s32 $0xFFFFE000  }
0x17d: {  	v1 =	vld @!p2 [tilespmem:s28+$0xA0];
	_ =	sdelay $0x4  }
0x17e: {  	[tilespmem:$0x2880] =	vst @!p2 v1  }
0x17f: {  	v1 =	vld @!p2 [tilespmem:s28+$0xB0];
	_ =	sdelay $0x4  }
0x180: {  	[tilespmem:$0x2890] =	vst @!p2 v1  }
0x181: {  	v1 =	vld @!p2 [tilespmem:s28+$0xC0];
	_ =	sdelay $0x4  }
0x182: {  	[tilespmem:$0x28A0] =	vst @!p2 v1  }
0x183: {  	v1 =	vld @!p2 [tilespmem:s28+$0xD0];
	_ =	sdelay $0x4  }
0x184: {  	s24 =	simm.s32 @!p2 $0x6C80;
	s9 =	simm.s32 @!p2 $0x2880;
	s8 =	rddreg [dreg:$0x5];
	[tilespmem:$0x28B0] =	vst @!p2 v1  }
0x185: {  	[tilespmem:s24], [sflag:$0x3] =	stream.indirect.gather @!p2 [hbm4b:s1+s2], $0x80, s9, s2, $0xb8;
	[tilespmem:$0x1ED00] =	vst v63  }
0x186: {  	s2 =	sadd.s32 @!p2 s31, s8;
	s8 =	simm.s32 @!p2 $0x2A80  }
0x187: {  	[tilespmem:s8], [sflag:$0x7] =	stream.linear.gather @!p2 [hbm4b:s2+s23], $0x40, $0x38;
	[tilespmem:$0x1ED00] =	vst v63  }
0x188: {  	_ =	swait.ge [sflag:s21], $0x2000  }
0x189: {  	[sflag:s21] =	ssyncset.done $0x0  }
0x18a: {  	s29 =	sadd.s32 $0x20, s29;
	[sflag:s21] =	ssyncadd.s32 $0xFFFFE000  }
0x18b: {  	p1 =	sne.s32 s29, $0x4E0;
	_ =	swait.ge [sflag:s22], $0x40  }
.Ltmp2:
0x18c: {  	[sflag:s22] =	ssyncset.done $0x0;
	(pc) =	sbr.rel @p1 .LBB2_6-.Ltmp2, $4  }
0x18d: {  	[sflag:s22] =	ssyncadd.s32 $0xFFFFFFC0  }
0x18e: {  	[spmem:s3] =	stream.indirect.scatter.add.f32 [tilespmem:s16], [sflag:$0xA], $0x80, s17, s11, $0xb8;
	[tilespmem:$0x1ED00] =	vst v63  }
0x18f: {  	_ =	swait.ge [sflag:s7], $0x2000  }
0x190: {  	s30 =	sadd.s32 $0x100, s30;
	[sflag:s7] =	ssyncset.done $0x0  }
0x191: {  	[sflag:s7] =	ssyncadd.s32 $0xFFFFE000  }
0x192: {  	v1 =	vld [tilespmem:$0x2700];
	_ =	sdelay $0x4  }
0x193: {  	s2 =	rddreg [dreg:$0xe];
	s8 =	simm.s32 $0x2C00;
	[tilespmem:$0x2B80] =	vst v1  }
0x194: {  	[tilespmem:s8], [sflag:$0xA] =	stream.linear.gather [hbm4b:s2+s4], $0x10, $0x38;
	[tilespmem:$0x1ED00] =	vst v63  }
0x195: {  	_ =	swait.ge [sflag:s7], $0x10  }
0x196: {  	[sflag:s7] =	ssyncset.done $0x0  }
0x197: {  	s25 =	simm.s32 $0x10;
	s9 =	simm.s32 $0x2B80;
	[sflag:s7] =	ssyncadd.s32 $0xFFFFFFF0  }
0x198: {  	[tilespmem:s12], [sflag:$0x1] =	stream.indirect.gather [hbm4b:s1+s25], $0x80, s9, s25, $0xb8;
	[tilespmem:$0x1ED00] =	vst v63  }
0x199: {  	_ =	swait.ge [sflag:s10], $0x800  }
0x19a: {  	[sflag:s10] =	ssyncset.done $0x0  }
0x19b: {  	[sflag:s10] =	ssyncadd.s32 $0xFFFFF800  }
0x19c: {  	[spmem:s3] =	stream.indirect.scatter.add.f32 [tilespmem:s12], [sflag:$0xA], $0x80, s8, s25, $0xb8;
	[tilespmem:$0x1ED00] =	vst v63  }
0x19d: {  	_ =	swait.ge [sflag:s7], $0x800  }
0x19e: {  	[sflag:s7] =	ssyncset.done $0x0  }
0x19f: {  	[sflag:s7] =	ssyncadd.s32 $0xFFFFF800  }
0x1a0: {  	s28 =	stileid.u32;
	[bflag:$0x0] =	sbarrier.arrive $0xFFFF  }
0x1a1: {  	s2 =	sshll.u32 s28, $0x6;
	s24 =	rddreg [dreg:$0xa]  }
0x1a2: {  	s2 =	sor.u32 $0x1C0A, s2;
	s30 =	rddreg [dreg:$0xf];
	s29 =	sshrl.u32 s24, $0x3  }
0x1a3: {  	[hbm:s30], [sflag:s2] =	dma.local [spmem:s29], $0x2700  }
0x1a4: {  	_ =	swait.ge [sflag:s7], $0x2700  }
0x1a5: {  	[sflag:s7] =	ssyncset.done $0x0;
	s25 =	rddreg [dreg:$0xb]  }
0x1a6: {  	s9 =	rddreg [dreg:$0x10];
	[sflag:s7] =	ssyncadd.s32 $0xFFFFD900;
	s8 =	sshrl.u32 @!p0 s25, $0x3  }
0x1a7: {  	[hbm:s9], [sflag:s2] =	dma.local @!p0 [spmem:s8], $0x100  }
0x1a8: {  	s2 =	simm.s32 @!p0 $0xA  }
0x1a9: {  	_ =	swait.ge @!p0 [sflag:s2], $0x100  }
0x1aa: {  	s26 =	sadd.s32 $0x1, s26;
	s31 =	rddreg [dreg:$0x11]  }
0x1ab: {  	p1 =	sne.s32 s26, s31  }
.Ltmp3:
0x1ac: {  	_ = 	snop;
	(pc) =	sbr.rel @p1 .LBB2_1-.Ltmp3, $3  }
0x1ad: {  	_ =	sdelay $0x1  }
0x1ae: {  	[sflag:s2] =	ssyncset.done @!p0 $0x0  }
0x1af: {  	[sflag:s2] =	ssyncadd.s32 @!p0 $0xFFFFFF00  }
0x1b0: {  	_ =	sfence.sel $0x180000  }
0x1b1: {  	[bflag:$0x0] =	sbarrier.arrive $0xFFFF  }
0x1b2: {  	_ =	strace $0x90000050  }
0x1b3: {  	[bflag:$0x2] =	sbarrier.arrive $0xFFFF  }
0x1b4: {  	s0 =	rddreg [dreg:$0x3]  }
0x1b5: {  	s0 =	sadd.s32 @!p0 $0x100000, s0  }
0x1b6: {  	[sflag:s0] =	ssyncadd.tile.s32 @!p0 $0x1;
	_ =	shalt  }
.Lfunc_end2:
_tile_overlayer_lowered:
.L_overlay_start_2:
0x1b7: {  	(tag) =	ssettag $0x2  }
0x1b8: {  	s0 =	rddreg [dreg:$0x0];
	s2 =	stileid.u32  }
0x1b9: {  	s1 =	rddreg [dreg:$0x1];
	p0 =	sne.s32 s2, $0x0  }
0x1ba: {  	s3 =	rddreg [dreg:$0x2];
	[bflag:$0x3] =	sbarrier.arrive $0xFFFF;
	s2 =	simm.s32 @!p0 $0x1C0A  }
0x1bb: {  	[timem:s3], [sflag:s2] =	dma.local @!p0 [hbm:s0], s1  }
0x1bc: {  	s0 =	simm.s32 @!p0 $0xA  }
0x1bd: {  	_ =	swait.ge @!p0 [sflag:s0], s1  }
0x1be: {  	s1 =	ssub.s32 @!p0 $0x0, s1;
	[sflag:s0] =	ssyncset.done @!p0 $0x0  }
0x1bf: {  	[sflag:s0] =	ssyncadd.s32 @!p0 s1  }
0x1c0: {  	[bflag:$0x3] =	sbarrier.arrive $0xFFFF  }
0x1c1: {  	_ =	shalt  }

</sc_bundles>
